<compile_context>
chip_gen: v7x
topology: tpu7x:2x2x1
jax: 0.10.2.dev20260603
libtpu: 0.0.44.dev20260713+nightly
codegen_flags: <defaults>
</compile_context>

<pallas_src>
import functools

import jax
import jax.numpy as jnp
from jax import lax
from jax.experimental import pallas as pl
from jax.experimental.pallas import tpu as pltpu
from jax.experimental.pallas import tpu_sc as plsc

N = 10000
E = 320000
D = 128
NC = 2
NS = 16
NW = NC * NS
C = 80
K = 5
EPT = E // NS
EPTP = EPT
G = EPTP // C // K
AP = 10240
RPT = AP // NS
ZR = 64
DW = 16


def _make_agg(WH, with_deg):
  KK = K
  GG = EPTP // C // KK
  mesh = plsc.VectorSubcoreMesh(core_axis_name="c", subcore_axis_name="s",
                                num_cores=NC, num_subcores=NS)
  out_type = [jax.ShapeDtypeStruct((NC, AP, WH), jnp.float32)]
  scratch = (
      [pltpu.VMEM((C,), jnp.int32) for _ in range(KK)]
      + [pltpu.VMEM((C,), jnp.int32) for _ in range(KK)]
      + [pltpu.VMEM((C, WH), jnp.float32) for _ in range(KK)]
      + [
          pltpu.VMEM((EPTP,), jnp.int32),
          pltpu.VMEM((EPTP,), jnp.int32),
          pltpu.VMEM((ZR, WH), jnp.float32),
          pltpu.VMEM_SHARED((AP, WH), jnp.float32),
          pltpu.SemaphoreType.DMA,
          pltpu.SemaphoreType.DMA,
          pltpu.SemaphoreType.DMA,
      ]
  )
  if with_deg:
    out_type.append(jax.ShapeDtypeStruct((NC, AP, DW), jnp.float32))
    scratch += [
        pltpu.VMEM((C, DW), jnp.float32),
        pltpu.VMEM((ZR, DW), jnp.float32),
        pltpu.VMEM_SHARED((AP, DW), jnp.float32),
    ]

  def body(srcv, dstv, feat2, *refs):
    if with_deg:
      out_acc, out_deg, *rest = refs
      (*bufs, src_all, dst_all, zbuf, acc, semg, sems, semd,
       ones_v, zbufd, dacc) = rest
    else:
      out_acc, *rest = refs
      (*bufs, src_all, dst_all, zbuf, acc, semg, sems, semd) = rest
    src_idx = bufs[0:KK]
    dst_idx = bufs[KK:2 * KK]
    rows = bufs[2 * KK:3 * KK]
    cid = lax.axis_index("c")
    sid = lax.axis_index("s")

    lda = pltpu.async_copy(srcv.at[pl.ds(sid * EPTP, EPTP)], src_all, semg)
    ldb = pltpu.async_copy(dstv.at[pl.ds(sid * EPTP, EPTP)], dst_all, semg)

    def zb(i, _):
      r = i // (WH // 16)
      c = i % (WH // 16)
      zbuf[r, pl.ds(c * 16, 16)] = jnp.zeros((16,), jnp.float32)
      return 0
    lax.fori_loop(0, ZR * (WH // 16), zb, 0)
    if with_deg:
      def zbd(i, _):
        zbufd[i, pl.ds(0, 16)] = jnp.zeros((16,), jnp.float32)
        return 0
      lax.fori_loop(0, ZR, zbd, 0)
      def ob(i, _):
        ones_v[i, :] = jnp.ones((16,), jnp.float32)
        return 0
      lax.fori_loop(0, C, ob, 0)

    zcs = []
    for j in range(RPT // ZR):
      zcs.append(
          pltpu.async_copy(zbuf, acc.at[pl.ds(sid * RPT + j * ZR, ZR)], sems))
      if with_deg:
        zcs.append(pltpu.async_copy(
            zbufd, dacc.at[pl.ds(sid * RPT + j * ZR, ZR)], sems))
    for zc in zcs:
      zc.wait()
    lda.wait()
    ldb.wait()
    plsc.subcore_barrier()

    def grp(g, _):
      gats = []
      for r in range(KK):
        e0 = (g * KK + r) * C
        for j in range(C // 16):
          sv = src_all[pl.ds(e0 + j * 16, 16)]
          src_idx[r][pl.ds(j * 16, 16)] = sv * 2 + cid
          dst_idx[r][pl.ds(j * 16, 16)] = dst_all[pl.ds(e0 + j * 16, 16)]
        gats.append(pltpu.async_copy(feat2.at[src_idx[r]], rows[r], semg))
      if with_deg:
        deg_do = lax.select(cid == 0, g < GG // 2, g >= GG // 2)
      scats = []
      for r in range(KK):
        gats[r].wait()
        scats.append(
            pltpu.async_copy(rows[r], acc.at[dst_idx[r]], sems, add=True))
        if with_deg:
          @pl.when(deg_do)
          def _():
            pltpu.sync_copy(ones_v, dacc.at[dst_idx[r]], add=True)
      for sc in scats:
        sc.wait()
      return 0
    lax.fori_loop(0, GG, grp, 0)
    plsc.subcore_barrier()

    pltpu.sync_copy(acc.at[pl.ds(sid * RPT, RPT)],
                    out_acc.at[cid, pl.ds(sid * RPT, RPT)])
    if with_deg:
      pltpu.sync_copy(dacc.at[pl.ds(sid * RPT, RPT)],
                      out_deg.at[cid, pl.ds(sid * RPT, RPT)])

  return pl.kernel(body, out_type=tuple(out_type) if with_deg else out_type[0],
                   mesh=mesh, scratch_types=scratch,
                   compiler_params=pltpu.CompilerParams(
                       use_tc_tiling_on_sc=False))


_make_agg = functools.lru_cache(maxsize=None)(_make_agg)



_R = 2000
_GRID = N // _R


def _tc0_body(x_r, acc_r, dacc_r, ws_r, wn_r, b_r, h1_r, rec_r):
  sm = jnp.concatenate([acc_r[0], acc_r[1]], axis=-1)
  d16 = dacc_r[0] + dacc_r[1]
  deg = jnp.sum(d16, axis=1, keepdims=True) * (1.0 / 16.0)
  recip = 1.0 / jnp.maximum(deg, 1.0)
  hn = sm * recip
  h1 = (jnp.dot(x_r[...], ws_r[...], preferred_element_type=jnp.float32)
        + jnp.dot(hn, wn_r[...], preferred_element_type=jnp.float32)
        + b_r[...])
  h1_r[...] = jnp.maximum(h1, 0.0)
  rec_r[...] = jnp.broadcast_to(recip, (recip.shape[0], D))


def _tc1_body(h1_r, acc_r, rec_r, ws_r, wn_r, b_r, wn2_r, h2_r, m2_r):
  hn = jnp.concatenate([acc_r[0], acc_r[1]], axis=-1) * rec_r[...]
  h2 = (jnp.dot(h1_r[...], ws_r[...], preferred_element_type=jnp.float32)
        + jnp.dot(hn, wn_r[...], preferred_element_type=jnp.float32)
        + b_r[...])
  h2 = jnp.maximum(h2, 0.0)
  h2_r[...] = h2
  m2_r[...] = jnp.dot(h2, wn2_r[...], preferred_element_type=jnp.float32)


def _tc2_body(h2_r, acc_r, rec_r, ws_r, b_r, out_r):
  hn = jnp.concatenate([acc_r[0], acc_r[1]], axis=-1) * rec_r[:, 0:64]
  out_r[...] = (jnp.dot(h2_r[...], ws_r[...],
                        preferred_element_type=jnp.float32)
                + hn + b_r[...])


def _rows_spec(w):
  return pl.BlockSpec((_R, w), lambda i: (i, 0))


def _acc_spec(w):
  return pl.BlockSpec((NC, _R, w), lambda i: (0, i, 0))


def _whole_spec(a, b):
  return pl.BlockSpec((a, b), lambda i: (0, 0))


_tc0 = pl.pallas_call(
    _tc0_body,
    grid=(_GRID,),
    in_specs=[_rows_spec(D), _acc_spec(D // 2), _acc_spec(DW),
              _whole_spec(D, D), _whole_spec(D, D), _whole_spec(1, D)],
    out_specs=[_rows_spec(D), _rows_spec(D)],
    out_shape=[jax.ShapeDtypeStruct((N, D), jnp.float32),
               jax.ShapeDtypeStruct((N, D), jnp.float32)],
)

_tc1 = pl.pallas_call(
    _tc1_body,
    grid=(_GRID,),
    in_specs=[_rows_spec(D), _acc_spec(D // 2), _rows_spec(D),
              _whole_spec(D, D), _whole_spec(D, D), _whole_spec(1, D),
              _whole_spec(D, 64)],
    out_specs=[_rows_spec(D), _rows_spec(64)],
    out_shape=[jax.ShapeDtypeStruct((N, D), jnp.float32),
               jax.ShapeDtypeStruct((N, 64), jnp.float32)],
)

_tc2 = pl.pallas_call(
    _tc2_body,
    grid=(_GRID,),
    in_specs=[_rows_spec(D), _acc_spec(32), _rows_spec(D),
              _whole_spec(D, 64), _whole_spec(1, 64)],
    out_specs=_rows_spec(64),
    out_shape=jax.ShapeDtypeStruct((N, 64), jnp.float32),
)


def kernel(x, edge_index, W_self0, W_neigh0, b0,
           W_self1, W_neigh1, b1, W_self2, W_neigh2, b2):
  src = edge_index[0]
  dst = edge_index[1]

  acc0, dacc0 = _make_agg(D // 2, True)(src, dst, x.reshape(2 * N, D // 2))
  h1, recb = _tc0(x, acc0, dacc0, W_self0, W_neigh0, b0.reshape(1, D))

  acc1 = _make_agg(D // 2, False)(src, dst, h1.reshape(2 * N, D // 2))
  wn2p = jnp.pad(W_neigh2, ((0, 0), (0, 17)))
  h2, m2 = _tc1(h1, acc1, recb, W_self1, W_neigh1, b1.reshape(1, D), wn2p)

  acc2 = _make_agg(32, False)(src, dst, m2.reshape(2 * N, 32))
  ws2p = jnp.pad(W_self2, ((0, 0), (0, 17)))
  b2p = jnp.pad(b2, (0, 17)).reshape(1, 64)
  outp = _tc2(h2, acc2, recb, ws2p, b2p)
  return outp[:, :47]

# --- scband reference (transcript-rebuilt; emitter-appended) ---
"""Pipeline reference for scband-dist-sage-5128190952006 (READ-ONLY COPY).

The authoritative reference and input builder live on the scoring server;
editing this copy changes nothing except your own understanding.
"""

import jax, jax.numpy as jnp
import numpy as np

N_NODES = 10000
N_EDGES = 320000
IN_FEATS = 128
N_HIDDEN = 128
N_CLASSES = 47


def _glorot(key, shape):
    fan_in, fan_out = shape[0], shape[1]
    limit = jnp.sqrt(6.0 / (fan_in + fan_out))
    return jax.random.uniform(key, shape, dtype=jnp.float32, minval=-limit, maxval=limit)


def setup_inputs(seed: int = 0) -> dict:
    key = jax.random.key(seed)
    ks = jax.random.split(key, 12)
    x = jax.random.normal(ks[0], (N_NODES, IN_FEATS), dtype=jnp.float32)
    edge_index = jax.random.randint(ks[1], (2, N_EDGES), 0, N_NODES, dtype=jnp.int64 if jax.config.jax_enable_x64 else jnp.int32).astype(jnp.int32)
    # SAGEConv layer 0: in_feats -> n_hidden
    W_self0 = _glorot(ks[2], (IN_FEATS, N_HIDDEN))
    W_neigh0 = _glorot(ks[3], (IN_FEATS, N_HIDDEN))
    b0 = jnp.zeros((N_HIDDEN,), dtype=jnp.float32)
    # SAGEConv layer 1: n_hidden -> n_hidden
    W_self1 = _glorot(ks[4], (N_HIDDEN, N_HIDDEN))
    W_neigh1 = _glorot(ks[5], (N_HIDDEN, N_HIDDEN))
    b1 = jnp.zeros((N_HIDDEN,), dtype=jnp.float32)
    # SAGEConv layer 2: n_hidden -> n_classes
    W_self2 = _glorot(ks[6], (N_HIDDEN, N_CLASSES))
    W_neigh2 = _glorot(ks[7], (N_HIDDEN, N_CLASSES))
    b2 = jnp.zeros((N_CLASSES,), dtype=jnp.float32)
    return {
        "x": x, "edge_index": edge_index,
        "W_self0": W_self0, "W_neigh0": W_neigh0, "b0": b0,
        "W_self1": W_self1, "W_neigh1": W_neigh1, "b1": b1,
        "W_self2": W_self2, "W_neigh2": W_neigh2, "b2": b2,
    }


def _sage_conv(h, src, dst, W_self, W_neigh, b):
    # DGL SAGEConv with 'mean' aggregator:
    #   h_neigh = mean_{u in N(v)} h[u];  rst = fc_self(h_v) + fc_neigh(h_neigh) + bias
    msgs = jnp.take(h, src, axis=0)                                  # gather [E, d]
    summed = jax.ops.segment_sum(msgs, dst, num_segments=N_NODES)    # scatter-add [N, d]
    deg = jax.ops.segment_sum(jnp.ones((src.shape[0],), dtype=h.dtype), dst, num_segments=N_NODES)
    h_neigh = summed / jnp.clip(deg, 1.0, None)[:, None]
    return h @ W_self + h_neigh @ W_neigh + b


def reference(x, edge_index, W_self0, W_neigh0, b0, W_self1, W_neigh1, b1, W_self2, W_neigh2, b2):
    src = edge_index[0]
    dst = edge_index[1]
    h = x
    # layer 0 + relu (dropout is identity in eval)
    h = _sage_conv(h, src, dst, W_self0, W_neigh0, b0)
    h = jax.nn.relu(h)
    # layer 1 + relu
    h = _sage_conv(h, src, dst, W_self1, W_neigh1, b1)
    h = jax.nn.relu(h)
    # layer 2 (no activation on final layer)
    h = _sage_conv(h, src, dst, W_self2, W_neigh2, b2)
    return h

if __name__ == "__main__":
    import jax
    _d = setup_inputs()
    print(jax.jit(kernel)(*tuple(_d.values())))

</pallas_src>

<mosaic_0001>
#map = affine_map<(d0, d1) -> (0)>
#map1 = affine_map<(d0, d1) -> (0, 0)>
#map2 = affine_map<(d0, d1) -> (0, 0, 0)>
module attributes {stable_mosaic.version = 14 : i64} {
  func.func @body(%arg0: i32, %arg1: i32, %arg2: memref<320000xi32, #tpu.memory_space<hbm>>, %arg3: memref<320000xi32, #tpu.memory_space<hbm>>, %arg4: memref<20000x64xf32, #tpu.memory_space<hbm>>, %arg5: memref<2x10240x64xf32, #tpu.memory_space<hbm>>, %arg6: memref<80xi32, #tpu.memory_space<vmem>>, %arg7: memref<80xi32, #tpu.memory_space<vmem>>, %arg8: memref<80xi32, #tpu.memory_space<vmem>>, %arg9: memref<80xi32, #tpu.memory_space<vmem>>, %arg10: memref<80xi32, #tpu.memory_space<vmem>>, %arg11: memref<80xi32, #tpu.memory_space<vmem>>, %arg12: memref<80xi32, #tpu.memory_space<vmem>>, %arg13: memref<80xi32, #tpu.memory_space<vmem>>, %arg14: memref<80xi32, #tpu.memory_space<vmem>>, %arg15: memref<80xi32, #tpu.memory_space<vmem>>, %arg16: memref<80x64xf32, #tpu.memory_space<vmem>>, %arg17: memref<80x64xf32, #tpu.memory_space<vmem>>, %arg18: memref<80x64xf32, #tpu.memory_space<vmem>>, %arg19: memref<80x64xf32, #tpu.memory_space<vmem>>, %arg20: memref<80x64xf32, #tpu.memory_space<vmem>>, %arg21: memref<20000xi32, #tpu.memory_space<vmem>>, %arg22: memref<20000xi32, #tpu.memory_space<vmem>>, %arg23: memref<64x64xf32, #tpu.memory_space<vmem>>, %arg24: memref<10240x64xf32, #tpu.memory_space<vmem_shared>>, %arg25: memref<!tpu.dma_semaphore, #tpu.memory_space<semaphore_mem>>, %arg26: memref<!tpu.dma_semaphore, #tpu.memory_space<semaphore_mem>>, %arg27: memref<!tpu.dma_semaphore, #tpu.memory_space<semaphore_mem>>) attributes {dimension_semantics = [#tpu.dimension_semantics<core_parallel>, #tpu.dimension_semantics<subcore_parallel>], iteration_bounds = array<i64: 2, 16>, scalar_prefetch = 0 : i64, scratch_operands = 22 : i64, tpu.core_type = #tpu.core_type<sc_vector_subcore>, window_params = [{transform_indices = #map}, {transform_indices = #map}, {transform_indices = #map1}, {transform_indices = #map2}]} {
    %mul3A = arith.constant 20000 : i32
    %mul3A_0 = arith.muli %arg1, %mul3A : i32
    %dma_start3A = tpu.memref_slice %arg2[%mul3A_0] : memref<320000xi32, #tpu.memory_space<hbm>> -> memref<20000xi32, #tpu.memory_space<hbm>>
    %dma_start3A_1 = tpu.memref_slice %arg2[%mul3A_0] : memref<320000xi32, #tpu.memory_space<hbm>> -> memref<20000xi32, #tpu.memory_space<hbm>>
    tpu.enqueue_dma source(%dma_start3A_1 : memref<20000xi32, #tpu.memory_space<hbm>>) target(%arg21 : memref<20000xi32, #tpu.memory_space<vmem>>) target_semaphore(%arg25 : memref<!tpu.dma_semaphore, #tpu.memory_space<semaphore_mem>>)
    %mul3A_2 = arith.constant 20000 : i32
    %mul3A_3 = arith.muli %arg1, %mul3A_2 : i32
    %dma_start3A_4 = tpu.memref_slice %arg3[%mul3A_3] : memref<320000xi32, #tpu.memory_space<hbm>> -> memref<20000xi32, #tpu.memory_space<hbm>>
    %dma_start3A_5 = tpu.memref_slice %arg3[%mul3A_3] : memref<320000xi32, #tpu.memory_space<hbm>> -> memref<20000xi32, #tpu.memory_space<hbm>>
    tpu.enqueue_dma source(%dma_start3A_5 : memref<20000xi32, #tpu.memory_space<hbm>>) target(%arg22 : memref<20000xi32, #tpu.memory_space<vmem>>) target_semaphore(%arg25 : memref<!tpu.dma_semaphore, #tpu.memory_space<semaphore_mem>>)
    %scan3A = arith.constant 0 : i32
    %scan3A_6 = arith.constant 0 : i32
    %scan3A_7 = arith.constant 256 : i32
    %scan3A_8 = arith.addi %scan3A_6, %scan3A_7 : i32
    %scan3A_9 = arith.constant 1 : i32
    %scan3A_10 = scf.for %scan3A_146 = %scan3A_6 to %scan3A_8 step %scan3A_9 iter_args(%scan3A_147 = %scan3A) -> (i32)  : i32 {
      %jit3A = arith.constant 4 : i32
      %div3A = arith.divsi %scan3A_146, %jit3A : i32
      %sign3A = arith.constant 0 : i32
      %sign3A_148 = arith.cmpi sgt, %scan3A_146, %sign3A : i32
      %sign3A_149 = arith.extui %sign3A_148 : i1 to i32
      %sign3A_150 = arith.constant 0 : i32
      %sign3A_151 = arith.cmpi slt, %scan3A_146, %sign3A_150 : i32
      %sign3A_152 = arith.extui %sign3A_151 : i1 to i32
      %sign3A_153 = arith.subi %sign3A_149, %sign3A_152 : i32
      %sign3A_154 = arith.constant 0 : i32
      %sign3A_155 = arith.cmpi sgt, %jit3A, %sign3A_154 : i32
      %sign3A_156 = arith.extui %sign3A_155 : i1 to i32
      %sign3A_157 = arith.constant 0 : i32
      %sign3A_158 = arith.cmpi slt, %jit3A, %sign3A_157 : i32
      %sign3A_159 = arith.extui %sign3A_158 : i1 to i32
      %sign3A_160 = arith.subi %sign3A_156, %sign3A_159 : i32
      %ne3A = arith.cmpi ne, %sign3A_153, %sign3A_160 : i32
      %rem3A = arith.remsi %scan3A_146, %jit3A : i32
      %ne3A_161 = arith.constant 0 : i32
      %ne3A_162 = arith.cmpi ne, %rem3A, %ne3A_161 : i32
      %and3A = arith.andi %ne3A, %ne3A_162 : i1
      %sub3A = arith.constant 1 : i32
      %sub3A_163 = arith.subi %div3A, %sub3A : i32
      %select_n3A = arith.select %and3A, %sub3A_163, %div3A : i32
      %jit3A_164 = arith.constant 4 : i32
      %eq3A = arith.constant 0 : i32
      %eq3A_165 = arith.cmpi eq, %jit3A_164, %eq3A : i32
      %jit3A_166 = arith.constant 1 : i32
      %select_n3A_167 = arith.select %eq3A_165, %jit3A_166, %jit3A_164 : i32
      %rem3A_168 = arith.remsi %scan3A_146, %select_n3A_167 : i32
      %ne3A_169 = arith.constant 0 : i32
      %ne3A_170 = arith.cmpi ne, %rem3A_168, %ne3A_169 : i32
      %lt3A = arith.constant 0 : i32
      %lt3A_171 = arith.cmpi slt, %rem3A_168, %lt3A : i32
      %lt3A_172 = arith.constant 0 : i32
      %lt3A_173 = arith.cmpi slt, %select_n3A_167, %lt3A_172 : i32
      %ne3A_174 = arith.xori %lt3A_171, %lt3A_173 : i1
      %and3A_175 = arith.andi %ne3A_174, %ne3A_170 : i1
      %add3A_176 = arith.addi %rem3A_168, %select_n3A_167 : i32
      %select_n3A_177 = arith.select %and3A_175, %add3A_176, %rem3A_168 : i32
      %broadcast_in_dim3A = arith.constant 0.000000e+00 : f32
      %broadcast_in_dim3A_178 = vector.broadcast %broadcast_in_dim3A : f32 to vector<16xf32>
      %mul3A_179 = arith.constant 16 : i32
      %mul3A_180 = arith.muli %select_n3A_177, %mul3A_179 : i32
      %swap3A = arith.index_cast %select_n3A : i32 to index
      %swap3A_181 = arith.index_cast %mul3A_180 : i32 to index
      %swap3A_182 = tpu.vector_load %arg23[%swap3A, %swap3A_181] {strides = array<i32>} : memref<64x64xf32, #tpu.memory_space<vmem>>, vector<1x16xf32>,
      %swap3A_183 = vector.shape_cast %swap3A_182 : vector<1x16xf32> to vector<16xf32>
      %swap3A_184 = vector.shape_cast %broadcast_in_dim3A_178 : vector<16xf32> to vector<1x16xf32>
      tpu.vector_store %arg23[%swap3A, %swap3A_181], %swap3A_184 {strides = array<i32>} : memref<64x64xf32, #tpu.memory_space<vmem>>, vector<1x16xf32>,
      %scan3A_185 = arith.constant 0 : i32
      scf.yield %scan3A_185 : i32
    }
    %scan3A_11 = arith.constant 256 : i32
    %mul3A_12 = arith.constant 640 : i32
    %mul3A_13 = arith.muli %arg1, %mul3A_12 : i32
    %add3A = arith.constant 0 : i32
    %add3A_14 = arith.addi %mul3A_13, %add3A : i32
    %dma_start3A_15 = arith.constant 0 : i32
    %dma_start3A_16 = tpu.memref_slice %arg24[%add3A_14, %dma_start3A_15] : memref<10240x64xf32, #tpu.memory_space<vmem_shared>> -> memref<64x64xf32, #tpu.memory_space<vmem_shared>>
    %dma_start3A_17 = arith.constant 0 : i32
    %dma_start3A_18 = tpu.memref_slice %arg24[%add3A_14, %dma_start3A_17] : memref<10240x64xf32, #tpu.memory_space<vmem_shared>> -> memref<64x64xf32, #tpu.memory_space<vmem_shared>>
    tpu.enqueue_dma source(%arg23 : memref<64x64xf32, #tpu.memory_space<vmem>>) target(%dma_start3A_18 : memref<64x64xf32, #tpu.memory_space<vmem_shared>>) target_semaphore(%arg26 : memref<!tpu.dma_semaphore, #tpu.memory_space<semaphore_mem>>)
    %mul3A_19 = arith.constant 640 : i32
    %mul3A_20 = arith.muli %arg1, %mul3A_19 : i32
    %add3A_21 = arith.constant 64 : i32
    %add3A_22 = arith.addi %mul3A_20, %add3A_21 : i32
    %dma_start3A_23 = arith.constant 0 : i32
    %dma_start3A_24 = tpu.memref_slice %arg24[%add3A_22, %dma_start3A_23] : memref<10240x64xf32, #tpu.memory_space<vmem_shared>> -> memref<64x64xf32, #tpu.memory_space<vmem_shared>>
    %dma_start3A_25 = arith.constant 0 : i32
    %dma_start3A_26 = tpu.memref_slice %arg24[%add3A_22, %dma_start3A_25] : memref<10240x64xf32, #tpu.memory_space<vmem_shared>> -> memref<64x64xf32, #tpu.memory_space<vmem_shared>>
    tpu.enqueue_dma source(%arg23 : memref<64x64xf32, #tpu.memory_space<vmem>>) target(%dma_start3A_26 : memref<64x64xf32, #tpu.memory_space<vmem_shared>>) target_semaphore(%arg26 : memref<!tpu.dma_semaphore, #tpu.memory_space<semaphore_mem>>)
    %mul3A_27 = arith.constant 640 : i32
    %mul3A_28 = arith.muli %arg1, %mul3A_27 : i32
    %add3A_29 = arith.constant 128 : i32
    %add3A_30 = arith.addi %mul3A_28, %add3A_29 : i32
    %dma_start3A_31 = arith.constant 0 : i32
    %dma_start3A_32 = tpu.memref_slice %arg24[%add3A_30, %dma_start3A_31] : memref<10240x64xf32, #tpu.memory_space<vmem_shared>> -> memref<64x64xf32, #tpu.memory_space<vmem_shared>>
    %dma_start3A_33 = arith.constant 0 : i32
    %dma_start3A_34 = tpu.memref_slice %arg24[%add3A_30, %dma_start3A_33] : memref<10240x64xf32, #tpu.memory_space<vmem_shared>> -> memref<64x64xf32, #tpu.memory_space<vmem_shared>>
    tpu.enqueue_dma source(%arg23 : memref<64x64xf32, #tpu.memory_space<vmem>>) target(%dma_start3A_34 : memref<64x64xf32, #tpu.memory_space<vmem_shared>>) target_semaphore(%arg26 : memref<!tpu.dma_semaphore, #tpu.memory_space<semaphore_mem>>)
    %mul3A_35 = arith.constant 640 : i32
    %mul3A_36 = arith.muli %arg1, %mul3A_35 : i32
    %add3A_37 = arith.constant 192 : i32
    %add3A_38 = arith.addi %mul3A_36, %add3A_37 : i32
    %dma_start3A_39 = arith.constant 0 : i32
    %dma_start3A_40 = tpu.memref_slice %arg24[%add3A_38, %dma_start3A_39] : memref<10240x64xf32, #tpu.memory_space<vmem_shared>> -> memref<64x64xf32, #tpu.memory_space<vmem_shared>>
    %dma_start3A_41 = arith.constant 0 : i32
    %dma_start3A_42 = tpu.memref_slice %arg24[%add3A_38, %dma_start3A_41] : memref<10240x64xf32, #tpu.memory_space<vmem_shared>> -> memref<64x64xf32, #tpu.memory_space<vmem_shared>>
    tpu.enqueue_dma source(%arg23 : memref<64x64xf32, #tpu.memory_space<vmem>>) target(%dma_start3A_42 : memref<64x64xf32, #tpu.memory_space<vmem_shared>>) target_semaphore(%arg26 : memref<!tpu.dma_semaphore, #tpu.memory_space<semaphore_mem>>)
    %mul3A_43 = arith.constant 640 : i32
    %mul3A_44 = arith.muli %arg1, %mul3A_43 : i32
    %add3A_45 = arith.constant 256 : i32
    %add3A_46 = arith.addi %mul3A_44, %add3A_45 : i32
    %dma_start3A_47 = arith.constant 0 : i32
    %dma_start3A_48 = tpu.memref_slice %arg24[%add3A_46, %dma_start3A_47] : memref<10240x64xf32, #tpu.memory_space<vmem_shared>> -> memref<64x64xf32, #tpu.memory_space<vmem_shared>>
    %dma_start3A_49 = arith.constant 0 : i32
    %dma_start3A_50 = tpu.memref_slice %arg24[%add3A_46, %dma_start3A_49] : memref<10240x64xf32, #tpu.memory_space<vmem_shared>> -> memref<64x64xf32, #tpu.memory_space<vmem_shared>>
    tpu.enqueue_dma source(%arg23 : memref<64x64xf32, #tpu.memory_space<vmem>>) target(%dma_start3A_50 : memref<64x64xf32, #tpu.memory_space<vmem_shared>>) target_semaphore(%arg26 : memref<!tpu.dma_semaphore, #tpu.memory_space<semaphore_mem>>)
    %mul3A_51 = arith.constant 640 : i32
    %mul3A_52 = arith.muli %arg1, %mul3A_51 : i32
    %add3A_53 = arith.constant 320 : i32
    %add3A_54 = arith.addi %mul3A_52, %add3A_53 : i32
    %dma_start3A_55 = arith.constant 0 : i32
    %dma_start3A_56 = tpu.memref_slice %arg24[%add3A_54, %dma_start3A_55] : memref<10240x64xf32, #tpu.memory_space<vmem_shared>> -> memref<64x64xf32, #tpu.memory_space<vmem_shared>>
    %dma_start3A_57 = arith.constant 0 : i32
    %dma_start3A_58 = tpu.memref_slice %arg24[%add3A_54, %dma_start3A_57] : memref<10240x64xf32, #tpu.memory_space<vmem_shared>> -> memref<64x64xf32, #tpu.memory_space<vmem_shared>>
    tpu.enqueue_dma source(%arg23 : memref<64x64xf32, #tpu.memory_space<vmem>>) target(%dma_start3A_58 : memref<64x64xf32, #tpu.memory_space<vmem_shared>>) target_semaphore(%arg26 : memref<!tpu.dma_semaphore, #tpu.memory_space<semaphore_mem>>)
    %mul3A_59 = arith.constant 640 : i32
    %mul3A_60 = arith.muli %arg1, %mul3A_59 : i32
    %add3A_61 = arith.constant 384 : i32
    %add3A_62 = arith.addi %mul3A_60, %add3A_61 : i32
    %dma_start3A_63 = arith.constant 0 : i32
    %dma_start3A_64 = tpu.memref_slice %arg24[%add3A_62, %dma_start3A_63] : memref<10240x64xf32, #tpu.memory_space<vmem_shared>> -> memref<64x64xf32, #tpu.memory_space<vmem_shared>>
    %dma_start3A_65 = arith.constant 0 : i32
    %dma_start3A_66 = tpu.memref_slice %arg24[%add3A_62, %dma_start3A_65] : memref<10240x64xf32, #tpu.memory_space<vmem_shared>> -> memref<64x64xf32, #tpu.memory_space<vmem_shared>>
    tpu.enqueue_dma source(%arg23 : memref<64x64xf32, #tpu.memory_space<vmem>>) target(%dma_start3A_66 : memref<64x64xf32, #tpu.memory_space<vmem_shared>>) target_semaphore(%arg26 : memref<!tpu.dma_semaphore, #tpu.memory_space<semaphore_mem>>)
    %mul3A_67 = arith.constant 640 : i32
    %mul3A_68 = arith.muli %arg1, %mul3A_67 : i32
    %add3A_69 = arith.constant 448 : i32
    %add3A_70 = arith.addi %mul3A_68, %add3A_69 : i32
    %dma_start3A_71 = arith.constant 0 : i32
    %dma_start3A_72 = tpu.memref_slice %arg24[%add3A_70, %dma_start3A_71] : memref<10240x64xf32, #tpu.memory_space<vmem_shared>> -> memref<64x64xf32, #tpu.memory_space<vmem_shared>>
    %dma_start3A_73 = arith.constant 0 : i32
    %dma_start3A_74 = tpu.memref_slice %arg24[%add3A_70, %dma_start3A_73] : memref<10240x64xf32, #tpu.memory_space<vmem_shared>> -> memref<64x64xf32, #tpu.memory_space<vmem_shared>>
    tpu.enqueue_dma source(%arg23 : memref<64x64xf32, #tpu.memory_space<vmem>>) target(%dma_start3A_74 : memref<64x64xf32, #tpu.memory_space<vmem_shared>>) target_semaphore(%arg26 : memref<!tpu.dma_semaphore, #tpu.memory_space<semaphore_mem>>)
    %mul3A_75 = arith.constant 640 : i32
    %mul3A_76 = arith.muli %arg1, %mul3A_75 : i32
    %add3A_77 = arith.constant 512 : i32
    %add3A_78 = arith.addi %mul3A_76, %add3A_77 : i32
    %dma_start3A_79 = arith.constant 0 : i32
    %dma_start3A_80 = tpu.memref_slice %arg24[%add3A_78, %dma_start3A_79] : memref<10240x64xf32, #tpu.memory_space<vmem_shared>> -> memref<64x64xf32, #tpu.memory_space<vmem_shared>>
    %dma_start3A_81 = arith.constant 0 : i32
    %dma_start3A_82 = tpu.memref_slice %arg24[%add3A_78, %dma_start3A_81] : memref<10240x64xf32, #tpu.memory_space<vmem_shared>> -> memref<64x64xf32, #tpu.memory_space<vmem_shared>>
    tpu.enqueue_dma source(%arg23 : memref<64x64xf32, #tpu.memory_space<vmem>>) target(%dma_start3A_82 : memref<64x64xf32, #tpu.memory_space<vmem_shared>>) target_semaphore(%arg26 : memref<!tpu.dma_semaphore, #tpu.memory_space<semaphore_mem>>)
    %mul3A_83 = arith.constant 640 : i32
    %mul3A_84 = arith.muli %arg1, %mul3A_83 : i32
    %add3A_85 = arith.constant 576 : i32
    %add3A_86 = arith.addi %mul3A_84, %add3A_85 : i32
    %dma_start3A_87 = arith.constant 0 : i32
    %dma_start3A_88 = tpu.memref_slice %arg24[%add3A_86, %dma_start3A_87] : memref<10240x64xf32, #tpu.memory_space<vmem_shared>> -> memref<64x64xf32, #tpu.memory_space<vmem_shared>>
    %dma_start3A_89 = arith.constant 0 : i32
    %dma_start3A_90 = tpu.memref_slice %arg24[%add3A_86, %dma_start3A_89] : memref<10240x64xf32, #tpu.memory_space<vmem_shared>> -> memref<64x64xf32, #tpu.memory_space<vmem_shared>>
    tpu.enqueue_dma source(%arg23 : memref<64x64xf32, #tpu.memory_space<vmem>>) target(%dma_start3A_90 : memref<64x64xf32, #tpu.memory_space<vmem_shared>>) target_semaphore(%arg26 : memref<!tpu.dma_semaphore, #tpu.memory_space<semaphore_mem>>)
    %dma_wait3A = arith.constant 0 : i32
    %dma_wait3A_91 = tpu.memref_slice %arg24[%add3A_14, %dma_wait3A] : memref<10240x64xf32, #tpu.memory_space<vmem_shared>> -> memref<64x64xf32, #tpu.memory_space<vmem_shared>>
    %dma_wait3A_92 = arith.constant 0 : i32
    %dma_wait3A_93 = tpu.memref_slice %arg24[%add3A_14, %dma_wait3A_92] : memref<10240x64xf32, #tpu.memory_space<vmem_shared>> -> memref<64x64xf32, #tpu.memory_space<vmem_shared>>
    tpu.wait_dma2 semaphore(%arg26 : memref<!tpu.dma_semaphore, #tpu.memory_space<semaphore_mem>>) src(%arg23 : memref<64x64xf32, #tpu.memory_space<vmem>>) dst(%dma_wait3A_93 : memref<64x64xf32, #tpu.memory_space<vmem_shared>>)
    %dma_wait3A_94 = arith.constant 0 : i32
    %dma_wait3A_95 = tpu.memref_slice %arg24[%add3A_22, %dma_wait3A_94] : memref<10240x64xf32, #tpu.memory_space<vmem_shared>> -> memref<64x64xf32, #tpu.memory_space<vmem_shared>>
    %dma_wait3A_96 = arith.constant 0 : i32
    %dma_wait3A_97 = tpu.memref_slice %arg24[%add3A_22, %dma_wait3A_96] : memref<10240x64xf32, #tpu.memory_space<vmem_shared>> -> memref<64x64xf32, #tpu.memory_space<vmem_shared>>
    tpu.wait_dma2 semaphore(%arg26 : memref<!tpu.dma_semaphore, #tpu.memory_space<semaphore_mem>>) src(%arg23 : memref<64x64xf32, #tpu.memory_space<vmem>>) dst(%dma_wait3A_97 : memref<64x64xf32, #tpu.memory_space<vmem_shared>>)
    %dma_wait3A_98 = arith.constant 0 : i32
    %dma_wait3A_99 = tpu.memref_slice %arg24[%add3A_30, %dma_wait3A_98] : memref<10240x64xf32, #tpu.memory_space<vmem_shared>> -> memref<64x64xf32, #tpu.memory_space<vmem_shared>>
    %dma_wait3A_100 = arith.constant 0 : i32
    %dma_wait3A_101 = tpu.memref_slice %arg24[%add3A_30, %dma_wait3A_100] : memref<10240x64xf32, #tpu.memory_space<vmem_shared>> -> memref<64x64xf32, #tpu.memory_space<vmem_shared>>
    tpu.wait_dma2 semaphore(%arg26 : memref<!tpu.dma_semaphore, #tpu.memory_space<semaphore_mem>>) src(%arg23 : memref<64x64xf32, #tpu.memory_space<vmem>>) dst(%dma_wait3A_101 : memref<64x64xf32, #tpu.memory_space<vmem_shared>>)
    %dma_wait3A_102 = arith.constant 0 : i32
    %dma_wait3A_103 = tpu.memref_slice %arg24[%add3A_38, %dma_wait3A_102] : memref<10240x64xf32, #tpu.memory_space<vmem_shared>> -> memref<64x64xf32, #tpu.memory_space<vmem_shared>>
    %dma_wait3A_104 = arith.constant 0 : i32
    %dma_wait3A_105 = tpu.memref_slice %arg24[%add3A_38, %dma_wait3A_104] : memref<10240x64xf32, #tpu.memory_space<vmem_shared>> -> memref<64x64xf32, #tpu.memory_space<vmem_shared>>
    tpu.wait_dma2 semaphore(%arg26 : memref<!tpu.dma_semaphore, #tpu.memory_space<semaphore_mem>>) src(%arg23 : memref<64x64xf32, #tpu.memory_space<vmem>>) dst(%dma_wait3A_105 : memref<64x64xf32, #tpu.memory_space<vmem_shared>>)
    %dma_wait3A_106 = arith.constant 0 : i32
    %dma_wait3A_107 = tpu.memref_slice %arg24[%add3A_46, %dma_wait3A_106] : memref<10240x64xf32, #tpu.memory_space<vmem_shared>> -> memref<64x64xf32, #tpu.memory_space<vmem_shared>>
    %dma_wait3A_108 = arith.constant 0 : i32
    %dma_wait3A_109 = tpu.memref_slice %arg24[%add3A_46, %dma_wait3A_108] : memref<10240x64xf32, #tpu.memory_space<vmem_shared>> -> memref<64x64xf32, #tpu.memory_space<vmem_shared>>
    tpu.wait_dma2 semaphore(%arg26 : memref<!tpu.dma_semaphore, #tpu.memory_space<semaphore_mem>>) src(%arg23 : memref<64x64xf32, #tpu.memory_space<vmem>>) dst(%dma_wait3A_109 : memref<64x64xf32, #tpu.memory_space<vmem_shared>>)
    %dma_wait3A_110 = arith.constant 0 : i32
    %dma_wait3A_111 = tpu.memref_slice %arg24[%add3A_54, %dma_wait3A_110] : memref<10240x64xf32, #tpu.memory_space<vmem_shared>> -> memref<64x64xf32, #tpu.memory_space<vmem_shared>>
    %dma_wait3A_112 = arith.constant 0 : i32
    %dma_wait3A_113 = tpu.memref_slice %arg24[%add3A_54, %dma_wait3A_112] : memref<10240x64xf32, #tpu.memory_space<vmem_shared>> -> memref<64x64xf32, #tpu.memory_space<vmem_shared>>
    tpu.wait_dma2 semaphore(%arg26 : memref<!tpu.dma_semaphore, #tpu.memory_space<semaphore_mem>>) src(%arg23 : memref<64x64xf32, #tpu.memory_space<vmem>>) dst(%dma_wait3A_113 : memref<64x64xf32, #tpu.memory_space<vmem_shared>>)
    %dma_wait3A_114 = arith.constant 0 : i32
    %dma_wait3A_115 = tpu.memref_slice %arg24[%add3A_62, %dma_wait3A_114] : memref<10240x64xf32, #tpu.memory_space<vmem_shared>> -> memref<64x64xf32, #tpu.memory_space<vmem_shared>>
    %dma_wait3A_116 = arith.constant 0 : i32
    %dma_wait3A_117 = tpu.memref_slice %arg24[%add3A_62, %dma_wait3A_116] : memref<10240x64xf32, #tpu.memory_space<vmem_shared>> -> memref<64x64xf32, #tpu.memory_space<vmem_shared>>
    tpu.wait_dma2 semaphore(%arg26 : memref<!tpu.dma_semaphore, #tpu.memory_space<semaphore_mem>>) src(%arg23 : memref<64x64xf32, #tpu.memory_space<vmem>>) dst(%dma_wait3A_117 : memref<64x64xf32, #tpu.memory_space<vmem_shared>>)
    %dma_wait3A_118 = arith.constant 0 : i32
    %dma_wait3A_119 = tpu.memref_slice %arg24[%add3A_70, %dma_wait3A_118] : memref<10240x64xf32, #tpu.memory_space<vmem_shared>> -> memref<64x64xf32, #tpu.memory_space<vmem_shared>>
    %dma_wait3A_120 = arith.constant 0 : i32
    %dma_wait3A_121 = tpu.memref_slice %arg24[%add3A_70, %dma_wait3A_120] : memref<10240x64xf32, #tpu.memory_space<vmem_shared>> -> memref<64x64xf32, #tpu.memory_space<vmem_shared>>
    tpu.wait_dma2 semaphore(%arg26 : memref<!tpu.dma_semaphore, #tpu.memory_space<semaphore_mem>>) src(%arg23 : memref<64x64xf32, #tpu.memory_space<vmem>>) dst(%dma_wait3A_121 : memref<64x64xf32, #tpu.memory_space<vmem_shared>>)
    %dma_wait3A_122 = arith.constant 0 : i32
    %dma_wait3A_123 = tpu.memref_slice %arg24[%add3A_78, %dma_wait3A_122] : memref<10240x64xf32, #tpu.memory_space<vmem_shared>> -> memref<64x64xf32, #tpu.memory_space<vmem_shared>>
    %dma_wait3A_124 = arith.constant 0 : i32
    %dma_wait3A_125 = tpu.memref_slice %arg24[%add3A_78, %dma_wait3A_124] : memref<10240x64xf32, #tpu.memory_space<vmem_shared>> -> memref<64x64xf32, #tpu.memory_space<vmem_shared>>
    tpu.wait_dma2 semaphore(%arg26 : memref<!tpu.dma_semaphore, #tpu.memory_space<semaphore_mem>>) src(%arg23 : memref<64x64xf32, #tpu.memory_space<vmem>>) dst(%dma_wait3A_125 : memref<64x64xf32, #tpu.memory_space<vmem_shared>>)
    %dma_wait3A_126 = arith.constant 0 : i32
    %dma_wait3A_127 = tpu.memref_slice %arg24[%add3A_86, %dma_wait3A_126] : memref<10240x64xf32, #tpu.memory_space<vmem_shared>> -> memref<64x64xf32, #tpu.memory_space<vmem_shared>>
    %dma_wait3A_128 = arith.constant 0 : i32
    %dma_wait3A_129 = tpu.memref_slice %arg24[%add3A_86, %dma_wait3A_128] : memref<10240x64xf32, #tpu.memory_space<vmem_shared>> -> memref<64x64xf32, #tpu.memory_space<vmem_shared>>
    tpu.wait_dma2 semaphore(%arg26 : memref<!tpu.dma_semaphore, #tpu.memory_space<semaphore_mem>>) src(%arg23 : memref<64x64xf32, #tpu.memory_space<vmem>>) dst(%dma_wait3A_129 : memref<64x64xf32, #tpu.memory_space<vmem_shared>>)
    %dma_wait3A_130 = tpu.memref_slice %arg2[%mul3A_0] : memref<320000xi32, #tpu.memory_space<hbm>> -> memref<20000xi32, #tpu.memory_space<hbm>>
    %dma_wait3A_131 = tpu.memref_slice %arg2[%mul3A_0] : memref<320000xi32, #tpu.memory_space<hbm>> -> memref<20000xi32, #tpu.memory_space<hbm>>
    tpu.wait_dma2 semaphore(%arg25 : memref<!tpu.dma_semaphore, #tpu.memory_space<semaphore_mem>>) src(%dma_wait3A_131 : memref<20000xi32, #tpu.memory_space<hbm>>) dst(%arg21 : memref<20000xi32, #tpu.memory_space<vmem>>)
    %dma_wait3A_132 = tpu.memref_slice %arg3[%mul3A_3] : memref<320000xi32, #tpu.memory_space<hbm>> -> memref<20000xi32, #tpu.memory_space<hbm>>
    %dma_wait3A_133 = tpu.memref_slice %arg3[%mul3A_3] : memref<320000xi32, #tpu.memory_space<hbm>> -> memref<20000xi32, #tpu.memory_space<hbm>>
    tpu.wait_dma2 semaphore(%arg25 : memref<!tpu.dma_semaphore, #tpu.memory_space<semaphore_mem>>) src(%dma_wait3A_133 : memref<20000xi32, #tpu.memory_space<hbm>>) dst(%arg22 : memref<20000xi32, #tpu.memory_space<vmem>>)
    %barrier3A = arith.constant 0 : index
    tpu.barrier barrier_id(%barrier3A)
    %scan3A_134 = arith.constant 0 : i32
    %scan3A_135 = arith.constant 0 : i32
    %scan3A_136 = arith.constant 50 : i32
    %scan3A_137 = arith.addi %scan3A_135, %scan3A_136 : i32
    %scan3A_138 = arith.constant 1 : i32
    %scan3A_139 = scf.for %scan3A_146 = %scan3A_135 to %scan3A_137 step %scan3A_138 iter_args(%scan3A_147 = %scan3A_134) -> (i32)  : i32 {
      %mul3A_148 = arith.constant 5 : i32
      %mul3A_149 = arith.muli %scan3A_146, %mul3A_148 : i32
      %add3A_150 = arith.constant 0 : i32
      %add3A_151 = arith.addi %mul3A_149, %add3A_150 : i32
      %mul3A_152 = arith.constant 80 : i32
      %mul3A_153 = arith.muli %add3A_151, %mul3A_152 : i32
      %add3A_154 = arith.constant 0 : i32
      %add3A_155 = arith.addi %mul3A_153, %add3A_154 : i32
      %get3A = arith.index_cast %add3A_155 : i32 to index
      %get3A_156 = tpu.vector_load %arg21[%get3A] {strides = array<i32>} : memref<20000xi32, #tpu.memory_space<vmem>>, vector<16xi32>,
      %get3A_157 = vector.shape_cast %get3A_156 : vector<16xi32> to vector<16xi32>
      %mul3A_158 = arith.constant 2 : i32
      %mul3A_159 = vector.broadcast %mul3A_158 : i32 to vector<16xi32>
      %mul3A_160 = arith.muli %get3A_157, %mul3A_159 : vector<16xi32>
      %add3A_161 = vector.broadcast %arg0 : i32 to vector<16xi32>
      %add3A_162 = arith.addi %mul3A_160, %add3A_161 : vector<16xi32>
      %swap3A = arith.constant 0 : index
      %swap3A_163 = tpu.vector_load %arg6[%swap3A] {strides = array<i32>} : memref<80xi32, #tpu.memory_space<vmem>>, vector<16xi32>,
      %swap3A_164 = vector.shape_cast %swap3A_163 : vector<16xi32> to vector<16xi32>
      %swap3A_165 = vector.shape_cast %add3A_162 : vector<16xi32> to vector<16xi32>
      tpu.vector_store %arg6[%swap3A], %swap3A_165 {strides = array<i32>} : memref<80xi32, #tpu.memory_space<vmem>>, vector<16xi32>,
      %add3A_166 = arith.constant 0 : i32
      %add3A_167 = arith.addi %mul3A_153, %add3A_166 : i32
      %get3A_168 = arith.index_cast %add3A_167 : i32 to index
      %get3A_169 = tpu.vector_load %arg22[%get3A_168] {strides = array<i32>} : memref<20000xi32, #tpu.memory_space<vmem>>, vector<16xi32>,
      %get3A_170 = vector.shape_cast %get3A_169 : vector<16xi32> to vector<16xi32>
      %swap3A_171 = arith.constant 0 : index
      %swap3A_172 = tpu.vector_load %arg11[%swap3A_171] {strides = array<i32>} : memref<80xi32, #tpu.memory_space<vmem>>, vector<16xi32>,
      %swap3A_173 = vector.shape_cast %swap3A_172 : vector<16xi32> to vector<16xi32>
      %swap3A_174 = vector.shape_cast %get3A_170 : vector<16xi32> to vector<16xi32>
      tpu.vector_store %arg11[%swap3A_171], %swap3A_174 {strides = array<i32>} : memref<80xi32, #tpu.memory_space<vmem>>, vector<16xi32>,
      %add3A_175 = arith.constant 16 : i32
      %add3A_176 = arith.addi %mul3A_153, %add3A_175 : i32
      %get3A_177 = arith.index_cast %add3A_176 : i32 to index
      %get3A_178 = tpu.vector_load %arg21[%get3A_177] {strides = array<i32>} : memref<20000xi32, #tpu.memory_space<vmem>>, vector<16xi32>,
      %get3A_179 = vector.shape_cast %get3A_178 : vector<16xi32> to vector<16xi32>
      %mul3A_180 = arith.constant 2 : i32
      %mul3A_181 = vector.broadcast %mul3A_180 : i32 to vector<16xi32>
      %mul3A_182 = arith.muli %get3A_179, %mul3A_181 : vector<16xi32>
      %add3A_183 = vector.broadcast %arg0 : i32 to vector<16xi32>
      %add3A_184 = arith.addi %mul3A_182, %add3A_183 : vector<16xi32>
      %swap3A_185 = arith.constant 16 : index
      %swap3A_186 = tpu.vector_load %arg6[%swap3A_185] {strides = array<i32>} : memref<80xi32, #tpu.memory_space<vmem>>, vector<16xi32>,
      %swap3A_187 = vector.shape_cast %swap3A_186 : vector<16xi32> to vector<16xi32>
      %swap3A_188 = vector.shape_cast %add3A_184 : vector<16xi32> to vector<16xi32>
      tpu.vector_store %arg6[%swap3A_185], %swap3A_188 {strides = array<i32>} : memref<80xi32, #tpu.memory_space<vmem>>, vector<16xi32>,
      %add3A_189 = arith.constant 16 : i32
      %add3A_190 = arith.addi %mul3A_153, %add3A_189 : i32
      %get3A_191 = arith.index_cast %add3A_190 : i32 to index
      %get3A_192 = tpu.vector_load %arg22[%get3A_191] {strides = array<i32>} : memref<20000xi32, #tpu.memory_space<vmem>>, vector<16xi32>,
      %get3A_193 = vector.shape_cast %get3A_192 : vector<16xi32> to vector<16xi32>
      %swap3A_194 = arith.constant 16 : index
      %swap3A_195 = tpu.vector_load %arg11[%swap3A_194] {strides = array<i32>} : memref<80xi32, #tpu.memory_space<vmem>>, vector<16xi32>,
      %swap3A_196 = vector.shape_cast %swap3A_195 : vector<16xi32> to vector<16xi32>
      %swap3A_197 = vector.shape_cast %get3A_193 : vector<16xi32> to vector<16xi32>
      tpu.vector_store %arg11[%swap3A_194], %swap3A_197 {strides = array<i32>} : memref<80xi32, #tpu.memory_space<vmem>>, vector<16xi32>,
      %add3A_198 = arith.constant 32 : i32
      %add3A_199 = arith.addi %mul3A_153, %add3A_198 : i32
      %get3A_200 = arith.index_cast %add3A_199 : i32 to index
      %get3A_201 = tpu.vector_load %arg21[%get3A_200] {strides = array<i32>} : memref<20000xi32, #tpu.memory_space<vmem>>, vector<16xi32>,
      %get3A_202 = vector.shape_cast %get3A_201 : vector<16xi32> to vector<16xi32>
      %mul3A_203 = arith.constant 2 : i32
      %mul3A_204 = vector.broadcast %mul3A_203 : i32 to vector<16xi32>
      %mul3A_205 = arith.muli %get3A_202, %mul3A_204 : vector<16xi32>
      %add3A_206 = vector.broadcast %arg0 : i32 to vector<16xi32>
      %add3A_207 = arith.addi %mul3A_205, %add3A_206 : vector<16xi32>
      %swap3A_208 = arith.constant 32 : index
      %swap3A_209 = tpu.vector_load %arg6[%swap3A_208] {strides = array<i32>} : memref<80xi32, #tpu.memory_space<vmem>>, vector<16xi32>,
      %swap3A_210 = vector.shape_cast %swap3A_209 : vector<16xi32> to vector<16xi32>
      %swap3A_211 = vector.shape_cast %add3A_207 : vector<16xi32> to vector<16xi32>
      tpu.vector_store %arg6[%swap3A_208], %swap3A_211 {strides = array<i32>} : memref<80xi32, #tpu.memory_space<vmem>>, vector<16xi32>,
      %add3A_212 = arith.constant 32 : i32
      %add3A_213 = arith.addi %mul3A_153, %add3A_212 : i32
      %get3A_214 = arith.index_cast %add3A_213 : i32 to index
      %get3A_215 = tpu.vector_load %arg22[%get3A_214] {strides = array<i32>} : memref<20000xi32, #tpu.memory_space<vmem>>, vector<16xi32>,
      %get3A_216 = vector.shape_cast %get3A_215 : vector<16xi32> to vector<16xi32>
      %swap3A_217 = arith.constant 32 : index
      %swap3A_218 = tpu.vector_load %arg11[%swap3A_217] {strides = array<i32>} : memref<80xi32, #tpu.memory_space<vmem>>, vector<16xi32>,
      %swap3A_219 = vector.shape_cast %swap3A_218 : vector<16xi32> to vector<16xi32>
      %swap3A_220 = vector.shape_cast %get3A_216 : vector<16xi32> to vector<16xi32>
      tpu.vector_store %arg11[%swap3A_217], %swap3A_220 {strides = array<i32>} : memref<80xi32, #tpu.memory_space<vmem>>, vector<16xi32>,
      %add3A_221 = arith.constant 48 : i32
      %add3A_222 = arith.addi %mul3A_153, %add3A_221 : i32
      %get3A_223 = arith.index_cast %add3A_222 : i32 to index
      %get3A_224 = tpu.vector_load %arg21[%get3A_223] {strides = array<i32>} : memref<20000xi32, #tpu.memory_space<vmem>>, vector<16xi32>,
      %get3A_225 = vector.shape_cast %get3A_224 : vector<16xi32> to vector<16xi32>
      %mul3A_226 = arith.constant 2 : i32
      %mul3A_227 = vector.broadcast %mul3A_226 : i32 to vector<16xi32>
      %mul3A_228 = arith.muli %get3A_225, %mul3A_227 : vector<16xi32>
      %add3A_229 = vector.broadcast %arg0 : i32 to vector<16xi32>
      %add3A_230 = arith.addi %mul3A_228, %add3A_229 : vector<16xi32>
      %swap3A_231 = arith.constant 48 : index
      %swap3A_232 = tpu.vector_load %arg6[%swap3A_231] {strides = array<i32>} : memref<80xi32, #tpu.memory_space<vmem>>, vector<16xi32>,
      %swap3A_233 = vector.shape_cast %swap3A_232 : vector<16xi32> to vector<16xi32>
      %swap3A_234 = vector.shape_cast %add3A_230 : vector<16xi32> to vector<16xi32>
      tpu.vector_store %arg6[%swap3A_231], %swap3A_234 {strides = array<i32>} : memref<80xi32, #tpu.memory_space<vmem>>, vector<16xi32>,
      %add3A_235 = arith.constant 48 : i32
      %add3A_236 = arith.addi %mul3A_153, %add3A_235 : i32
      %get3A_237 = arith.index_cast %add3A_236 : i32 to index
      %get3A_238 = tpu.vector_load %arg22[%get3A_237] {strides = array<i32>} : memref<20000xi32, #tpu.memory_space<vmem>>, vector<16xi32>,
      %get3A_239 = vector.shape_cast %get3A_238 : vector<16xi32> to vector<16xi32>
      %swap3A_240 = arith.constant 48 : index
      %swap3A_241 = tpu.vector_load %arg11[%swap3A_240] {strides = array<i32>} : memref<80xi32, #tpu.memory_space<vmem>>, vector<16xi32>,
      %swap3A_242 = vector.shape_cast %swap3A_241 : vector<16xi32> to vector<16xi32>
      %swap3A_243 = vector.shape_cast %get3A_239 : vector<16xi32> to vector<16xi32>
      tpu.vector_store %arg11[%swap3A_240], %swap3A_243 {strides = array<i32>} : memref<80xi32, #tpu.memory_space<vmem>>, vector<16xi32>,
      %add3A_244 = arith.constant 64 : i32
      %add3A_245 = arith.addi %mul3A_153, %add3A_244 : i32
      %get3A_246 = arith.index_cast %add3A_245 : i32 to index
      %get3A_247 = tpu.vector_load %arg21[%get3A_246] {strides = array<i32>} : memref<20000xi32, #tpu.memory_space<vmem>>, vector<16xi32>,
      %get3A_248 = vector.shape_cast %get3A_247 : vector<16xi32> to vector<16xi32>
      %mul3A_249 = arith.constant 2 : i32
      %mul3A_250 = vector.broadcast %mul3A_249 : i32 to vector<16xi32>
      %mul3A_251 = arith.muli %get3A_248, %mul3A_250 : vector<16xi32>
      %add3A_252 = vector.broadcast %arg0 : i32 to vector<16xi32>
      %add3A_253 = arith.addi %mul3A_251, %add3A_252 : vector<16xi32>
      %swap3A_254 = arith.constant 64 : index
      %swap3A_255 = tpu.vector_load %arg6[%swap3A_254] {strides = array<i32>} : memref<80xi32, #tpu.memory_space<vmem>>, vector<16xi32>,
      %swap3A_256 = vector.shape_cast %swap3A_255 : vector<16xi32> to vector<16xi32>
      %swap3A_257 = vector.shape_cast %add3A_253 : vector<16xi32> to vector<16xi32>
      tpu.vector_store %arg6[%swap3A_254], %swap3A_257 {strides = array<i32>} : memref<80xi32, #tpu.memory_space<vmem>>, vector<16xi32>,
      %add3A_258 = arith.constant 64 : i32
      %add3A_259 = arith.addi %mul3A_153, %add3A_258 : i32
      %get3A_260 = arith.index_cast %add3A_259 : i32 to index
      %get3A_261 = tpu.vector_load %arg22[%get3A_260] {strides = array<i32>} : memref<20000xi32, #tpu.memory_space<vmem>>, vector<16xi32>,
      %get3A_262 = vector.shape_cast %get3A_261 : vector<16xi32> to vector<16xi32>
      %swap3A_263 = arith.constant 64 : index
      %swap3A_264 = tpu.vector_load %arg11[%swap3A_263] {strides = array<i32>} : memref<80xi32, #tpu.memory_space<vmem>>, vector<16xi32>,
      %swap3A_265 = vector.shape_cast %swap3A_264 : vector<16xi32> to vector<16xi32>
      %swap3A_266 = vector.shape_cast %get3A_262 : vector<16xi32> to vector<16xi32>
      tpu.vector_store %arg11[%swap3A_263], %swap3A_266 {strides = array<i32>} : memref<80xi32, #tpu.memory_space<vmem>>, vector<16xi32>,
      %dma_start3A_267 = arith.constant 0 : i32
      %dma_start3A_268 = arith.constant 0 : i32
      %dma_start3A_269 = tpu.memref_slice %arg4[%dma_start3A_267, %dma_start3A_268] : memref<20000x64xf32, #tpu.memory_space<hbm>> -> memref<20000x64xf32, #tpu.memory_space<hbm>>
      tpu.enqueue_indirect_dma source(%dma_start3A_269 : memref<20000x64xf32, #tpu.memory_space<hbm>>) target(%arg16 : memref<80x64xf32, #tpu.memory_space<vmem>>) offsets(%arg6 : memref<80xi32, #tpu.memory_space<vmem>>) semaphore(%arg25 : memref<!tpu.dma_semaphore, #tpu.memory_space<semaphore_mem>>)
      %mul3A_270 = arith.constant 5 : i32
      %mul3A_271 = arith.muli %scan3A_146, %mul3A_270 : i32
      %add3A_272 = arith.constant 1 : i32
      %add3A_273 = arith.addi %mul3A_271, %add3A_272 : i32
      %mul3A_274 = arith.constant 80 : i32
      %mul3A_275 = arith.muli %add3A_273, %mul3A_274 : i32
      %add3A_276 = arith.constant 0 : i32
      %add3A_277 = arith.addi %mul3A_275, %add3A_276 : i32
      %get3A_278 = arith.index_cast %add3A_277 : i32 to index
      %get3A_279 = tpu.vector_load %arg21[%get3A_278] {strides = array<i32>} : memref<20000xi32, #tpu.memory_space<vmem>>, vector<16xi32>,
      %get3A_280 = vector.shape_cast %get3A_279 : vector<16xi32> to vector<16xi32>
      %mul3A_281 = arith.constant 2 : i32
      %mul3A_282 = vector.broadcast %mul3A_281 : i32 to vector<16xi32>
      %mul3A_283 = arith.muli %get3A_280, %mul3A_282 : vector<16xi32>
      %add3A_284 = vector.broadcast %arg0 : i32 to vector<16xi32>
      %add3A_285 = arith.addi %mul3A_283, %add3A_284 : vector<16xi32>
      %swap3A_286 = arith.constant 0 : index
      %swap3A_287 = tpu.vector_load %arg7[%swap3A_286] {strides = array<i32>} : memref<80xi32, #tpu.memory_space<vmem>>, vector<16xi32>,
      %swap3A_288 = vector.shape_cast %swap3A_287 : vector<16xi32> to vector<16xi32>
      %swap3A_289 = vector.shape_cast %add3A_285 : vector<16xi32> to vector<16xi32>
      tpu.vector_store %arg7[%swap3A_286], %swap3A_289 {strides = array<i32>} : memref<80xi32, #tpu.memory_space<vmem>>, vector<16xi32>,
      %add3A_290 = arith.constant 0 : i32
      %add3A_291 = arith.addi %mul3A_275, %add3A_290 : i32
      %get3A_292 = arith.index_cast %add3A_291 : i32 to index
      %get3A_293 = tpu.vector_load %arg22[%get3A_292] {strides = array<i32>} : memref<20000xi32, #tpu.memory_space<vmem>>, vector<16xi32>,
      %get3A_294 = vector.shape_cast %get3A_293 : vector<16xi32> to vector<16xi32>
      %swap3A_295 = arith.constant 0 : index
      %swap3A_296 = tpu.vector_load %arg12[%swap3A_295] {strides = array<i32>} : memref<80xi32, #tpu.memory_space<vmem>>, vector<16xi32>,
      %swap3A_297 = vector.shape_cast %swap3A_296 : vector<16xi32> to vector<16xi32>
      %swap3A_298 = vector.shape_cast %get3A_294 : vector<16xi32> to vector<16xi32>
      tpu.vector_store %arg12[%swap3A_295], %swap3A_298 {strides = array<i32>} : memref<80xi32, #tpu.memory_space<vmem>>, vector<16xi32>,
      %add3A_299 = arith.constant 16 : i32
      %add3A_300 = arith.addi %mul3A_275, %add3A_299 : i32
      %get3A_301 = arith.index_cast %add3A_300 : i32 to index
      %get3A_302 = tpu.vector_load %arg21[%get3A_301] {strides = array<i32>} : memref<20000xi32, #tpu.memory_space<vmem>>, vector<16xi32>,
      %get3A_303 = vector.shape_cast %get3A_302 : vector<16xi32> to vector<16xi32>
      %mul3A_304 = arith.constant 2 : i32
      %mul3A_305 = vector.broadcast %mul3A_304 : i32 to vector<16xi32>
      %mul3A_306 = arith.muli %get3A_303, %mul3A_305 : vector<16xi32>
      %add3A_307 = vector.broadcast %arg0 : i32 to vector<16xi32>
      %add3A_308 = arith.addi %mul3A_306, %add3A_307 : vector<16xi32>
      %swap3A_309 = arith.constant 16 : index
      %swap3A_310 = tpu.vector_load %arg7[%swap3A_309] {strides = array<i32>} : memref<80xi32, #tpu.memory_space<vmem>>, vector<16xi32>,
      %swap3A_311 = vector.shape_cast %swap3A_310 : vector<16xi32> to vector<16xi32>
      %swap3A_312 = vector.shape_cast %add3A_308 : vector<16xi32> to vector<16xi32>
      tpu.vector_store %arg7[%swap3A_309], %swap3A_312 {strides = array<i32>} : memref<80xi32, #tpu.memory_space<vmem>>, vector<16xi32>,
      %add3A_313 = arith.constant 16 : i32
      %add3A_314 = arith.addi %mul3A_275, %add3A_313 : i32
      %get3A_315 = arith.index_cast %add3A_314 : i32 to index
      %get3A_316 = tpu.vector_load %arg22[%get3A_315] {strides = array<i32>} : memref<20000xi32, #tpu.memory_space<vmem>>, vector<16xi32>,
      %get3A_317 = vector.shape_cast %get3A_316 : vector<16xi32> to vector<16xi32>
      %swap3A_318 = arith.constant 16 : index
      %swap3A_319 = tpu.vector_load %arg12[%swap3A_318] {strides = array<i32>} : memref<80xi32, #tpu.memory_space<vmem>>, vector<16xi32>,
      %swap3A_320 = vector.shape_cast %swap3A_319 : vector<16xi32> to vector<16xi32>
      %swap3A_321 = vector.shape_cast %get3A_317 : vector<16xi32> to vector<16xi32>
      tpu.vector_store %arg12[%swap3A_318], %swap3A_321 {strides = array<i32>} : memref<80xi32, #tpu.memory_space<vmem>>, vector<16xi32>,
      %add3A_322 = arith.constant 32 : i32
      %add3A_323 = arith.addi %mul3A_275, %add3A_322 : i32
      %get3A_324 = arith.index_cast %add3A_323 : i32 to index
      %get3A_325 = tpu.vector_load %arg21[%get3A_324] {strides = array<i32>} : memref<20000xi32, #tpu.memory_space<vmem>>, vector<16xi32>,
      %get3A_326 = vector.shape_cast %get3A_325 : vector<16xi32> to vector<16xi32>
      %mul3A_327 = arith.constant 2 : i32
      %mul3A_328 = vector.broadcast %mul3A_327 : i32 to vector<16xi32>
      %mul3A_329 = arith.muli %get3A_326, %mul3A_328 : vector<16xi32>
      %add3A_330 = vector.broadcast %arg0 : i32 to vector<16xi32>
      %add3A_331 = arith.addi %mul3A_329, %add3A_330 : vector<16xi32>
      %swap3A_332 = arith.constant 32 : index
      %swap3A_333 = tpu.vector_load %arg7[%swap3A_332] {strides = array<i32>} : memref<80xi32, #tpu.memory_space<vmem>>, vector<16xi32>,
      %swap3A_334 = vector.shape_cast %swap3A_333 : vector<16xi32> to vector<16xi32>
      %swap3A_335 = vector.shape_cast %add3A_331 : vector<16xi32> to vector<16xi32>
      tpu.vector_store %arg7[%swap3A_332], %swap3A_335 {strides = array<i32>} : memref<80xi32, #tpu.memory_space<vmem>>, vector<16xi32>,
      %add3A_336 = arith.constant 32 : i32
      %add3A_337 = arith.addi %mul3A_275, %add3A_336 : i32
      %get3A_338 = arith.index_cast %add3A_337 : i32 to index
      %get3A_339 = tpu.vector_load %arg22[%get3A_338] {strides = array<i32>} : memref<20000xi32, #tpu.memory_space<vmem>>, vector<16xi32>,
      %get3A_340 = vector.shape_cast %get3A_339 : vector<16xi32> to vector<16xi32>
      %swap3A_341 = arith.constant 32 : index
      %swap3A_342 = tpu.vector_load %arg12[%swap3A_341] {strides = array<i32>} : memref<80xi32, #tpu.memory_space<vmem>>, vector<16xi32>,
      %swap3A_343 = vector.shape_cast %swap3A_342 : vector<16xi32> to vector<16xi32>
      %swap3A_344 = vector.shape_cast %get3A_340 : vector<16xi32> to vector<16xi32>
      tpu.vector_store %arg12[%swap3A_341], %swap3A_344 {strides = array<i32>} : memref<80xi32, #tpu.memory_space<vmem>>, vector<16xi32>,
      %add3A_345 = arith.constant 48 : i32
      %add3A_346 = arith.addi %mul3A_275, %add3A_345 : i32
      %get3A_347 = arith.index_cast %add3A_346 : i32 to index
      %get3A_348 = tpu.vector_load %arg21[%get3A_347] {strides = array<i32>} : memref<20000xi32, #tpu.memory_space<vmem>>, vector<16xi32>,
      %get3A_349 = vector.shape_cast %get3A_348 : vector<16xi32> to vector<16xi32>
      %mul3A_350 = arith.constant 2 : i32
      %mul3A_351 = vector.broadcast %mul3A_350 : i32 to vector<16xi32>
      %mul3A_352 = arith.muli %get3A_349, %mul3A_351 : vector<16xi32>
      %add3A_353 = vector.broadcast %arg0 : i32 to vector<16xi32>
      %add3A_354 = arith.addi %mul3A_352, %add3A_353 : vector<16xi32>
      %swap3A_355 = arith.constant 48 : index
      %swap3A_356 = tpu.vector_load %arg7[%swap3A_355] {strides = array<i32>} : memref<80xi32, #tpu.memory_space<vmem>>, vector<16xi32>,
      %swap3A_357 = vector.shape_cast %swap3A_356 : vector<16xi32> to vector<16xi32>
      %swap3A_358 = vector.shape_cast %add3A_354 : vector<16xi32> to vector<16xi32>
      tpu.vector_store %arg7[%swap3A_355], %swap3A_358 {strides = array<i32>} : memref<80xi32, #tpu.memory_space<vmem>>, vector<16xi32>,
      %add3A_359 = arith.constant 48 : i32
      %add3A_360 = arith.addi %mul3A_275, %add3A_359 : i32
      %get3A_361 = arith.index_cast %add3A_360 : i32 to index
      %get3A_362 = tpu.vector_load %arg22[%get3A_361] {strides = array<i32>} : memref<20000xi32, #tpu.memory_space<vmem>>, vector<16xi32>,
      %get3A_363 = vector.shape_cast %get3A_362 : vector<16xi32> to vector<16xi32>
      %swap3A_364 = arith.constant 48 : index
      %swap3A_365 = tpu.vector_load %arg12[%swap3A_364] {strides = array<i32>} : memref<80xi32, #tpu.memory_space<vmem>>, vector<16xi32>,
      %swap3A_366 = vector.shape_cast %swap3A_365 : vector<16xi32> to vector<16xi32>
      %swap3A_367 = vector.shape_cast %get3A_363 : vector<16xi32> to vector<16xi32>
      tpu.vector_store %arg12[%swap3A_364], %swap3A_367 {strides = array<i32>} : memref<80xi32, #tpu.memory_space<vmem>>, vector<16xi32>,
      %add3A_368 = arith.constant 64 : i32
      %add3A_369 = arith.addi %mul3A_275, %add3A_368 : i32
      %get3A_370 = arith.index_cast %add3A_369 : i32 to index
      %get3A_371 = tpu.vector_load %arg21[%get3A_370] {strides = array<i32>} : memref<20000xi32, #tpu.memory_space<vmem>>, vector<16xi32>,
      %get3A_372 = vector.shape_cast %get3A_371 : vector<16xi32> to vector<16xi32>
      %mul3A_373 = arith.constant 2 : i32
      %mul3A_374 = vector.broadcast %mul3A_373 : i32 to vector<16xi32>
      %mul3A_375 = arith.muli %get3A_372, %mul3A_374 : vector<16xi32>
      %add3A_376 = vector.broadcast %arg0 : i32 to vector<16xi32>
      %add3A_377 = arith.addi %mul3A_375, %add3A_376 : vector<16xi32>
      %swap3A_378 = arith.constant 64 : index
      %swap3A_379 = tpu.vector_load %arg7[%swap3A_378] {strides = array<i32>} : memref<80xi32, #tpu.memory_space<vmem>>, vector<16xi32>,
      %swap3A_380 = vector.shape_cast %swap3A_379 : vector<16xi32> to vector<16xi32>
      %swap3A_381 = vector.shape_cast %add3A_377 : vector<16xi32> to vector<16xi32>
      tpu.vector_store %arg7[%swap3A_378], %swap3A_381 {strides = array<i32>} : memref<80xi32, #tpu.memory_space<vmem>>, vector<16xi32>,
      %add3A_382 = arith.constant 64 : i32
      %add3A_383 = arith.addi %mul3A_275, %add3A_382 : i32
      %get3A_384 = arith.index_cast %add3A_383 : i32 to index
      %get3A_385 = tpu.vector_load %arg22[%get3A_384] {strides = array<i32>} : memref<20000xi32, #tpu.memory_space<vmem>>, vector<16xi32>,
      %get3A_386 = vector.shape_cast %get3A_385 : vector<16xi32> to vector<16xi32>
      %swap3A_387 = arith.constant 64 : index
      %swap3A_388 = tpu.vector_load %arg12[%swap3A_387] {strides = array<i32>} : memref<80xi32, #tpu.memory_space<vmem>>, vector<16xi32>,
      %swap3A_389 = vector.shape_cast %swap3A_388 : vector<16xi32> to vector<16xi32>
      %swap3A_390 = vector.shape_cast %get3A_386 : vector<16xi32> to vector<16xi32>
      tpu.vector_store %arg12[%swap3A_387], %swap3A_390 {strides = array<i32>} : memref<80xi32, #tpu.memory_space<vmem>>, vector<16xi32>,
      %dma_start3A_391 = arith.constant 0 : i32
      %dma_start3A_392 = arith.constant 0 : i32
      %dma_start3A_393 = tpu.memref_slice %arg4[%dma_start3A_391, %dma_start3A_392] : memref<20000x64xf32, #tpu.memory_space<hbm>> -> memref<20000x64xf32, #tpu.memory_space<hbm>>
      tpu.enqueue_indirect_dma source(%dma_start3A_393 : memref<20000x64xf32, #tpu.memory_space<hbm>>) target(%arg17 : memref<80x64xf32, #tpu.memory_space<vmem>>) offsets(%arg7 : memref<80xi32, #tpu.memory_space<vmem>>) semaphore(%arg25 : memref<!tpu.dma_semaphore, #tpu.memory_space<semaphore_mem>>)
      %mul3A_394 = arith.constant 5 : i32
      %mul3A_395 = arith.muli %scan3A_146, %mul3A_394 : i32
      %add3A_396 = arith.constant 2 : i32
      %add3A_397 = arith.addi %mul3A_395, %add3A_396 : i32
      %mul3A_398 = arith.constant 80 : i32
      %mul3A_399 = arith.muli %add3A_397, %mul3A_398 : i32
      %add3A_400 = arith.constant 0 : i32
      %add3A_401 = arith.addi %mul3A_399, %add3A_400 : i32
      %get3A_402 = arith.index_cast %add3A_401 : i32 to index
      %get3A_403 = tpu.vector_load %arg21[%get3A_402] {strides = array<i32>} : memref<20000xi32, #tpu.memory_space<vmem>>, vector<16xi32>,
      %get3A_404 = vector.shape_cast %get3A_403 : vector<16xi32> to vector<16xi32>
      %mul3A_405 = arith.constant 2 : i32
      %mul3A_406 = vector.broadcast %mul3A_405 : i32 to vector<16xi32>
      %mul3A_407 = arith.muli %get3A_404, %mul3A_406 : vector<16xi32>
      %add3A_408 = vector.broadcast %arg0 : i32 to vector<16xi32>
      %add3A_409 = arith.addi %mul3A_407, %add3A_408 : vector<16xi32>
      %swap3A_410 = arith.constant 0 : index
      %swap3A_411 = tpu.vector_load %arg8[%swap3A_410] {strides = array<i32>} : memref<80xi32, #tpu.memory_space<vmem>>, vector<16xi32>,
      %swap3A_412 = vector.shape_cast %swap3A_411 : vector<16xi32> to vector<16xi32>
      %swap3A_413 = vector.shape_cast %add3A_409 : vector<16xi32> to vector<16xi32>
      tpu.vector_store %arg8[%swap3A_410], %swap3A_413 {strides = array<i32>} : memref<80xi32, #tpu.memory_space<vmem>>, vector<16xi32>,
      %add3A_414 = arith.constant 0 : i32
      %add3A_415 = arith.addi %mul3A_399, %add3A_414 : i32
      %get3A_416 = arith.index_cast %add3A_415 : i32 to index
      %get3A_417 = tpu.vector_load %arg22[%get3A_416] {strides = array<i32>} : memref<20000xi32, #tpu.memory_space<vmem>>, vector<16xi32>,
      %get3A_418 = vector.shape_cast %get3A_417 : vector<16xi32> to vector<16xi32>
      %swap3A_419 = arith.constant 0 : index
      %swap3A_420 = tpu.vector_load %arg13[%swap3A_419] {strides = array<i32>} : memref<80xi32, #tpu.memory_space<vmem>>, vector<16xi32>,
      %swap3A_421 = vector.shape_cast %swap3A_420 : vector<16xi32> to vector<16xi32>
      %swap3A_422 = vector.shape_cast %get3A_418 : vector<16xi32> to vector<16xi32>
      tpu.vector_store %arg13[%swap3A_419], %swap3A_422 {strides = array<i32>} : memref<80xi32, #tpu.memory_space<vmem>>, vector<16xi32>,
      %add3A_423 = arith.constant 16 : i32
      %add3A_424 = arith.addi %mul3A_399, %add3A_423 : i32
      %get3A_425 = arith.index_cast %add3A_424 : i32 to index
      %get3A_426 = tpu.vector_load %arg21[%get3A_425] {strides = array<i32>} : memref<20000xi32, #tpu.memory_space<vmem>>, vector<16xi32>,
      %get3A_427 = vector.shape_cast %get3A_426 : vector<16xi32> to vector<16xi32>
      %mul3A_428 = arith.constant 2 : i32
      %mul3A_429 = vector.broadcast %mul3A_428 : i32 to vector<16xi32>
      %mul3A_430 = arith.muli %get3A_427, %mul3A_429 : vector<16xi32>
      %add3A_431 = vector.broadcast %arg0 : i32 to vector<16xi32>
      %add3A_432 = arith.addi %mul3A_430, %add3A_431 : vector<16xi32>
      %swap3A_433 = arith.constant 16 : index
      %swap3A_434 = tpu.vector_load %arg8[%swap3A_433] {strides = array<i32>} : memref<80xi32, #tpu.memory_space<vmem>>, vector<16xi32>,
      %swap3A_435 = vector.shape_cast %swap3A_434 : vector<16xi32> to vector<16xi32>
      %swap3A_436 = vector.shape_cast %add3A_432 : vector<16xi32> to vector<16xi32>
      tpu.vector_store %arg8[%swap3A_433], %swap3A_436 {strides = array<i32>} : memref<80xi32, #tpu.memory_space<vmem>>, vector<16xi32>,
      %add3A_437 = arith.constant 16 : i32
      %add3A_438 = arith.addi %mul3A_399, %add3A_437 : i32
      %get3A_439 = arith.index_cast %add3A_438 : i32 to index
      %get3A_440 = tpu.vector_load %arg22[%get3A_439] {strides = array<i32>} : memref<20000xi32, #tpu.memory_space<vmem>>, vector<16xi32>,
      %get3A_441 = vector.shape_cast %get3A_440 : vector<16xi32> to vector<16xi32>
      %swap3A_442 = arith.constant 16 : index
      %swap3A_443 = tpu.vector_load %arg13[%swap3A_442] {strides = array<i32>} : memref<80xi32, #tpu.memory_space<vmem>>, vector<16xi32>,
      %swap3A_444 = vector.shape_cast %swap3A_443 : vector<16xi32> to vector<16xi32>
      %swap3A_445 = vector.shape_cast %get3A_441 : vector<16xi32> to vector<16xi32>
      tpu.vector_store %arg13[%swap3A_442], %swap3A_445 {strides = array<i32>} : memref<80xi32, #tpu.memory_space<vmem>>, vector<16xi32>,
      %add3A_446 = arith.constant 32 : i32
      %add3A_447 = arith.addi %mul3A_399, %add3A_446 : i32
      %get3A_448 = arith.index_cast %add3A_447 : i32 to index
      %get3A_449 = tpu.vector_load %arg21[%get3A_448] {strides = array<i32>} : memref<20000xi32, #tpu.memory_space<vmem>>, vector<16xi32>,
      %get3A_450 = vector.shape_cast %get3A_449 : vector<16xi32> to vector<16xi32>
      %mul3A_451 = arith.constant 2 : i32
      %mul3A_452 = vector.broadcast %mul3A_451 : i32 to vector<16xi32>
      %mul3A_453 = arith.muli %get3A_450, %mul3A_452 : vector<16xi32>
      %add3A_454 = vector.broadcast %arg0 : i32 to vector<16xi32>
      %add3A_455 = arith.addi %mul3A_453, %add3A_454 : vector<16xi32>
      %swap3A_456 = arith.constant 32 : index
      %swap3A_457 = tpu.vector_load %arg8[%swap3A_456] {strides = array<i32>} : memref<80xi32, #tpu.memory_space<vmem>>, vector<16xi32>,
      %swap3A_458 = vector.shape_cast %swap3A_457 : vector<16xi32> to vector<16xi32>
      %swap3A_459 = vector.shape_cast %add3A_455 : vector<16xi32> to vector<16xi32>
      tpu.vector_store %arg8[%swap3A_456], %swap3A_459 {strides = array<i32>} : memref<80xi32, #tpu.memory_space<vmem>>, vector<16xi32>,
      %add3A_460 = arith.constant 32 : i32
      %add3A_461 = arith.addi %mul3A_399, %add3A_460 : i32
      %get3A_462 = arith.index_cast %add3A_461 : i32 to index
      %get3A_463 = tpu.vector_load %arg22[%get3A_462] {strides = array<i32>} : memref<20000xi32, #tpu.memory_space<vmem>>, vector<16xi32>,
      %get3A_464 = vector.shape_cast %get3A_463 : vector<16xi32> to vector<16xi32>
      %swap3A_465 = arith.constant 32 : index
      %swap3A_466 = tpu.vector_load %arg13[%swap3A_465] {strides = array<i32>} : memref<80xi32, #tpu.memory_space<vmem>>, vector<16xi32>,
      %swap3A_467 = vector.shape_cast %swap3A_466 : vector<16xi32> to vector<16xi32>
      %swap3A_468 = vector.shape_cast %get3A_464 : vector<16xi32> to vector<16xi32>
      tpu.vector_store %arg13[%swap3A_465], %swap3A_468 {strides = array<i32>} : memref<80xi32, #tpu.memory_space<vmem>>, vector<16xi32>,
      %add3A_469 = arith.constant 48 : i32
      %add3A_470 = arith.addi %mul3A_399, %add3A_469 : i32
      %get3A_471 = arith.index_cast %add3A_470 : i32 to index
      %get3A_472 = tpu.vector_load %arg21[%get3A_471] {strides = array<i32>} : memref<20000xi32, #tpu.memory_space<vmem>>, vector<16xi32>,
      %get3A_473 = vector.shape_cast %get3A_472 : vector<16xi32> to vector<16xi32>
      %mul3A_474 = arith.constant 2 : i32
      %mul3A_475 = vector.broadcast %mul3A_474 : i32 to vector<16xi32>
      %mul3A_476 = arith.muli %get3A_473, %mul3A_475 : vector<16xi32>
      %add3A_477 = vector.broadcast %arg0 : i32 to vector<16xi32>
      %add3A_478 = arith.addi %mul3A_476, %add3A_477 : vector<16xi32>
      %swap3A_479 = arith.constant 48 : index
      %swap3A_480 = tpu.vector_load %arg8[%swap3A_479] {strides = array<i32>} : memref<80xi32, #tpu.memory_space<vmem>>, vector<16xi32>,
      %swap3A_481 = vector.shape_cast %swap3A_480 : vector<16xi32> to vector<16xi32>
      %swap3A_482 = vector.shape_cast %add3A_478 : vector<16xi32> to vector<16xi32>
      tpu.vector_store %arg8[%swap3A_479], %swap3A_482 {strides = array<i32>} : memref<80xi32, #tpu.memory_space<vmem>>, vector<16xi32>,
      %add3A_483 = arith.constant 48 : i32
      %add3A_484 = arith.addi %mul3A_399, %add3A_483 : i32
      %get3A_485 = arith.index_cast %add3A_484 : i32 to index
      %get3A_486 = tpu.vector_load %arg22[%get3A_485] {strides = array<i32>} : memref<20000xi32, #tpu.memory_space<vmem>>, vector<16xi32>,
      %get3A_487 = vector.shape_cast %get3A_486 : vector<16xi32> to vector<16xi32>
      %swap3A_488 = arith.constant 48 : index
      %swap3A_489 = tpu.vector_load %arg13[%swap3A_488] {strides = array<i32>} : memref<80xi32, #tpu.memory_space<vmem>>, vector<16xi32>,
      %swap3A_490 = vector.shape_cast %swap3A_489 : vector<16xi32> to vector<16xi32>
      %swap3A_491 = vector.shape_cast %get3A_487 : vector<16xi32> to vector<16xi32>
      tpu.vector_store %arg13[%swap3A_488], %swap3A_491 {strides = array<i32>} : memref<80xi32, #tpu.memory_space<vmem>>, vector<16xi32>,
      %add3A_492 = arith.constant 64 : i32
      %add3A_493 = arith.addi %mul3A_399, %add3A_492 : i32
      %get3A_494 = arith.index_cast %add3A_493 : i32 to index
      %get3A_495 = tpu.vector_load %arg21[%get3A_494] {strides = array<i32>} : memref<20000xi32, #tpu.memory_space<vmem>>, vector<16xi32>,
      %get3A_496 = vector.shape_cast %get3A_495 : vector<16xi32> to vector<16xi32>
      %mul3A_497 = arith.constant 2 : i32
      %mul3A_498 = vector.broadcast %mul3A_497 : i32 to vector<16xi32>
      %mul3A_499 = arith.muli %get3A_496, %mul3A_498 : vector<16xi32>
      %add3A_500 = vector.broadcast %arg0 : i32 to vector<16xi32>
      %add3A_501 = arith.addi %mul3A_499, %add3A_500 : vector<16xi32>
      %swap3A_502 = arith.constant 64 : index
      %swap3A_503 = tpu.vector_load %arg8[%swap3A_502] {strides = array<i32>} : memref<80xi32, #tpu.memory_space<vmem>>, vector<16xi32>,
      %swap3A_504 = vector.shape_cast %swap3A_503 : vector<16xi32> to vector<16xi32>
      %swap3A_505 = vector.shape_cast %add3A_501 : vector<16xi32> to vector<16xi32>
      tpu.vector_store %arg8[%swap3A_502], %swap3A_505 {strides = array<i32>} : memref<80xi32, #tpu.memory_space<vmem>>, vector<16xi32>,
      %add3A_506 = arith.constant 64 : i32
      %add3A_507 = arith.addi %mul3A_399, %add3A_506 : i32
      %get3A_508 = arith.index_cast %add3A_507 : i32 to index
      %get3A_509 = tpu.vector_load %arg22[%get3A_508] {strides = array<i32>} : memref<20000xi32, #tpu.memory_space<vmem>>, vector<16xi32>,
      %get3A_510 = vector.shape_cast %get3A_509 : vector<16xi32> to vector<16xi32>
      %swap3A_511 = arith.constant 64 : index
      %swap3A_512 = tpu.vector_load %arg13[%swap3A_511] {strides = array<i32>} : memref<80xi32, #tpu.memory_space<vmem>>, vector<16xi32>,
      %swap3A_513 = vector.shape_cast %swap3A_512 : vector<16xi32> to vector<16xi32>
      %swap3A_514 = vector.shape_cast %get3A_510 : vector<16xi32> to vector<16xi32>
      tpu.vector_store %arg13[%swap3A_511], %swap3A_514 {strides = array<i32>} : memref<80xi32, #tpu.memory_space<vmem>>, vector<16xi32>,
      %dma_start3A_515 = arith.constant 0 : i32
      %dma_start3A_516 = arith.constant 0 : i32
      %dma_start3A_517 = tpu.memref_slice %arg4[%dma_start3A_515, %dma_start3A_516] : memref<20000x64xf32, #tpu.memory_space<hbm>> -> memref<20000x64xf32, #tpu.memory_space<hbm>>
      tpu.enqueue_indirect_dma source(%dma_start3A_517 : memref<20000x64xf32, #tpu.memory_space<hbm>>) target(%arg18 : memref<80x64xf32, #tpu.memory_space<vmem>>) offsets(%arg8 : memref<80xi32, #tpu.memory_space<vmem>>) semaphore(%arg25 : memref<!tpu.dma_semaphore, #tpu.memory_space<semaphore_mem>>)
      %mul3A_518 = arith.constant 5 : i32
      %mul3A_519 = arith.muli %scan3A_146, %mul3A_518 : i32
      %add3A_520 = arith.constant 3 : i32
      %add3A_521 = arith.addi %mul3A_519, %add3A_520 : i32
      %mul3A_522 = arith.constant 80 : i32
      %mul3A_523 = arith.muli %add3A_521, %mul3A_522 : i32
      %add3A_524 = arith.constant 0 : i32
      %add3A_525 = arith.addi %mul3A_523, %add3A_524 : i32
      %get3A_526 = arith.index_cast %add3A_525 : i32 to index
      %get3A_527 = tpu.vector_load %arg21[%get3A_526] {strides = array<i32>} : memref<20000xi32, #tpu.memory_space<vmem>>, vector<16xi32>,
      %get3A_528 = vector.shape_cast %get3A_527 : vector<16xi32> to vector<16xi32>
      %mul3A_529 = arith.constant 2 : i32
      %mul3A_530 = vector.broadcast %mul3A_529 : i32 to vector<16xi32>
      %mul3A_531 = arith.muli %get3A_528, %mul3A_530 : vector<16xi32>
      %add3A_532 = vector.broadcast %arg0 : i32 to vector<16xi32>
      %add3A_533 = arith.addi %mul3A_531, %add3A_532 : vector<16xi32>
      %swap3A_534 = arith.constant 0 : index
      %swap3A_535 = tpu.vector_load %arg9[%swap3A_534] {strides = array<i32>} : memref<80xi32, #tpu.memory_space<vmem>>, vector<16xi32>,
      %swap3A_536 = vector.shape_cast %swap3A_535 : vector<16xi32> to vector<16xi32>
      %swap3A_537 = vector.shape_cast %add3A_533 : vector<16xi32> to vector<16xi32>
      tpu.vector_store %arg9[%swap3A_534], %swap3A_537 {strides = array<i32>} : memref<80xi32, #tpu.memory_space<vmem>>, vector<16xi32>,
      %add3A_538 = arith.constant 0 : i32
      %add3A_539 = arith.addi %mul3A_523, %add3A_538 : i32
      %get3A_540 = arith.index_cast %add3A_539 : i32 to index
      %get3A_541 = tpu.vector_load %arg22[%get3A_540] {strides = array<i32>} : memref<20000xi32, #tpu.memory_space<vmem>>, vector<16xi32>,
      %get3A_542 = vector.shape_cast %get3A_541 : vector<16xi32> to vector<16xi32>
      %swap3A_543 = arith.constant 0 : index
      %swap3A_544 = tpu.vector_load %arg14[%swap3A_543] {strides = array<i32>} : memref<80xi32, #tpu.memory_space<vmem>>, vector<16xi32>,
      %swap3A_545 = vector.shape_cast %swap3A_544 : vector<16xi32> to vector<16xi32>
      %swap3A_546 = vector.shape_cast %get3A_542 : vector<16xi32> to vector<16xi32>
      tpu.vector_store %arg14[%swap3A_543], %swap3A_546 {strides = array<i32>} : memref<80xi32, #tpu.memory_space<vmem>>, vector<16xi32>,
      %add3A_547 = arith.constant 16 : i32
      %add3A_548 = arith.addi %mul3A_523, %add3A_547 : i32
      %get3A_549 = arith.index_cast %add3A_548 : i32 to index
      %get3A_550 = tpu.vector_load %arg21[%get3A_549] {strides = array<i32>} : memref<20000xi32, #tpu.memory_space<vmem>>, vector<16xi32>,
      %get3A_551 = vector.shape_cast %get3A_550 : vector<16xi32> to vector<16xi32>
      %mul3A_552 = arith.constant 2 : i32
      %mul3A_553 = vector.broadcast %mul3A_552 : i32 to vector<16xi32>
      %mul3A_554 = arith.muli %get3A_551, %mul3A_553 : vector<16xi32>
      %add3A_555 = vector.broadcast %arg0 : i32 to vector<16xi32>
      %add3A_556 = arith.addi %mul3A_554, %add3A_555 : vector<16xi32>
      %swap3A_557 = arith.constant 16 : index
      %swap3A_558 = tpu.vector_load %arg9[%swap3A_557] {strides = array<i32>} : memref<80xi32, #tpu.memory_space<vmem>>, vector<16xi32>,
      %swap3A_559 = vector.shape_cast %swap3A_558 : vector<16xi32> to vector<16xi32>
      %swap3A_560 = vector.shape_cast %add3A_556 : vector<16xi32> to vector<16xi32>
      tpu.vector_store %arg9[%swap3A_557], %swap3A_560 {strides = array<i32>} : memref<80xi32, #tpu.memory_space<vmem>>, vector<16xi32>,
      %add3A_561 = arith.constant 16 : i32
      %add3A_562 = arith.addi %mul3A_523, %add3A_561 : i32
      %get3A_563 = arith.index_cast %add3A_562 : i32 to index
      %get3A_564 = tpu.vector_load %arg22[%get3A_563] {strides = array<i32>} : memref<20000xi32, #tpu.memory_space<vmem>>, vector<16xi32>,
      %get3A_565 = vector.shape_cast %get3A_564 : vector<16xi32> to vector<16xi32>
      %swap3A_566 = arith.constant 16 : index
      %swap3A_567 = tpu.vector_load %arg14[%swap3A_566] {strides = array<i32>} : memref<80xi32, #tpu.memory_space<vmem>>, vector<16xi32>,
      %swap3A_568 = vector.shape_cast %swap3A_567 : vector<16xi32> to vector<16xi32>
      %swap3A_569 = vector.shape_cast %get3A_565 : vector<16xi32> to vector<16xi32>
      tpu.vector_store %arg14[%swap3A_566], %swap3A_569 {strides = array<i32>} : memref<80xi32, #tpu.memory_space<vmem>>, vector<16xi32>,
      %add3A_570 = arith.constant 32 : i32
      %add3A_571 = arith.addi %mul3A_523, %add3A_570 : i32
      %get3A_572 = arith.index_cast %add3A_571 : i32 to index
      %get3A_573 = tpu.vector_load %arg21[%get3A_572] {strides = array<i32>} : memref<20000xi32, #tpu.memory_space<vmem>>, vector<16xi32>,
      %get3A_574 = vector.shape_cast %get3A_573 : vector<16xi32> to vector<16xi32>
      %mul3A_575 = arith.constant 2 : i32
      %mul3A_576 = vector.broadcast %mul3A_575 : i32 to vector<16xi32>
      %mul3A_577 = arith.muli %get3A_574, %mul3A_576 : vector<16xi32>
      %add3A_578 = vector.broadcast %arg0 : i32 to vector<16xi32>
      %add3A_579 = arith.addi %mul3A_577, %add3A_578 : vector<16xi32>
      %swap3A_580 = arith.constant 32 : index
      %swap3A_581 = tpu.vector_load %arg9[%swap3A_580] {strides = array<i32>} : memref<80xi32, #tpu.memory_space<vmem>>, vector<16xi32>,
      %swap3A_582 = vector.shape_cast %swap3A_581 : vector<16xi32> to vector<16xi32>
      %swap3A_583 = vector.shape_cast %add3A_579 : vector<16xi32> to vector<16xi32>
      tpu.vector_store %arg9[%swap3A_580], %swap3A_583 {strides = array<i32>} : memref<80xi32, #tpu.memory_space<vmem>>, vector<16xi32>,
      %add3A_584 = arith.constant 32 : i32
      %add3A_585 = arith.addi %mul3A_523, %add3A_584 : i32
      %get3A_586 = arith.index_cast %add3A_585 : i32 to index
      %get3A_587 = tpu.vector_load %arg22[%get3A_586] {strides = array<i32>} : memref<20000xi32, #tpu.memory_space<vmem>>, vector<16xi32>,
      %get3A_588 = vector.shape_cast %get3A_587 : vector<16xi32> to vector<16xi32>
      %swap3A_589 = arith.constant 32 : index
      %swap3A_590 = tpu.vector_load %arg14[%swap3A_589] {strides = array<i32>} : memref<80xi32, #tpu.memory_space<vmem>>, vector<16xi32>,
      %swap3A_591 = vector.shape_cast %swap3A_590 : vector<16xi32> to vector<16xi32>
      %swap3A_592 = vector.shape_cast %get3A_588 : vector<16xi32> to vector<16xi32>
      tpu.vector_store %arg14[%swap3A_589], %swap3A_592 {strides = array<i32>} : memref<80xi32, #tpu.memory_space<vmem>>, vector<16xi32>,
      %add3A_593 = arith.constant 48 : i32
      %add3A_594 = arith.addi %mul3A_523, %add3A_593 : i32
      %get3A_595 = arith.index_cast %add3A_594 : i32 to index
      %get3A_596 = tpu.vector_load %arg21[%get3A_595] {strides = array<i32>} : memref<20000xi32, #tpu.memory_space<vmem>>, vector<16xi32>,
      %get3A_597 = vector.shape_cast %get3A_596 : vector<16xi32> to vector<16xi32>
      %mul3A_598 = arith.constant 2 : i32
      %mul3A_599 = vector.broadcast %mul3A_598 : i32 to vector<16xi32>
      %mul3A_600 = arith.muli %get3A_597, %mul3A_599 : vector<16xi32>
      %add3A_601 = vector.broadcast %arg0 : i32 to vector<16xi32>
      %add3A_602 = arith.addi %mul3A_600, %add3A_601 : vector<16xi32>
      %swap3A_603 = arith.constant 48 : index
      %swap3A_604 = tpu.vector_load %arg9[%swap3A_603] {strides = array<i32>} : memref<80xi32, #tpu.memory_space<vmem>>, vector<16xi32>,
      %swap3A_605 = vector.shape_cast %swap3A_604 : vector<16xi32> to vector<16xi32>
      %swap3A_606 = vector.shape_cast %add3A_602 : vector<16xi32> to vector<16xi32>
      tpu.vector_store %arg9[%swap3A_603], %swap3A_606 {strides = array<i32>} : memref<80xi32, #tpu.memory_space<vmem>>, vector<16xi32>,
      %add3A_607 = arith.constant 48 : i32
      %add3A_608 = arith.addi %mul3A_523, %add3A_607 : i32
      %get3A_609 = arith.index_cast %add3A_608 : i32 to index
      %get3A_610 = tpu.vector_load %arg22[%get3A_609] {strides = array<i32>} : memref<20000xi32, #tpu.memory_space<vmem>>, vector<16xi32>,
      %get3A_611 = vector.shape_cast %get3A_610 : vector<16xi32> to vector<16xi32>
      %swap3A_612 = arith.constant 48 : index
      %swap3A_613 = tpu.vector_load %arg14[%swap3A_612] {strides = array<i32>} : memref<80xi32, #tpu.memory_space<vmem>>, vector<16xi32>,
      %swap3A_614 = vector.shape_cast %swap3A_613 : vector<16xi32> to vector<16xi32>
      %swap3A_615 = vector.shape_cast %get3A_611 : vector<16xi32> to vector<16xi32>
      tpu.vector_store %arg14[%swap3A_612], %swap3A_615 {strides = array<i32>} : memref<80xi32, #tpu.memory_space<vmem>>, vector<16xi32>,
      %add3A_616 = arith.constant 64 : i32
      %add3A_617 = arith.addi %mul3A_523, %add3A_616 : i32
      %get3A_618 = arith.index_cast %add3A_617 : i32 to index
      %get3A_619 = tpu.vector_load %arg21[%get3A_618] {strides = array<i32>} : memref<20000xi32, #tpu.memory_space<vmem>>, vector<16xi32>,
      %get3A_620 = vector.shape_cast %get3A_619 : vector<16xi32> to vector<16xi32>
      %mul3A_621 = arith.constant 2 : i32
      %mul3A_622 = vector.broadcast %mul3A_621 : i32 to vector<16xi32>
      %mul3A_623 = arith.muli %get3A_620, %mul3A_622 : vector<16xi32>
      %add3A_624 = vector.broadcast %arg0 : i32 to vector<16xi32>
      %add3A_625 = arith.addi %mul3A_623, %add3A_624 : vector<16xi32>
      %swap3A_626 = arith.constant 64 : index
      %swap3A_627 = tpu.vector_load %arg9[%swap3A_626] {strides = array<i32>} : memref<80xi32, #tpu.memory_space<vmem>>, vector<16xi32>,
      %swap3A_628 = vector.shape_cast %swap3A_627 : vector<16xi32> to vector<16xi32>
      %swap3A_629 = vector.shape_cast %add3A_625 : vector<16xi32> to vector<16xi32>
      tpu.vector_store %arg9[%swap3A_626], %swap3A_629 {strides = array<i32>} : memref<80xi32, #tpu.memory_space<vmem>>, vector<16xi32>,
      %add3A_630 = arith.constant 64 : i32
      %add3A_631 = arith.addi %mul3A_523, %add3A_630 : i32
      %get3A_632 = arith.index_cast %add3A_631 : i32 to index
      %get3A_633 = tpu.vector_load %arg22[%get3A_632] {strides = array<i32>} : memref<20000xi32, #tpu.memory_space<vmem>>, vector<16xi32>,
      %get3A_634 = vector.shape_cast %get3A_633 : vector<16xi32> to vector<16xi32>
      %swap3A_635 = arith.constant 64 : index
      %swap3A_636 = tpu.vector_load %arg14[%swap3A_635] {strides = array<i32>} : memref<80xi32, #tpu.memory_space<vmem>>, vector<16xi32>,
      %swap3A_637 = vector.shape_cast %swap3A_636 : vector<16xi32> to vector<16xi32>
      %swap3A_638 = vector.shape_cast %get3A_634 : vector<16xi32> to vector<16xi32>
      tpu.vector_store %arg14[%swap3A_635], %swap3A_638 {strides = array<i32>} : memref<80xi32, #tpu.memory_space<vmem>>, vector<16xi32>,
      %dma_start3A_639 = arith.constant 0 : i32
      %dma_start3A_640 = arith.constant 0 : i32
      %dma_start3A_641 = tpu.memref_slice %arg4[%dma_start3A_639, %dma_start3A_640] : memref<20000x64xf32, #tpu.memory_space<hbm>> -> memref<20000x64xf32, #tpu.memory_space<hbm>>
      tpu.enqueue_indirect_dma source(%dma_start3A_641 : memref<20000x64xf32, #tpu.memory_space<hbm>>) target(%arg19 : memref<80x64xf32, #tpu.memory_space<vmem>>) offsets(%arg9 : memref<80xi32, #tpu.memory_space<vmem>>) semaphore(%arg25 : memref<!tpu.dma_semaphore, #tpu.memory_space<semaphore_mem>>)
      %mul3A_642 = arith.constant 5 : i32
      %mul3A_643 = arith.muli %scan3A_146, %mul3A_642 : i32
      %add3A_644 = arith.constant 4 : i32
      %add3A_645 = arith.addi %mul3A_643, %add3A_644 : i32
      %mul3A_646 = arith.constant 80 : i32
      %mul3A_647 = arith.muli %add3A_645, %mul3A_646 : i32
      %add3A_648 = arith.constant 0 : i32
      %add3A_649 = arith.addi %mul3A_647, %add3A_648 : i32
      %get3A_650 = arith.index_cast %add3A_649 : i32 to index
      %get3A_651 = tpu.vector_load %arg21[%get3A_650] {strides = array<i32>} : memref<20000xi32, #tpu.memory_space<vmem>>, vector<16xi32>,
      %get3A_652 = vector.shape_cast %get3A_651 : vector<16xi32> to vector<16xi32>
      %mul3A_653 = arith.constant 2 : i32
      %mul3A_654 = vector.broadcast %mul3A_653 : i32 to vector<16xi32>
      %mul3A_655 = arith.muli %get3A_652, %mul3A_654 : vector<16xi32>
      %add3A_656 = vector.broadcast %arg0 : i32 to vector<16xi32>
      %add3A_657 = arith.addi %mul3A_655, %add3A_656 : vector<16xi32>
      %swap3A_658 = arith.constant 0 : index
      %swap3A_659 = tpu.vector_load %arg10[%swap3A_658] {strides = array<i32>} : memref<80xi32, #tpu.memory_space<vmem>>, vector<16xi32>,
      %swap3A_660 = vector.shape_cast %swap3A_659 : vector<16xi32> to vector<16xi32>
      %swap3A_661 = vector.shape_cast %add3A_657 : vector<16xi32> to vector<16xi32>
      tpu.vector_store %arg10[%swap3A_658], %swap3A_661 {strides = array<i32>} : memref<80xi32, #tpu.memory_space<vmem>>, vector<16xi32>,
      %add3A_662 = arith.constant 0 : i32
      %add3A_663 = arith.addi %mul3A_647, %add3A_662 : i32
      %get3A_664 = arith.index_cast %add3A_663 : i32 to index
      %get3A_665 = tpu.vector_load %arg22[%get3A_664] {strides = array<i32>} : memref<20000xi32, #tpu.memory_space<vmem>>, vector<16xi32>,
      %get3A_666 = vector.shape_cast %get3A_665 : vector<16xi32> to vector<16xi32>
      %swap3A_667 = arith.constant 0 : index
      %swap3A_668 = tpu.vector_load %arg15[%swap3A_667] {strides = array<i32>} : memref<80xi32, #tpu.memory_space<vmem>>, vector<16xi32>,
      %swap3A_669 = vector.shape_cast %swap3A_668 : vector<16xi32> to vector<16xi32>
      %swap3A_670 = vector.shape_cast %get3A_666 : vector<16xi32> to vector<16xi32>
      tpu.vector_store %arg15[%swap3A_667], %swap3A_670 {strides = array<i32>} : memref<80xi32, #tpu.memory_space<vmem>>, vector<16xi32>,
      %add3A_671 = arith.constant 16 : i32
      %add3A_672 = arith.addi %mul3A_647, %add3A_671 : i32
      %get3A_673 = arith.index_cast %add3A_672 : i32 to index
      %get3A_674 = tpu.vector_load %arg21[%get3A_673] {strides = array<i32>} : memref<20000xi32, #tpu.memory_space<vmem>>, vector<16xi32>,
      %get3A_675 = vector.shape_cast %get3A_674 : vector<16xi32> to vector<16xi32>
      %mul3A_676 = arith.constant 2 : i32
      %mul3A_677 = vector.broadcast %mul3A_676 : i32 to vector<16xi32>
      %mul3A_678 = arith.muli %get3A_675, %mul3A_677 : vector<16xi32>
      %add3A_679 = vector.broadcast %arg0 : i32 to vector<16xi32>
      %add3A_680 = arith.addi %mul3A_678, %add3A_679 : vector<16xi32>
      %swap3A_681 = arith.constant 16 : index
      %swap3A_682 = tpu.vector_load %arg10[%swap3A_681] {strides = array<i32>} : memref<80xi32, #tpu.memory_space<vmem>>, vector<16xi32>,
      %swap3A_683 = vector.shape_cast %swap3A_682 : vector<16xi32> to vector<16xi32>
      %swap3A_684 = vector.shape_cast %add3A_680 : vector<16xi32> to vector<16xi32>
      tpu.vector_store %arg10[%swap3A_681], %swap3A_684 {strides = array<i32>} : memref<80xi32, #tpu.memory_space<vmem>>, vector<16xi32>,
      %add3A_685 = arith.constant 16 : i32
      %add3A_686 = arith.addi %mul3A_647, %add3A_685 : i32
      %get3A_687 = arith.index_cast %add3A_686 : i32 to index
      %get3A_688 = tpu.vector_load %arg22[%get3A_687] {strides = array<i32>} : memref<20000xi32, #tpu.memory_space<vmem>>, vector<16xi32>,
      %get3A_689 = vector.shape_cast %get3A_688 : vector<16xi32> to vector<16xi32>
      %swap3A_690 = arith.constant 16 : index
      %swap3A_691 = tpu.vector_load %arg15[%swap3A_690] {strides = array<i32>} : memref<80xi32, #tpu.memory_space<vmem>>, vector<16xi32>,
      %swap3A_692 = vector.shape_cast %swap3A_691 : vector<16xi32> to vector<16xi32>
      %swap3A_693 = vector.shape_cast %get3A_689 : vector<16xi32> to vector<16xi32>
      tpu.vector_store %arg15[%swap3A_690], %swap3A_693 {strides = array<i32>} : memref<80xi32, #tpu.memory_space<vmem>>, vector<16xi32>,
      %add3A_694 = arith.constant 32 : i32
      %add3A_695 = arith.addi %mul3A_647, %add3A_694 : i32
      %get3A_696 = arith.index_cast %add3A_695 : i32 to index
      %get3A_697 = tpu.vector_load %arg21[%get3A_696] {strides = array<i32>} : memref<20000xi32, #tpu.memory_space<vmem>>, vector<16xi32>,
      %get3A_698 = vector.shape_cast %get3A_697 : vector<16xi32> to vector<16xi32>
      %mul3A_699 = arith.constant 2 : i32
      %mul3A_700 = vector.broadcast %mul3A_699 : i32 to vector<16xi32>
      %mul3A_701 = arith.muli %get3A_698, %mul3A_700 : vector<16xi32>
      %add3A_702 = vector.broadcast %arg0 : i32 to vector<16xi32>
      %add3A_703 = arith.addi %mul3A_701, %add3A_702 : vector<16xi32>
      %swap3A_704 = arith.constant 32 : index
      %swap3A_705 = tpu.vector_load %arg10[%swap3A_704] {strides = array<i32>} : memref<80xi32, #tpu.memory_space<vmem>>, vector<16xi32>,
      %swap3A_706 = vector.shape_cast %swap3A_705 : vector<16xi32> to vector<16xi32>
      %swap3A_707 = vector.shape_cast %add3A_703 : vector<16xi32> to vector<16xi32>
      tpu.vector_store %arg10[%swap3A_704], %swap3A_707 {strides = array<i32>} : memref<80xi32, #tpu.memory_space<vmem>>, vector<16xi32>,
      %add3A_708 = arith.constant 32 : i32
      %add3A_709 = arith.addi %mul3A_647, %add3A_708 : i32
      %get3A_710 = arith.index_cast %add3A_709 : i32 to index
      %get3A_711 = tpu.vector_load %arg22[%get3A_710] {strides = array<i32>} : memref<20000xi32, #tpu.memory_space<vmem>>, vector<16xi32>,
      %get3A_712 = vector.shape_cast %get3A_711 : vector<16xi32> to vector<16xi32>
      %swap3A_713 = arith.constant 32 : index
      %swap3A_714 = tpu.vector_load %arg15[%swap3A_713] {strides = array<i32>} : memref<80xi32, #tpu.memory_space<vmem>>, vector<16xi32>,
      %swap3A_715 = vector.shape_cast %swap3A_714 : vector<16xi32> to vector<16xi32>
      %swap3A_716 = vector.shape_cast %get3A_712 : vector<16xi32> to vector<16xi32>
      tpu.vector_store %arg15[%swap3A_713], %swap3A_716 {strides = array<i32>} : memref<80xi32, #tpu.memory_space<vmem>>, vector<16xi32>,
      %add3A_717 = arith.constant 48 : i32
      %add3A_718 = arith.addi %mul3A_647, %add3A_717 : i32
      %get3A_719 = arith.index_cast %add3A_718 : i32 to index
      %get3A_720 = tpu.vector_load %arg21[%get3A_719] {strides = array<i32>} : memref<20000xi32, #tpu.memory_space<vmem>>, vector<16xi32>,
      %get3A_721 = vector.shape_cast %get3A_720 : vector<16xi32> to vector<16xi32>
      %mul3A_722 = arith.constant 2 : i32
      %mul3A_723 = vector.broadcast %mul3A_722 : i32 to vector<16xi32>
      %mul3A_724 = arith.muli %get3A_721, %mul3A_723 : vector<16xi32>
      %add3A_725 = vector.broadcast %arg0 : i32 to vector<16xi32>
      %add3A_726 = arith.addi %mul3A_724, %add3A_725 : vector<16xi32>
      %swap3A_727 = arith.constant 48 : index
      %swap3A_728 = tpu.vector_load %arg10[%swap3A_727] {strides = array<i32>} : memref<80xi32, #tpu.memory_space<vmem>>, vector<16xi32>,
      %swap3A_729 = vector.shape_cast %swap3A_728 : vector<16xi32> to vector<16xi32>
      %swap3A_730 = vector.shape_cast %add3A_726 : vector<16xi32> to vector<16xi32>
      tpu.vector_store %arg10[%swap3A_727], %swap3A_730 {strides = array<i32>} : memref<80xi32, #tpu.memory_space<vmem>>, vector<16xi32>,
      %add3A_731 = arith.constant 48 : i32
      %add3A_732 = arith.addi %mul3A_647, %add3A_731 : i32
      %get3A_733 = arith.index_cast %add3A_732 : i32 to index
      %get3A_734 = tpu.vector_load %arg22[%get3A_733] {strides = array<i32>} : memref<20000xi32, #tpu.memory_space<vmem>>, vector<16xi32>,
      %get3A_735 = vector.shape_cast %get3A_734 : vector<16xi32> to vector<16xi32>
      %swap3A_736 = arith.constant 48 : index
      %swap3A_737 = tpu.vector_load %arg15[%swap3A_736] {strides = array<i32>} : memref<80xi32, #tpu.memory_space<vmem>>, vector<16xi32>,
      %swap3A_738 = vector.shape_cast %swap3A_737 : vector<16xi32> to vector<16xi32>
      %swap3A_739 = vector.shape_cast %get3A_735 : vector<16xi32> to vector<16xi32>
      tpu.vector_store %arg15[%swap3A_736], %swap3A_739 {strides = array<i32>} : memref<80xi32, #tpu.memory_space<vmem>>, vector<16xi32>,
      %add3A_740 = arith.constant 64 : i32
      %add3A_741 = arith.addi %mul3A_647, %add3A_740 : i32
      %get3A_742 = arith.index_cast %add3A_741 : i32 to index
      %get3A_743 = tpu.vector_load %arg21[%get3A_742] {strides = array<i32>} : memref<20000xi32, #tpu.memory_space<vmem>>, vector<16xi32>,
      %get3A_744 = vector.shape_cast %get3A_743 : vector<16xi32> to vector<16xi32>
      %mul3A_745 = arith.constant 2 : i32
      %mul3A_746 = vector.broadcast %mul3A_745 : i32 to vector<16xi32>
      %mul3A_747 = arith.muli %get3A_744, %mul3A_746 : vector<16xi32>
      %add3A_748 = vector.broadcast %arg0 : i32 to vector<16xi32>
      %add3A_749 = arith.addi %mul3A_747, %add3A_748 : vector<16xi32>
      %swap3A_750 = arith.constant 64 : index
      %swap3A_751 = tpu.vector_load %arg10[%swap3A_750] {strides = array<i32>} : memref<80xi32, #tpu.memory_space<vmem>>, vector<16xi32>,
      %swap3A_752 = vector.shape_cast %swap3A_751 : vector<16xi32> to vector<16xi32>
      %swap3A_753 = vector.shape_cast %add3A_749 : vector<16xi32> to vector<16xi32>
      tpu.vector_store %arg10[%swap3A_750], %swap3A_753 {strides = array<i32>} : memref<80xi32, #tpu.memory_space<vmem>>, vector<16xi32>,
      %add3A_754 = arith.constant 64 : i32
      %add3A_755 = arith.addi %mul3A_647, %add3A_754 : i32
      %get3A_756 = arith.index_cast %add3A_755 : i32 to index
      %get3A_757 = tpu.vector_load %arg22[%get3A_756] {strides = array<i32>} : memref<20000xi32, #tpu.memory_space<vmem>>, vector<16xi32>,
      %get3A_758 = vector.shape_cast %get3A_757 : vector<16xi32> to vector<16xi32>
      %swap3A_759 = arith.constant 64 : index
      %swap3A_760 = tpu.vector_load %arg15[%swap3A_759] {strides = array<i32>} : memref<80xi32, #tpu.memory_space<vmem>>, vector<16xi32>,
      %swap3A_761 = vector.shape_cast %swap3A_760 : vector<16xi32> to vector<16xi32>
      %swap3A_762 = vector.shape_cast %get3A_758 : vector<16xi32> to vector<16xi32>
      tpu.vector_store %arg15[%swap3A_759], %swap3A_762 {strides = array<i32>} : memref<80xi32, #tpu.memory_space<vmem>>, vector<16xi32>,
      %dma_start3A_763 = arith.constant 0 : i32
      %dma_start3A_764 = arith.constant 0 : i32
      %dma_start3A_765 = tpu.memref_slice %arg4[%dma_start3A_763, %dma_start3A_764] : memref<20000x64xf32, #tpu.memory_space<hbm>> -> memref<20000x64xf32, #tpu.memory_space<hbm>>
      tpu.enqueue_indirect_dma source(%dma_start3A_765 : memref<20000x64xf32, #tpu.memory_space<hbm>>) target(%arg20 : memref<80x64xf32, #tpu.memory_space<vmem>>) offsets(%arg10 : memref<80xi32, #tpu.memory_space<vmem>>) semaphore(%arg25 : memref<!tpu.dma_semaphore, #tpu.memory_space<semaphore_mem>>)
      %dma_wait3A_766 = arith.constant 0 : i32
      %dma_wait3A_767 = arith.constant 0 : i32
      %dma_wait3A_768 = tpu.memref_slice %arg4[%dma_wait3A_766, %dma_wait3A_767] : memref<20000x64xf32, #tpu.memory_space<hbm>> -> memref<20000x64xf32, #tpu.memory_space<hbm>>
      tpu.wait_indirect_dma semaphore(%arg25 : memref<!tpu.dma_semaphore, #tpu.memory_space<semaphore_mem>>) src(%dma_wait3A_768 : memref<20000x64xf32, #tpu.memory_space<hbm>>) dst(%arg16 : memref<80x64xf32, #tpu.memory_space<vmem>>)
      %dma_start3A_769 = arith.constant 0 : i32
      %dma_start3A_770 = arith.constant 0 : i32
      %dma_start3A_771 = tpu.memref_slice %arg24[%dma_start3A_769, %dma_start3A_770] : memref<10240x64xf32, #tpu.memory_space<vmem_shared>> -> memref<10240x64xf32, #tpu.memory_space<vmem_shared>>
      tpu.enqueue_indirect_dma source(%arg16 : memref<80x64xf32, #tpu.memory_space<vmem>>) target(%dma_start3A_771 : memref<10240x64xf32, #tpu.memory_space<vmem_shared>>) offsets(%arg11 : memref<80xi32, #tpu.memory_space<vmem>>) semaphore(%arg26 : memref<!tpu.dma_semaphore, #tpu.memory_space<semaphore_mem>>) {add = true}
      %dma_wait3A_772 = arith.constant 0 : i32
      %dma_wait3A_773 = arith.constant 0 : i32
      %dma_wait3A_774 = tpu.memref_slice %arg4[%dma_wait3A_772, %dma_wait3A_773] : memref<20000x64xf32, #tpu.memory_space<hbm>> -> memref<20000x64xf32, #tpu.memory_space<hbm>>
      tpu.wait_indirect_dma semaphore(%arg25 : memref<!tpu.dma_semaphore, #tpu.memory_space<semaphore_mem>>) src(%dma_wait3A_774 : memref<20000x64xf32, #tpu.memory_space<hbm>>) dst(%arg17 : memref<80x64xf32, #tpu.memory_space<vmem>>)
      %dma_start3A_775 = arith.constant 0 : i32
      %dma_start3A_776 = arith.constant 0 : i32
      %dma_start3A_777 = tpu.memref_slice %arg24[%dma_start3A_775, %dma_start3A_776] : memref<10240x64xf32, #tpu.memory_space<vmem_shared>> -> memref<10240x64xf32, #tpu.memory_space<vmem_shared>>
      tpu.enqueue_indirect_dma source(%arg17 : memref<80x64xf32, #tpu.memory_space<vmem>>) target(%dma_start3A_777 : memref<10240x64xf32, #tpu.memory_space<vmem_shared>>) offsets(%arg12 : memref<80xi32, #tpu.memory_space<vmem>>) semaphore(%arg26 : memref<!tpu.dma_semaphore, #tpu.memory_space<semaphore_mem>>) {add = true}
      %dma_wait3A_778 = arith.constant 0 : i32
      %dma_wait3A_779 = arith.constant 0 : i32
      %dma_wait3A_780 = tpu.memref_slice %arg4[%dma_wait3A_778, %dma_wait3A_779] : memref<20000x64xf32, #tpu.memory_space<hbm>> -> memref<20000x64xf32, #tpu.memory_space<hbm>>
      tpu.wait_indirect_dma semaphore(%arg25 : memref<!tpu.dma_semaphore, #tpu.memory_space<semaphore_mem>>) src(%dma_wait3A_780 : memref<20000x64xf32, #tpu.memory_space<hbm>>) dst(%arg18 : memref<80x64xf32, #tpu.memory_space<vmem>>)
      %dma_start3A_781 = arith.constant 0 : i32
      %dma_start3A_782 = arith.constant 0 : i32
      %dma_start3A_783 = tpu.memref_slice %arg24[%dma_start3A_781, %dma_start3A_782] : memref<10240x64xf32, #tpu.memory_space<vmem_shared>> -> memref<10240x64xf32, #tpu.memory_space<vmem_shared>>
      tpu.enqueue_indirect_dma source(%arg18 : memref<80x64xf32, #tpu.memory_space<vmem>>) target(%dma_start3A_783 : memref<10240x64xf32, #tpu.memory_space<vmem_shared>>) offsets(%arg13 : memref<80xi32, #tpu.memory_space<vmem>>) semaphore(%arg26 : memref<!tpu.dma_semaphore, #tpu.memory_space<semaphore_mem>>) {add = true}
      %dma_wait3A_784 = arith.constant 0 : i32
      %dma_wait3A_785 = arith.constant 0 : i32
      %dma_wait3A_786 = tpu.memref_slice %arg4[%dma_wait3A_784, %dma_wait3A_785] : memref<20000x64xf32, #tpu.memory_space<hbm>> -> memref<20000x64xf32, #tpu.memory_space<hbm>>
      tpu.wait_indirect_dma semaphore(%arg25 : memref<!tpu.dma_semaphore, #tpu.memory_space<semaphore_mem>>) src(%dma_wait3A_786 : memref<20000x64xf32, #tpu.memory_space<hbm>>) dst(%arg19 : memref<80x64xf32, #tpu.memory_space<vmem>>)
      %dma_start3A_787 = arith.constant 0 : i32
      %dma_start3A_788 = arith.constant 0 : i32
      %dma_start3A_789 = tpu.memref_slice %arg24[%dma_start3A_787, %dma_start3A_788] : memref<10240x64xf32, #tpu.memory_space<vmem_shared>> -> memref<10240x64xf32, #tpu.memory_space<vmem_shared>>
      tpu.enqueue_indirect_dma source(%arg19 : memref<80x64xf32, #tpu.memory_space<vmem>>) target(%dma_start3A_789 : memref<10240x64xf32, #tpu.memory_space<vmem_shared>>) offsets(%arg14 : memref<80xi32, #tpu.memory_space<vmem>>) semaphore(%arg26 : memref<!tpu.dma_semaphore, #tpu.memory_space<semaphore_mem>>) {add = true}
      %dma_wait3A_790 = arith.constant 0 : i32
      %dma_wait3A_791 = arith.constant 0 : i32
      %dma_wait3A_792 = tpu.memref_slice %arg4[%dma_wait3A_790, %dma_wait3A_791] : memref<20000x64xf32, #tpu.memory_space<hbm>> -> memref<20000x64xf32, #tpu.memory_space<hbm>>
      tpu.wait_indirect_dma semaphore(%arg25 : memref<!tpu.dma_semaphore, #tpu.memory_space<semaphore_mem>>) src(%dma_wait3A_792 : memref<20000x64xf32, #tpu.memory_space<hbm>>) dst(%arg20 : memref<80x64xf32, #tpu.memory_space<vmem>>)
      %dma_start3A_793 = arith.constant 0 : i32
      %dma_start3A_794 = arith.constant 0 : i32
      %dma_start3A_795 = tpu.memref_slice %arg24[%dma_start3A_793, %dma_start3A_794] : memref<10240x64xf32, #tpu.memory_space<vmem_shared>> -> memref<10240x64xf32, #tpu.memory_space<vmem_shared>>
      tpu.enqueue_indirect_dma source(%arg20 : memref<80x64xf32, #tpu.memory_space<vmem>>) target(%dma_start3A_795 : memref<10240x64xf32, #tpu.memory_space<vmem_shared>>) offsets(%arg15 : memref<80xi32, #tpu.memory_space<vmem>>) semaphore(%arg26 : memref<!tpu.dma_semaphore, #tpu.memory_space<semaphore_mem>>) {add = true}
      %dma_wait3A_796 = arith.constant 0 : i32
      %dma_wait3A_797 = arith.constant 0 : i32
      %dma_wait3A_798 = tpu.memref_slice %arg24[%dma_wait3A_796, %dma_wait3A_797] : memref<10240x64xf32, #tpu.memory_space<vmem_shared>> -> memref<10240x64xf32, #tpu.memory_space<vmem_shared>>
      tpu.wait_indirect_dma semaphore(%arg26 : memref<!tpu.dma_semaphore, #tpu.memory_space<semaphore_mem>>) src(%arg16 : memref<80x64xf32, #tpu.memory_space<vmem>>) dst(%dma_wait3A_798 : memref<10240x64xf32, #tpu.memory_space<vmem_shared>>)
      %dma_wait3A_799 = arith.constant 0 : i32
      %dma_wait3A_800 = arith.constant 0 : i32
      %dma_wait3A_801 = tpu.memref_slice %arg24[%dma_wait3A_799, %dma_wait3A_800] : memref<10240x64xf32, #tpu.memory_space<vmem_shared>> -> memref<10240x64xf32, #tpu.memory_space<vmem_shared>>
      tpu.wait_indirect_dma semaphore(%arg26 : memref<!tpu.dma_semaphore, #tpu.memory_space<semaphore_mem>>) src(%arg17 : memref<80x64xf32, #tpu.memory_space<vmem>>) dst(%dma_wait3A_801 : memref<10240x64xf32, #tpu.memory_space<vmem_shared>>)
      %dma_wait3A_802 = arith.constant 0 : i32
      %dma_wait3A_803 = arith.constant 0 : i32
      %dma_wait3A_804 = tpu.memref_slice %arg24[%dma_wait3A_802, %dma_wait3A_803] : memref<10240x64xf32, #tpu.memory_space<vmem_shared>> -> memref<10240x64xf32, #tpu.memory_space<vmem_shared>>
      tpu.wait_indirect_dma semaphore(%arg26 : memref<!tpu.dma_semaphore, #tpu.memory_space<semaphore_mem>>) src(%arg18 : memref<80x64xf32, #tpu.memory_space<vmem>>) dst(%dma_wait3A_804 : memref<10240x64xf32, #tpu.memory_space<vmem_shared>>)
      %dma_wait3A_805 = arith.constant 0 : i32
      %dma_wait3A_806 = arith.constant 0 : i32
      %dma_wait3A_807 = tpu.memref_slice %arg24[%dma_wait3A_805, %dma_wait3A_806] : memref<10240x64xf32, #tpu.memory_space<vmem_shared>> -> memref<10240x64xf32, #tpu.memory_space<vmem_shared>>
      tpu.wait_indirect_dma semaphore(%arg26 : memref<!tpu.dma_semaphore, #tpu.memory_space<semaphore_mem>>) src(%arg19 : memref<80x64xf32, #tpu.memory_space<vmem>>) dst(%dma_wait3A_807 : memref<10240x64xf32, #tpu.memory_space<vmem_shared>>)
      %dma_wait3A_808 = arith.constant 0 : i32
      %dma_wait3A_809 = arith.constant 0 : i32
      %dma_wait3A_810 = tpu.memref_slice %arg24[%dma_wait3A_808, %dma_wait3A_809] : memref<10240x64xf32, #tpu.memory_space<vmem_shared>> -> memref<10240x64xf32, #tpu.memory_space<vmem_shared>>
      tpu.wait_indirect_dma semaphore(%arg26 : memref<!tpu.dma_semaphore, #tpu.memory_space<semaphore_mem>>) src(%arg20 : memref<80x64xf32, #tpu.memory_space<vmem>>) dst(%dma_wait3A_810 : memref<10240x64xf32, #tpu.memory_space<vmem_shared>>)
      %scan3A_811 = arith.constant 0 : i32
      scf.yield %scan3A_811 : i32
    }
    %scan3A_140 = arith.constant 50 : i32
    %barrier3A_141 = arith.constant 0 : index
    tpu.barrier barrier_id(%barrier3A_141)
    %mul3A_142 = arith.constant 640 : i32
    %mul3A_143 = arith.muli %arg1, %mul3A_142 : i32
    %mul3A_144 = arith.constant 640 : i32
    %mul3A_145 = arith.muli %arg1, %mul3A_144 : i32
    "tpu.region"() ({
      %run_scoped3A = tpu.sem_alloc : memref<!tpu.dma_semaphore, #tpu.memory_space<semaphore_mem>>
      %dma_start3A_146 = arith.constant 0 : i32
      %dma_start3A_147 = tpu.memref_slice %arg5[%arg0, %mul3A_145, %dma_start3A_146] : memref<2x10240x64xf32, #tpu.memory_space<hbm>> -> memref<1x640x64xf32, #tpu.memory_space<hbm>>
      %dma_start3A_148 = tpu.memref_squeeze %dma_start3A_147 : memref<1x640x64xf32, #tpu.memory_space<hbm>> -> memref<640x64xf32, #tpu.memory_space<hbm>>
      %dma_start3A_149 = arith.constant 0 : i32
      %dma_start3A_150 = tpu.memref_slice %arg24[%mul3A_143, %dma_start3A_149] : memref<10240x64xf32, #tpu.memory_space<vmem_shared>> -> memref<640x64xf32, #tpu.memory_space<vmem_shared>>
      tpu.enqueue_dma source(%dma_start3A_150 : memref<640x64xf32, #tpu.memory_space<vmem_shared>>) target(%dma_start3A_148 : memref<640x64xf32, #tpu.memory_space<hbm>>) target_semaphore(%run_scoped3A : memref<!tpu.dma_semaphore, #tpu.memory_space<semaphore_mem>>)
      %dma_wait3A_151 = arith.constant 0 : i32
      %dma_wait3A_152 = tpu.memref_slice %arg5[%arg0, %mul3A_145, %dma_wait3A_151] : memref<2x10240x64xf32, #tpu.memory_space<hbm>> -> memref<1x640x64xf32, #tpu.memory_space<hbm>>
      %dma_wait3A_153 = tpu.memref_squeeze %dma_wait3A_152 : memref<1x640x64xf32, #tpu.memory_space<hbm>> -> memref<640x64xf32, #tpu.memory_space<hbm>>
      %dma_wait3A_154 = arith.constant 0 : i32
      %dma_wait3A_155 = tpu.memref_slice %arg24[%mul3A_143, %dma_wait3A_154] : memref<10240x64xf32, #tpu.memory_space<vmem_shared>> -> memref<640x64xf32, #tpu.memory_space<vmem_shared>>
      tpu.wait_dma2 semaphore(%run_scoped3A : memref<!tpu.dma_semaphore, #tpu.memory_space<semaphore_mem>>) src(%dma_wait3A_155 : memref<640x64xf32, #tpu.memory_space<vmem_shared>>) dst(%dma_wait3A_153 : memref<640x64xf32, #tpu.memory_space<hbm>>)
      tpu.yield
    }) : () -> ()
    return
  }
}

#map = affine_map<(d0, d1) -> (0)>
#map1 = affine_map<(d0, d1) -> (0, 0)>
#map2 = affine_map<(d0, d1) -> (0, 0, 0)>
module attributes {stable_mosaic.version = 14 : i64} {
  func.func @body(%arg0: i32, %arg1: i32, %arg2: memref<320000xi32, #tpu.memory_space<hbm>>, %arg3: memref<320000xi32, #tpu.memory_space<hbm>>, %arg4: memref<20000x64xf32, #tpu.memory_space<hbm>>, %arg5: memref<2x10240x64xf32, #tpu.memory_space<hbm>>, %arg6: memref<2x10240x16xf32, #tpu.memory_space<hbm>>, %arg7: memref<80xi32, #tpu.memory_space<vmem>>, %arg8: memref<80xi32, #tpu.memory_space<vmem>>, %arg9: memref<80xi32, #tpu.memory_space<vmem>>, %arg10: memref<80xi32, #tpu.memory_space<vmem>>, %arg11: memref<80xi32, #tpu.memory_space<vmem>>, %arg12: memref<80xi32, #tpu.memory_space<vmem>>, %arg13: memref<80xi32, #tpu.memory_space<vmem>>, %arg14: memref<80xi32, #tpu.memory_space<vmem>>, %arg15: memref<80xi32, #tpu.memory_space<vmem>>, %arg16: memref<80xi32, #tpu.memory_space<vmem>>, %arg17: memref<80x64xf32, #tpu.memory_space<vmem>>, %arg18: memref<80x64xf32, #tpu.memory_space<vmem>>, %arg19: memref<80x64xf32, #tpu.memory_space<vmem>>, %arg20: memref<80x64xf32, #tpu.memory_space<vmem>>, %arg21: memref<80x64xf32, #tpu.memory_space<vmem>>, %arg22: memref<20000xi32, #tpu.memory_space<vmem>>, %arg23: memref<20000xi32, #tpu.memory_space<vmem>>, %arg24: memref<64x64xf32, #tpu.memory_space<vmem>>, %arg25: memref<10240x64xf32, #tpu.memory_space<vmem_shared>>, %arg26: memref<!tpu.dma_semaphore, #tpu.memory_space<semaphore_mem>>, %arg27: memref<!tpu.dma_semaphore, #tpu.memory_space<semaphore_mem>>, %arg28: memref<!tpu.dma_semaphore, #tpu.memory_space<semaphore_mem>>, %arg29: memref<80x16xf32, #tpu.memory_space<vmem>>, %arg30: memref<64x16xf32, #tpu.memory_space<vmem>>, %arg31: memref<10240x16xf32, #tpu.memory_space<vmem_shared>>) attributes {dimension_semantics = [#tpu.dimension_semantics<core_parallel>, #tpu.dimension_semantics<subcore_parallel>], iteration_bounds = array<i64: 2, 16>, scalar_prefetch = 0 : i64, scratch_operands = 25 : i64, tpu.core_type = #tpu.core_type<sc_vector_subcore>, window_params = [{transform_indices = #map}, {transform_indices = #map}, {transform_indices = #map1}, {transform_indices = #map2}, {transform_indices = #map2}]} {
    %mul3A = arith.constant 20000 : i32
    %mul3A_0 = arith.muli %arg1, %mul3A : i32
    %dma_start3A = tpu.memref_slice %arg2[%mul3A_0] : memref<320000xi32, #tpu.memory_space<hbm>> -> memref<20000xi32, #tpu.memory_space<hbm>>
    %dma_start3A_1 = tpu.memref_slice %arg2[%mul3A_0] : memref<320000xi32, #tpu.memory_space<hbm>> -> memref<20000xi32, #tpu.memory_space<hbm>>
    tpu.enqueue_dma source(%dma_start3A_1 : memref<20000xi32, #tpu.memory_space<hbm>>) target(%arg22 : memref<20000xi32, #tpu.memory_space<vmem>>) target_semaphore(%arg26 : memref<!tpu.dma_semaphore, #tpu.memory_space<semaphore_mem>>)
    %mul3A_2 = arith.constant 20000 : i32
    %mul3A_3 = arith.muli %arg1, %mul3A_2 : i32
    %dma_start3A_4 = tpu.memref_slice %arg3[%mul3A_3] : memref<320000xi32, #tpu.memory_space<hbm>> -> memref<20000xi32, #tpu.memory_space<hbm>>
    %dma_start3A_5 = tpu.memref_slice %arg3[%mul3A_3] : memref<320000xi32, #tpu.memory_space<hbm>> -> memref<20000xi32, #tpu.memory_space<hbm>>
    tpu.enqueue_dma source(%dma_start3A_5 : memref<20000xi32, #tpu.memory_space<hbm>>) target(%arg23 : memref<20000xi32, #tpu.memory_space<vmem>>) target_semaphore(%arg26 : memref<!tpu.dma_semaphore, #tpu.memory_space<semaphore_mem>>)
    %scan3A = arith.constant 0 : i32
    %scan3A_6 = arith.constant 0 : i32
    %scan3A_7 = arith.constant 256 : i32
    %scan3A_8 = arith.addi %scan3A_6, %scan3A_7 : i32
    %scan3A_9 = arith.constant 1 : i32
    %scan3A_10 = scf.for %scan3A_284 = %scan3A_6 to %scan3A_8 step %scan3A_9 iter_args(%scan3A_285 = %scan3A) -> (i32)  : i32 {
      %jit3A = arith.constant 4 : i32
      %div3A = arith.divsi %scan3A_284, %jit3A : i32
      %sign3A = arith.constant 0 : i32
      %sign3A_286 = arith.cmpi sgt, %scan3A_284, %sign3A : i32
      %sign3A_287 = arith.extui %sign3A_286 : i1 to i32
      %sign3A_288 = arith.constant 0 : i32
      %sign3A_289 = arith.cmpi slt, %scan3A_284, %sign3A_288 : i32
      %sign3A_290 = arith.extui %sign3A_289 : i1 to i32
      %sign3A_291 = arith.subi %sign3A_287, %sign3A_290 : i32
      %sign3A_292 = arith.constant 0 : i32
      %sign3A_293 = arith.cmpi sgt, %jit3A, %sign3A_292 : i32
      %sign3A_294 = arith.extui %sign3A_293 : i1 to i32
      %sign3A_295 = arith.constant 0 : i32
      %sign3A_296 = arith.cmpi slt, %jit3A, %sign3A_295 : i32
      %sign3A_297 = arith.extui %sign3A_296 : i1 to i32
      %sign3A_298 = arith.subi %sign3A_294, %sign3A_297 : i32
      %ne3A = arith.cmpi ne, %sign3A_291, %sign3A_298 : i32
      %rem3A = arith.remsi %scan3A_284, %jit3A : i32
      %ne3A_299 = arith.constant 0 : i32
      %ne3A_300 = arith.cmpi ne, %rem3A, %ne3A_299 : i32
      %and3A = arith.andi %ne3A, %ne3A_300 : i1
      %sub3A = arith.constant 1 : i32
      %sub3A_301 = arith.subi %div3A, %sub3A : i32
      %select_n3A = arith.select %and3A, %sub3A_301, %div3A : i32
      %jit3A_302 = arith.constant 4 : i32
      %eq3A = arith.constant 0 : i32
      %eq3A_303 = arith.cmpi eq, %jit3A_302, %eq3A : i32
      %jit3A_304 = arith.constant 1 : i32
      %select_n3A_305 = arith.select %eq3A_303, %jit3A_304, %jit3A_302 : i32
      %rem3A_306 = arith.remsi %scan3A_284, %select_n3A_305 : i32
      %ne3A_307 = arith.constant 0 : i32
      %ne3A_308 = arith.cmpi ne, %rem3A_306, %ne3A_307 : i32
      %lt3A = arith.constant 0 : i32
      %lt3A_309 = arith.cmpi slt, %rem3A_306, %lt3A : i32
      %lt3A_310 = arith.constant 0 : i32
      %lt3A_311 = arith.cmpi slt, %select_n3A_305, %lt3A_310 : i32
      %ne3A_312 = arith.xori %lt3A_309, %lt3A_311 : i1
      %and3A_313 = arith.andi %ne3A_312, %ne3A_308 : i1
      %add3A_314 = arith.addi %rem3A_306, %select_n3A_305 : i32
      %select_n3A_315 = arith.select %and3A_313, %add3A_314, %rem3A_306 : i32
      %broadcast_in_dim3A = arith.constant 0.000000e+00 : f32
      %broadcast_in_dim3A_316 = vector.broadcast %broadcast_in_dim3A : f32 to vector<16xf32>
      %mul3A_317 = arith.constant 16 : i32
      %mul3A_318 = arith.muli %select_n3A_315, %mul3A_317 : i32
      %swap3A = arith.index_cast %select_n3A : i32 to index
      %swap3A_319 = arith.index_cast %mul3A_318 : i32 to index
      %swap3A_320 = tpu.vector_load %arg24[%swap3A, %swap3A_319] {strides = array<i32>} : memref<64x64xf32, #tpu.memory_space<vmem>>, vector<1x16xf32>,
      %swap3A_321 = vector.shape_cast %swap3A_320 : vector<1x16xf32> to vector<16xf32>
      %swap3A_322 = vector.shape_cast %broadcast_in_dim3A_316 : vector<16xf32> to vector<1x16xf32>
      tpu.vector_store %arg24[%swap3A, %swap3A_319], %swap3A_322 {strides = array<i32>} : memref<64x64xf32, #tpu.memory_space<vmem>>, vector<1x16xf32>,
      %scan3A_323 = arith.constant 0 : i32
      scf.yield %scan3A_323 : i32
    }
    %scan3A_11 = arith.constant 256 : i32
    %scan3A_12 = arith.constant 0 : i32
    %scan3A_13 = arith.constant 0 : i32
    %scan3A_14 = arith.constant 64 : i32
    %scan3A_15 = arith.addi %scan3A_13, %scan3A_14 : i32
    %scan3A_16 = arith.constant 1 : i32
    %scan3A_17 = scf.for %scan3A_284 = %scan3A_13 to %scan3A_15 step %scan3A_16 iter_args(%scan3A_285 = %scan3A_12) -> (i32)  : i32 {
      %broadcast_in_dim3A = arith.constant 0.000000e+00 : f32
      %broadcast_in_dim3A_286 = vector.broadcast %broadcast_in_dim3A : f32 to vector<16xf32>
      %swap3A = arith.index_cast %scan3A_284 : i32 to index
      %swap3A_287 = arith.constant 0 : index
      %swap3A_288 = tpu.vector_load %arg30[%swap3A, %swap3A_287] {strides = array<i32>} : memref<64x16xf32, #tpu.memory_space<vmem>>, vector<1x16xf32>,
      %swap3A_289 = vector.shape_cast %swap3A_288 : vector<1x16xf32> to vector<16xf32>
      %swap3A_290 = vector.shape_cast %broadcast_in_dim3A_286 : vector<16xf32> to vector<1x16xf32>
      tpu.vector_store %arg30[%swap3A, %swap3A_287], %swap3A_290 {strides = array<i32>} : memref<64x16xf32, #tpu.memory_space<vmem>>, vector<1x16xf32>,
      %scan3A_291 = arith.constant 0 : i32
      scf.yield %scan3A_291 : i32
    }
    %scan3A_18 = arith.constant 64 : i32
    %scan3A_19 = arith.constant 0 : i32
    %scan3A_20 = arith.constant 0 : i32
    %scan3A_21 = arith.constant 80 : i32
    %scan3A_22 = arith.addi %scan3A_20, %scan3A_21 : i32
    %scan3A_23 = arith.constant 1 : i32
    %scan3A_24 = scf.for %scan3A_284 = %scan3A_20 to %scan3A_22 step %scan3A_23 iter_args(%scan3A_285 = %scan3A_19) -> (i32)  : i32 {
      %broadcast_in_dim3A = arith.constant 1.000000e+00 : f32
      %broadcast_in_dim3A_286 = vector.broadcast %broadcast_in_dim3A : f32 to vector<16xf32>
      %swap3A = arith.index_cast %scan3A_284 : i32 to index
      %swap3A_287 = arith.constant 0 : index
      %swap3A_288 = tpu.vector_load %arg29[%swap3A, %swap3A_287] {strides = array<i32>} : memref<80x16xf32, #tpu.memory_space<vmem>>, vector<1x16xf32>,
      %swap3A_289 = vector.shape_cast %swap3A_288 : vector<1x16xf32> to vector<16xf32>
      %swap3A_290 = vector.shape_cast %broadcast_in_dim3A_286 : vector<16xf32> to vector<1x16xf32>
      tpu.vector_store %arg29[%swap3A, %swap3A_287], %swap3A_290 {strides = array<i32>} : memref<80x16xf32, #tpu.memory_space<vmem>>, vector<1x16xf32>,
      %scan3A_291 = arith.constant 0 : i32
      scf.yield %scan3A_291 : i32
    }
    %scan3A_25 = arith.constant 80 : i32
    %mul3A_26 = arith.constant 640 : i32
    %mul3A_27 = arith.muli %arg1, %mul3A_26 : i32
    %add3A = arith.constant 0 : i32
    %add3A_28 = arith.addi %mul3A_27, %add3A : i32
    %dma_start3A_29 = arith.constant 0 : i32
    %dma_start3A_30 = tpu.memref_slice %arg25[%add3A_28, %dma_start3A_29] : memref<10240x64xf32, #tpu.memory_space<vmem_shared>> -> memref<64x64xf32, #tpu.memory_space<vmem_shared>>
    %dma_start3A_31 = arith.constant 0 : i32
    %dma_start3A_32 = tpu.memref_slice %arg25[%add3A_28, %dma_start3A_31] : memref<10240x64xf32, #tpu.memory_space<vmem_shared>> -> memref<64x64xf32, #tpu.memory_space<vmem_shared>>
    tpu.enqueue_dma source(%arg24 : memref<64x64xf32, #tpu.memory_space<vmem>>) target(%dma_start3A_32 : memref<64x64xf32, #tpu.memory_space<vmem_shared>>) target_semaphore(%arg27 : memref<!tpu.dma_semaphore, #tpu.memory_space<semaphore_mem>>)
    %mul3A_33 = arith.constant 640 : i32
    %mul3A_34 = arith.muli %arg1, %mul3A_33 : i32
    %add3A_35 = arith.constant 0 : i32
    %add3A_36 = arith.addi %mul3A_34, %add3A_35 : i32
    %dma_start3A_37 = arith.constant 0 : i32
    %dma_start3A_38 = tpu.memref_slice %arg31[%add3A_36, %dma_start3A_37] : memref<10240x16xf32, #tpu.memory_space<vmem_shared>> -> memref<64x16xf32, #tpu.memory_space<vmem_shared>>
    %dma_start3A_39 = arith.constant 0 : i32
    %dma_start3A_40 = tpu.memref_slice %arg31[%add3A_36, %dma_start3A_39] : memref<10240x16xf32, #tpu.memory_space<vmem_shared>> -> memref<64x16xf32, #tpu.memory_space<vmem_shared>>
    tpu.enqueue_dma source(%arg30 : memref<64x16xf32, #tpu.memory_space<vmem>>) target(%dma_start3A_40 : memref<64x16xf32, #tpu.memory_space<vmem_shared>>) target_semaphore(%arg27 : memref<!tpu.dma_semaphore, #tpu.memory_space<semaphore_mem>>)
    %mul3A_41 = arith.constant 640 : i32
    %mul3A_42 = arith.muli %arg1, %mul3A_41 : i32
    %add3A_43 = arith.constant 64 : i32
    %add3A_44 = arith.addi %mul3A_42, %add3A_43 : i32
    %dma_start3A_45 = arith.constant 0 : i32
    %dma_start3A_46 = tpu.memref_slice %arg25[%add3A_44, %dma_start3A_45] : memref<10240x64xf32, #tpu.memory_space<vmem_shared>> -> memref<64x64xf32, #tpu.memory_space<vmem_shared>>
    %dma_start3A_47 = arith.constant 0 : i32
    %dma_start3A_48 = tpu.memref_slice %arg25[%add3A_44, %dma_start3A_47] : memref<10240x64xf32, #tpu.memory_space<vmem_shared>> -> memref<64x64xf32, #tpu.memory_space<vmem_shared>>
    tpu.enqueue_dma source(%arg24 : memref<64x64xf32, #tpu.memory_space<vmem>>) target(%dma_start3A_48 : memref<64x64xf32, #tpu.memory_space<vmem_shared>>) target_semaphore(%arg27 : memref<!tpu.dma_semaphore, #tpu.memory_space<semaphore_mem>>)
    %mul3A_49 = arith.constant 640 : i32
    %mul3A_50 = arith.muli %arg1, %mul3A_49 : i32
    %add3A_51 = arith.constant 64 : i32
    %add3A_52 = arith.addi %mul3A_50, %add3A_51 : i32
    %dma_start3A_53 = arith.constant 0 : i32
    %dma_start3A_54 = tpu.memref_slice %arg31[%add3A_52, %dma_start3A_53] : memref<10240x16xf32, #tpu.memory_space<vmem_shared>> -> memref<64x16xf32, #tpu.memory_space<vmem_shared>>
    %dma_start3A_55 = arith.constant 0 : i32
    %dma_start3A_56 = tpu.memref_slice %arg31[%add3A_52, %dma_start3A_55] : memref<10240x16xf32, #tpu.memory_space<vmem_shared>> -> memref<64x16xf32, #tpu.memory_space<vmem_shared>>
    tpu.enqueue_dma source(%arg30 : memref<64x16xf32, #tpu.memory_space<vmem>>) target(%dma_start3A_56 : memref<64x16xf32, #tpu.memory_space<vmem_shared>>) target_semaphore(%arg27 : memref<!tpu.dma_semaphore, #tpu.memory_space<semaphore_mem>>)
    %mul3A_57 = arith.constant 640 : i32
    %mul3A_58 = arith.muli %arg1, %mul3A_57 : i32
    %add3A_59 = arith.constant 128 : i32
    %add3A_60 = arith.addi %mul3A_58, %add3A_59 : i32
    %dma_start3A_61 = arith.constant 0 : i32
    %dma_start3A_62 = tpu.memref_slice %arg25[%add3A_60, %dma_start3A_61] : memref<10240x64xf32, #tpu.memory_space<vmem_shared>> -> memref<64x64xf32, #tpu.memory_space<vmem_shared>>
    %dma_start3A_63 = arith.constant 0 : i32
    %dma_start3A_64 = tpu.memref_slice %arg25[%add3A_60, %dma_start3A_63] : memref<10240x64xf32, #tpu.memory_space<vmem_shared>> -> memref<64x64xf32, #tpu.memory_space<vmem_shared>>
    tpu.enqueue_dma source(%arg24 : memref<64x64xf32, #tpu.memory_space<vmem>>) target(%dma_start3A_64 : memref<64x64xf32, #tpu.memory_space<vmem_shared>>) target_semaphore(%arg27 : memref<!tpu.dma_semaphore, #tpu.memory_space<semaphore_mem>>)
    %mul3A_65 = arith.constant 640 : i32
    %mul3A_66 = arith.muli %arg1, %mul3A_65 : i32
    %add3A_67 = arith.constant 128 : i32
    %add3A_68 = arith.addi %mul3A_66, %add3A_67 : i32
    %dma_start3A_69 = arith.constant 0 : i32
    %dma_start3A_70 = tpu.memref_slice %arg31[%add3A_68, %dma_start3A_69] : memref<10240x16xf32, #tpu.memory_space<vmem_shared>> -> memref<64x16xf32, #tpu.memory_space<vmem_shared>>
    %dma_start3A_71 = arith.constant 0 : i32
    %dma_start3A_72 = tpu.memref_slice %arg31[%add3A_68, %dma_start3A_71] : memref<10240x16xf32, #tpu.memory_space<vmem_shared>> -> memref<64x16xf32, #tpu.memory_space<vmem_shared>>
    tpu.enqueue_dma source(%arg30 : memref<64x16xf32, #tpu.memory_space<vmem>>) target(%dma_start3A_72 : memref<64x16xf32, #tpu.memory_space<vmem_shared>>) target_semaphore(%arg27 : memref<!tpu.dma_semaphore, #tpu.memory_space<semaphore_mem>>)
    %mul3A_73 = arith.constant 640 : i32
    %mul3A_74 = arith.muli %arg1, %mul3A_73 : i32
    %add3A_75 = arith.constant 192 : i32
    %add3A_76 = arith.addi %mul3A_74, %add3A_75 : i32
    %dma_start3A_77 = arith.constant 0 : i32
    %dma_start3A_78 = tpu.memref_slice %arg25[%add3A_76, %dma_start3A_77] : memref<10240x64xf32, #tpu.memory_space<vmem_shared>> -> memref<64x64xf32, #tpu.memory_space<vmem_shared>>
    %dma_start3A_79 = arith.constant 0 : i32
    %dma_start3A_80 = tpu.memref_slice %arg25[%add3A_76, %dma_start3A_79] : memref<10240x64xf32, #tpu.memory_space<vmem_shared>> -> memref<64x64xf32, #tpu.memory_space<vmem_shared>>
    tpu.enqueue_dma source(%arg24 : memref<64x64xf32, #tpu.memory_space<vmem>>) target(%dma_start3A_80 : memref<64x64xf32, #tpu.memory_space<vmem_shared>>) target_semaphore(%arg27 : memref<!tpu.dma_semaphore, #tpu.memory_space<semaphore_mem>>)
    %mul3A_81 = arith.constant 640 : i32
    %mul3A_82 = arith.muli %arg1, %mul3A_81 : i32
    %add3A_83 = arith.constant 192 : i32
    %add3A_84 = arith.addi %mul3A_82, %add3A_83 : i32
    %dma_start3A_85 = arith.constant 0 : i32
    %dma_start3A_86 = tpu.memref_slice %arg31[%add3A_84, %dma_start3A_85] : memref<10240x16xf32, #tpu.memory_space<vmem_shared>> -> memref<64x16xf32, #tpu.memory_space<vmem_shared>>
    %dma_start3A_87 = arith.constant 0 : i32
    %dma_start3A_88 = tpu.memref_slice %arg31[%add3A_84, %dma_start3A_87] : memref<10240x16xf32, #tpu.memory_space<vmem_shared>> -> memref<64x16xf32, #tpu.memory_space<vmem_shared>>
    tpu.enqueue_dma source(%arg30 : memref<64x16xf32, #tpu.memory_space<vmem>>) target(%dma_start3A_88 : memref<64x16xf32, #tpu.memory_space<vmem_shared>>) target_semaphore(%arg27 : memref<!tpu.dma_semaphore, #tpu.memory_space<semaphore_mem>>)
    %mul3A_89 = arith.constant 640 : i32
    %mul3A_90 = arith.muli %arg1, %mul3A_89 : i32
    %add3A_91 = arith.constant 256 : i32
    %add3A_92 = arith.addi %mul3A_90, %add3A_91 : i32
    %dma_start3A_93 = arith.constant 0 : i32
    %dma_start3A_94 = tpu.memref_slice %arg25[%add3A_92, %dma_start3A_93] : memref<10240x64xf32, #tpu.memory_space<vmem_shared>> -> memref<64x64xf32, #tpu.memory_space<vmem_shared>>
    %dma_start3A_95 = arith.constant 0 : i32
    %dma_start3A_96 = tpu.memref_slice %arg25[%add3A_92, %dma_start3A_95] : memref<10240x64xf32, #tpu.memory_space<vmem_shared>> -> memref<64x64xf32, #tpu.memory_space<vmem_shared>>
    tpu.enqueue_dma source(%arg24 : memref<64x64xf32, #tpu.memory_space<vmem>>) target(%dma_start3A_96 : memref<64x64xf32, #tpu.memory_space<vmem_shared>>) target_semaphore(%arg27 : memref<!tpu.dma_semaphore, #tpu.memory_space<semaphore_mem>>)
    %mul3A_97 = arith.constant 640 : i32
    %mul3A_98 = arith.muli %arg1, %mul3A_97 : i32
    %add3A_99 = arith.constant 256 : i32
    %add3A_100 = arith.addi %mul3A_98, %add3A_99 : i32
    %dma_start3A_101 = arith.constant 0 : i32
    %dma_start3A_102 = tpu.memref_slice %arg31[%add3A_100, %dma_start3A_101] : memref<10240x16xf32, #tpu.memory_space<vmem_shared>> -> memref<64x16xf32, #tpu.memory_space<vmem_shared>>
    %dma_start3A_103 = arith.constant 0 : i32
    %dma_start3A_104 = tpu.memref_slice %arg31[%add3A_100, %dma_start3A_103] : memref<10240x16xf32, #tpu.memory_space<vmem_shared>> -> memref<64x16xf32, #tpu.memory_space<vmem_shared>>
    tpu.enqueue_dma source(%arg30 : memref<64x16xf32, #tpu.memory_space<vmem>>) target(%dma_start3A_104 : memref<64x16xf32, #tpu.memory_space<vmem_shared>>) target_semaphore(%arg27 : memref<!tpu.dma_semaphore, #tpu.memory_space<semaphore_mem>>)
    %mul3A_105 = arith.constant 640 : i32
    %mul3A_106 = arith.muli %arg1, %mul3A_105 : i32
    %add3A_107 = arith.constant 320 : i32
    %add3A_108 = arith.addi %mul3A_106, %add3A_107 : i32
    %dma_start3A_109 = arith.constant 0 : i32
    %dma_start3A_110 = tpu.memref_slice %arg25[%add3A_108, %dma_start3A_109] : memref<10240x64xf32, #tpu.memory_space<vmem_shared>> -> memref<64x64xf32, #tpu.memory_space<vmem_shared>>
    %dma_start3A_111 = arith.constant 0 : i32
    %dma_start3A_112 = tpu.memref_slice %arg25[%add3A_108, %dma_start3A_111] : memref<10240x64xf32, #tpu.memory_space<vmem_shared>> -> memref<64x64xf32, #tpu.memory_space<vmem_shared>>
    tpu.enqueue_dma source(%arg24 : memref<64x64xf32, #tpu.memory_space<vmem>>) target(%dma_start3A_112 : memref<64x64xf32, #tpu.memory_space<vmem_shared>>) target_semaphore(%arg27 : memref<!tpu.dma_semaphore, #tpu.memory_space<semaphore_mem>>)
    %mul3A_113 = arith.constant 640 : i32
    %mul3A_114 = arith.muli %arg1, %mul3A_113 : i32
    %add3A_115 = arith.constant 320 : i32
    %add3A_116 = arith.addi %mul3A_114, %add3A_115 : i32
    %dma_start3A_117 = arith.constant 0 : i32
    %dma_start3A_118 = tpu.memref_slice %arg31[%add3A_116, %dma_start3A_117] : memref<10240x16xf32, #tpu.memory_space<vmem_shared>> -> memref<64x16xf32, #tpu.memory_space<vmem_shared>>
    %dma_start3A_119 = arith.constant 0 : i32
    %dma_start3A_120 = tpu.memref_slice %arg31[%add3A_116, %dma_start3A_119] : memref<10240x16xf32, #tpu.memory_space<vmem_shared>> -> memref<64x16xf32, #tpu.memory_space<vmem_shared>>
    tpu.enqueue_dma source(%arg30 : memref<64x16xf32, #tpu.memory_space<vmem>>) target(%dma_start3A_120 : memref<64x16xf32, #tpu.memory_space<vmem_shared>>) target_semaphore(%arg27 : memref<!tpu.dma_semaphore, #tpu.memory_space<semaphore_mem>>)
    %mul3A_121 = arith.constant 640 : i32
    %mul3A_122 = arith.muli %arg1, %mul3A_121 : i32
    %add3A_123 = arith.constant 384 : i32
    %add3A_124 = arith.addi %mul3A_122, %add3A_123 : i32
    %dma_start3A_125 = arith.constant 0 : i32
    %dma_start3A_126 = tpu.memref_slice %arg25[%add3A_124, %dma_start3A_125] : memref<10240x64xf32, #tpu.memory_space<vmem_shared>> -> memref<64x64xf32, #tpu.memory_space<vmem_shared>>
    %dma_start3A_127 = arith.constant 0 : i32
    %dma_start3A_128 = tpu.memref_slice %arg25[%add3A_124, %dma_start3A_127] : memref<10240x64xf32, #tpu.memory_space<vmem_shared>> -> memref<64x64xf32, #tpu.memory_space<vmem_shared>>
    tpu.enqueue_dma source(%arg24 : memref<64x64xf32, #tpu.memory_space<vmem>>) target(%dma_start3A_128 : memref<64x64xf32, #tpu.memory_space<vmem_shared>>) target_semaphore(%arg27 : memref<!tpu.dma_semaphore, #tpu.memory_space<semaphore_mem>>)
    %mul3A_129 = arith.constant 640 : i32
    %mul3A_130 = arith.muli %arg1, %mul3A_129 : i32
    %add3A_131 = arith.constant 384 : i32
    %add3A_132 = arith.addi %mul3A_130, %add3A_131 : i32
    %dma_start3A_133 = arith.constant 0 : i32
    %dma_start3A_134 = tpu.memref_slice %arg31[%add3A_132, %dma_start3A_133] : memref<10240x16xf32, #tpu.memory_space<vmem_shared>> -> memref<64x16xf32, #tpu.memory_space<vmem_shared>>
    %dma_start3A_135 = arith.constant 0 : i32
    %dma_start3A_136 = tpu.memref_slice %arg31[%add3A_132, %dma_start3A_135] : memref<10240x16xf32, #tpu.memory_space<vmem_shared>> -> memref<64x16xf32, #tpu.memory_space<vmem_shared>>
    tpu.enqueue_dma source(%arg30 : memref<64x16xf32, #tpu.memory_space<vmem>>) target(%dma_start3A_136 : memref<64x16xf32, #tpu.memory_space<vmem_shared>>) target_semaphore(%arg27 : memref<!tpu.dma_semaphore, #tpu.memory_space<semaphore_mem>>)
    %mul3A_137 = arith.constant 640 : i32
    %mul3A_138 = arith.muli %arg1, %mul3A_137 : i32
    %add3A_139 = arith.constant 448 : i32
    %add3A_140 = arith.addi %mul3A_138, %add3A_139 : i32
    %dma_start3A_141 = arith.constant 0 : i32
    %dma_start3A_142 = tpu.memref_slice %arg25[%add3A_140, %dma_start3A_141] : memref<10240x64xf32, #tpu.memory_space<vmem_shared>> -> memref<64x64xf32, #tpu.memory_space<vmem_shared>>
    %dma_start3A_143 = arith.constant 0 : i32
    %dma_start3A_144 = tpu.memref_slice %arg25[%add3A_140, %dma_start3A_143] : memref<10240x64xf32, #tpu.memory_space<vmem_shared>> -> memref<64x64xf32, #tpu.memory_space<vmem_shared>>
    tpu.enqueue_dma source(%arg24 : memref<64x64xf32, #tpu.memory_space<vmem>>) target(%dma_start3A_144 : memref<64x64xf32, #tpu.memory_space<vmem_shared>>) target_semaphore(%arg27 : memref<!tpu.dma_semaphore, #tpu.memory_space<semaphore_mem>>)
    %mul3A_145 = arith.constant 640 : i32
    %mul3A_146 = arith.muli %arg1, %mul3A_145 : i32
    %add3A_147 = arith.constant 448 : i32
    %add3A_148 = arith.addi %mul3A_146, %add3A_147 : i32
    %dma_start3A_149 = arith.constant 0 : i32
    %dma_start3A_150 = tpu.memref_slice %arg31[%add3A_148, %dma_start3A_149] : memref<10240x16xf32, #tpu.memory_space<vmem_shared>> -> memref<64x16xf32, #tpu.memory_space<vmem_shared>>
    %dma_start3A_151 = arith.constant 0 : i32
    %dma_start3A_152 = tpu.memref_slice %arg31[%add3A_148, %dma_start3A_151] : memref<10240x16xf32, #tpu.memory_space<vmem_shared>> -> memref<64x16xf32, #tpu.memory_space<vmem_shared>>
    tpu.enqueue_dma source(%arg30 : memref<64x16xf32, #tpu.memory_space<vmem>>) target(%dma_start3A_152 : memref<64x16xf32, #tpu.memory_space<vmem_shared>>) target_semaphore(%arg27 : memref<!tpu.dma_semaphore, #tpu.memory_space<semaphore_mem>>)
    %mul3A_153 = arith.constant 640 : i32
    %mul3A_154 = arith.muli %arg1, %mul3A_153 : i32
    %add3A_155 = arith.constant 512 : i32
    %add3A_156 = arith.addi %mul3A_154, %add3A_155 : i32
    %dma_start3A_157 = arith.constant 0 : i32
    %dma_start3A_158 = tpu.memref_slice %arg25[%add3A_156, %dma_start3A_157] : memref<10240x64xf32, #tpu.memory_space<vmem_shared>> -> memref<64x64xf32, #tpu.memory_space<vmem_shared>>
    %dma_start3A_159 = arith.constant 0 : i32
    %dma_start3A_160 = tpu.memref_slice %arg25[%add3A_156, %dma_start3A_159] : memref<10240x64xf32, #tpu.memory_space<vmem_shared>> -> memref<64x64xf32, #tpu.memory_space<vmem_shared>>
    tpu.enqueue_dma source(%arg24 : memref<64x64xf32, #tpu.memory_space<vmem>>) target(%dma_start3A_160 : memref<64x64xf32, #tpu.memory_space<vmem_shared>>) target_semaphore(%arg27 : memref<!tpu.dma_semaphore, #tpu.memory_space<semaphore_mem>>)
    %mul3A_161 = arith.constant 640 : i32
    %mul3A_162 = arith.muli %arg1, %mul3A_161 : i32
    %add3A_163 = arith.constant 512 : i32
    %add3A_164 = arith.addi %mul3A_162, %add3A_163 : i32
    %dma_start3A_165 = arith.constant 0 : i32
    %dma_start3A_166 = tpu.memref_slice %arg31[%add3A_164, %dma_start3A_165] : memref<10240x16xf32, #tpu.memory_space<vmem_shared>> -> memref<64x16xf32, #tpu.memory_space<vmem_shared>>
    %dma_start3A_167 = arith.constant 0 : i32
    %dma_start3A_168 = tpu.memref_slice %arg31[%add3A_164, %dma_start3A_167] : memref<10240x16xf32, #tpu.memory_space<vmem_shared>> -> memref<64x16xf32, #tpu.memory_space<vmem_shared>>
    tpu.enqueue_dma source(%arg30 : memref<64x16xf32, #tpu.memory_space<vmem>>) target(%dma_start3A_168 : memref<64x16xf32, #tpu.memory_space<vmem_shared>>) target_semaphore(%arg27 : memref<!tpu.dma_semaphore, #tpu.memory_space<semaphore_mem>>)
    %mul3A_169 = arith.constant 640 : i32
    %mul3A_170 = arith.muli %arg1, %mul3A_169 : i32
    %add3A_171 = arith.constant 576 : i32
    %add3A_172 = arith.addi %mul3A_170, %add3A_171 : i32
    %dma_start3A_173 = arith.constant 0 : i32
    %dma_start3A_174 = tpu.memref_slice %arg25[%add3A_172, %dma_start3A_173] : memref<10240x64xf32, #tpu.memory_space<vmem_shared>> -> memref<64x64xf32, #tpu.memory_space<vmem_shared>>
    %dma_start3A_175 = arith.constant 0 : i32
    %dma_start3A_176 = tpu.memref_slice %arg25[%add3A_172, %dma_start3A_175] : memref<10240x64xf32, #tpu.memory_space<vmem_shared>> -> memref<64x64xf32, #tpu.memory_space<vmem_shared>>
    tpu.enqueue_dma source(%arg24 : memref<64x64xf32, #tpu.memory_space<vmem>>) target(%dma_start3A_176 : memref<64x64xf32, #tpu.memory_space<vmem_shared>>) target_semaphore(%arg27 : memref<!tpu.dma_semaphore, #tpu.memory_space<semaphore_mem>>)
    %mul3A_177 = arith.constant 640 : i32
    %mul3A_178 = arith.muli %arg1, %mul3A_177 : i32
    %add3A_179 = arith.constant 576 : i32
    %add3A_180 = arith.addi %mul3A_178, %add3A_179 : i32
    %dma_start3A_181 = arith.constant 0 : i32
    %dma_start3A_182 = tpu.memref_slice %arg31[%add3A_180, %dma_start3A_181] : memref<10240x16xf32, #tpu.memory_space<vmem_shared>> -> memref<64x16xf32, #tpu.memory_space<vmem_shared>>
    %dma_start3A_183 = arith.constant 0 : i32
    %dma_start3A_184 = tpu.memref_slice %arg31[%add3A_180, %dma_start3A_183] : memref<10240x16xf32, #tpu.memory_space<vmem_shared>> -> memref<64x16xf32, #tpu.memory_space<vmem_shared>>
    tpu.enqueue_dma source(%arg30 : memref<64x16xf32, #tpu.memory_space<vmem>>) target(%dma_start3A_184 : memref<64x16xf32, #tpu.memory_space<vmem_shared>>) target_semaphore(%arg27 : memref<!tpu.dma_semaphore, #tpu.memory_space<semaphore_mem>>)
    %dma_wait3A = arith.constant 0 : i32
    %dma_wait3A_185 = tpu.memref_slice %arg25[%add3A_28, %dma_wait3A] : memref<10240x64xf32, #tpu.memory_space<vmem_shared>> -> memref<64x64xf32, #tpu.memory_space<vmem_shared>>
    %dma_wait3A_186 = arith.constant 0 : i32
    %dma_wait3A_187 = tpu.memref_slice %arg25[%add3A_28, %dma_wait3A_186] : memref<10240x64xf32, #tpu.memory_space<vmem_shared>> -> memref<64x64xf32, #tpu.memory_space<vmem_shared>>
    tpu.wait_dma2 semaphore(%arg27 : memref<!tpu.dma_semaphore, #tpu.memory_space<semaphore_mem>>) src(%arg24 : memref<64x64xf32, #tpu.memory_space<vmem>>) dst(%dma_wait3A_187 : memref<64x64xf32, #tpu.memory_space<vmem_shared>>)
    %dma_wait3A_188 = arith.constant 0 : i32
    %dma_wait3A_189 = tpu.memref_slice %arg31[%add3A_36, %dma_wait3A_188] : memref<10240x16xf32, #tpu.memory_space<vmem_shared>> -> memref<64x16xf32, #tpu.memory_space<vmem_shared>>
    %dma_wait3A_190 = arith.constant 0 : i32
    %dma_wait3A_191 = tpu.memref_slice %arg31[%add3A_36, %dma_wait3A_190] : memref<10240x16xf32, #tpu.memory_space<vmem_shared>> -> memref<64x16xf32, #tpu.memory_space<vmem_shared>>
    tpu.wait_dma2 semaphore(%arg27 : memref<!tpu.dma_semaphore, #tpu.memory_space<semaphore_mem>>) src(%arg30 : memref<64x16xf32, #tpu.memory_space<vmem>>) dst(%dma_wait3A_191 : memref<64x16xf32, #tpu.memory_space<vmem_shared>>)
    %dma_wait3A_192 = arith.constant 0 : i32
    %dma_wait3A_193 = tpu.memref_slice %arg25[%add3A_44, %dma_wait3A_192] : memref<10240x64xf32, #tpu.memory_space<vmem_shared>> -> memref<64x64xf32, #tpu.memory_space<vmem_shared>>
    %dma_wait3A_194 = arith.constant 0 : i32
    %dma_wait3A_195 = tpu.memref_slice %arg25[%add3A_44, %dma_wait3A_194] : memref<10240x64xf32, #tpu.memory_space<vmem_shared>> -> memref<64x64xf32, #tpu.memory_space<vmem_shared>>
    tpu.wait_dma2 semaphore(%arg27 : memref<!tpu.dma_semaphore, #tpu.memory_space<semaphore_mem>>) src(%arg24 : memref<64x64xf32, #tpu.memory_space<vmem>>) dst(%dma_wait3A_195 : memref<64x64xf32, #tpu.memory_space<vmem_shared>>)
    %dma_wait3A_196 = arith.constant 0 : i32
    %dma_wait3A_197 = tpu.memref_slice %arg31[%add3A_52, %dma_wait3A_196] : memref<10240x16xf32, #tpu.memory_space<vmem_shared>> -> memref<64x16xf32, #tpu.memory_space<vmem_shared>>
    %dma_wait3A_198 = arith.constant 0 : i32
    %dma_wait3A_199 = tpu.memref_slice %arg31[%add3A_52, %dma_wait3A_198] : memref<10240x16xf32, #tpu.memory_space<vmem_shared>> -> memref<64x16xf32, #tpu.memory_space<vmem_shared>>
    tpu.wait_dma2 semaphore(%arg27 : memref<!tpu.dma_semaphore, #tpu.memory_space<semaphore_mem>>) src(%arg30 : memref<64x16xf32, #tpu.memory_space<vmem>>) dst(%dma_wait3A_199 : memref<64x16xf32, #tpu.memory_space<vmem_shared>>)
    %dma_wait3A_200 = arith.constant 0 : i32
    %dma_wait3A_201 = tpu.memref_slice %arg25[%add3A_60, %dma_wait3A_200] : memref<10240x64xf32, #tpu.memory_space<vmem_shared>> -> memref<64x64xf32, #tpu.memory_space<vmem_shared>>
    %dma_wait3A_202 = arith.constant 0 : i32
    %dma_wait3A_203 = tpu.memref_slice %arg25[%add3A_60, %dma_wait3A_202] : memref<10240x64xf32, #tpu.memory_space<vmem_shared>> -> memref<64x64xf32, #tpu.memory_space<vmem_shared>>
    tpu.wait_dma2 semaphore(%arg27 : memref<!tpu.dma_semaphore, #tpu.memory_space<semaphore_mem>>) src(%arg24 : memref<64x64xf32, #tpu.memory_space<vmem>>) dst(%dma_wait3A_203 : memref<64x64xf32, #tpu.memory_space<vmem_shared>>)
    %dma_wait3A_204 = arith.constant 0 : i32
    %dma_wait3A_205 = tpu.memref_slice %arg31[%add3A_68, %dma_wait3A_204] : memref<10240x16xf32, #tpu.memory_space<vmem_shared>> -> memref<64x16xf32, #tpu.memory_space<vmem_shared>>
    %dma_wait3A_206 = arith.constant 0 : i32
    %dma_wait3A_207 = tpu.memref_slice %arg31[%add3A_68, %dma_wait3A_206] : memref<10240x16xf32, #tpu.memory_space<vmem_shared>> -> memref<64x16xf32, #tpu.memory_space<vmem_shared>>
    tpu.wait_dma2 semaphore(%arg27 : memref<!tpu.dma_semaphore, #tpu.memory_space<semaphore_mem>>) src(%arg30 : memref<64x16xf32, #tpu.memory_space<vmem>>) dst(%dma_wait3A_207 : memref<64x16xf32, #tpu.memory_space<vmem_shared>>)
    %dma_wait3A_208 = arith.constant 0 : i32
    %dma_wait3A_209 = tpu.memref_slice %arg25[%add3A_76, %dma_wait3A_208] : memref<10240x64xf32, #tpu.memory_space<vmem_shared>> -> memref<64x64xf32, #tpu.memory_space<vmem_shared>>
    %dma_wait3A_210 = arith.constant 0 : i32
    %dma_wait3A_211 = tpu.memref_slice %arg25[%add3A_76, %dma_wait3A_210] : memref<10240x64xf32, #tpu.memory_space<vmem_shared>> -> memref<64x64xf32, #tpu.memory_space<vmem_shared>>
    tpu.wait_dma2 semaphore(%arg27 : memref<!tpu.dma_semaphore, #tpu.memory_space<semaphore_mem>>) src(%arg24 : memref<64x64xf32, #tpu.memory_space<vmem>>) dst(%dma_wait3A_211 : memref<64x64xf32, #tpu.memory_space<vmem_shared>>)
    %dma_wait3A_212 = arith.constant 0 : i32
    %dma_wait3A_213 = tpu.memref_slice %arg31[%add3A_84, %dma_wait3A_212] : memref<10240x16xf32, #tpu.memory_space<vmem_shared>> -> memref<64x16xf32, #tpu.memory_space<vmem_shared>>
    %dma_wait3A_214 = arith.constant 0 : i32
    %dma_wait3A_215 = tpu.memref_slice %arg31[%add3A_84, %dma_wait3A_214] : memref<10240x16xf32, #tpu.memory_space<vmem_shared>> -> memref<64x16xf32, #tpu.memory_space<vmem_shared>>
    tpu.wait_dma2 semaphore(%arg27 : memref<!tpu.dma_semaphore, #tpu.memory_space<semaphore_mem>>) src(%arg30 : memref<64x16xf32, #tpu.memory_space<vmem>>) dst(%dma_wait3A_215 : memref<64x16xf32, #tpu.memory_space<vmem_shared>>)
    %dma_wait3A_216 = arith.constant 0 : i32
    %dma_wait3A_217 = tpu.memref_slice %arg25[%add3A_92, %dma_wait3A_216] : memref<10240x64xf32, #tpu.memory_space<vmem_shared>> -> memref<64x64xf32, #tpu.memory_space<vmem_shared>>
    %dma_wait3A_218 = arith.constant 0 : i32
    %dma_wait3A_219 = tpu.memref_slice %arg25[%add3A_92, %dma_wait3A_218] : memref<10240x64xf32, #tpu.memory_space<vmem_shared>> -> memref<64x64xf32, #tpu.memory_space<vmem_shared>>
    tpu.wait_dma2 semaphore(%arg27 : memref<!tpu.dma_semaphore, #tpu.memory_space<semaphore_mem>>) src(%arg24 : memref<64x64xf32, #tpu.memory_space<vmem>>) dst(%dma_wait3A_219 : memref<64x64xf32, #tpu.memory_space<vmem_shared>>)
    %dma_wait3A_220 = arith.constant 0 : i32
    %dma_wait3A_221 = tpu.memref_slice %arg31[%add3A_100, %dma_wait3A_220] : memref<10240x16xf32, #tpu.memory_space<vmem_shared>> -> memref<64x16xf32, #tpu.memory_space<vmem_shared>>
    %dma_wait3A_222 = arith.constant 0 : i32
    %dma_wait3A_223 = tpu.memref_slice %arg31[%add3A_100, %dma_wait3A_222] : memref<10240x16xf32, #tpu.memory_space<vmem_shared>> -> memref<64x16xf32, #tpu.memory_space<vmem_shared>>
    tpu.wait_dma2 semaphore(%arg27 : memref<!tpu.dma_semaphore, #tpu.memory_space<semaphore_mem>>) src(%arg30 : memref<64x16xf32, #tpu.memory_space<vmem>>) dst(%dma_wait3A_223 : memref<64x16xf32, #tpu.memory_space<vmem_shared>>)
    %dma_wait3A_224 = arith.constant 0 : i32
    %dma_wait3A_225 = tpu.memref_slice %arg25[%add3A_108, %dma_wait3A_224] : memref<10240x64xf32, #tpu.memory_space<vmem_shared>> -> memref<64x64xf32, #tpu.memory_space<vmem_shared>>
    %dma_wait3A_226 = arith.constant 0 : i32
    %dma_wait3A_227 = tpu.memref_slice %arg25[%add3A_108, %dma_wait3A_226] : memref<10240x64xf32, #tpu.memory_space<vmem_shared>> -> memref<64x64xf32, #tpu.memory_space<vmem_shared>>
    tpu.wait_dma2 semaphore(%arg27 : memref<!tpu.dma_semaphore, #tpu.memory_space<semaphore_mem>>) src(%arg24 : memref<64x64xf32, #tpu.memory_space<vmem>>) dst(%dma_wait3A_227 : memref<64x64xf32, #tpu.memory_space<vmem_shared>>)
    %dma_wait3A_228 = arith.constant 0 : i32
    %dma_wait3A_229 = tpu.memref_slice %arg31[%add3A_116, %dma_wait3A_228] : memref<10240x16xf32, #tpu.memory_space<vmem_shared>> -> memref<64x16xf32, #tpu.memory_space<vmem_shared>>
    %dma_wait3A_230 = arith.constant 0 : i32
    %dma_wait3A_231 = tpu.memref_slice %arg31[%add3A_116, %dma_wait3A_230] : memref<10240x16xf32, #tpu.memory_space<vmem_shared>> -> memref<64x16xf32, #tpu.memory_space<vmem_shared>>
    tpu.wait_dma2 semaphore(%arg27 : memref<!tpu.dma_semaphore, #tpu.memory_space<semaphore_mem>>) src(%arg30 : memref<64x16xf32, #tpu.memory_space<vmem>>) dst(%dma_wait3A_231 : memref<64x16xf32, #tpu.memory_space<vmem_shared>>)
    %dma_wait3A_232 = arith.constant 0 : i32
    %dma_wait3A_233 = tpu.memref_slice %arg25[%add3A_124, %dma_wait3A_232] : memref<10240x64xf32, #tpu.memory_space<vmem_shared>> -> memref<64x64xf32, #tpu.memory_space<vmem_shared>>
    %dma_wait3A_234 = arith.constant 0 : i32
    %dma_wait3A_235 = tpu.memref_slice %arg25[%add3A_124, %dma_wait3A_234] : memref<10240x64xf32, #tpu.memory_space<vmem_shared>> -> memref<64x64xf32, #tpu.memory_space<vmem_shared>>
    tpu.wait_dma2 semaphore(%arg27 : memref<!tpu.dma_semaphore, #tpu.memory_space<semaphore_mem>>) src(%arg24 : memref<64x64xf32, #tpu.memory_space<vmem>>) dst(%dma_wait3A_235 : memref<64x64xf32, #tpu.memory_space<vmem_shared>>)
    %dma_wait3A_236 = arith.constant 0 : i32
    %dma_wait3A_237 = tpu.memref_slice %arg31[%add3A_132, %dma_wait3A_236] : memref<10240x16xf32, #tpu.memory_space<vmem_shared>> -> memref<64x16xf32, #tpu.memory_space<vmem_shared>>
    %dma_wait3A_238 = arith.constant 0 : i32
    %dma_wait3A_239 = tpu.memref_slice %arg31[%add3A_132, %dma_wait3A_238] : memref<10240x16xf32, #tpu.memory_space<vmem_shared>> -> memref<64x16xf32, #tpu.memory_space<vmem_shared>>
    tpu.wait_dma2 semaphore(%arg27 : memref<!tpu.dma_semaphore, #tpu.memory_space<semaphore_mem>>) src(%arg30 : memref<64x16xf32, #tpu.memory_space<vmem>>) dst(%dma_wait3A_239 : memref<64x16xf32, #tpu.memory_space<vmem_shared>>)
    %dma_wait3A_240 = arith.constant 0 : i32
    %dma_wait3A_241 = tpu.memref_slice %arg25[%add3A_140, %dma_wait3A_240] : memref<10240x64xf32, #tpu.memory_space<vmem_shared>> -> memref<64x64xf32, #tpu.memory_space<vmem_shared>>
    %dma_wait3A_242 = arith.constant 0 : i32
    %dma_wait3A_243 = tpu.memref_slice %arg25[%add3A_140, %dma_wait3A_242] : memref<10240x64xf32, #tpu.memory_space<vmem_shared>> -> memref<64x64xf32, #tpu.memory_space<vmem_shared>>
    tpu.wait_dma2 semaphore(%arg27 : memref<!tpu.dma_semaphore, #tpu.memory_space<semaphore_mem>>) src(%arg24 : memref<64x64xf32, #tpu.memory_space<vmem>>) dst(%dma_wait3A_243 : memref<64x64xf32, #tpu.memory_space<vmem_shared>>)
    %dma_wait3A_244 = arith.constant 0 : i32
    %dma_wait3A_245 = tpu.memref_slice %arg31[%add3A_148, %dma_wait3A_244] : memref<10240x16xf32, #tpu.memory_space<vmem_shared>> -> memref<64x16xf32, #tpu.memory_space<vmem_shared>>
    %dma_wait3A_246 = arith.constant 0 : i32
    %dma_wait3A_247 = tpu.memref_slice %arg31[%add3A_148, %dma_wait3A_246] : memref<10240x16xf32, #tpu.memory_space<vmem_shared>> -> memref<64x16xf32, #tpu.memory_space<vmem_shared>>
    tpu.wait_dma2 semaphore(%arg27 : memref<!tpu.dma_semaphore, #tpu.memory_space<semaphore_mem>>) src(%arg30 : memref<64x16xf32, #tpu.memory_space<vmem>>) dst(%dma_wait3A_247 : memref<64x16xf32, #tpu.memory_space<vmem_shared>>)
    %dma_wait3A_248 = arith.constant 0 : i32
    %dma_wait3A_249 = tpu.memref_slice %arg25[%add3A_156, %dma_wait3A_248] : memref<10240x64xf32, #tpu.memory_space<vmem_shared>> -> memref<64x64xf32, #tpu.memory_space<vmem_shared>>
    %dma_wait3A_250 = arith.constant 0 : i32
    %dma_wait3A_251 = tpu.memref_slice %arg25[%add3A_156, %dma_wait3A_250] : memref<10240x64xf32, #tpu.memory_space<vmem_shared>> -> memref<64x64xf32, #tpu.memory_space<vmem_shared>>
    tpu.wait_dma2 semaphore(%arg27 : memref<!tpu.dma_semaphore, #tpu.memory_space<semaphore_mem>>) src(%arg24 : memref<64x64xf32, #tpu.memory_space<vmem>>) dst(%dma_wait3A_251 : memref<64x64xf32, #tpu.memory_space<vmem_shared>>)
    %dma_wait3A_252 = arith.constant 0 : i32
    %dma_wait3A_253 = tpu.memref_slice %arg31[%add3A_164, %dma_wait3A_252] : memref<10240x16xf32, #tpu.memory_space<vmem_shared>> -> memref<64x16xf32, #tpu.memory_space<vmem_shared>>
    %dma_wait3A_254 = arith.constant 0 : i32
    %dma_wait3A_255 = tpu.memref_slice %arg31[%add3A_164, %dma_wait3A_254] : memref<10240x16xf32, #tpu.memory_space<vmem_shared>> -> memref<64x16xf32, #tpu.memory_space<vmem_shared>>
    tpu.wait_dma2 semaphore(%arg27 : memref<!tpu.dma_semaphore, #tpu.memory_space<semaphore_mem>>) src(%arg30 : memref<64x16xf32, #tpu.memory_space<vmem>>) dst(%dma_wait3A_255 : memref<64x16xf32, #tpu.memory_space<vmem_shared>>)
    %dma_wait3A_256 = arith.constant 0 : i32
    %dma_wait3A_257 = tpu.memref_slice %arg25[%add3A_172, %dma_wait3A_256] : memref<10240x64xf32, #tpu.memory_space<vmem_shared>> -> memref<64x64xf32, #tpu.memory_space<vmem_shared>>
    %dma_wait3A_258 = arith.constant 0 : i32
    %dma_wait3A_259 = tpu.memref_slice %arg25[%add3A_172, %dma_wait3A_258] : memref<10240x64xf32, #tpu.memory_space<vmem_shared>> -> memref<64x64xf32, #tpu.memory_space<vmem_shared>>
    tpu.wait_dma2 semaphore(%arg27 : memref<!tpu.dma_semaphore, #tpu.memory_space<semaphore_mem>>) src(%arg24 : memref<64x64xf32, #tpu.memory_space<vmem>>) dst(%dma_wait3A_259 : memref<64x64xf32, #tpu.memory_space<vmem_shared>>)
    %dma_wait3A_260 = arith.constant 0 : i32
    %dma_wait3A_261 = tpu.memref_slice %arg31[%add3A_180, %dma_wait3A_260] : memref<10240x16xf32, #tpu.memory_space<vmem_shared>> -> memref<64x16xf32, #tpu.memory_space<vmem_shared>>
    %dma_wait3A_262 = arith.constant 0 : i32
    %dma_wait3A_263 = tpu.memref_slice %arg31[%add3A_180, %dma_wait3A_262] : memref<10240x16xf32, #tpu.memory_space<vmem_shared>> -> memref<64x16xf32, #tpu.memory_space<vmem_shared>>
    tpu.wait_dma2 semaphore(%arg27 : memref<!tpu.dma_semaphore, #tpu.memory_space<semaphore_mem>>) src(%arg30 : memref<64x16xf32, #tpu.memory_space<vmem>>) dst(%dma_wait3A_263 : memref<64x16xf32, #tpu.memory_space<vmem_shared>>)
    %dma_wait3A_264 = tpu.memref_slice %arg2[%mul3A_0] : memref<320000xi32, #tpu.memory_space<hbm>> -> memref<20000xi32, #tpu.memory_space<hbm>>
    %dma_wait3A_265 = tpu.memref_slice %arg2[%mul3A_0] : memref<320000xi32, #tpu.memory_space<hbm>> -> memref<20000xi32, #tpu.memory_space<hbm>>
    tpu.wait_dma2 semaphore(%arg26 : memref<!tpu.dma_semaphore, #tpu.memory_space<semaphore_mem>>) src(%dma_wait3A_265 : memref<20000xi32, #tpu.memory_space<hbm>>) dst(%arg22 : memref<20000xi32, #tpu.memory_space<vmem>>)
    %dma_wait3A_266 = tpu.memref_slice %arg3[%mul3A_3] : memref<320000xi32, #tpu.memory_space<hbm>> -> memref<20000xi32, #tpu.memory_space<hbm>>
    %dma_wait3A_267 = tpu.memref_slice %arg3[%mul3A_3] : memref<320000xi32, #tpu.memory_space<hbm>> -> memref<20000xi32, #tpu.memory_space<hbm>>
    tpu.wait_dma2 semaphore(%arg26 : memref<!tpu.dma_semaphore, #tpu.memory_space<semaphore_mem>>) src(%dma_wait3A_267 : memref<20000xi32, #tpu.memory_space<hbm>>) dst(%arg23 : memref<20000xi32, #tpu.memory_space<vmem>>)
    %barrier3A = arith.constant 0 : index
    tpu.barrier barrier_id(%barrier3A)
    %scan3A_268 = arith.constant 0 : i32
    %scan3A_269 = arith.constant 0 : i32
    %scan3A_270 = arith.constant 50 : i32
    %scan3A_271 = arith.addi %scan3A_269, %scan3A_270 : i32
    %scan3A_272 = arith.constant 1 : i32
    %scan3A_273 = scf.for %scan3A_284 = %scan3A_269 to %scan3A_271 step %scan3A_272 iter_args(%scan3A_285 = %scan3A_268) -> (i32)  : i32 {
      %mul3A_286 = arith.constant 5 : i32
      %mul3A_287 = arith.muli %scan3A_284, %mul3A_286 : i32
      %add3A_288 = arith.constant 0 : i32
      %add3A_289 = arith.addi %mul3A_287, %add3A_288 : i32
      %mul3A_290 = arith.constant 80 : i32
      %mul3A_291 = arith.muli %add3A_289, %mul3A_290 : i32
      %add3A_292 = arith.constant 0 : i32
      %add3A_293 = arith.addi %mul3A_291, %add3A_292 : i32
      %get3A = arith.index_cast %add3A_293 : i32 to index
      %get3A_294 = tpu.vector_load %arg22[%get3A] {strides = array<i32>} : memref<20000xi32, #tpu.memory_space<vmem>>, vector<16xi32>,
      %get3A_295 = vector.shape_cast %get3A_294 : vector<16xi32> to vector<16xi32>
      %mul3A_296 = arith.constant 2 : i32
      %mul3A_297 = vector.broadcast %mul3A_296 : i32 to vector<16xi32>
      %mul3A_298 = arith.muli %get3A_295, %mul3A_297 : vector<16xi32>
      %add3A_299 = vector.broadcast %arg0 : i32 to vector<16xi32>
      %add3A_300 = arith.addi %mul3A_298, %add3A_299 : vector<16xi32>
      %swap3A = arith.constant 0 : index
      %swap3A_301 = tpu.vector_load %arg7[%swap3A] {strides = array<i32>} : memref<80xi32, #tpu.memory_space<vmem>>, vector<16xi32>,
      %swap3A_302 = vector.shape_cast %swap3A_301 : vector<16xi32> to vector<16xi32>
      %swap3A_303 = vector.shape_cast %add3A_300 : vector<16xi32> to vector<16xi32>
      tpu.vector_store %arg7[%swap3A], %swap3A_303 {strides = array<i32>} : memref<80xi32, #tpu.memory_space<vmem>>, vector<16xi32>,
      %add3A_304 = arith.constant 0 : i32
      %add3A_305 = arith.addi %mul3A_291, %add3A_304 : i32
      %get3A_306 = arith.index_cast %add3A_305 : i32 to index
      %get3A_307 = tpu.vector_load %arg23[%get3A_306] {strides = array<i32>} : memref<20000xi32, #tpu.memory_space<vmem>>, vector<16xi32>,
      %get3A_308 = vector.shape_cast %get3A_307 : vector<16xi32> to vector<16xi32>
      %swap3A_309 = arith.constant 0 : index
      %swap3A_310 = tpu.vector_load %arg12[%swap3A_309] {strides = array<i32>} : memref<80xi32, #tpu.memory_space<vmem>>, vector<16xi32>,
      %swap3A_311 = vector.shape_cast %swap3A_310 : vector<16xi32> to vector<16xi32>
      %swap3A_312 = vector.shape_cast %get3A_308 : vector<16xi32> to vector<16xi32>
      tpu.vector_store %arg12[%swap3A_309], %swap3A_312 {strides = array<i32>} : memref<80xi32, #tpu.memory_space<vmem>>, vector<16xi32>,
      %add3A_313 = arith.constant 16 : i32
      %add3A_314 = arith.addi %mul3A_291, %add3A_313 : i32
      %get3A_315 = arith.index_cast %add3A_314 : i32 to index
      %get3A_316 = tpu.vector_load %arg22[%get3A_315] {strides = array<i32>} : memref<20000xi32, #tpu.memory_space<vmem>>, vector<16xi32>,
      %get3A_317 = vector.shape_cast %get3A_316 : vector<16xi32> to vector<16xi32>
      %mul3A_318 = arith.constant 2 : i32
      %mul3A_319 = vector.broadcast %mul3A_318 : i32 to vector<16xi32>
      %mul3A_320 = arith.muli %get3A_317, %mul3A_319 : vector<16xi32>
      %add3A_321 = vector.broadcast %arg0 : i32 to vector<16xi32>
      %add3A_322 = arith.addi %mul3A_320, %add3A_321 : vector<16xi32>
      %swap3A_323 = arith.constant 16 : index
      %swap3A_324 = tpu.vector_load %arg7[%swap3A_323] {strides = array<i32>} : memref<80xi32, #tpu.memory_space<vmem>>, vector<16xi32>,
      %swap3A_325 = vector.shape_cast %swap3A_324 : vector<16xi32> to vector<16xi32>
      %swap3A_326 = vector.shape_cast %add3A_322 : vector<16xi32> to vector<16xi32>
      tpu.vector_store %arg7[%swap3A_323], %swap3A_326 {strides = array<i32>} : memref<80xi32, #tpu.memory_space<vmem>>, vector<16xi32>,
      %add3A_327 = arith.constant 16 : i32
      %add3A_328 = arith.addi %mul3A_291, %add3A_327 : i32
      %get3A_329 = arith.index_cast %add3A_328 : i32 to index
      %get3A_330 = tpu.vector_load %arg23[%get3A_329] {strides = array<i32>} : memref<20000xi32, #tpu.memory_space<vmem>>, vector<16xi32>,
      %get3A_331 = vector.shape_cast %get3A_330 : vector<16xi32> to vector<16xi32>
      %swap3A_332 = arith.constant 16 : index
      %swap3A_333 = tpu.vector_load %arg12[%swap3A_332] {strides = array<i32>} : memref<80xi32, #tpu.memory_space<vmem>>, vector<16xi32>,
      %swap3A_334 = vector.shape_cast %swap3A_333 : vector<16xi32> to vector<16xi32>
      %swap3A_335 = vector.shape_cast %get3A_331 : vector<16xi32> to vector<16xi32>
      tpu.vector_store %arg12[%swap3A_332], %swap3A_335 {strides = array<i32>} : memref<80xi32, #tpu.memory_space<vmem>>, vector<16xi32>,
      %add3A_336 = arith.constant 32 : i32
      %add3A_337 = arith.addi %mul3A_291, %add3A_336 : i32
      %get3A_338 = arith.index_cast %add3A_337 : i32 to index
      %get3A_339 = tpu.vector_load %arg22[%get3A_338] {strides = array<i32>} : memref<20000xi32, #tpu.memory_space<vmem>>, vector<16xi32>,
      %get3A_340 = vector.shape_cast %get3A_339 : vector<16xi32> to vector<16xi32>
      %mul3A_341 = arith.constant 2 : i32
      %mul3A_342 = vector.broadcast %mul3A_341 : i32 to vector<16xi32>
      %mul3A_343 = arith.muli %get3A_340, %mul3A_342 : vector<16xi32>
      %add3A_344 = vector.broadcast %arg0 : i32 to vector<16xi32>
      %add3A_345 = arith.addi %mul3A_343, %add3A_344 : vector<16xi32>
      %swap3A_346 = arith.constant 32 : index
      %swap3A_347 = tpu.vector_load %arg7[%swap3A_346] {strides = array<i32>} : memref<80xi32, #tpu.memory_space<vmem>>, vector<16xi32>,
      %swap3A_348 = vector.shape_cast %swap3A_347 : vector<16xi32> to vector<16xi32>
      %swap3A_349 = vector.shape_cast %add3A_345 : vector<16xi32> to vector<16xi32>
      tpu.vector_store %arg7[%swap3A_346], %swap3A_349 {strides = array<i32>} : memref<80xi32, #tpu.memory_space<vmem>>, vector<16xi32>,
      %add3A_350 = arith.constant 32 : i32
      %add3A_351 = arith.addi %mul3A_291, %add3A_350 : i32
      %get3A_352 = arith.index_cast %add3A_351 : i32 to index
      %get3A_353 = tpu.vector_load %arg23[%get3A_352] {strides = array<i32>} : memref<20000xi32, #tpu.memory_space<vmem>>, vector<16xi32>,
      %get3A_354 = vector.shape_cast %get3A_353 : vector<16xi32> to vector<16xi32>
      %swap3A_355 = arith.constant 32 : index
      %swap3A_356 = tpu.vector_load %arg12[%swap3A_355] {strides = array<i32>} : memref<80xi32, #tpu.memory_space<vmem>>, vector<16xi32>,
      %swap3A_357 = vector.shape_cast %swap3A_356 : vector<16xi32> to vector<16xi32>
      %swap3A_358 = vector.shape_cast %get3A_354 : vector<16xi32> to vector<16xi32>
      tpu.vector_store %arg12[%swap3A_355], %swap3A_358 {strides = array<i32>} : memref<80xi32, #tpu.memory_space<vmem>>, vector<16xi32>,
      %add3A_359 = arith.constant 48 : i32
      %add3A_360 = arith.addi %mul3A_291, %add3A_359 : i32
      %get3A_361 = arith.index_cast %add3A_360 : i32 to index
      %get3A_362 = tpu.vector_load %arg22[%get3A_361] {strides = array<i32>} : memref<20000xi32, #tpu.memory_space<vmem>>, vector<16xi32>,
      %get3A_363 = vector.shape_cast %get3A_362 : vector<16xi32> to vector<16xi32>
      %mul3A_364 = arith.constant 2 : i32
      %mul3A_365 = vector.broadcast %mul3A_364 : i32 to vector<16xi32>
      %mul3A_366 = arith.muli %get3A_363, %mul3A_365 : vector<16xi32>
      %add3A_367 = vector.broadcast %arg0 : i32 to vector<16xi32>
      %add3A_368 = arith.addi %mul3A_366, %add3A_367 : vector<16xi32>
      %swap3A_369 = arith.constant 48 : index
      %swap3A_370 = tpu.vector_load %arg7[%swap3A_369] {strides = array<i32>} : memref<80xi32, #tpu.memory_space<vmem>>, vector<16xi32>,
      %swap3A_371 = vector.shape_cast %swap3A_370 : vector<16xi32> to vector<16xi32>
      %swap3A_372 = vector.shape_cast %add3A_368 : vector<16xi32> to vector<16xi32>
      tpu.vector_store %arg7[%swap3A_369], %swap3A_372 {strides = array<i32>} : memref<80xi32, #tpu.memory_space<vmem>>, vector<16xi32>,
      %add3A_373 = arith.constant 48 : i32
      %add3A_374 = arith.addi %mul3A_291, %add3A_373 : i32
      %get3A_375 = arith.index_cast %add3A_374 : i32 to index
      %get3A_376 = tpu.vector_load %arg23[%get3A_375] {strides = array<i32>} : memref<20000xi32, #tpu.memory_space<vmem>>, vector<16xi32>,
      %get3A_377 = vector.shape_cast %get3A_376 : vector<16xi32> to vector<16xi32>
      %swap3A_378 = arith.constant 48 : index
      %swap3A_379 = tpu.vector_load %arg12[%swap3A_378] {strides = array<i32>} : memref<80xi32, #tpu.memory_space<vmem>>, vector<16xi32>,
      %swap3A_380 = vector.shape_cast %swap3A_379 : vector<16xi32> to vector<16xi32>
      %swap3A_381 = vector.shape_cast %get3A_377 : vector<16xi32> to vector<16xi32>
      tpu.vector_store %arg12[%swap3A_378], %swap3A_381 {strides = array<i32>} : memref<80xi32, #tpu.memory_space<vmem>>, vector<16xi32>,
      %add3A_382 = arith.constant 64 : i32
      %add3A_383 = arith.addi %mul3A_291, %add3A_382 : i32
      %get3A_384 = arith.index_cast %add3A_383 : i32 to index
      %get3A_385 = tpu.vector_load %arg22[%get3A_384] {strides = array<i32>} : memref<20000xi32, #tpu.memory_space<vmem>>, vector<16xi32>,
      %get3A_386 = vector.shape_cast %get3A_385 : vector<16xi32> to vector<16xi32>
      %mul3A_387 = arith.constant 2 : i32
      %mul3A_388 = vector.broadcast %mul3A_387 : i32 to vector<16xi32>
      %mul3A_389 = arith.muli %get3A_386, %mul3A_388 : vector<16xi32>
      %add3A_390 = vector.broadcast %arg0 : i32 to vector<16xi32>
      %add3A_391 = arith.addi %mul3A_389, %add3A_390 : vector<16xi32>
      %swap3A_392 = arith.constant 64 : index
      %swap3A_393 = tpu.vector_load %arg7[%swap3A_392] {strides = array<i32>} : memref<80xi32, #tpu.memory_space<vmem>>, vector<16xi32>,
      %swap3A_394 = vector.shape_cast %swap3A_393 : vector<16xi32> to vector<16xi32>
      %swap3A_395 = vector.shape_cast %add3A_391 : vector<16xi32> to vector<16xi32>
      tpu.vector_store %arg7[%swap3A_392], %swap3A_395 {strides = array<i32>} : memref<80xi32, #tpu.memory_space<vmem>>, vector<16xi32>,
      %add3A_396 = arith.constant 64 : i32
      %add3A_397 = arith.addi %mul3A_291, %add3A_396 : i32
      %get3A_398 = arith.index_cast %add3A_397 : i32 to index
      %get3A_399 = tpu.vector_load %arg23[%get3A_398] {strides = array<i32>} : memref<20000xi32, #tpu.memory_space<vmem>>, vector<16xi32>,
      %get3A_400 = vector.shape_cast %get3A_399 : vector<16xi32> to vector<16xi32>
      %swap3A_401 = arith.constant 64 : index
      %swap3A_402 = tpu.vector_load %arg12[%swap3A_401] {strides = array<i32>} : memref<80xi32, #tpu.memory_space<vmem>>, vector<16xi32>,
      %swap3A_403 = vector.shape_cast %swap3A_402 : vector<16xi32> to vector<16xi32>
      %swap3A_404 = vector.shape_cast %get3A_400 : vector<16xi32> to vector<16xi32>
      tpu.vector_store %arg12[%swap3A_401], %swap3A_404 {strides = array<i32>} : memref<80xi32, #tpu.memory_space<vmem>>, vector<16xi32>,
      %dma_start3A_405 = arith.constant 0 : i32
      %dma_start3A_406 = arith.constant 0 : i32
      %dma_start3A_407 = tpu.memref_slice %arg4[%dma_start3A_405, %dma_start3A_406] : memref<20000x64xf32, #tpu.memory_space<hbm>> -> memref<20000x64xf32, #tpu.memory_space<hbm>>
      tpu.enqueue_indirect_dma source(%dma_start3A_407 : memref<20000x64xf32, #tpu.memory_space<hbm>>) target(%arg17 : memref<80x64xf32, #tpu.memory_space<vmem>>) offsets(%arg7 : memref<80xi32, #tpu.memory_space<vmem>>) semaphore(%arg26 : memref<!tpu.dma_semaphore, #tpu.memory_space<semaphore_mem>>)
      %mul3A_408 = arith.constant 5 : i32
      %mul3A_409 = arith.muli %scan3A_284, %mul3A_408 : i32
      %add3A_410 = arith.constant 1 : i32
      %add3A_411 = arith.addi %mul3A_409, %add3A_410 : i32
      %mul3A_412 = arith.constant 80 : i32
      %mul3A_413 = arith.muli %add3A_411, %mul3A_412 : i32
      %add3A_414 = arith.constant 0 : i32
      %add3A_415 = arith.addi %mul3A_413, %add3A_414 : i32
      %get3A_416 = arith.index_cast %add3A_415 : i32 to index
      %get3A_417 = tpu.vector_load %arg22[%get3A_416] {strides = array<i32>} : memref<20000xi32, #tpu.memory_space<vmem>>, vector<16xi32>,
      %get3A_418 = vector.shape_cast %get3A_417 : vector<16xi32> to vector<16xi32>
      %mul3A_419 = arith.constant 2 : i32
      %mul3A_420 = vector.broadcast %mul3A_419 : i32 to vector<16xi32>
      %mul3A_421 = arith.muli %get3A_418, %mul3A_420 : vector<16xi32>
      %add3A_422 = vector.broadcast %arg0 : i32 to vector<16xi32>
      %add3A_423 = arith.addi %mul3A_421, %add3A_422 : vector<16xi32>
      %swap3A_424 = arith.constant 0 : index
      %swap3A_425 = tpu.vector_load %arg8[%swap3A_424] {strides = array<i32>} : memref<80xi32, #tpu.memory_space<vmem>>, vector<16xi32>,
      %swap3A_426 = vector.shape_cast %swap3A_425 : vector<16xi32> to vector<16xi32>
      %swap3A_427 = vector.shape_cast %add3A_423 : vector<16xi32> to vector<16xi32>
      tpu.vector_store %arg8[%swap3A_424], %swap3A_427 {strides = array<i32>} : memref<80xi32, #tpu.memory_space<vmem>>, vector<16xi32>,
      %add3A_428 = arith.constant 0 : i32
      %add3A_429 = arith.addi %mul3A_413, %add3A_428 : i32
      %get3A_430 = arith.index_cast %add3A_429 : i32 to index
      %get3A_431 = tpu.vector_load %arg23[%get3A_430] {strides = array<i32>} : memref<20000xi32, #tpu.memory_space<vmem>>, vector<16xi32>,
      %get3A_432 = vector.shape_cast %get3A_431 : vector<16xi32> to vector<16xi32>
      %swap3A_433 = arith.constant 0 : index
      %swap3A_434 = tpu.vector_load %arg13[%swap3A_433] {strides = array<i32>} : memref<80xi32, #tpu.memory_space<vmem>>, vector<16xi32>,
      %swap3A_435 = vector.shape_cast %swap3A_434 : vector<16xi32> to vector<16xi32>
      %swap3A_436 = vector.shape_cast %get3A_432 : vector<16xi32> to vector<16xi32>
      tpu.vector_store %arg13[%swap3A_433], %swap3A_436 {strides = array<i32>} : memref<80xi32, #tpu.memory_space<vmem>>, vector<16xi32>,
      %add3A_437 = arith.constant 16 : i32
      %add3A_438 = arith.addi %mul3A_413, %add3A_437 : i32
      %get3A_439 = arith.index_cast %add3A_438 : i32 to index
      %get3A_440 = tpu.vector_load %arg22[%get3A_439] {strides = array<i32>} : memref<20000xi32, #tpu.memory_space<vmem>>, vector<16xi32>,
      %get3A_441 = vector.shape_cast %get3A_440 : vector<16xi32> to vector<16xi32>
      %mul3A_442 = arith.constant 2 : i32
      %mul3A_443 = vector.broadcast %mul3A_442 : i32 to vector<16xi32>
      %mul3A_444 = arith.muli %get3A_441, %mul3A_443 : vector<16xi32>
      %add3A_445 = vector.broadcast %arg0 : i32 to vector<16xi32>
      %add3A_446 = arith.addi %mul3A_444, %add3A_445 : vector<16xi32>
      %swap3A_447 = arith.constant 16 : index
      %swap3A_448 = tpu.vector_load %arg8[%swap3A_447] {strides = array<i32>} : memref<80xi32, #tpu.memory_space<vmem>>, vector<16xi32>,
      %swap3A_449 = vector.shape_cast %swap3A_448 : vector<16xi32> to vector<16xi32>
      %swap3A_450 = vector.shape_cast %add3A_446 : vector<16xi32> to vector<16xi32>
      tpu.vector_store %arg8[%swap3A_447], %swap3A_450 {strides = array<i32>} : memref<80xi32, #tpu.memory_space<vmem>>, vector<16xi32>,
      %add3A_451 = arith.constant 16 : i32
      %add3A_452 = arith.addi %mul3A_413, %add3A_451 : i32
      %get3A_453 = arith.index_cast %add3A_452 : i32 to index
      %get3A_454 = tpu.vector_load %arg23[%get3A_453] {strides = array<i32>} : memref<20000xi32, #tpu.memory_space<vmem>>, vector<16xi32>,
      %get3A_455 = vector.shape_cast %get3A_454 : vector<16xi32> to vector<16xi32>
      %swap3A_456 = arith.constant 16 : index
      %swap3A_457 = tpu.vector_load %arg13[%swap3A_456] {strides = array<i32>} : memref<80xi32, #tpu.memory_space<vmem>>, vector<16xi32>,
      %swap3A_458 = vector.shape_cast %swap3A_457 : vector<16xi32> to vector<16xi32>
      %swap3A_459 = vector.shape_cast %get3A_455 : vector<16xi32> to vector<16xi32>
      tpu.vector_store %arg13[%swap3A_456], %swap3A_459 {strides = array<i32>} : memref<80xi32, #tpu.memory_space<vmem>>, vector<16xi32>,
      %add3A_460 = arith.constant 32 : i32
      %add3A_461 = arith.addi %mul3A_413, %add3A_460 : i32
      %get3A_462 = arith.index_cast %add3A_461 : i32 to index
      %get3A_463 = tpu.vector_load %arg22[%get3A_462] {strides = array<i32>} : memref<20000xi32, #tpu.memory_space<vmem>>, vector<16xi32>,
      %get3A_464 = vector.shape_cast %get3A_463 : vector<16xi32> to vector<16xi32>
      %mul3A_465 = arith.constant 2 : i32
      %mul3A_466 = vector.broadcast %mul3A_465 : i32 to vector<16xi32>
      %mul3A_467 = arith.muli %get3A_464, %mul3A_466 : vector<16xi32>
      %add3A_468 = vector.broadcast %arg0 : i32 to vector<16xi32>
      %add3A_469 = arith.addi %mul3A_467, %add3A_468 : vector<16xi32>
      %swap3A_470 = arith.constant 32 : index
      %swap3A_471 = tpu.vector_load %arg8[%swap3A_470] {strides = array<i32>} : memref<80xi32, #tpu.memory_space<vmem>>, vector<16xi32>,
      %swap3A_472 = vector.shape_cast %swap3A_471 : vector<16xi32> to vector<16xi32>
      %swap3A_473 = vector.shape_cast %add3A_469 : vector<16xi32> to vector<16xi32>
      tpu.vector_store %arg8[%swap3A_470], %swap3A_473 {strides = array<i32>} : memref<80xi32, #tpu.memory_space<vmem>>, vector<16xi32>,
      %add3A_474 = arith.constant 32 : i32
      %add3A_475 = arith.addi %mul3A_413, %add3A_474 : i32
      %get3A_476 = arith.index_cast %add3A_475 : i32 to index
      %get3A_477 = tpu.vector_load %arg23[%get3A_476] {strides = array<i32>} : memref<20000xi32, #tpu.memory_space<vmem>>, vector<16xi32>,
      %get3A_478 = vector.shape_cast %get3A_477 : vector<16xi32> to vector<16xi32>
      %swap3A_479 = arith.constant 32 : index
      %swap3A_480 = tpu.vector_load %arg13[%swap3A_479] {strides = array<i32>} : memref<80xi32, #tpu.memory_space<vmem>>, vector<16xi32>,
      %swap3A_481 = vector.shape_cast %swap3A_480 : vector<16xi32> to vector<16xi32>
      %swap3A_482 = vector.shape_cast %get3A_478 : vector<16xi32> to vector<16xi32>
      tpu.vector_store %arg13[%swap3A_479], %swap3A_482 {strides = array<i32>} : memref<80xi32, #tpu.memory_space<vmem>>, vector<16xi32>,
      %add3A_483 = arith.constant 48 : i32
      %add3A_484 = arith.addi %mul3A_413, %add3A_483 : i32
      %get3A_485 = arith.index_cast %add3A_484 : i32 to index
      %get3A_486 = tpu.vector_load %arg22[%get3A_485] {strides = array<i32>} : memref<20000xi32, #tpu.memory_space<vmem>>, vector<16xi32>,
      %get3A_487 = vector.shape_cast %get3A_486 : vector<16xi32> to vector<16xi32>
      %mul3A_488 = arith.constant 2 : i32
      %mul3A_489 = vector.broadcast %mul3A_488 : i32 to vector<16xi32>
      %mul3A_490 = arith.muli %get3A_487, %mul3A_489 : vector<16xi32>
      %add3A_491 = vector.broadcast %arg0 : i32 to vector<16xi32>
      %add3A_492 = arith.addi %mul3A_490, %add3A_491 : vector<16xi32>
      %swap3A_493 = arith.constant 48 : index
      %swap3A_494 = tpu.vector_load %arg8[%swap3A_493] {strides = array<i32>} : memref<80xi32, #tpu.memory_space<vmem>>, vector<16xi32>,
      %swap3A_495 = vector.shape_cast %swap3A_494 : vector<16xi32> to vector<16xi32>
      %swap3A_496 = vector.shape_cast %add3A_492 : vector<16xi32> to vector<16xi32>
      tpu.vector_store %arg8[%swap3A_493], %swap3A_496 {strides = array<i32>} : memref<80xi32, #tpu.memory_space<vmem>>, vector<16xi32>,
      %add3A_497 = arith.constant 48 : i32
      %add3A_498 = arith.addi %mul3A_413, %add3A_497 : i32
      %get3A_499 = arith.index_cast %add3A_498 : i32 to index
      %get3A_500 = tpu.vector_load %arg23[%get3A_499] {strides = array<i32>} : memref<20000xi32, #tpu.memory_space<vmem>>, vector<16xi32>,
      %get3A_501 = vector.shape_cast %get3A_500 : vector<16xi32> to vector<16xi32>
      %swap3A_502 = arith.constant 48 : index
      %swap3A_503 = tpu.vector_load %arg13[%swap3A_502] {strides = array<i32>} : memref<80xi32, #tpu.memory_space<vmem>>, vector<16xi32>,
      %swap3A_504 = vector.shape_cast %swap3A_503 : vector<16xi32> to vector<16xi32>
      %swap3A_505 = vector.shape_cast %get3A_501 : vector<16xi32> to vector<16xi32>
      tpu.vector_store %arg13[%swap3A_502], %swap3A_505 {strides = array<i32>} : memref<80xi32, #tpu.memory_space<vmem>>, vector<16xi32>,
      %add3A_506 = arith.constant 64 : i32
      %add3A_507 = arith.addi %mul3A_413, %add3A_506 : i32
      %get3A_508 = arith.index_cast %add3A_507 : i32 to index
      %get3A_509 = tpu.vector_load %arg22[%get3A_508] {strides = array<i32>} : memref<20000xi32, #tpu.memory_space<vmem>>, vector<16xi32>,
      %get3A_510 = vector.shape_cast %get3A_509 : vector<16xi32> to vector<16xi32>
      %mul3A_511 = arith.constant 2 : i32
      %mul3A_512 = vector.broadcast %mul3A_511 : i32 to vector<16xi32>
      %mul3A_513 = arith.muli %get3A_510, %mul3A_512 : vector<16xi32>
      %add3A_514 = vector.broadcast %arg0 : i32 to vector<16xi32>
      %add3A_515 = arith.addi %mul3A_513, %add3A_514 : vector<16xi32>
      %swap3A_516 = arith.constant 64 : index
      %swap3A_517 = tpu.vector_load %arg8[%swap3A_516] {strides = array<i32>} : memref<80xi32, #tpu.memory_space<vmem>>, vector<16xi32>,
      %swap3A_518 = vector.shape_cast %swap3A_517 : vector<16xi32> to vector<16xi32>
      %swap3A_519 = vector.shape_cast %add3A_515 : vector<16xi32> to vector<16xi32>
      tpu.vector_store %arg8[%swap3A_516], %swap3A_519 {strides = array<i32>} : memref<80xi32, #tpu.memory_space<vmem>>, vector<16xi32>,
      %add3A_520 = arith.constant 64 : i32
      %add3A_521 = arith.addi %mul3A_413, %add3A_520 : i32
      %get3A_522 = arith.index_cast %add3A_521 : i32 to index
      %get3A_523 = tpu.vector_load %arg23[%get3A_522] {strides = array<i32>} : memref<20000xi32, #tpu.memory_space<vmem>>, vector<16xi32>,
      %get3A_524 = vector.shape_cast %get3A_523 : vector<16xi32> to vector<16xi32>
      %swap3A_525 = arith.constant 64 : index
      %swap3A_526 = tpu.vector_load %arg13[%swap3A_525] {strides = array<i32>} : memref<80xi32, #tpu.memory_space<vmem>>, vector<16xi32>,
      %swap3A_527 = vector.shape_cast %swap3A_526 : vector<16xi32> to vector<16xi32>
      %swap3A_528 = vector.shape_cast %get3A_524 : vector<16xi32> to vector<16xi32>
      tpu.vector_store %arg13[%swap3A_525], %swap3A_528 {strides = array<i32>} : memref<80xi32, #tpu.memory_space<vmem>>, vector<16xi32>,
      %dma_start3A_529 = arith.constant 0 : i32
      %dma_start3A_530 = arith.constant 0 : i32
      %dma_start3A_531 = tpu.memref_slice %arg4[%dma_start3A_529, %dma_start3A_530] : memref<20000x64xf32, #tpu.memory_space<hbm>> -> memref<20000x64xf32, #tpu.memory_space<hbm>>
      tpu.enqueue_indirect_dma source(%dma_start3A_531 : memref<20000x64xf32, #tpu.memory_space<hbm>>) target(%arg18 : memref<80x64xf32, #tpu.memory_space<vmem>>) offsets(%arg8 : memref<80xi32, #tpu.memory_space<vmem>>) semaphore(%arg26 : memref<!tpu.dma_semaphore, #tpu.memory_space<semaphore_mem>>)
      %mul3A_532 = arith.constant 5 : i32
      %mul3A_533 = arith.muli %scan3A_284, %mul3A_532 : i32
      %add3A_534 = arith.constant 2 : i32
      %add3A_535 = arith.addi %mul3A_533, %add3A_534 : i32
      %mul3A_536 = arith.constant 80 : i32
      %mul3A_537 = arith.muli %add3A_535, %mul3A_536 : i32
      %add3A_538 = arith.constant 0 : i32
      %add3A_539 = arith.addi %mul3A_537, %add3A_538 : i32
      %get3A_540 = arith.index_cast %add3A_539 : i32 to index
      %get3A_541 = tpu.vector_load %arg22[%get3A_540] {strides = array<i32>} : memref<20000xi32, #tpu.memory_space<vmem>>, vector<16xi32>,
      %get3A_542 = vector.shape_cast %get3A_541 : vector<16xi32> to vector<16xi32>
      %mul3A_543 = arith.constant 2 : i32
      %mul3A_544 = vector.broadcast %mul3A_543 : i32 to vector<16xi32>
      %mul3A_545 = arith.muli %get3A_542, %mul3A_544 : vector<16xi32>
      %add3A_546 = vector.broadcast %arg0 : i32 to vector<16xi32>
      %add3A_547 = arith.addi %mul3A_545, %add3A_546 : vector<16xi32>
      %swap3A_548 = arith.constant 0 : index
      %swap3A_549 = tpu.vector_load %arg9[%swap3A_548] {strides = array<i32>} : memref<80xi32, #tpu.memory_space<vmem>>, vector<16xi32>,
      %swap3A_550 = vector.shape_cast %swap3A_549 : vector<16xi32> to vector<16xi32>
      %swap3A_551 = vector.shape_cast %add3A_547 : vector<16xi32> to vector<16xi32>
      tpu.vector_store %arg9[%swap3A_548], %swap3A_551 {strides = array<i32>} : memref<80xi32, #tpu.memory_space<vmem>>, vector<16xi32>,
      %add3A_552 = arith.constant 0 : i32
      %add3A_553 = arith.addi %mul3A_537, %add3A_552 : i32
      %get3A_554 = arith.index_cast %add3A_553 : i32 to index
      %get3A_555 = tpu.vector_load %arg23[%get3A_554] {strides = array<i32>} : memref<20000xi32, #tpu.memory_space<vmem>>, vector<16xi32>,
      %get3A_556 = vector.shape_cast %get3A_555 : vector<16xi32> to vector<16xi32>
      %swap3A_557 = arith.constant 0 : index
      %swap3A_558 = tpu.vector_load %arg14[%swap3A_557] {strides = array<i32>} : memref<80xi32, #tpu.memory_space<vmem>>, vector<16xi32>,
      %swap3A_559 = vector.shape_cast %swap3A_558 : vector<16xi32> to vector<16xi32>
      %swap3A_560 = vector.shape_cast %get3A_556 : vector<16xi32> to vector<16xi32>
      tpu.vector_store %arg14[%swap3A_557], %swap3A_560 {strides = array<i32>} : memref<80xi32, #tpu.memory_space<vmem>>, vector<16xi32>,
      %add3A_561 = arith.constant 16 : i32
      %add3A_562 = arith.addi %mul3A_537, %add3A_561 : i32
      %get3A_563 = arith.index_cast %add3A_562 : i32 to index
      %get3A_564 = tpu.vector_load %arg22[%get3A_563] {strides = array<i32>} : memref<20000xi32, #tpu.memory_space<vmem>>, vector<16xi32>,
      %get3A_565 = vector.shape_cast %get3A_564 : vector<16xi32> to vector<16xi32>
      %mul3A_566 = arith.constant 2 : i32
      %mul3A_567 = vector.broadcast %mul3A_566 : i32 to vector<16xi32>
      %mul3A_568 = arith.muli %get3A_565, %mul3A_567 : vector<16xi32>
      %add3A_569 = vector.broadcast %arg0 : i32 to vector<16xi32>
      %add3A_570 = arith.addi %mul3A_568, %add3A_569 : vector<16xi32>
      %swap3A_571 = arith.constant 16 : index
      %swap3A_572 = tpu.vector_load %arg9[%swap3A_571] {strides = array<i32>} : memref<80xi32, #tpu.memory_space<vmem>>, vector<16xi32>,
      %swap3A_573 = vector.shape_cast %swap3A_572 : vector<16xi32> to vector<16xi32>
      %swap3A_574 = vector.shape_cast %add3A_570 : vector<16xi32> to vector<16xi32>
      tpu.vector_store %arg9[%swap3A_571], %swap3A_574 {strides = array<i32>} : memref<80xi32, #tpu.memory_space<vmem>>, vector<16xi32>,
      %add3A_575 = arith.constant 16 : i32
      %add3A_576 = arith.addi %mul3A_537, %add3A_575 : i32
      %get3A_577 = arith.index_cast %add3A_576 : i32 to index
      %get3A_578 = tpu.vector_load %arg23[%get3A_577] {strides = array<i32>} : memref<20000xi32, #tpu.memory_space<vmem>>, vector<16xi32>,
      %get3A_579 = vector.shape_cast %get3A_578 : vector<16xi32> to vector<16xi32>
      %swap3A_580 = arith.constant 16 : index
      %swap3A_581 = tpu.vector_load %arg14[%swap3A_580] {strides = array<i32>} : memref<80xi32, #tpu.memory_space<vmem>>, vector<16xi32>,
      %swap3A_582 = vector.shape_cast %swap3A_581 : vector<16xi32> to vector<16xi32>
      %swap3A_583 = vector.shape_cast %get3A_579 : vector<16xi32> to vector<16xi32>
      tpu.vector_store %arg14[%swap3A_580], %swap3A_583 {strides = array<i32>} : memref<80xi32, #tpu.memory_space<vmem>>, vector<16xi32>,
      %add3A_584 = arith.constant 32 : i32
      %add3A_585 = arith.addi %mul3A_537, %add3A_584 : i32
      %get3A_586 = arith.index_cast %add3A_585 : i32 to index
      %get3A_587 = tpu.vector_load %arg22[%get3A_586] {strides = array<i32>} : memref<20000xi32, #tpu.memory_space<vmem>>, vector<16xi32>,
      %get3A_588 = vector.shape_cast %get3A_587 : vector<16xi32> to vector<16xi32>
      %mul3A_589 = arith.constant 2 : i32
      %mul3A_590 = vector.broadcast %mul3A_589 : i32 to vector<16xi32>
      %mul3A_591 = arith.muli %get3A_588, %mul3A_590 : vector<16xi32>
      %add3A_592 = vector.broadcast %arg0 : i32 to vector<16xi32>
      %add3A_593 = arith.addi %mul3A_591, %add3A_592 : vector<16xi32>
      %swap3A_594 = arith.constant 32 : index
      %swap3A_595 = tpu.vector_load %arg9[%swap3A_594] {strides = array<i32>} : memref<80xi32, #tpu.memory_space<vmem>>, vector<16xi32>,
      %swap3A_596 = vector.shape_cast %swap3A_595 : vector<16xi32> to vector<16xi32>
      %swap3A_597 = vector.shape_cast %add3A_593 : vector<16xi32> to vector<16xi32>
      tpu.vector_store %arg9[%swap3A_594], %swap3A_597 {strides = array<i32>} : memref<80xi32, #tpu.memory_space<vmem>>, vector<16xi32>,
      %add3A_598 = arith.constant 32 : i32
      %add3A_599 = arith.addi %mul3A_537, %add3A_598 : i32
      %get3A_600 = arith.index_cast %add3A_599 : i32 to index
      %get3A_601 = tpu.vector_load %arg23[%get3A_600] {strides = array<i32>} : memref<20000xi32, #tpu.memory_space<vmem>>, vector<16xi32>,
      %get3A_602 = vector.shape_cast %get3A_601 : vector<16xi32> to vector<16xi32>
      %swap3A_603 = arith.constant 32 : index
      %swap3A_604 = tpu.vector_load %arg14[%swap3A_603] {strides = array<i32>} : memref<80xi32, #tpu.memory_space<vmem>>, vector<16xi32>,
      %swap3A_605 = vector.shape_cast %swap3A_604 : vector<16xi32> to vector<16xi32>
      %swap3A_606 = vector.shape_cast %get3A_602 : vector<16xi32> to vector<16xi32>
      tpu.vector_store %arg14[%swap3A_603], %swap3A_606 {strides = array<i32>} : memref<80xi32, #tpu.memory_space<vmem>>, vector<16xi32>,
      %add3A_607 = arith.constant 48 : i32
      %add3A_608 = arith.addi %mul3A_537, %add3A_607 : i32
      %get3A_609 = arith.index_cast %add3A_608 : i32 to index
      %get3A_610 = tpu.vector_load %arg22[%get3A_609] {strides = array<i32>} : memref<20000xi32, #tpu.memory_space<vmem>>, vector<16xi32>,
      %get3A_611 = vector.shape_cast %get3A_610 : vector<16xi32> to vector<16xi32>
      %mul3A_612 = arith.constant 2 : i32
      %mul3A_613 = vector.broadcast %mul3A_612 : i32 to vector<16xi32>
      %mul3A_614 = arith.muli %get3A_611, %mul3A_613 : vector<16xi32>
      %add3A_615 = vector.broadcast %arg0 : i32 to vector<16xi32>
      %add3A_616 = arith.addi %mul3A_614, %add3A_615 : vector<16xi32>
      %swap3A_617 = arith.constant 48 : index
      %swap3A_618 = tpu.vector_load %arg9[%swap3A_617] {strides = array<i32>} : memref<80xi32, #tpu.memory_space<vmem>>, vector<16xi32>,
      %swap3A_619 = vector.shape_cast %swap3A_618 : vector<16xi32> to vector<16xi32>
      %swap3A_620 = vector.shape_cast %add3A_616 : vector<16xi32> to vector<16xi32>
      tpu.vector_store %arg9[%swap3A_617], %swap3A_620 {strides = array<i32>} : memref<80xi32, #tpu.memory_space<vmem>>, vector<16xi32>,
      %add3A_621 = arith.constant 48 : i32
      %add3A_622 = arith.addi %mul3A_537, %add3A_621 : i32
      %get3A_623 = arith.index_cast %add3A_622 : i32 to index
      %get3A_624 = tpu.vector_load %arg23[%get3A_623] {strides = array<i32>} : memref<20000xi32, #tpu.memory_space<vmem>>, vector<16xi32>,
      %get3A_625 = vector.shape_cast %get3A_624 : vector<16xi32> to vector<16xi32>
      %swap3A_626 = arith.constant 48 : index
      %swap3A_627 = tpu.vector_load %arg14[%swap3A_626] {strides = array<i32>} : memref<80xi32, #tpu.memory_space<vmem>>, vector<16xi32>,
      %swap3A_628 = vector.shape_cast %swap3A_627 : vector<16xi32> to vector<16xi32>
      %swap3A_629 = vector.shape_cast %get3A_625 : vector<16xi32> to vector<16xi32>
      tpu.vector_store %arg14[%swap3A_626], %swap3A_629 {strides = array<i32>} : memref<80xi32, #tpu.memory_space<vmem>>, vector<16xi32>,
      %add3A_630 = arith.constant 64 : i32
      %add3A_631 = arith.addi %mul3A_537, %add3A_630 : i32
      %get3A_632 = arith.index_cast %add3A_631 : i32 to index
      %get3A_633 = tpu.vector_load %arg22[%get3A_632] {strides = array<i32>} : memref<20000xi32, #tpu.memory_space<vmem>>, vector<16xi32>,
      %get3A_634 = vector.shape_cast %get3A_633 : vector<16xi32> to vector<16xi32>
      %mul3A_635 = arith.constant 2 : i32
      %mul3A_636 = vector.broadcast %mul3A_635 : i32 to vector<16xi32>
      %mul3A_637 = arith.muli %get3A_634, %mul3A_636 : vector<16xi32>
      %add3A_638 = vector.broadcast %arg0 : i32 to vector<16xi32>
      %add3A_639 = arith.addi %mul3A_637, %add3A_638 : vector<16xi32>
      %swap3A_640 = arith.constant 64 : index
      %swap3A_641 = tpu.vector_load %arg9[%swap3A_640] {strides = array<i32>} : memref<80xi32, #tpu.memory_space<vmem>>, vector<16xi32>,
      %swap3A_642 = vector.shape_cast %swap3A_641 : vector<16xi32> to vector<16xi32>
      %swap3A_643 = vector.shape_cast %add3A_639 : vector<16xi32> to vector<16xi32>
      tpu.vector_store %arg9[%swap3A_640], %swap3A_643 {strides = array<i32>} : memref<80xi32, #tpu.memory_space<vmem>>, vector<16xi32>,
      %add3A_644 = arith.constant 64 : i32
      %add3A_645 = arith.addi %mul3A_537, %add3A_644 : i32
      %get3A_646 = arith.index_cast %add3A_645 : i32 to index
      %get3A_647 = tpu.vector_load %arg23[%get3A_646] {strides = array<i32>} : memref<20000xi32, #tpu.memory_space<vmem>>, vector<16xi32>,
      %get3A_648 = vector.shape_cast %get3A_647 : vector<16xi32> to vector<16xi32>
      %swap3A_649 = arith.constant 64 : index
      %swap3A_650 = tpu.vector_load %arg14[%swap3A_649] {strides = array<i32>} : memref<80xi32, #tpu.memory_space<vmem>>, vector<16xi32>,
      %swap3A_651 = vector.shape_cast %swap3A_650 : vector<16xi32> to vector<16xi32>
      %swap3A_652 = vector.shape_cast %get3A_648 : vector<16xi32> to vector<16xi32>
      tpu.vector_store %arg14[%swap3A_649], %swap3A_652 {strides = array<i32>} : memref<80xi32, #tpu.memory_space<vmem>>, vector<16xi32>,
      %dma_start3A_653 = arith.constant 0 : i32
      %dma_start3A_654 = arith.constant 0 : i32
      %dma_start3A_655 = tpu.memref_slice %arg4[%dma_start3A_653, %dma_start3A_654] : memref<20000x64xf32, #tpu.memory_space<hbm>> -> memref<20000x64xf32, #tpu.memory_space<hbm>>
      tpu.enqueue_indirect_dma source(%dma_start3A_655 : memref<20000x64xf32, #tpu.memory_space<hbm>>) target(%arg19 : memref<80x64xf32, #tpu.memory_space<vmem>>) offsets(%arg9 : memref<80xi32, #tpu.memory_space<vmem>>) semaphore(%arg26 : memref<!tpu.dma_semaphore, #tpu.memory_space<semaphore_mem>>)
      %mul3A_656 = arith.constant 5 : i32
      %mul3A_657 = arith.muli %scan3A_284, %mul3A_656 : i32
      %add3A_658 = arith.constant 3 : i32
      %add3A_659 = arith.addi %mul3A_657, %add3A_658 : i32
      %mul3A_660 = arith.constant 80 : i32
      %mul3A_661 = arith.muli %add3A_659, %mul3A_660 : i32
      %add3A_662 = arith.constant 0 : i32
      %add3A_663 = arith.addi %mul3A_661, %add3A_662 : i32
      %get3A_664 = arith.index_cast %add3A_663 : i32 to index
      %get3A_665 = tpu.vector_load %arg22[%get3A_664] {strides = array<i32>} : memref<20000xi32, #tpu.memory_space<vmem>>, vector<16xi32>,
      %get3A_666 = vector.shape_cast %get3A_665 : vector<16xi32> to vector<16xi32>
      %mul3A_667 = arith.constant 2 : i32
      %mul3A_668 = vector.broadcast %mul3A_667 : i32 to vector<16xi32>
      %mul3A_669 = arith.muli %get3A_666, %mul3A_668 : vector<16xi32>
      %add3A_670 = vector.broadcast %arg0 : i32 to vector<16xi32>
      %add3A_671 = arith.addi %mul3A_669, %add3A_670 : vector<16xi32>
      %swap3A_672 = arith.constant 0 : index
      %swap3A_673 = tpu.vector_load %arg10[%swap3A_672] {strides = array<i32>} : memref<80xi32, #tpu.memory_space<vmem>>, vector<16xi32>,
      %swap3A_674 = vector.shape_cast %swap3A_673 : vector<16xi32> to vector<16xi32>
      %swap3A_675 = vector.shape_cast %add3A_671 : vector<16xi32> to vector<16xi32>
      tpu.vector_store %arg10[%swap3A_672], %swap3A_675 {strides = array<i32>} : memref<80xi32, #tpu.memory_space<vmem>>, vector<16xi32>,
      %add3A_676 = arith.constant 0 : i32
      %add3A_677 = arith.addi %mul3A_661, %add3A_676 : i32
      %get3A_678 = arith.index_cast %add3A_677 : i32 to index
      %get3A_679 = tpu.vector_load %arg23[%get3A_678] {strides = array<i32>} : memref<20000xi32, #tpu.memory_space<vmem>>, vector<16xi32>,
      %get3A_680 = vector.shape_cast %get3A_679 : vector<16xi32> to vector<16xi32>
      %swap3A_681 = arith.constant 0 : index
      %swap3A_682 = tpu.vector_load %arg15[%swap3A_681] {strides = array<i32>} : memref<80xi32, #tpu.memory_space<vmem>>, vector<16xi32>,
      %swap3A_683 = vector.shape_cast %swap3A_682 : vector<16xi32> to vector<16xi32>
      %swap3A_684 = vector.shape_cast %get3A_680 : vector<16xi32> to vector<16xi32>
      tpu.vector_store %arg15[%swap3A_681], %swap3A_684 {strides = array<i32>} : memref<80xi32, #tpu.memory_space<vmem>>, vector<16xi32>,
      %add3A_685 = arith.constant 16 : i32
      %add3A_686 = arith.addi %mul3A_661, %add3A_685 : i32
      %get3A_687 = arith.index_cast %add3A_686 : i32 to index
      %get3A_688 = tpu.vector_load %arg22[%get3A_687] {strides = array<i32>} : memref<20000xi32, #tpu.memory_space<vmem>>, vector<16xi32>,
      %get3A_689 = vector.shape_cast %get3A_688 : vector<16xi32> to vector<16xi32>
      %mul3A_690 = arith.constant 2 : i32
      %mul3A_691 = vector.broadcast %mul3A_690 : i32 to vector<16xi32>
      %mul3A_692 = arith.muli %get3A_689, %mul3A_691 : vector<16xi32>
      %add3A_693 = vector.broadcast %arg0 : i32 to vector<16xi32>
      %add3A_694 = arith.addi %mul3A_692, %add3A_693 : vector<16xi32>
      %swap3A_695 = arith.constant 16 : index
      %swap3A_696 = tpu.vector_load %arg10[%swap3A_695] {strides = array<i32>} : memref<80xi32, #tpu.memory_space<vmem>>, vector<16xi32>,
      %swap3A_697 = vector.shape_cast %swap3A_696 : vector<16xi32> to vector<16xi32>
      %swap3A_698 = vector.shape_cast %add3A_694 : vector<16xi32> to vector<16xi32>
      tpu.vector_store %arg10[%swap3A_695], %swap3A_698 {strides = array<i32>} : memref<80xi32, #tpu.memory_space<vmem>>, vector<16xi32>,
      %add3A_699 = arith.constant 16 : i32
      %add3A_700 = arith.addi %mul3A_661, %add3A_699 : i32
      %get3A_701 = arith.index_cast %add3A_700 : i32 to index
      %get3A_702 = tpu.vector_load %arg23[%get3A_701] {strides = array<i32>} : memref<20000xi32, #tpu.memory_space<vmem>>, vector<16xi32>,
      %get3A_703 = vector.shape_cast %get3A_702 : vector<16xi32> to vector<16xi32>
      %swap3A_704 = arith.constant 16 : index
      %swap3A_705 = tpu.vector_load %arg15[%swap3A_704] {strides = array<i32>} : memref<80xi32, #tpu.memory_space<vmem>>, vector<16xi32>,
      %swap3A_706 = vector.shape_cast %swap3A_705 : vector<16xi32> to vector<16xi32>
      %swap3A_707 = vector.shape_cast %get3A_703 : vector<16xi32> to vector<16xi32>
      tpu.vector_store %arg15[%swap3A_704], %swap3A_707 {strides = array<i32>} : memref<80xi32, #tpu.memory_space<vmem>>, vector<16xi32>,
      %add3A_708 = arith.constant 32 : i32
      %add3A_709 = arith.addi %mul3A_661, %add3A_708 : i32
      %get3A_710 = arith.index_cast %add3A_709 : i32 to index
      %get3A_711 = tpu.vector_load %arg22[%get3A_710] {strides = array<i32>} : memref<20000xi32, #tpu.memory_space<vmem>>, vector<16xi32>,
      %get3A_712 = vector.shape_cast %get3A_711 : vector<16xi32> to vector<16xi32>
      %mul3A_713 = arith.constant 2 : i32
      %mul3A_714 = vector.broadcast %mul3A_713 : i32 to vector<16xi32>
      %mul3A_715 = arith.muli %get3A_712, %mul3A_714 : vector<16xi32>
      %add3A_716 = vector.broadcast %arg0 : i32 to vector<16xi32>
      %add3A_717 = arith.addi %mul3A_715, %add3A_716 : vector<16xi32>
      %swap3A_718 = arith.constant 32 : index
      %swap3A_719 = tpu.vector_load %arg10[%swap3A_718] {strides = array<i32>} : memref<80xi32, #tpu.memory_space<vmem>>, vector<16xi32>,
      %swap3A_720 = vector.shape_cast %swap3A_719 : vector<16xi32> to vector<16xi32>
      %swap3A_721 = vector.shape_cast %add3A_717 : vector<16xi32> to vector<16xi32>
      tpu.vector_store %arg10[%swap3A_718], %swap3A_721 {strides = array<i32>} : memref<80xi32, #tpu.memory_space<vmem>>, vector<16xi32>,
      %add3A_722 = arith.constant 32 : i32
      %add3A_723 = arith.addi %mul3A_661, %add3A_722 : i32
      %get3A_724 = arith.index_cast %add3A_723 : i32 to index
      %get3A_725 = tpu.vector_load %arg23[%get3A_724] {strides = array<i32>} : memref<20000xi32, #tpu.memory_space<vmem>>, vector<16xi32>,
      %get3A_726 = vector.shape_cast %get3A_725 : vector<16xi32> to vector<16xi32>
      %swap3A_727 = arith.constant 32 : index
      %swap3A_728 = tpu.vector_load %arg15[%swap3A_727] {strides = array<i32>} : memref<80xi32, #tpu.memory_space<vmem>>, vector<16xi32>,
      %swap3A_729 = vector.shape_cast %swap3A_728 : vector<16xi32> to vector<16xi32>
      %swap3A_730 = vector.shape_cast %get3A_726 : vector<16xi32> to vector<16xi32>
      tpu.vector_store %arg15[%swap3A_727], %swap3A_730 {strides = array<i32>} : memref<80xi32, #tpu.memory_space<vmem>>, vector<16xi32>,
      %add3A_731 = arith.constant 48 : i32
      %add3A_732 = arith.addi %mul3A_661, %add3A_731 : i32
      %get3A_733 = arith.index_cast %add3A_732 : i32 to index
      %get3A_734 = tpu.vector_load %arg22[%get3A_733] {strides = array<i32>} : memref<20000xi32, #tpu.memory_space<vmem>>, vector<16xi32>,
      %get3A_735 = vector.shape_cast %get3A_734 : vector<16xi32> to vector<16xi32>
      %mul3A_736 = arith.constant 2 : i32
      %mul3A_737 = vector.broadcast %mul3A_736 : i32 to vector<16xi32>
      %mul3A_738 = arith.muli %get3A_735, %mul3A_737 : vector<16xi32>
      %add3A_739 = vector.broadcast %arg0 : i32 to vector<16xi32>
      %add3A_740 = arith.addi %mul3A_738, %add3A_739 : vector<16xi32>
      %swap3A_741 = arith.constant 48 : index
      %swap3A_742 = tpu.vector_load %arg10[%swap3A_741] {strides = array<i32>} : memref<80xi32, #tpu.memory_space<vmem>>, vector<16xi32>,
      %swap3A_743 = vector.shape_cast %swap3A_742 : vector<16xi32> to vector<16xi32>
      %swap3A_744 = vector.shape_cast %add3A_740 : vector<16xi32> to vector<16xi32>
      tpu.vector_store %arg10[%swap3A_741], %swap3A_744 {strides = array<i32>} : memref<80xi32, #tpu.memory_space<vmem>>, vector<16xi32>,
      %add3A_745 = arith.constant 48 : i32
      %add3A_746 = arith.addi %mul3A_661, %add3A_745 : i32
      %get3A_747 = arith.index_cast %add3A_746 : i32 to index
      %get3A_748 = tpu.vector_load %arg23[%get3A_747] {strides = array<i32>} : memref<20000xi32, #tpu.memory_space<vmem>>, vector<16xi32>,
      %get3A_749 = vector.shape_cast %get3A_748 : vector<16xi32> to vector<16xi32>
      %swap3A_750 = arith.constant 48 : index
      %swap3A_751 = tpu.vector_load %arg15[%swap3A_750] {strides = array<i32>} : memref<80xi32, #tpu.memory_space<vmem>>, vector<16xi32>,
      %swap3A_752 = vector.shape_cast %swap3A_751 : vector<16xi32> to vector<16xi32>
      %swap3A_753 = vector.shape_cast %get3A_749 : vector<16xi32> to vector<16xi32>
      tpu.vector_store %arg15[%swap3A_750], %swap3A_753 {strides = array<i32>} : memref<80xi32, #tpu.memory_space<vmem>>, vector<16xi32>,
      %add3A_754 = arith.constant 64 : i32
      %add3A_755 = arith.addi %mul3A_661, %add3A_754 : i32
      %get3A_756 = arith.index_cast %add3A_755 : i32 to index
      %get3A_757 = tpu.vector_load %arg22[%get3A_756] {strides = array<i32>} : memref<20000xi32, #tpu.memory_space<vmem>>, vector<16xi32>,
      %get3A_758 = vector.shape_cast %get3A_757 : vector<16xi32> to vector<16xi32>
      %mul3A_759 = arith.constant 2 : i32
      %mul3A_760 = vector.broadcast %mul3A_759 : i32 to vector<16xi32>
      %mul3A_761 = arith.muli %get3A_758, %mul3A_760 : vector<16xi32>
      %add3A_762 = vector.broadcast %arg0 : i32 to vector<16xi32>
      %add3A_763 = arith.addi %mul3A_761, %add3A_762 : vector<16xi32>
      %swap3A_764 = arith.constant 64 : index
      %swap3A_765 = tpu.vector_load %arg10[%swap3A_764] {strides = array<i32>} : memref<80xi32, #tpu.memory_space<vmem>>, vector<16xi32>,
      %swap3A_766 = vector.shape_cast %swap3A_765 : vector<16xi32> to vector<16xi32>
      %swap3A_767 = vector.shape_cast %add3A_763 : vector<16xi32> to vector<16xi32>
      tpu.vector_store %arg10[%swap3A_764], %swap3A_767 {strides = array<i32>} : memref<80xi32, #tpu.memory_space<vmem>>, vector<16xi32>,
      %add3A_768 = arith.constant 64 : i32
      %add3A_769 = arith.addi %mul3A_661, %add3A_768 : i32
      %get3A_770 = arith.index_cast %add3A_769 : i32 to index
      %get3A_771 = tpu.vector_load %arg23[%get3A_770] {strides = array<i32>} : memref<20000xi32, #tpu.memory_space<vmem>>, vector<16xi32>,
      %get3A_772 = vector.shape_cast %get3A_771 : vector<16xi32> to vector<16xi32>
      %swap3A_773 = arith.constant 64 : index
      %swap3A_774 = tpu.vector_load %arg15[%swap3A_773] {strides = array<i32>} : memref<80xi32, #tpu.memory_space<vmem>>, vector<16xi32>,
      %swap3A_775 = vector.shape_cast %swap3A_774 : vector<16xi32> to vector<16xi32>
      %swap3A_776 = vector.shape_cast %get3A_772 : vector<16xi32> to vector<16xi32>
      tpu.vector_store %arg15[%swap3A_773], %swap3A_776 {strides = array<i32>} : memref<80xi32, #tpu.memory_space<vmem>>, vector<16xi32>,
      %dma_start3A_777 = arith.constant 0 : i32
      %dma_start3A_778 = arith.constant 0 : i32
      %dma_start3A_779 = tpu.memref_slice %arg4[%dma_start3A_777, %dma_start3A_778] : memref<20000x64xf32, #tpu.memory_space<hbm>> -> memref<20000x64xf32, #tpu.memory_space<hbm>>
      tpu.enqueue_indirect_dma source(%dma_start3A_779 : memref<20000x64xf32, #tpu.memory_space<hbm>>) target(%arg20 : memref<80x64xf32, #tpu.memory_space<vmem>>) offsets(%arg10 : memref<80xi32, #tpu.memory_space<vmem>>) semaphore(%arg26 : memref<!tpu.dma_semaphore, #tpu.memory_space<semaphore_mem>>)
      %mul3A_780 = arith.constant 5 : i32
      %mul3A_781 = arith.muli %scan3A_284, %mul3A_780 : i32
      %add3A_782 = arith.constant 4 : i32
      %add3A_783 = arith.addi %mul3A_781, %add3A_782 : i32
      %mul3A_784 = arith.constant 80 : i32
      %mul3A_785 = arith.muli %add3A_783, %mul3A_784 : i32
      %add3A_786 = arith.constant 0 : i32
      %add3A_787 = arith.addi %mul3A_785, %add3A_786 : i32
      %get3A_788 = arith.index_cast %add3A_787 : i32 to index
      %get3A_789 = tpu.vector_load %arg22[%get3A_788] {strides = array<i32>} : memref<20000xi32, #tpu.memory_space<vmem>>, vector<16xi32>,
      %get3A_790 = vector.shape_cast %get3A_789 : vector<16xi32> to vector<16xi32>
      %mul3A_791 = arith.constant 2 : i32
      %mul3A_792 = vector.broadcast %mul3A_791 : i32 to vector<16xi32>
      %mul3A_793 = arith.muli %get3A_790, %mul3A_792 : vector<16xi32>
      %add3A_794 = vector.broadcast %arg0 : i32 to vector<16xi32>
      %add3A_795 = arith.addi %mul3A_793, %add3A_794 : vector<16xi32>
      %swap3A_796 = arith.constant 0 : index
      %swap3A_797 = tpu.vector_load %arg11[%swap3A_796] {strides = array<i32>} : memref<80xi32, #tpu.memory_space<vmem>>, vector<16xi32>,
      %swap3A_798 = vector.shape_cast %swap3A_797 : vector<16xi32> to vector<16xi32>
      %swap3A_799 = vector.shape_cast %add3A_795 : vector<16xi32> to vector<16xi32>
      tpu.vector_store %arg11[%swap3A_796], %swap3A_799 {strides = array<i32>} : memref<80xi32, #tpu.memory_space<vmem>>, vector<16xi32>,
      %add3A_800 = arith.constant 0 : i32
      %add3A_801 = arith.addi %mul3A_785, %add3A_800 : i32
      %get3A_802 = arith.index_cast %add3A_801 : i32 to index
      %get3A_803 = tpu.vector_load %arg23[%get3A_802] {strides = array<i32>} : memref<20000xi32, #tpu.memory_space<vmem>>, vector<16xi32>,
      %get3A_804 = vector.shape_cast %get3A_803 : vector<16xi32> to vector<16xi32>
      %swap3A_805 = arith.constant 0 : index
      %swap3A_806 = tpu.vector_load %arg16[%swap3A_805] {strides = array<i32>} : memref<80xi32, #tpu.memory_space<vmem>>, vector<16xi32>,
      %swap3A_807 = vector.shape_cast %swap3A_806 : vector<16xi32> to vector<16xi32>
      %swap3A_808 = vector.shape_cast %get3A_804 : vector<16xi32> to vector<16xi32>
      tpu.vector_store %arg16[%swap3A_805], %swap3A_808 {strides = array<i32>} : memref<80xi32, #tpu.memory_space<vmem>>, vector<16xi32>,
      %add3A_809 = arith.constant 16 : i32
      %add3A_810 = arith.addi %mul3A_785, %add3A_809 : i32
      %get3A_811 = arith.index_cast %add3A_810 : i32 to index
      %get3A_812 = tpu.vector_load %arg22[%get3A_811] {strides = array<i32>} : memref<20000xi32, #tpu.memory_space<vmem>>, vector<16xi32>,
      %get3A_813 = vector.shape_cast %get3A_812 : vector<16xi32> to vector<16xi32>
      %mul3A_814 = arith.constant 2 : i32
      %mul3A_815 = vector.broadcast %mul3A_814 : i32 to vector<16xi32>
      %mul3A_816 = arith.muli %get3A_813, %mul3A_815 : vector<16xi32>
      %add3A_817 = vector.broadcast %arg0 : i32 to vector<16xi32>
      %add3A_818 = arith.addi %mul3A_816, %add3A_817 : vector<16xi32>
      %swap3A_819 = arith.constant 16 : index
      %swap3A_820 = tpu.vector_load %arg11[%swap3A_819] {strides = array<i32>} : memref<80xi32, #tpu.memory_space<vmem>>, vector<16xi32>,
      %swap3A_821 = vector.shape_cast %swap3A_820 : vector<16xi32> to vector<16xi32>
      %swap3A_822 = vector.shape_cast %add3A_818 : vector<16xi32> to vector<16xi32>
      tpu.vector_store %arg11[%swap3A_819], %swap3A_822 {strides = array<i32>} : memref<80xi32, #tpu.memory_space<vmem>>, vector<16xi32>,
      %add3A_823 = arith.constant 16 : i32
      %add3A_824 = arith.addi %mul3A_785, %add3A_823 : i32
      %get3A_825 = arith.index_cast %add3A_824 : i32 to index
      %get3A_826 = tpu.vector_load %arg23[%get3A_825] {strides = array<i32>} : memref<20000xi32, #tpu.memory_space<vmem>>, vector<16xi32>,
      %get3A_827 = vector.shape_cast %get3A_826 : vector<16xi32> to vector<16xi32>
      %swap3A_828 = arith.constant 16 : index
      %swap3A_829 = tpu.vector_load %arg16[%swap3A_828] {strides = array<i32>} : memref<80xi32, #tpu.memory_space<vmem>>, vector<16xi32>,
      %swap3A_830 = vector.shape_cast %swap3A_829 : vector<16xi32> to vector<16xi32>
      %swap3A_831 = vector.shape_cast %get3A_827 : vector<16xi32> to vector<16xi32>
      tpu.vector_store %arg16[%swap3A_828], %swap3A_831 {strides = array<i32>} : memref<80xi32, #tpu.memory_space<vmem>>, vector<16xi32>,
      %add3A_832 = arith.constant 32 : i32
      %add3A_833 = arith.addi %mul3A_785, %add3A_832 : i32
      %get3A_834 = arith.index_cast %add3A_833 : i32 to index
      %get3A_835 = tpu.vector_load %arg22[%get3A_834] {strides = array<i32>} : memref<20000xi32, #tpu.memory_space<vmem>>, vector<16xi32>,
      %get3A_836 = vector.shape_cast %get3A_835 : vector<16xi32> to vector<16xi32>
      %mul3A_837 = arith.constant 2 : i32
      %mul3A_838 = vector.broadcast %mul3A_837 : i32 to vector<16xi32>
      %mul3A_839 = arith.muli %get3A_836, %mul3A_838 : vector<16xi32>
      %add3A_840 = vector.broadcast %arg0 : i32 to vector<16xi32>
      %add3A_841 = arith.addi %mul3A_839, %add3A_840 : vector<16xi32>
      %swap3A_842 = arith.constant 32 : index
      %swap3A_843 = tpu.vector_load %arg11[%swap3A_842] {strides = array<i32>} : memref<80xi32, #tpu.memory_space<vmem>>, vector<16xi32>,
      %swap3A_844 = vector.shape_cast %swap3A_843 : vector<16xi32> to vector<16xi32>
      %swap3A_845 = vector.shape_cast %add3A_841 : vector<16xi32> to vector<16xi32>
      tpu.vector_store %arg11[%swap3A_842], %swap3A_845 {strides = array<i32>} : memref<80xi32, #tpu.memory_space<vmem>>, vector<16xi32>,
      %add3A_846 = arith.constant 32 : i32
      %add3A_847 = arith.addi %mul3A_785, %add3A_846 : i32
      %get3A_848 = arith.index_cast %add3A_847 : i32 to index
      %get3A_849 = tpu.vector_load %arg23[%get3A_848] {strides = array<i32>} : memref<20000xi32, #tpu.memory_space<vmem>>, vector<16xi32>,
      %get3A_850 = vector.shape_cast %get3A_849 : vector<16xi32> to vector<16xi32>
      %swap3A_851 = arith.constant 32 : index
      %swap3A_852 = tpu.vector_load %arg16[%swap3A_851] {strides = array<i32>} : memref<80xi32, #tpu.memory_space<vmem>>, vector<16xi32>,
      %swap3A_853 = vector.shape_cast %swap3A_852 : vector<16xi32> to vector<16xi32>
      %swap3A_854 = vector.shape_cast %get3A_850 : vector<16xi32> to vector<16xi32>
      tpu.vector_store %arg16[%swap3A_851], %swap3A_854 {strides = array<i32>} : memref<80xi32, #tpu.memory_space<vmem>>, vector<16xi32>,
      %add3A_855 = arith.constant 48 : i32
      %add3A_856 = arith.addi %mul3A_785, %add3A_855 : i32
      %get3A_857 = arith.index_cast %add3A_856 : i32 to index
      %get3A_858 = tpu.vector_load %arg22[%get3A_857] {strides = array<i32>} : memref<20000xi32, #tpu.memory_space<vmem>>, vector<16xi32>,
      %get3A_859 = vector.shape_cast %get3A_858 : vector<16xi32> to vector<16xi32>
      %mul3A_860 = arith.constant 2 : i32
      %mul3A_861 = vector.broadcast %mul3A_860 : i32 to vector<16xi32>
      %mul3A_862 = arith.muli %get3A_859, %mul3A_861 : vector<16xi32>
      %add3A_863 = vector.broadcast %arg0 : i32 to vector<16xi32>
      %add3A_864 = arith.addi %mul3A_862, %add3A_863 : vector<16xi32>
      %swap3A_865 = arith.constant 48 : index
      %swap3A_866 = tpu.vector_load %arg11[%swap3A_865] {strides = array<i32>} : memref<80xi32, #tpu.memory_space<vmem>>, vector<16xi32>,
      %swap3A_867 = vector.shape_cast %swap3A_866 : vector<16xi32> to vector<16xi32>
      %swap3A_868 = vector.shape_cast %add3A_864 : vector<16xi32> to vector<16xi32>
      tpu.vector_store %arg11[%swap3A_865], %swap3A_868 {strides = array<i32>} : memref<80xi32, #tpu.memory_space<vmem>>, vector<16xi32>,
      %add3A_869 = arith.constant 48 : i32
      %add3A_870 = arith.addi %mul3A_785, %add3A_869 : i32
      %get3A_871 = arith.index_cast %add3A_870 : i32 to index
      %get3A_872 = tpu.vector_load %arg23[%get3A_871] {strides = array<i32>} : memref<20000xi32, #tpu.memory_space<vmem>>, vector<16xi32>,
      %get3A_873 = vector.shape_cast %get3A_872 : vector<16xi32> to vector<16xi32>
      %swap3A_874 = arith.constant 48 : index
      %swap3A_875 = tpu.vector_load %arg16[%swap3A_874] {strides = array<i32>} : memref<80xi32, #tpu.memory_space<vmem>>, vector<16xi32>,
      %swap3A_876 = vector.shape_cast %swap3A_875 : vector<16xi32> to vector<16xi32>
      %swap3A_877 = vector.shape_cast %get3A_873 : vector<16xi32> to vector<16xi32>
      tpu.vector_store %arg16[%swap3A_874], %swap3A_877 {strides = array<i32>} : memref<80xi32, #tpu.memory_space<vmem>>, vector<16xi32>,
      %add3A_878 = arith.constant 64 : i32
      %add3A_879 = arith.addi %mul3A_785, %add3A_878 : i32
      %get3A_880 = arith.index_cast %add3A_879 : i32 to index
      %get3A_881 = tpu.vector_load %arg22[%get3A_880] {strides = array<i32>} : memref<20000xi32, #tpu.memory_space<vmem>>, vector<16xi32>,
      %get3A_882 = vector.shape_cast %get3A_881 : vector<16xi32> to vector<16xi32>
      %mul3A_883 = arith.constant 2 : i32
      %mul3A_884 = vector.broadcast %mul3A_883 : i32 to vector<16xi32>
      %mul3A_885 = arith.muli %get3A_882, %mul3A_884 : vector<16xi32>
      %add3A_886 = vector.broadcast %arg0 : i32 to vector<16xi32>
      %add3A_887 = arith.addi %mul3A_885, %add3A_886 : vector<16xi32>
      %swap3A_888 = arith.constant 64 : index
      %swap3A_889 = tpu.vector_load %arg11[%swap3A_888] {strides = array<i32>} : memref<80xi32, #tpu.memory_space<vmem>>, vector<16xi32>,
      %swap3A_890 = vector.shape_cast %swap3A_889 : vector<16xi32> to vector<16xi32>
      %swap3A_891 = vector.shape_cast %add3A_887 : vector<16xi32> to vector<16xi32>
      tpu.vector_store %arg11[%swap3A_888], %swap3A_891 {strides = array<i32>} : memref<80xi32, #tpu.memory_space<vmem>>, vector<16xi32>,
      %add3A_892 = arith.constant 64 : i32
      %add3A_893 = arith.addi %mul3A_785, %add3A_892 : i32
      %get3A_894 = arith.index_cast %add3A_893 : i32 to index
      %get3A_895 = tpu.vector_load %arg23[%get3A_894] {strides = array<i32>} : memref<20000xi32, #tpu.memory_space<vmem>>, vector<16xi32>,
      %get3A_896 = vector.shape_cast %get3A_895 : vector<16xi32> to vector<16xi32>
      %swap3A_897 = arith.constant 64 : index
      %swap3A_898 = tpu.vector_load %arg16[%swap3A_897] {strides = array<i32>} : memref<80xi32, #tpu.memory_space<vmem>>, vector<16xi32>,
      %swap3A_899 = vector.shape_cast %swap3A_898 : vector<16xi32> to vector<16xi32>
      %swap3A_900 = vector.shape_cast %get3A_896 : vector<16xi32> to vector<16xi32>
      tpu.vector_store %arg16[%swap3A_897], %swap3A_900 {strides = array<i32>} : memref<80xi32, #tpu.memory_space<vmem>>, vector<16xi32>,
      %dma_start3A_901 = arith.constant 0 : i32
      %dma_start3A_902 = arith.constant 0 : i32
      %dma_start3A_903 = tpu.memref_slice %arg4[%dma_start3A_901, %dma_start3A_902] : memref<20000x64xf32, #tpu.memory_space<hbm>> -> memref<20000x64xf32, #tpu.memory_space<hbm>>
      tpu.enqueue_indirect_dma source(%dma_start3A_903 : memref<20000x64xf32, #tpu.memory_space<hbm>>) target(%arg21 : memref<80x64xf32, #tpu.memory_space<vmem>>) offsets(%arg11 : memref<80xi32, #tpu.memory_space<vmem>>) semaphore(%arg26 : memref<!tpu.dma_semaphore, #tpu.memory_space<semaphore_mem>>)
      %eq3A = arith.constant 0 : i32
      %eq3A_904 = arith.cmpi eq, %arg0, %eq3A : i32
      %lt3A = arith.constant 25 : i32
      %lt3A_905 = arith.cmpi slt, %scan3A_284, %lt3A : i32
      %ge3A = arith.constant 25 : i32
      %ge3A_906 = arith.cmpi sge, %scan3A_284, %ge3A : i32
      %select_n3A = arith.select %eq3A_904, %lt3A_905, %ge3A_906 : i1
      %dma_wait3A_907 = arith.constant 0 : i32
      %dma_wait3A_908 = arith.constant 0 : i32
      %dma_wait3A_909 = tpu.memref_slice %arg4[%dma_wait3A_907, %dma_wait3A_908] : memref<20000x64xf32, #tpu.memory_space<hbm>> -> memref<20000x64xf32, #tpu.memory_space<hbm>>
      tpu.wait_indirect_dma semaphore(%arg26 : memref<!tpu.dma_semaphore, #tpu.memory_space<semaphore_mem>>) src(%dma_wait3A_909 : memref<20000x64xf32, #tpu.memory_space<hbm>>) dst(%arg17 : memref<80x64xf32, #tpu.memory_space<vmem>>)
      %dma_start3A_910 = arith.constant 0 : i32
      %dma_start3A_911 = arith.constant 0 : i32
      %dma_start3A_912 = tpu.memref_slice %arg25[%dma_start3A_910, %dma_start3A_911] : memref<10240x64xf32, #tpu.memory_space<vmem_shared>> -> memref<10240x64xf32, #tpu.memory_space<vmem_shared>>
      tpu.enqueue_indirect_dma source(%arg17 : memref<80x64xf32, #tpu.memory_space<vmem>>) target(%dma_start3A_912 : memref<10240x64xf32, #tpu.memory_space<vmem_shared>>) offsets(%arg12 : memref<80xi32, #tpu.memory_space<vmem>>) semaphore(%arg27 : memref<!tpu.dma_semaphore, #tpu.memory_space<semaphore_mem>>) {add = true}
      %convert_element_type3A = arith.extui %select_n3A : i1 to i32
      %cond3A = arith.constant 0 : i32
      %cond3A_913 = arith.cmpi ne, %convert_element_type3A, %cond3A : i32
      scf.if %cond3A_913 {
        "tpu.region"() ({
          %run_scoped3A = tpu.sem_alloc : memref<!tpu.dma_semaphore, #tpu.memory_space<semaphore_mem>>
          %dma_start3A_966 = arith.constant 0 : i32
          %dma_start3A_967 = arith.constant 0 : i32
          %dma_start3A_968 = tpu.memref_slice %arg31[%dma_start3A_966, %dma_start3A_967] : memref<10240x16xf32, #tpu.memory_space<vmem_shared>> -> memref<10240x16xf32, #tpu.memory_space<vmem_shared>>
          tpu.enqueue_indirect_dma source(%arg29 : memref<80x16xf32, #tpu.memory_space<vmem>>) target(%dma_start3A_968 : memref<10240x16xf32, #tpu.memory_space<vmem_shared>>) offsets(%arg12 : memref<80xi32, #tpu.memory_space<vmem>>) semaphore(%run_scoped3A : memref<!tpu.dma_semaphore, #tpu.memory_space<semaphore_mem>>) {add = true}
          %dma_wait3A_969 = arith.constant 0 : i32
          %dma_wait3A_970 = arith.constant 0 : i32
          %dma_wait3A_971 = tpu.memref_slice %arg31[%dma_wait3A_969, %dma_wait3A_970] : memref<10240x16xf32, #tpu.memory_space<vmem_shared>> -> memref<10240x16xf32, #tpu.memory_space<vmem_shared>>
          tpu.wait_indirect_dma semaphore(%run_scoped3A : memref<!tpu.dma_semaphore, #tpu.memory_space<semaphore_mem>>) src(%arg29 : memref<80x16xf32, #tpu.memory_space<vmem>>) dst(%dma_wait3A_971 : memref<10240x16xf32, #tpu.memory_space<vmem_shared>>)
          tpu.yield
        }) : () -> ()
      } else {
      }
      %dma_wait3A_914 = arith.constant 0 : i32
      %dma_wait3A_915 = arith.constant 0 : i32
      %dma_wait3A_916 = tpu.memref_slice %arg4[%dma_wait3A_914, %dma_wait3A_915] : memref<20000x64xf32, #tpu.memory_space<hbm>> -> memref<20000x64xf32, #tpu.memory_space<hbm>>
      tpu.wait_indirect_dma semaphore(%arg26 : memref<!tpu.dma_semaphore, #tpu.memory_space<semaphore_mem>>) src(%dma_wait3A_916 : memref<20000x64xf32, #tpu.memory_space<hbm>>) dst(%arg18 : memref<80x64xf32, #tpu.memory_space<vmem>>)
      %dma_start3A_917 = arith.constant 0 : i32
      %dma_start3A_918 = arith.constant 0 : i32
      %dma_start3A_919 = tpu.memref_slice %arg25[%dma_start3A_917, %dma_start3A_918] : memref<10240x64xf32, #tpu.memory_space<vmem_shared>> -> memref<10240x64xf32, #tpu.memory_space<vmem_shared>>
      tpu.enqueue_indirect_dma source(%arg18 : memref<80x64xf32, #tpu.memory_space<vmem>>) target(%dma_start3A_919 : memref<10240x64xf32, #tpu.memory_space<vmem_shared>>) offsets(%arg13 : memref<80xi32, #tpu.memory_space<vmem>>) semaphore(%arg27 : memref<!tpu.dma_semaphore, #tpu.memory_space<semaphore_mem>>) {add = true}
      %convert_element_type3A_920 = arith.extui %select_n3A : i1 to i32
      %cond3A_921 = arith.constant 0 : i32
      %cond3A_922 = arith.cmpi ne, %convert_element_type3A_920, %cond3A_921 : i32
      scf.if %cond3A_922 {
        "tpu.region"() ({
          %run_scoped3A = tpu.sem_alloc : memref<!tpu.dma_semaphore, #tpu.memory_space<semaphore_mem>>
          %dma_start3A_966 = arith.constant 0 : i32
          %dma_start3A_967 = arith.constant 0 : i32
          %dma_start3A_968 = tpu.memref_slice %arg31[%dma_start3A_966, %dma_start3A_967] : memref<10240x16xf32, #tpu.memory_space<vmem_shared>> -> memref<10240x16xf32, #tpu.memory_space<vmem_shared>>
          tpu.enqueue_indirect_dma source(%arg29 : memref<80x16xf32, #tpu.memory_space<vmem>>) target(%dma_start3A_968 : memref<10240x16xf32, #tpu.memory_space<vmem_shared>>) offsets(%arg13 : memref<80xi32, #tpu.memory_space<vmem>>) semaphore(%run_scoped3A : memref<!tpu.dma_semaphore, #tpu.memory_space<semaphore_mem>>) {add = true}
          %dma_wait3A_969 = arith.constant 0 : i32
          %dma_wait3A_970 = arith.constant 0 : i32
          %dma_wait3A_971 = tpu.memref_slice %arg31[%dma_wait3A_969, %dma_wait3A_970] : memref<10240x16xf32, #tpu.memory_space<vmem_shared>> -> memref<10240x16xf32, #tpu.memory_space<vmem_shared>>
          tpu.wait_indirect_dma semaphore(%run_scoped3A : memref<!tpu.dma_semaphore, #tpu.memory_space<semaphore_mem>>) src(%arg29 : memref<80x16xf32, #tpu.memory_space<vmem>>) dst(%dma_wait3A_971 : memref<10240x16xf32, #tpu.memory_space<vmem_shared>>)
          tpu.yield
        }) : () -> ()
      } else {
      }
      %dma_wait3A_923 = arith.constant 0 : i32
      %dma_wait3A_924 = arith.constant 0 : i32
      %dma_wait3A_925 = tpu.memref_slice %arg4[%dma_wait3A_923, %dma_wait3A_924] : memref<20000x64xf32, #tpu.memory_space<hbm>> -> memref<20000x64xf32, #tpu.memory_space<hbm>>
      tpu.wait_indirect_dma semaphore(%arg26 : memref<!tpu.dma_semaphore, #tpu.memory_space<semaphore_mem>>) src(%dma_wait3A_925 : memref<20000x64xf32, #tpu.memory_space<hbm>>) dst(%arg19 : memref<80x64xf32, #tpu.memory_space<vmem>>)
      %dma_start3A_926 = arith.constant 0 : i32
      %dma_start3A_927 = arith.constant 0 : i32
      %dma_start3A_928 = tpu.memref_slice %arg25[%dma_start3A_926, %dma_start3A_927] : memref<10240x64xf32, #tpu.memory_space<vmem_shared>> -> memref<10240x64xf32, #tpu.memory_space<vmem_shared>>
      tpu.enqueue_indirect_dma source(%arg19 : memref<80x64xf32, #tpu.memory_space<vmem>>) target(%dma_start3A_928 : memref<10240x64xf32, #tpu.memory_space<vmem_shared>>) offsets(%arg14 : memref<80xi32, #tpu.memory_space<vmem>>) semaphore(%arg27 : memref<!tpu.dma_semaphore, #tpu.memory_space<semaphore_mem>>) {add = true}
      %convert_element_type3A_929 = arith.extui %select_n3A : i1 to i32
      %cond3A_930 = arith.constant 0 : i32
      %cond3A_931 = arith.cmpi ne, %convert_element_type3A_929, %cond3A_930 : i32
      scf.if %cond3A_931 {
        "tpu.region"() ({
          %run_scoped3A = tpu.sem_alloc : memref<!tpu.dma_semaphore, #tpu.memory_space<semaphore_mem>>
          %dma_start3A_966 = arith.constant 0 : i32
          %dma_start3A_967 = arith.constant 0 : i32
          %dma_start3A_968 = tpu.memref_slice %arg31[%dma_start3A_966, %dma_start3A_967] : memref<10240x16xf32, #tpu.memory_space<vmem_shared>> -> memref<10240x16xf32, #tpu.memory_space<vmem_shared>>
          tpu.enqueue_indirect_dma source(%arg29 : memref<80x16xf32, #tpu.memory_space<vmem>>) target(%dma_start3A_968 : memref<10240x16xf32, #tpu.memory_space<vmem_shared>>) offsets(%arg14 : memref<80xi32, #tpu.memory_space<vmem>>) semaphore(%run_scoped3A : memref<!tpu.dma_semaphore, #tpu.memory_space<semaphore_mem>>) {add = true}
          %dma_wait3A_969 = arith.constant 0 : i32
          %dma_wait3A_970 = arith.constant 0 : i32
          %dma_wait3A_971 = tpu.memref_slice %arg31[%dma_wait3A_969, %dma_wait3A_970] : memref<10240x16xf32, #tpu.memory_space<vmem_shared>> -> memref<10240x16xf32, #tpu.memory_space<vmem_shared>>
          tpu.wait_indirect_dma semaphore(%run_scoped3A : memref<!tpu.dma_semaphore, #tpu.memory_space<semaphore_mem>>) src(%arg29 : memref<80x16xf32, #tpu.memory_space<vmem>>) dst(%dma_wait3A_971 : memref<10240x16xf32, #tpu.memory_space<vmem_shared>>)
          tpu.yield
        }) : () -> ()
      } else {
      }
      %dma_wait3A_932 = arith.constant 0 : i32
      %dma_wait3A_933 = arith.constant 0 : i32
      %dma_wait3A_934 = tpu.memref_slice %arg4[%dma_wait3A_932, %dma_wait3A_933] : memref<20000x64xf32, #tpu.memory_space<hbm>> -> memref<20000x64xf32, #tpu.memory_space<hbm>>
      tpu.wait_indirect_dma semaphore(%arg26 : memref<!tpu.dma_semaphore, #tpu.memory_space<semaphore_mem>>) src(%dma_wait3A_934 : memref<20000x64xf32, #tpu.memory_space<hbm>>) dst(%arg20 : memref<80x64xf32, #tpu.memory_space<vmem>>)
      %dma_start3A_935 = arith.constant 0 : i32
      %dma_start3A_936 = arith.constant 0 : i32
      %dma_start3A_937 = tpu.memref_slice %arg25[%dma_start3A_935, %dma_start3A_936] : memref<10240x64xf32, #tpu.memory_space<vmem_shared>> -> memref<10240x64xf32, #tpu.memory_space<vmem_shared>>
      tpu.enqueue_indirect_dma source(%arg20 : memref<80x64xf32, #tpu.memory_space<vmem>>) target(%dma_start3A_937 : memref<10240x64xf32, #tpu.memory_space<vmem_shared>>) offsets(%arg15 : memref<80xi32, #tpu.memory_space<vmem>>) semaphore(%arg27 : memref<!tpu.dma_semaphore, #tpu.memory_space<semaphore_mem>>) {add = true}
      %convert_element_type3A_938 = arith.extui %select_n3A : i1 to i32
      %cond3A_939 = arith.constant 0 : i32
      %cond3A_940 = arith.cmpi ne, %convert_element_type3A_938, %cond3A_939 : i32
      scf.if %cond3A_940 {
        "tpu.region"() ({
          %run_scoped3A = tpu.sem_alloc : memref<!tpu.dma_semaphore, #tpu.memory_space<semaphore_mem>>
          %dma_start3A_966 = arith.constant 0 : i32
          %dma_start3A_967 = arith.constant 0 : i32
          %dma_start3A_968 = tpu.memref_slice %arg31[%dma_start3A_966, %dma_start3A_967] : memref<10240x16xf32, #tpu.memory_space<vmem_shared>> -> memref<10240x16xf32, #tpu.memory_space<vmem_shared>>
          tpu.enqueue_indirect_dma source(%arg29 : memref<80x16xf32, #tpu.memory_space<vmem>>) target(%dma_start3A_968 : memref<10240x16xf32, #tpu.memory_space<vmem_shared>>) offsets(%arg15 : memref<80xi32, #tpu.memory_space<vmem>>) semaphore(%run_scoped3A : memref<!tpu.dma_semaphore, #tpu.memory_space<semaphore_mem>>) {add = true}
          %dma_wait3A_969 = arith.constant 0 : i32
          %dma_wait3A_970 = arith.constant 0 : i32
          %dma_wait3A_971 = tpu.memref_slice %arg31[%dma_wait3A_969, %dma_wait3A_970] : memref<10240x16xf32, #tpu.memory_space<vmem_shared>> -> memref<10240x16xf32, #tpu.memory_space<vmem_shared>>
          tpu.wait_indirect_dma semaphore(%run_scoped3A : memref<!tpu.dma_semaphore, #tpu.memory_space<semaphore_mem>>) src(%arg29 : memref<80x16xf32, #tpu.memory_space<vmem>>) dst(%dma_wait3A_971 : memref<10240x16xf32, #tpu.memory_space<vmem_shared>>)
          tpu.yield
        }) : () -> ()
      } else {
      }
      %dma_wait3A_941 = arith.constant 0 : i32
      %dma_wait3A_942 = arith.constant 0 : i32
      %dma_wait3A_943 = tpu.memref_slice %arg4[%dma_wait3A_941, %dma_wait3A_942] : memref<20000x64xf32, #tpu.memory_space<hbm>> -> memref<20000x64xf32, #tpu.memory_space<hbm>>
      tpu.wait_indirect_dma semaphore(%arg26 : memref<!tpu.dma_semaphore, #tpu.memory_space<semaphore_mem>>) src(%dma_wait3A_943 : memref<20000x64xf32, #tpu.memory_space<hbm>>) dst(%arg21 : memref<80x64xf32, #tpu.memory_space<vmem>>)
      %dma_start3A_944 = arith.constant 0 : i32
      %dma_start3A_945 = arith.constant 0 : i32
      %dma_start3A_946 = tpu.memref_slice %arg25[%dma_start3A_944, %dma_start3A_945] : memref<10240x64xf32, #tpu.memory_space<vmem_shared>> -> memref<10240x64xf32, #tpu.memory_space<vmem_shared>>
      tpu.enqueue_indirect_dma source(%arg21 : memref<80x64xf32, #tpu.memory_space<vmem>>) target(%dma_start3A_946 : memref<10240x64xf32, #tpu.memory_space<vmem_shared>>) offsets(%arg16 : memref<80xi32, #tpu.memory_space<vmem>>) semaphore(%arg27 : memref<!tpu.dma_semaphore, #tpu.memory_space<semaphore_mem>>) {add = true}
      %convert_element_type3A_947 = arith.extui %select_n3A : i1 to i32
      %cond3A_948 = arith.constant 0 : i32
      %cond3A_949 = arith.cmpi ne, %convert_element_type3A_947, %cond3A_948 : i32
      scf.if %cond3A_949 {
        "tpu.region"() ({
          %run_scoped3A = tpu.sem_alloc : memref<!tpu.dma_semaphore, #tpu.memory_space<semaphore_mem>>
          %dma_start3A_966 = arith.constant 0 : i32
          %dma_start3A_967 = arith.constant 0 : i32
          %dma_start3A_968 = tpu.memref_slice %arg31[%dma_start3A_966, %dma_start3A_967] : memref<10240x16xf32, #tpu.memory_space<vmem_shared>> -> memref<10240x16xf32, #tpu.memory_space<vmem_shared>>
          tpu.enqueue_indirect_dma source(%arg29 : memref<80x16xf32, #tpu.memory_space<vmem>>) target(%dma_start3A_968 : memref<10240x16xf32, #tpu.memory_space<vmem_shared>>) offsets(%arg16 : memref<80xi32, #tpu.memory_space<vmem>>) semaphore(%run_scoped3A : memref<!tpu.dma_semaphore, #tpu.memory_space<semaphore_mem>>) {add = true}
          %dma_wait3A_969 = arith.constant 0 : i32
          %dma_wait3A_970 = arith.constant 0 : i32
          %dma_wait3A_971 = tpu.memref_slice %arg31[%dma_wait3A_969, %dma_wait3A_970] : memref<10240x16xf32, #tpu.memory_space<vmem_shared>> -> memref<10240x16xf32, #tpu.memory_space<vmem_shared>>
          tpu.wait_indirect_dma semaphore(%run_scoped3A : memref<!tpu.dma_semaphore, #tpu.memory_space<semaphore_mem>>) src(%arg29 : memref<80x16xf32, #tpu.memory_space<vmem>>) dst(%dma_wait3A_971 : memref<10240x16xf32, #tpu.memory_space<vmem_shared>>)
          tpu.yield
        }) : () -> ()
      } else {
      }
      %dma_wait3A_950 = arith.constant 0 : i32
      %dma_wait3A_951 = arith.constant 0 : i32
      %dma_wait3A_952 = tpu.memref_slice %arg25[%dma_wait3A_950, %dma_wait3A_951] : memref<10240x64xf32, #tpu.memory_space<vmem_shared>> -> memref<10240x64xf32, #tpu.memory_space<vmem_shared>>
      tpu.wait_indirect_dma semaphore(%arg27 : memref<!tpu.dma_semaphore, #tpu.memory_space<semaphore_mem>>) src(%arg17 : memref<80x64xf32, #tpu.memory_space<vmem>>) dst(%dma_wait3A_952 : memref<10240x64xf32, #tpu.memory_space<vmem_shared>>)
      %dma_wait3A_953 = arith.constant 0 : i32
      %dma_wait3A_954 = arith.constant 0 : i32
      %dma_wait3A_955 = tpu.memref_slice %arg25[%dma_wait3A_953, %dma_wait3A_954] : memref<10240x64xf32, #tpu.memory_space<vmem_shared>> -> memref<10240x64xf32, #tpu.memory_space<vmem_shared>>
      tpu.wait_indirect_dma semaphore(%arg27 : memref<!tpu.dma_semaphore, #tpu.memory_space<semaphore_mem>>) src(%arg18 : memref<80x64xf32, #tpu.memory_space<vmem>>) dst(%dma_wait3A_955 : memref<10240x64xf32, #tpu.memory_space<vmem_shared>>)
      %dma_wait3A_956 = arith.constant 0 : i32
      %dma_wait3A_957 = arith.constant 0 : i32
      %dma_wait3A_958 = tpu.memref_slice %arg25[%dma_wait3A_956, %dma_wait3A_957] : memref<10240x64xf32, #tpu.memory_space<vmem_shared>> -> memref<10240x64xf32, #tpu.memory_space<vmem_shared>>
      tpu.wait_indirect_dma semaphore(%arg27 : memref<!tpu.dma_semaphore, #tpu.memory_space<semaphore_mem>>) src(%arg19 : memref<80x64xf32, #tpu.memory_space<vmem>>) dst(%dma_wait3A_958 : memref<10240x64xf32, #tpu.memory_space<vmem_shared>>)
      %dma_wait3A_959 = arith.constant 0 : i32
      %dma_wait3A_960 = arith.constant 0 : i32
      %dma_wait3A_961 = tpu.memref_slice %arg25[%dma_wait3A_959, %dma_wait3A_960] : memref<10240x64xf32, #tpu.memory_space<vmem_shared>> -> memref<10240x64xf32, #tpu.memory_space<vmem_shared>>
      tpu.wait_indirect_dma semaphore(%arg27 : memref<!tpu.dma_semaphore, #tpu.memory_space<semaphore_mem>>) src(%arg20 : memref<80x64xf32, #tpu.memory_space<vmem>>) dst(%dma_wait3A_961 : memref<10240x64xf32, #tpu.memory_space<vmem_shared>>)
      %dma_wait3A_962 = arith.constant 0 : i32
      %dma_wait3A_963 = arith.constant 0 : i32
      %dma_wait3A_964 = tpu.memref_slice %arg25[%dma_wait3A_962, %dma_wait3A_963] : memref<10240x64xf32, #tpu.memory_space<vmem_shared>> -> memref<10240x64xf32, #tpu.memory_space<vmem_shared>>
      tpu.wait_indirect_dma semaphore(%arg27 : memref<!tpu.dma_semaphore, #tpu.memory_space<semaphore_mem>>) src(%arg21 : memref<80x64xf32, #tpu.memory_space<vmem>>) dst(%dma_wait3A_964 : memref<10240x64xf32, #tpu.memory_space<vmem_shared>>)
      %scan3A_965 = arith.constant 0 : i32
      scf.yield %scan3A_965 : i32
    }
    %scan3A_274 = arith.constant 50 : i32
    %barrier3A_275 = arith.constant 0 : index
    tpu.barrier barrier_id(%barrier3A_275)
    %mul3A_276 = arith.constant 640 : i32
    %mul3A_277 = arith.muli %arg1, %mul3A_276 : i32
    %mul3A_278 = arith.constant 640 : i32
    %mul3A_279 = arith.muli %arg1, %mul3A_278 : i32
    "tpu.region"() ({
      %run_scoped3A = tpu.sem_alloc : memref<!tpu.dma_semaphore, #tpu.memory_space<semaphore_mem>>
      %dma_start3A_284 = arith.constant 0 : i32
      %dma_start3A_285 = tpu.memref_slice %arg5[%arg0, %mul3A_279, %dma_start3A_284] : memref<2x10240x64xf32, #tpu.memory_space<hbm>> -> memref<1x640x64xf32, #tpu.memory_space<hbm>>
      %dma_start3A_286 = tpu.memref_squeeze %dma_start3A_285 : memref<1x640x64xf32, #tpu.memory_space<hbm>> -> memref<640x64xf32, #tpu.memory_space<hbm>>
      %dma_start3A_287 = arith.constant 0 : i32
      %dma_start3A_288 = tpu.memref_slice %arg25[%mul3A_277, %dma_start3A_287] : memref<10240x64xf32, #tpu.memory_space<vmem_shared>> -> memref<640x64xf32, #tpu.memory_space<vmem_shared>>
      tpu.enqueue_dma source(%dma_start3A_288 : memref<640x64xf32, #tpu.memory_space<vmem_shared>>) target(%dma_start3A_286 : memref<640x64xf32, #tpu.memory_space<hbm>>) target_semaphore(%run_scoped3A : memref<!tpu.dma_semaphore, #tpu.memory_space<semaphore_mem>>)
      %dma_wait3A_289 = arith.constant 0 : i32
      %dma_wait3A_290 = tpu.memref_slice %arg5[%arg0, %mul3A_279, %dma_wait3A_289] : memref<2x10240x64xf32, #tpu.memory_space<hbm>> -> memref<1x640x64xf32, #tpu.memory_space<hbm>>
      %dma_wait3A_291 = tpu.memref_squeeze %dma_wait3A_290 : memref<1x640x64xf32, #tpu.memory_space<hbm>> -> memref<640x64xf32, #tpu.memory_space<hbm>>
      %dma_wait3A_292 = arith.constant 0 : i32
      %dma_wait3A_293 = tpu.memref_slice %arg25[%mul3A_277, %dma_wait3A_292] : memref<10240x64xf32, #tpu.memory_space<vmem_shared>> -> memref<640x64xf32, #tpu.memory_space<vmem_shared>>
      tpu.wait_dma2 semaphore(%run_scoped3A : memref<!tpu.dma_semaphore, #tpu.memory_space<semaphore_mem>>) src(%dma_wait3A_293 : memref<640x64xf32, #tpu.memory_space<vmem_shared>>) dst(%dma_wait3A_291 : memref<640x64xf32, #tpu.memory_space<hbm>>)
      tpu.yield
    }) : () -> ()
    %mul3A_280 = arith.constant 640 : i32
    %mul3A_281 = arith.muli %arg1, %mul3A_280 : i32
    %mul3A_282 = arith.constant 640 : i32
    %mul3A_283 = arith.muli %arg1, %mul3A_282 : i32
    "tpu.region"() ({
      %run_scoped3A = tpu.sem_alloc : memref<!tpu.dma_semaphore, #tpu.memory_space<semaphore_mem>>
      %dma_start3A_284 = arith.constant 0 : i32
      %dma_start3A_285 = tpu.memref_slice %arg6[%arg0, %mul3A_283, %dma_start3A_284] : memref<2x10240x16xf32, #tpu.memory_space<hbm>> -> memref<1x640x16xf32, #tpu.memory_space<hbm>>
      %dma_start3A_286 = tpu.memref_squeeze %dma_start3A_285 : memref<1x640x16xf32, #tpu.memory_space<hbm>> -> memref<640x16xf32, #tpu.memory_space<hbm>>
      %dma_start3A_287 = arith.constant 0 : i32
      %dma_start3A_288 = tpu.memref_slice %arg31[%mul3A_281, %dma_start3A_287] : memref<10240x16xf32, #tpu.memory_space<vmem_shared>> -> memref<640x16xf32, #tpu.memory_space<vmem_shared>>
      tpu.enqueue_dma source(%dma_start3A_288 : memref<640x16xf32, #tpu.memory_space<vmem_shared>>) target(%dma_start3A_286 : memref<640x16xf32, #tpu.memory_space<hbm>>) target_semaphore(%run_scoped3A : memref<!tpu.dma_semaphore, #tpu.memory_space<semaphore_mem>>)
      %dma_wait3A_289 = arith.constant 0 : i32
      %dma_wait3A_290 = tpu.memref_slice %arg6[%arg0, %mul3A_283, %dma_wait3A_289] : memref<2x10240x16xf32, #tpu.memory_space<hbm>> -> memref<1x640x16xf32, #tpu.memory_space<hbm>>
      %dma_wait3A_291 = tpu.memref_squeeze %dma_wait3A_290 : memref<1x640x16xf32, #tpu.memory_space<hbm>> -> memref<640x16xf32, #tpu.memory_space<hbm>>
      %dma_wait3A_292 = arith.constant 0 : i32
      %dma_wait3A_293 = tpu.memref_slice %arg31[%mul3A_281, %dma_wait3A_292] : memref<10240x16xf32, #tpu.memory_space<vmem_shared>> -> memref<640x16xf32, #tpu.memory_space<vmem_shared>>
      tpu.wait_dma2 semaphore(%run_scoped3A : memref<!tpu.dma_semaphore, #tpu.memory_space<semaphore_mem>>) src(%dma_wait3A_293 : memref<640x16xf32, #tpu.memory_space<vmem_shared>>) dst(%dma_wait3A_291 : memref<640x16xf32, #tpu.memory_space<hbm>>)
      tpu.yield
    }) : () -> ()
    return
  }
}

#map = affine_map<(d0, d1) -> (0)>
#map1 = affine_map<(d0, d1) -> (0, 0)>
#map2 = affine_map<(d0, d1) -> (0, 0, 0)>
module attributes {stable_mosaic.version = 14 : i64} {
  func.func @body(%arg0: i32, %arg1: i32, %arg2: memref<320000xi32, #tpu.memory_space<hbm>>, %arg3: memref<320000xi32, #tpu.memory_space<hbm>>, %arg4: memref<20000x32xf32, #tpu.memory_space<hbm>>, %arg5: memref<2x10240x32xf32, #tpu.memory_space<hbm>>, %arg6: memref<80xi32, #tpu.memory_space<vmem>>, %arg7: memref<80xi32, #tpu.memory_space<vmem>>, %arg8: memref<80xi32, #tpu.memory_space<vmem>>, %arg9: memref<80xi32, #tpu.memory_space<vmem>>, %arg10: memref<80xi32, #tpu.memory_space<vmem>>, %arg11: memref<80xi32, #tpu.memory_space<vmem>>, %arg12: memref<80xi32, #tpu.memory_space<vmem>>, %arg13: memref<80xi32, #tpu.memory_space<vmem>>, %arg14: memref<80xi32, #tpu.memory_space<vmem>>, %arg15: memref<80xi32, #tpu.memory_space<vmem>>, %arg16: memref<80x32xf32, #tpu.memory_space<vmem>>, %arg17: memref<80x32xf32, #tpu.memory_space<vmem>>, %arg18: memref<80x32xf32, #tpu.memory_space<vmem>>, %arg19: memref<80x32xf32, #tpu.memory_space<vmem>>, %arg20: memref<80x32xf32, #tpu.memory_space<vmem>>, %arg21: memref<20000xi32, #tpu.memory_space<vmem>>, %arg22: memref<20000xi32, #tpu.memory_space<vmem>>, %arg23: memref<64x32xf32, #tpu.memory_space<vmem>>, %arg24: memref<10240x32xf32, #tpu.memory_space<vmem_shared>>, %arg25: memref<!tpu.dma_semaphore, #tpu.memory_space<semaphore_mem>>, %arg26: memref<!tpu.dma_semaphore, #tpu.memory_space<semaphore_mem>>, %arg27: memref<!tpu.dma_semaphore, #tpu.memory_space<semaphore_mem>>) attributes {dimension_semantics = [#tpu.dimension_semantics<core_parallel>, #tpu.dimension_semantics<subcore_parallel>], iteration_bounds = array<i64: 2, 16>, scalar_prefetch = 0 : i64, scratch_operands = 22 : i64, tpu.core_type = #tpu.core_type<sc_vector_subcore>, window_params = [{transform_indices = #map}, {transform_indices = #map}, {transform_indices = #map1}, {transform_indices = #map2}]} {
    %mul3A = arith.constant 20000 : i32
    %mul3A_0 = arith.muli %arg1, %mul3A : i32
    %dma_start3A = tpu.memref_slice %arg2[%mul3A_0] : memref<320000xi32, #tpu.memory_space<hbm>> -> memref<20000xi32, #tpu.memory_space<hbm>>
    %dma_start3A_1 = tpu.memref_slice %arg2[%mul3A_0] : memref<320000xi32, #tpu.memory_space<hbm>> -> memref<20000xi32, #tpu.memory_space<hbm>>
    tpu.enqueue_dma source(%dma_start3A_1 : memref<20000xi32, #tpu.memory_space<hbm>>) target(%arg21 : memref<20000xi32, #tpu.memory_space<vmem>>) target_semaphore(%arg25 : memref<!tpu.dma_semaphore, #tpu.memory_space<semaphore_mem>>)
    %mul3A_2 = arith.constant 20000 : i32
    %mul3A_3 = arith.muli %arg1, %mul3A_2 : i32
    %dma_start3A_4 = tpu.memref_slice %arg3[%mul3A_3] : memref<320000xi32, #tpu.memory_space<hbm>> -> memref<20000xi32, #tpu.memory_space<hbm>>
    %dma_start3A_5 = tpu.memref_slice %arg3[%mul3A_3] : memref<320000xi32, #tpu.memory_space<hbm>> -> memref<20000xi32, #tpu.memory_space<hbm>>
    tpu.enqueue_dma source(%dma_start3A_5 : memref<20000xi32, #tpu.memory_space<hbm>>) target(%arg22 : memref<20000xi32, #tpu.memory_space<vmem>>) target_semaphore(%arg25 : memref<!tpu.dma_semaphore, #tpu.memory_space<semaphore_mem>>)
    %scan3A = arith.constant 0 : i32
    %scan3A_6 = arith.constant 0 : i32
    %scan3A_7 = arith.constant 128 : i32
    %scan3A_8 = arith.addi %scan3A_6, %scan3A_7 : i32
    %scan3A_9 = arith.constant 1 : i32
    %scan3A_10 = scf.for %scan3A_146 = %scan3A_6 to %scan3A_8 step %scan3A_9 iter_args(%scan3A_147 = %scan3A) -> (i32)  : i32 {
      %jit3A = arith.constant 2 : i32
      %div3A = arith.divsi %scan3A_146, %jit3A : i32
      %sign3A = arith.constant 0 : i32
      %sign3A_148 = arith.cmpi sgt, %scan3A_146, %sign3A : i32
      %sign3A_149 = arith.extui %sign3A_148 : i1 to i32
      %sign3A_150 = arith.constant 0 : i32
      %sign3A_151 = arith.cmpi slt, %scan3A_146, %sign3A_150 : i32
      %sign3A_152 = arith.extui %sign3A_151 : i1 to i32
      %sign3A_153 = arith.subi %sign3A_149, %sign3A_152 : i32
      %sign3A_154 = arith.constant 0 : i32
      %sign3A_155 = arith.cmpi sgt, %jit3A, %sign3A_154 : i32
      %sign3A_156 = arith.extui %sign3A_155 : i1 to i32
      %sign3A_157 = arith.constant 0 : i32
      %sign3A_158 = arith.cmpi slt, %jit3A, %sign3A_157 : i32
      %sign3A_159 = arith.extui %sign3A_158 : i1 to i32
      %sign3A_160 = arith.subi %sign3A_156, %sign3A_159 : i32
      %ne3A = arith.cmpi ne, %sign3A_153, %sign3A_160 : i32
      %rem3A = arith.remsi %scan3A_146, %jit3A : i32
      %ne3A_161 = arith.constant 0 : i32
      %ne3A_162 = arith.cmpi ne, %rem3A, %ne3A_161 : i32
      %and3A = arith.andi %ne3A, %ne3A_162 : i1
      %sub3A = arith.constant 1 : i32
      %sub3A_163 = arith.subi %div3A, %sub3A : i32
      %select_n3A = arith.select %and3A, %sub3A_163, %div3A : i32
      %jit3A_164 = arith.constant 2 : i32
      %eq3A = arith.constant 0 : i32
      %eq3A_165 = arith.cmpi eq, %jit3A_164, %eq3A : i32
      %jit3A_166 = arith.constant 1 : i32
      %select_n3A_167 = arith.select %eq3A_165, %jit3A_166, %jit3A_164 : i32
      %rem3A_168 = arith.remsi %scan3A_146, %select_n3A_167 : i32
      %ne3A_169 = arith.constant 0 : i32
      %ne3A_170 = arith.cmpi ne, %rem3A_168, %ne3A_169 : i32
      %lt3A = arith.constant 0 : i32
      %lt3A_171 = arith.cmpi slt, %rem3A_168, %lt3A : i32
      %lt3A_172 = arith.constant 0 : i32
      %lt3A_173 = arith.cmpi slt, %select_n3A_167, %lt3A_172 : i32
      %ne3A_174 = arith.xori %lt3A_171, %lt3A_173 : i1
      %and3A_175 = arith.andi %ne3A_174, %ne3A_170 : i1
      %add3A_176 = arith.addi %rem3A_168, %select_n3A_167 : i32
      %select_n3A_177 = arith.select %and3A_175, %add3A_176, %rem3A_168 : i32
      %broadcast_in_dim3A = arith.constant 0.000000e+00 : f32
      %broadcast_in_dim3A_178 = vector.broadcast %broadcast_in_dim3A : f32 to vector<16xf32>
      %mul3A_179 = arith.constant 16 : i32
      %mul3A_180 = arith.muli %select_n3A_177, %mul3A_179 : i32
      %swap3A = arith.index_cast %select_n3A : i32 to index
      %swap3A_181 = arith.index_cast %mul3A_180 : i32 to index
      %swap3A_182 = tpu.vector_load %arg23[%swap3A, %swap3A_181] {strides = array<i32>} : memref<64x32xf32, #tpu.memory_space<vmem>>, vector<1x16xf32>,
      %swap3A_183 = vector.shape_cast %swap3A_182 : vector<1x16xf32> to vector<16xf32>
      %swap3A_184 = vector.shape_cast %broadcast_in_dim3A_178 : vector<16xf32> to vector<1x16xf32>
      tpu.vector_store %arg23[%swap3A, %swap3A_181], %swap3A_184 {strides = array<i32>} : memref<64x32xf32, #tpu.memory_space<vmem>>, vector<1x16xf32>,
      %scan3A_185 = arith.constant 0 : i32
      scf.yield %scan3A_185 : i32
    }
    %scan3A_11 = arith.constant 128 : i32
    %mul3A_12 = arith.constant 640 : i32
    %mul3A_13 = arith.muli %arg1, %mul3A_12 : i32
    %add3A = arith.constant 0 : i32
    %add3A_14 = arith.addi %mul3A_13, %add3A : i32
    %dma_start3A_15 = arith.constant 0 : i32
    %dma_start3A_16 = tpu.memref_slice %arg24[%add3A_14, %dma_start3A_15] : memref<10240x32xf32, #tpu.memory_space<vmem_shared>> -> memref<64x32xf32, #tpu.memory_space<vmem_shared>>
    %dma_start3A_17 = arith.constant 0 : i32
    %dma_start3A_18 = tpu.memref_slice %arg24[%add3A_14, %dma_start3A_17] : memref<10240x32xf32, #tpu.memory_space<vmem_shared>> -> memref<64x32xf32, #tpu.memory_space<vmem_shared>>
    tpu.enqueue_dma source(%arg23 : memref<64x32xf32, #tpu.memory_space<vmem>>) target(%dma_start3A_18 : memref<64x32xf32, #tpu.memory_space<vmem_shared>>) target_semaphore(%arg26 : memref<!tpu.dma_semaphore, #tpu.memory_space<semaphore_mem>>)
    %mul3A_19 = arith.constant 640 : i32
    %mul3A_20 = arith.muli %arg1, %mul3A_19 : i32
    %add3A_21 = arith.constant 64 : i32
    %add3A_22 = arith.addi %mul3A_20, %add3A_21 : i32
    %dma_start3A_23 = arith.constant 0 : i32
    %dma_start3A_24 = tpu.memref_slice %arg24[%add3A_22, %dma_start3A_23] : memref<10240x32xf32, #tpu.memory_space<vmem_shared>> -> memref<64x32xf32, #tpu.memory_space<vmem_shared>>
    %dma_start3A_25 = arith.constant 0 : i32
    %dma_start3A_26 = tpu.memref_slice %arg24[%add3A_22, %dma_start3A_25] : memref<10240x32xf32, #tpu.memory_space<vmem_shared>> -> memref<64x32xf32, #tpu.memory_space<vmem_shared>>
    tpu.enqueue_dma source(%arg23 : memref<64x32xf32, #tpu.memory_space<vmem>>) target(%dma_start3A_26 : memref<64x32xf32, #tpu.memory_space<vmem_shared>>) target_semaphore(%arg26 : memref<!tpu.dma_semaphore, #tpu.memory_space<semaphore_mem>>)
    %mul3A_27 = arith.constant 640 : i32
    %mul3A_28 = arith.muli %arg1, %mul3A_27 : i32
    %add3A_29 = arith.constant 128 : i32
    %add3A_30 = arith.addi %mul3A_28, %add3A_29 : i32
    %dma_start3A_31 = arith.constant 0 : i32
    %dma_start3A_32 = tpu.memref_slice %arg24[%add3A_30, %dma_start3A_31] : memref<10240x32xf32, #tpu.memory_space<vmem_shared>> -> memref<64x32xf32, #tpu.memory_space<vmem_shared>>
    %dma_start3A_33 = arith.constant 0 : i32
    %dma_start3A_34 = tpu.memref_slice %arg24[%add3A_30, %dma_start3A_33] : memref<10240x32xf32, #tpu.memory_space<vmem_shared>> -> memref<64x32xf32, #tpu.memory_space<vmem_shared>>
    tpu.enqueue_dma source(%arg23 : memref<64x32xf32, #tpu.memory_space<vmem>>) target(%dma_start3A_34 : memref<64x32xf32, #tpu.memory_space<vmem_shared>>) target_semaphore(%arg26 : memref<!tpu.dma_semaphore, #tpu.memory_space<semaphore_mem>>)
    %mul3A_35 = arith.constant 640 : i32
    %mul3A_36 = arith.muli %arg1, %mul3A_35 : i32
    %add3A_37 = arith.constant 192 : i32
    %add3A_38 = arith.addi %mul3A_36, %add3A_37 : i32
    %dma_start3A_39 = arith.constant 0 : i32
    %dma_start3A_40 = tpu.memref_slice %arg24[%add3A_38, %dma_start3A_39] : memref<10240x32xf32, #tpu.memory_space<vmem_shared>> -> memref<64x32xf32, #tpu.memory_space<vmem_shared>>
    %dma_start3A_41 = arith.constant 0 : i32
    %dma_start3A_42 = tpu.memref_slice %arg24[%add3A_38, %dma_start3A_41] : memref<10240x32xf32, #tpu.memory_space<vmem_shared>> -> memref<64x32xf32, #tpu.memory_space<vmem_shared>>
    tpu.enqueue_dma source(%arg23 : memref<64x32xf32, #tpu.memory_space<vmem>>) target(%dma_start3A_42 : memref<64x32xf32, #tpu.memory_space<vmem_shared>>) target_semaphore(%arg26 : memref<!tpu.dma_semaphore, #tpu.memory_space<semaphore_mem>>)
    %mul3A_43 = arith.constant 640 : i32
    %mul3A_44 = arith.muli %arg1, %mul3A_43 : i32
    %add3A_45 = arith.constant 256 : i32
    %add3A_46 = arith.addi %mul3A_44, %add3A_45 : i32
    %dma_start3A_47 = arith.constant 0 : i32
    %dma_start3A_48 = tpu.memref_slice %arg24[%add3A_46, %dma_start3A_47] : memref<10240x32xf32, #tpu.memory_space<vmem_shared>> -> memref<64x32xf32, #tpu.memory_space<vmem_shared>>
    %dma_start3A_49 = arith.constant 0 : i32
    %dma_start3A_50 = tpu.memref_slice %arg24[%add3A_46, %dma_start3A_49] : memref<10240x32xf32, #tpu.memory_space<vmem_shared>> -> memref<64x32xf32, #tpu.memory_space<vmem_shared>>
    tpu.enqueue_dma source(%arg23 : memref<64x32xf32, #tpu.memory_space<vmem>>) target(%dma_start3A_50 : memref<64x32xf32, #tpu.memory_space<vmem_shared>>) target_semaphore(%arg26 : memref<!tpu.dma_semaphore, #tpu.memory_space<semaphore_mem>>)
    %mul3A_51 = arith.constant 640 : i32
    %mul3A_52 = arith.muli %arg1, %mul3A_51 : i32
    %add3A_53 = arith.constant 320 : i32
    %add3A_54 = arith.addi %mul3A_52, %add3A_53 : i32
    %dma_start3A_55 = arith.constant 0 : i32
    %dma_start3A_56 = tpu.memref_slice %arg24[%add3A_54, %dma_start3A_55] : memref<10240x32xf32, #tpu.memory_space<vmem_shared>> -> memref<64x32xf32, #tpu.memory_space<vmem_shared>>
    %dma_start3A_57 = arith.constant 0 : i32
    %dma_start3A_58 = tpu.memref_slice %arg24[%add3A_54, %dma_start3A_57] : memref<10240x32xf32, #tpu.memory_space<vmem_shared>> -> memref<64x32xf32, #tpu.memory_space<vmem_shared>>
    tpu.enqueue_dma source(%arg23 : memref<64x32xf32, #tpu.memory_space<vmem>>) target(%dma_start3A_58 : memref<64x32xf32, #tpu.memory_space<vmem_shared>>) target_semaphore(%arg26 : memref<!tpu.dma_semaphore, #tpu.memory_space<semaphore_mem>>)
    %mul3A_59 = arith.constant 640 : i32
    %mul3A_60 = arith.muli %arg1, %mul3A_59 : i32
    %add3A_61 = arith.constant 384 : i32
    %add3A_62 = arith.addi %mul3A_60, %add3A_61 : i32
    %dma_start3A_63 = arith.constant 0 : i32
    %dma_start3A_64 = tpu.memref_slice %arg24[%add3A_62, %dma_start3A_63] : memref<10240x32xf32, #tpu.memory_space<vmem_shared>> -> memref<64x32xf32, #tpu.memory_space<vmem_shared>>
    %dma_start3A_65 = arith.constant 0 : i32
    %dma_start3A_66 = tpu.memref_slice %arg24[%add3A_62, %dma_start3A_65] : memref<10240x32xf32, #tpu.memory_space<vmem_shared>> -> memref<64x32xf32, #tpu.memory_space<vmem_shared>>
    tpu.enqueue_dma source(%arg23 : memref<64x32xf32, #tpu.memory_space<vmem>>) target(%dma_start3A_66 : memref<64x32xf32, #tpu.memory_space<vmem_shared>>) target_semaphore(%arg26 : memref<!tpu.dma_semaphore, #tpu.memory_space<semaphore_mem>>)
    %mul3A_67 = arith.constant 640 : i32
    %mul3A_68 = arith.muli %arg1, %mul3A_67 : i32
    %add3A_69 = arith.constant 448 : i32
    %add3A_70 = arith.addi %mul3A_68, %add3A_69 : i32
    %dma_start3A_71 = arith.constant 0 : i32
    %dma_start3A_72 = tpu.memref_slice %arg24[%add3A_70, %dma_start3A_71] : memref<10240x32xf32, #tpu.memory_space<vmem_shared>> -> memref<64x32xf32, #tpu.memory_space<vmem_shared>>
    %dma_start3A_73 = arith.constant 0 : i32
    %dma_start3A_74 = tpu.memref_slice %arg24[%add3A_70, %dma_start3A_73] : memref<10240x32xf32, #tpu.memory_space<vmem_shared>> -> memref<64x32xf32, #tpu.memory_space<vmem_shared>>
    tpu.enqueue_dma source(%arg23 : memref<64x32xf32, #tpu.memory_space<vmem>>) target(%dma_start3A_74 : memref<64x32xf32, #tpu.memory_space<vmem_shared>>) target_semaphore(%arg26 : memref<!tpu.dma_semaphore, #tpu.memory_space<semaphore_mem>>)
    %mul3A_75 = arith.constant 640 : i32
    %mul3A_76 = arith.muli %arg1, %mul3A_75 : i32
    %add3A_77 = arith.constant 512 : i32
    %add3A_78 = arith.addi %mul3A_76, %add3A_77 : i32
    %dma_start3A_79 = arith.constant 0 : i32
    %dma_start3A_80 = tpu.memref_slice %arg24[%add3A_78, %dma_start3A_79] : memref<10240x32xf32, #tpu.memory_space<vmem_shared>> -> memref<64x32xf32, #tpu.memory_space<vmem_shared>>
    %dma_start3A_81 = arith.constant 0 : i32
    %dma_start3A_82 = tpu.memref_slice %arg24[%add3A_78, %dma_start3A_81] : memref<10240x32xf32, #tpu.memory_space<vmem_shared>> -> memref<64x32xf32, #tpu.memory_space<vmem_shared>>
    tpu.enqueue_dma source(%arg23 : memref<64x32xf32, #tpu.memory_space<vmem>>) target(%dma_start3A_82 : memref<64x32xf32, #tpu.memory_space<vmem_shared>>) target_semaphore(%arg26 : memref<!tpu.dma_semaphore, #tpu.memory_space<semaphore_mem>>)
    %mul3A_83 = arith.constant 640 : i32
    %mul3A_84 = arith.muli %arg1, %mul3A_83 : i32
    %add3A_85 = arith.constant 576 : i32
    %add3A_86 = arith.addi %mul3A_84, %add3A_85 : i32
    %dma_start3A_87 = arith.constant 0 : i32
    %dma_start3A_88 = tpu.memref_slice %arg24[%add3A_86, %dma_start3A_87] : memref<10240x32xf32, #tpu.memory_space<vmem_shared>> -> memref<64x32xf32, #tpu.memory_space<vmem_shared>>
    %dma_start3A_89 = arith.constant 0 : i32
    %dma_start3A_90 = tpu.memref_slice %arg24[%add3A_86, %dma_start3A_89] : memref<10240x32xf32, #tpu.memory_space<vmem_shared>> -> memref<64x32xf32, #tpu.memory_space<vmem_shared>>
    tpu.enqueue_dma source(%arg23 : memref<64x32xf32, #tpu.memory_space<vmem>>) target(%dma_start3A_90 : memref<64x32xf32, #tpu.memory_space<vmem_shared>>) target_semaphore(%arg26 : memref<!tpu.dma_semaphore, #tpu.memory_space<semaphore_mem>>)
    %dma_wait3A = arith.constant 0 : i32
    %dma_wait3A_91 = tpu.memref_slice %arg24[%add3A_14, %dma_wait3A] : memref<10240x32xf32, #tpu.memory_space<vmem_shared>> -> memref<64x32xf32, #tpu.memory_space<vmem_shared>>
    %dma_wait3A_92 = arith.constant 0 : i32
    %dma_wait3A_93 = tpu.memref_slice %arg24[%add3A_14, %dma_wait3A_92] : memref<10240x32xf32, #tpu.memory_space<vmem_shared>> -> memref<64x32xf32, #tpu.memory_space<vmem_shared>>
    tpu.wait_dma2 semaphore(%arg26 : memref<!tpu.dma_semaphore, #tpu.memory_space<semaphore_mem>>) src(%arg23 : memref<64x32xf32, #tpu.memory_space<vmem>>) dst(%dma_wait3A_93 : memref<64x32xf32, #tpu.memory_space<vmem_shared>>)
    %dma_wait3A_94 = arith.constant 0 : i32
    %dma_wait3A_95 = tpu.memref_slice %arg24[%add3A_22, %dma_wait3A_94] : memref<10240x32xf32, #tpu.memory_space<vmem_shared>> -> memref<64x32xf32, #tpu.memory_space<vmem_shared>>
    %dma_wait3A_96 = arith.constant 0 : i32
    %dma_wait3A_97 = tpu.memref_slice %arg24[%add3A_22, %dma_wait3A_96] : memref<10240x32xf32, #tpu.memory_space<vmem_shared>> -> memref<64x32xf32, #tpu.memory_space<vmem_shared>>
    tpu.wait_dma2 semaphore(%arg26 : memref<!tpu.dma_semaphore, #tpu.memory_space<semaphore_mem>>) src(%arg23 : memref<64x32xf32, #tpu.memory_space<vmem>>) dst(%dma_wait3A_97 : memref<64x32xf32, #tpu.memory_space<vmem_shared>>)
    %dma_wait3A_98 = arith.constant 0 : i32
    %dma_wait3A_99 = tpu.memref_slice %arg24[%add3A_30, %dma_wait3A_98] : memref<10240x32xf32, #tpu.memory_space<vmem_shared>> -> memref<64x32xf32, #tpu.memory_space<vmem_shared>>
    %dma_wait3A_100 = arith.constant 0 : i32
    %dma_wait3A_101 = tpu.memref_slice %arg24[%add3A_30, %dma_wait3A_100] : memref<10240x32xf32, #tpu.memory_space<vmem_shared>> -> memref<64x32xf32, #tpu.memory_space<vmem_shared>>
    tpu.wait_dma2 semaphore(%arg26 : memref<!tpu.dma_semaphore, #tpu.memory_space<semaphore_mem>>) src(%arg23 : memref<64x32xf32, #tpu.memory_space<vmem>>) dst(%dma_wait3A_101 : memref<64x32xf32, #tpu.memory_space<vmem_shared>>)
    %dma_wait3A_102 = arith.constant 0 : i32
    %dma_wait3A_103 = tpu.memref_slice %arg24[%add3A_38, %dma_wait3A_102] : memref<10240x32xf32, #tpu.memory_space<vmem_shared>> -> memref<64x32xf32, #tpu.memory_space<vmem_shared>>
    %dma_wait3A_104 = arith.constant 0 : i32
    %dma_wait3A_105 = tpu.memref_slice %arg24[%add3A_38, %dma_wait3A_104] : memref<10240x32xf32, #tpu.memory_space<vmem_shared>> -> memref<64x32xf32, #tpu.memory_space<vmem_shared>>
    tpu.wait_dma2 semaphore(%arg26 : memref<!tpu.dma_semaphore, #tpu.memory_space<semaphore_mem>>) src(%arg23 : memref<64x32xf32, #tpu.memory_space<vmem>>) dst(%dma_wait3A_105 : memref<64x32xf32, #tpu.memory_space<vmem_shared>>)
    %dma_wait3A_106 = arith.constant 0 : i32
    %dma_wait3A_107 = tpu.memref_slice %arg24[%add3A_46, %dma_wait3A_106] : memref<10240x32xf32, #tpu.memory_space<vmem_shared>> -> memref<64x32xf32, #tpu.memory_space<vmem_shared>>
    %dma_wait3A_108 = arith.constant 0 : i32
    %dma_wait3A_109 = tpu.memref_slice %arg24[%add3A_46, %dma_wait3A_108] : memref<10240x32xf32, #tpu.memory_space<vmem_shared>> -> memref<64x32xf32, #tpu.memory_space<vmem_shared>>
    tpu.wait_dma2 semaphore(%arg26 : memref<!tpu.dma_semaphore, #tpu.memory_space<semaphore_mem>>) src(%arg23 : memref<64x32xf32, #tpu.memory_space<vmem>>) dst(%dma_wait3A_109 : memref<64x32xf32, #tpu.memory_space<vmem_shared>>)
    %dma_wait3A_110 = arith.constant 0 : i32
    %dma_wait3A_111 = tpu.memref_slice %arg24[%add3A_54, %dma_wait3A_110] : memref<10240x32xf32, #tpu.memory_space<vmem_shared>> -> memref<64x32xf32, #tpu.memory_space<vmem_shared>>
    %dma_wait3A_112 = arith.constant 0 : i32
    %dma_wait3A_113 = tpu.memref_slice %arg24[%add3A_54, %dma_wait3A_112] : memref<10240x32xf32, #tpu.memory_space<vmem_shared>> -> memref<64x32xf32, #tpu.memory_space<vmem_shared>>
    tpu.wait_dma2 semaphore(%arg26 : memref<!tpu.dma_semaphore, #tpu.memory_space<semaphore_mem>>) src(%arg23 : memref<64x32xf32, #tpu.memory_space<vmem>>) dst(%dma_wait3A_113 : memref<64x32xf32, #tpu.memory_space<vmem_shared>>)
    %dma_wait3A_114 = arith.constant 0 : i32
    %dma_wait3A_115 = tpu.memref_slice %arg24[%add3A_62, %dma_wait3A_114] : memref<10240x32xf32, #tpu.memory_space<vmem_shared>> -> memref<64x32xf32, #tpu.memory_space<vmem_shared>>
    %dma_wait3A_116 = arith.constant 0 : i32
    %dma_wait3A_117 = tpu.memref_slice %arg24[%add3A_62, %dma_wait3A_116] : memref<10240x32xf32, #tpu.memory_space<vmem_shared>> -> memref<64x32xf32, #tpu.memory_space<vmem_shared>>
    tpu.wait_dma2 semaphore(%arg26 : memref<!tpu.dma_semaphore, #tpu.memory_space<semaphore_mem>>) src(%arg23 : memref<64x32xf32, #tpu.memory_space<vmem>>) dst(%dma_wait3A_117 : memref<64x32xf32, #tpu.memory_space<vmem_shared>>)
    %dma_wait3A_118 = arith.constant 0 : i32
    %dma_wait3A_119 = tpu.memref_slice %arg24[%add3A_70, %dma_wait3A_118] : memref<10240x32xf32, #tpu.memory_space<vmem_shared>> -> memref<64x32xf32, #tpu.memory_space<vmem_shared>>
    %dma_wait3A_120 = arith.constant 0 : i32
    %dma_wait3A_121 = tpu.memref_slice %arg24[%add3A_70, %dma_wait3A_120] : memref<10240x32xf32, #tpu.memory_space<vmem_shared>> -> memref<64x32xf32, #tpu.memory_space<vmem_shared>>
    tpu.wait_dma2 semaphore(%arg26 : memref<!tpu.dma_semaphore, #tpu.memory_space<semaphore_mem>>) src(%arg23 : memref<64x32xf32, #tpu.memory_space<vmem>>) dst(%dma_wait3A_121 : memref<64x32xf32, #tpu.memory_space<vmem_shared>>)
    %dma_wait3A_122 = arith.constant 0 : i32
    %dma_wait3A_123 = tpu.memref_slice %arg24[%add3A_78, %dma_wait3A_122] : memref<10240x32xf32, #tpu.memory_space<vmem_shared>> -> memref<64x32xf32, #tpu.memory_space<vmem_shared>>
    %dma_wait3A_124 = arith.constant 0 : i32
    %dma_wait3A_125 = tpu.memref_slice %arg24[%add3A_78, %dma_wait3A_124] : memref<10240x32xf32, #tpu.memory_space<vmem_shared>> -> memref<64x32xf32, #tpu.memory_space<vmem_shared>>
    tpu.wait_dma2 semaphore(%arg26 : memref<!tpu.dma_semaphore, #tpu.memory_space<semaphore_mem>>) src(%arg23 : memref<64x32xf32, #tpu.memory_space<vmem>>) dst(%dma_wait3A_125 : memref<64x32xf32, #tpu.memory_space<vmem_shared>>)
    %dma_wait3A_126 = arith.constant 0 : i32
    %dma_wait3A_127 = tpu.memref_slice %arg24[%add3A_86, %dma_wait3A_126] : memref<10240x32xf32, #tpu.memory_space<vmem_shared>> -> memref<64x32xf32, #tpu.memory_space<vmem_shared>>
    %dma_wait3A_128 = arith.constant 0 : i32
    %dma_wait3A_129 = tpu.memref_slice %arg24[%add3A_86, %dma_wait3A_128] : memref<10240x32xf32, #tpu.memory_space<vmem_shared>> -> memref<64x32xf32, #tpu.memory_space<vmem_shared>>
    tpu.wait_dma2 semaphore(%arg26 : memref<!tpu.dma_semaphore, #tpu.memory_space<semaphore_mem>>) src(%arg23 : memref<64x32xf32, #tpu.memory_space<vmem>>) dst(%dma_wait3A_129 : memref<64x32xf32, #tpu.memory_space<vmem_shared>>)
    %dma_wait3A_130 = tpu.memref_slice %arg2[%mul3A_0] : memref<320000xi32, #tpu.memory_space<hbm>> -> memref<20000xi32, #tpu.memory_space<hbm>>
    %dma_wait3A_131 = tpu.memref_slice %arg2[%mul3A_0] : memref<320000xi32, #tpu.memory_space<hbm>> -> memref<20000xi32, #tpu.memory_space<hbm>>
    tpu.wait_dma2 semaphore(%arg25 : memref<!tpu.dma_semaphore, #tpu.memory_space<semaphore_mem>>) src(%dma_wait3A_131 : memref<20000xi32, #tpu.memory_space<hbm>>) dst(%arg21 : memref<20000xi32, #tpu.memory_space<vmem>>)
    %dma_wait3A_132 = tpu.memref_slice %arg3[%mul3A_3] : memref<320000xi32, #tpu.memory_space<hbm>> -> memref<20000xi32, #tpu.memory_space<hbm>>
    %dma_wait3A_133 = tpu.memref_slice %arg3[%mul3A_3] : memref<320000xi32, #tpu.memory_space<hbm>> -> memref<20000xi32, #tpu.memory_space<hbm>>
    tpu.wait_dma2 semaphore(%arg25 : memref<!tpu.dma_semaphore, #tpu.memory_space<semaphore_mem>>) src(%dma_wait3A_133 : memref<20000xi32, #tpu.memory_space<hbm>>) dst(%arg22 : memref<20000xi32, #tpu.memory_space<vmem>>)
    %barrier3A = arith.constant 0 : index
    tpu.barrier barrier_id(%barrier3A)
    %scan3A_134 = arith.constant 0 : i32
    %scan3A_135 = arith.constant 0 : i32
    %scan3A_136 = arith.constant 50 : i32
    %scan3A_137 = arith.addi %scan3A_135, %scan3A_136 : i32
    %scan3A_138 = arith.constant 1 : i32
    %scan3A_139 = scf.for %scan3A_146 = %scan3A_135 to %scan3A_137 step %scan3A_138 iter_args(%scan3A_147 = %scan3A_134) -> (i32)  : i32 {
      %mul3A_148 = arith.constant 5 : i32
      %mul3A_149 = arith.muli %scan3A_146, %mul3A_148 : i32
      %add3A_150 = arith.constant 0 : i32
      %add3A_151 = arith.addi %mul3A_149, %add3A_150 : i32
      %mul3A_152 = arith.constant 80 : i32
      %mul3A_153 = arith.muli %add3A_151, %mul3A_152 : i32
      %add3A_154 = arith.constant 0 : i32
      %add3A_155 = arith.addi %mul3A_153, %add3A_154 : i32
      %get3A = arith.index_cast %add3A_155 : i32 to index
      %get3A_156 = tpu.vector_load %arg21[%get3A] {strides = array<i32>} : memref<20000xi32, #tpu.memory_space<vmem>>, vector<16xi32>,
      %get3A_157 = vector.shape_cast %get3A_156 : vector<16xi32> to vector<16xi32>
      %mul3A_158 = arith.constant 2 : i32
      %mul3A_159 = vector.broadcast %mul3A_158 : i32 to vector<16xi32>
      %mul3A_160 = arith.muli %get3A_157, %mul3A_159 : vector<16xi32>
      %add3A_161 = vector.broadcast %arg0 : i32 to vector<16xi32>
      %add3A_162 = arith.addi %mul3A_160, %add3A_161 : vector<16xi32>
      %swap3A = arith.constant 0 : index
      %swap3A_163 = tpu.vector_load %arg6[%swap3A] {strides = array<i32>} : memref<80xi32, #tpu.memory_space<vmem>>, vector<16xi32>,
      %swap3A_164 = vector.shape_cast %swap3A_163 : vector<16xi32> to vector<16xi32>
      %swap3A_165 = vector.shape_cast %add3A_162 : vector<16xi32> to vector<16xi32>
      tpu.vector_store %arg6[%swap3A], %swap3A_165 {strides = array<i32>} : memref<80xi32, #tpu.memory_space<vmem>>, vector<16xi32>,
      %add3A_166 = arith.constant 0 : i32
      %add3A_167 = arith.addi %mul3A_153, %add3A_166 : i32
      %get3A_168 = arith.index_cast %add3A_167 : i32 to index
      %get3A_169 = tpu.vector_load %arg22[%get3A_168] {strides = array<i32>} : memref<20000xi32, #tpu.memory_space<vmem>>, vector<16xi32>,
      %get3A_170 = vector.shape_cast %get3A_169 : vector<16xi32> to vector<16xi32>
      %swap3A_171 = arith.constant 0 : index
      %swap3A_172 = tpu.vector_load %arg11[%swap3A_171] {strides = array<i32>} : memref<80xi32, #tpu.memory_space<vmem>>, vector<16xi32>,
      %swap3A_173 = vector.shape_cast %swap3A_172 : vector<16xi32> to vector<16xi32>
      %swap3A_174 = vector.shape_cast %get3A_170 : vector<16xi32> to vector<16xi32>
      tpu.vector_store %arg11[%swap3A_171], %swap3A_174 {strides = array<i32>} : memref<80xi32, #tpu.memory_space<vmem>>, vector<16xi32>,
      %add3A_175 = arith.constant 16 : i32
      %add3A_176 = arith.addi %mul3A_153, %add3A_175 : i32
      %get3A_177 = arith.index_cast %add3A_176 : i32 to index
      %get3A_178 = tpu.vector_load %arg21[%get3A_177] {strides = array<i32>} : memref<20000xi32, #tpu.memory_space<vmem>>, vector<16xi32>,
      %get3A_179 = vector.shape_cast %get3A_178 : vector<16xi32> to vector<16xi32>
      %mul3A_180 = arith.constant 2 : i32
      %mul3A_181 = vector.broadcast %mul3A_180 : i32 to vector<16xi32>
      %mul3A_182 = arith.muli %get3A_179, %mul3A_181 : vector<16xi32>
      %add3A_183 = vector.broadcast %arg0 : i32 to vector<16xi32>
      %add3A_184 = arith.addi %mul3A_182, %add3A_183 : vector<16xi32>
      %swap3A_185 = arith.constant 16 : index
      %swap3A_186 = tpu.vector_load %arg6[%swap3A_185] {strides = array<i32>} : memref<80xi32, #tpu.memory_space<vmem>>, vector<16xi32>,
      %swap3A_187 = vector.shape_cast %swap3A_186 : vector<16xi32> to vector<16xi32>
      %swap3A_188 = vector.shape_cast %add3A_184 : vector<16xi32> to vector<16xi32>
      tpu.vector_store %arg6[%swap3A_185], %swap3A_188 {strides = array<i32>} : memref<80xi32, #tpu.memory_space<vmem>>, vector<16xi32>,
      %add3A_189 = arith.constant 16 : i32
      %add3A_190 = arith.addi %mul3A_153, %add3A_189 : i32
      %get3A_191 = arith.index_cast %add3A_190 : i32 to index
      %get3A_192 = tpu.vector_load %arg22[%get3A_191] {strides = array<i32>} : memref<20000xi32, #tpu.memory_space<vmem>>, vector<16xi32>,
      %get3A_193 = vector.shape_cast %get3A_192 : vector<16xi32> to vector<16xi32>
      %swap3A_194 = arith.constant 16 : index
      %swap3A_195 = tpu.vector_load %arg11[%swap3A_194] {strides = array<i32>} : memref<80xi32, #tpu.memory_space<vmem>>, vector<16xi32>,
      %swap3A_196 = vector.shape_cast %swap3A_195 : vector<16xi32> to vector<16xi32>
      %swap3A_197 = vector.shape_cast %get3A_193 : vector<16xi32> to vector<16xi32>
      tpu.vector_store %arg11[%swap3A_194], %swap3A_197 {strides = array<i32>} : memref<80xi32, #tpu.memory_space<vmem>>, vector<16xi32>,
      %add3A_198 = arith.constant 32 : i32
      %add3A_199 = arith.addi %mul3A_153, %add3A_198 : i32
      %get3A_200 = arith.index_cast %add3A_199 : i32 to index
      %get3A_201 = tpu.vector_load %arg21[%get3A_200] {strides = array<i32>} : memref<20000xi32, #tpu.memory_space<vmem>>, vector<16xi32>,
      %get3A_202 = vector.shape_cast %get3A_201 : vector<16xi32> to vector<16xi32>
      %mul3A_203 = arith.constant 2 : i32
      %mul3A_204 = vector.broadcast %mul3A_203 : i32 to vector<16xi32>
      %mul3A_205 = arith.muli %get3A_202, %mul3A_204 : vector<16xi32>
      %add3A_206 = vector.broadcast %arg0 : i32 to vector<16xi32>
      %add3A_207 = arith.addi %mul3A_205, %add3A_206 : vector<16xi32>
      %swap3A_208 = arith.constant 32 : index
      %swap3A_209 = tpu.vector_load %arg6[%swap3A_208] {strides = array<i32>} : memref<80xi32, #tpu.memory_space<vmem>>, vector<16xi32>,
      %swap3A_210 = vector.shape_cast %swap3A_209 : vector<16xi32> to vector<16xi32>
      %swap3A_211 = vector.shape_cast %add3A_207 : vector<16xi32> to vector<16xi32>
      tpu.vector_store %arg6[%swap3A_208], %swap3A_211 {strides = array<i32>} : memref<80xi32, #tpu.memory_space<vmem>>, vector<16xi32>,
      %add3A_212 = arith.constant 32 : i32
      %add3A_213 = arith.addi %mul3A_153, %add3A_212 : i32
      %get3A_214 = arith.index_cast %add3A_213 : i32 to index
      %get3A_215 = tpu.vector_load %arg22[%get3A_214] {strides = array<i32>} : memref<20000xi32, #tpu.memory_space<vmem>>, vector<16xi32>,
      %get3A_216 = vector.shape_cast %get3A_215 : vector<16xi32> to vector<16xi32>
      %swap3A_217 = arith.constant 32 : index
      %swap3A_218 = tpu.vector_load %arg11[%swap3A_217] {strides = array<i32>} : memref<80xi32, #tpu.memory_space<vmem>>, vector<16xi32>,
      %swap3A_219 = vector.shape_cast %swap3A_218 : vector<16xi32> to vector<16xi32>
      %swap3A_220 = vector.shape_cast %get3A_216 : vector<16xi32> to vector<16xi32>
      tpu.vector_store %arg11[%swap3A_217], %swap3A_220 {strides = array<i32>} : memref<80xi32, #tpu.memory_space<vmem>>, vector<16xi32>,
      %add3A_221 = arith.constant 48 : i32
      %add3A_222 = arith.addi %mul3A_153, %add3A_221 : i32
      %get3A_223 = arith.index_cast %add3A_222 : i32 to index
      %get3A_224 = tpu.vector_load %arg21[%get3A_223] {strides = array<i32>} : memref<20000xi32, #tpu.memory_space<vmem>>, vector<16xi32>,
      %get3A_225 = vector.shape_cast %get3A_224 : vector<16xi32> to vector<16xi32>
      %mul3A_226 = arith.constant 2 : i32
      %mul3A_227 = vector.broadcast %mul3A_226 : i32 to vector<16xi32>
      %mul3A_228 = arith.muli %get3A_225, %mul3A_227 : vector<16xi32>
      %add3A_229 = vector.broadcast %arg0 : i32 to vector<16xi32>
      %add3A_230 = arith.addi %mul3A_228, %add3A_229 : vector<16xi32>
      %swap3A_231 = arith.constant 48 : index
      %swap3A_232 = tpu.vector_load %arg6[%swap3A_231] {strides = array<i32>} : memref<80xi32, #tpu.memory_space<vmem>>, vector<16xi32>,
      %swap3A_233 = vector.shape_cast %swap3A_232 : vector<16xi32> to vector<16xi32>
      %swap3A_234 = vector.shape_cast %add3A_230 : vector<16xi32> to vector<16xi32>
      tpu.vector_store %arg6[%swap3A_231], %swap3A_234 {strides = array<i32>} : memref<80xi32, #tpu.memory_space<vmem>>, vector<16xi32>,
      %add3A_235 = arith.constant 48 : i32
      %add3A_236 = arith.addi %mul3A_153, %add3A_235 : i32
      %get3A_237 = arith.index_cast %add3A_236 : i32 to index
      %get3A_238 = tpu.vector_load %arg22[%get3A_237] {strides = array<i32>} : memref<20000xi32, #tpu.memory_space<vmem>>, vector<16xi32>,
      %get3A_239 = vector.shape_cast %get3A_238 : vector<16xi32> to vector<16xi32>
      %swap3A_240 = arith.constant 48 : index
      %swap3A_241 = tpu.vector_load %arg11[%swap3A_240] {strides = array<i32>} : memref<80xi32, #tpu.memory_space<vmem>>, vector<16xi32>,
      %swap3A_242 = vector.shape_cast %swap3A_241 : vector<16xi32> to vector<16xi32>
      %swap3A_243 = vector.shape_cast %get3A_239 : vector<16xi32> to vector<16xi32>
      tpu.vector_store %arg11[%swap3A_240], %swap3A_243 {strides = array<i32>} : memref<80xi32, #tpu.memory_space<vmem>>, vector<16xi32>,
      %add3A_244 = arith.constant 64 : i32
      %add3A_245 = arith.addi %mul3A_153, %add3A_244 : i32
      %get3A_246 = arith.index_cast %add3A_245 : i32 to index
      %get3A_247 = tpu.vector_load %arg21[%get3A_246] {strides = array<i32>} : memref<20000xi32, #tpu.memory_space<vmem>>, vector<16xi32>,
      %get3A_248 = vector.shape_cast %get3A_247 : vector<16xi32> to vector<16xi32>
      %mul3A_249 = arith.constant 2 : i32
      %mul3A_250 = vector.broadcast %mul3A_249 : i32 to vector<16xi32>
      %mul3A_251 = arith.muli %get3A_248, %mul3A_250 : vector<16xi32>
      %add3A_252 = vector.broadcast %arg0 : i32 to vector<16xi32>
      %add3A_253 = arith.addi %mul3A_251, %add3A_252 : vector<16xi32>
      %swap3A_254 = arith.constant 64 : index
      %swap3A_255 = tpu.vector_load %arg6[%swap3A_254] {strides = array<i32>} : memref<80xi32, #tpu.memory_space<vmem>>, vector<16xi32>,
      %swap3A_256 = vector.shape_cast %swap3A_255 : vector<16xi32> to vector<16xi32>
      %swap3A_257 = vector.shape_cast %add3A_253 : vector<16xi32> to vector<16xi32>
      tpu.vector_store %arg6[%swap3A_254], %swap3A_257 {strides = array<i32>} : memref<80xi32, #tpu.memory_space<vmem>>, vector<16xi32>,
      %add3A_258 = arith.constant 64 : i32
      %add3A_259 = arith.addi %mul3A_153, %add3A_258 : i32
      %get3A_260 = arith.index_cast %add3A_259 : i32 to index
      %get3A_261 = tpu.vector_load %arg22[%get3A_260] {strides = array<i32>} : memref<20000xi32, #tpu.memory_space<vmem>>, vector<16xi32>,
      %get3A_262 = vector.shape_cast %get3A_261 : vector<16xi32> to vector<16xi32>
      %swap3A_263 = arith.constant 64 : index
      %swap3A_264 = tpu.vector_load %arg11[%swap3A_263] {strides = array<i32>} : memref<80xi32, #tpu.memory_space<vmem>>, vector<16xi32>,
      %swap3A_265 = vector.shape_cast %swap3A_264 : vector<16xi32> to vector<16xi32>
      %swap3A_266 = vector.shape_cast %get3A_262 : vector<16xi32> to vector<16xi32>
      tpu.vector_store %arg11[%swap3A_263], %swap3A_266 {strides = array<i32>} : memref<80xi32, #tpu.memory_space<vmem>>, vector<16xi32>,
      %dma_start3A_267 = arith.constant 0 : i32
      %dma_start3A_268 = arith.constant 0 : i32
      %dma_start3A_269 = tpu.memref_slice %arg4[%dma_start3A_267, %dma_start3A_268] : memref<20000x32xf32, #tpu.memory_space<hbm>> -> memref<20000x32xf32, #tpu.memory_space<hbm>>
      tpu.enqueue_indirect_dma source(%dma_start3A_269 : memref<20000x32xf32, #tpu.memory_space<hbm>>) target(%arg16 : memref<80x32xf32, #tpu.memory_space<vmem>>) offsets(%arg6 : memref<80xi32, #tpu.memory_space<vmem>>) semaphore(%arg25 : memref<!tpu.dma_semaphore, #tpu.memory_space<semaphore_mem>>)
      %mul3A_270 = arith.constant 5 : i32
      %mul3A_271 = arith.muli %scan3A_146, %mul3A_270 : i32
      %add3A_272 = arith.constant 1 : i32
      %add3A_273 = arith.addi %mul3A_271, %add3A_272 : i32
      %mul3A_274 = arith.constant 80 : i32
      %mul3A_275 = arith.muli %add3A_273, %mul3A_274 : i32
      %add3A_276 = arith.constant 0 : i32
      %add3A_277 = arith.addi %mul3A_275, %add3A_276 : i32
      %get3A_278 = arith.index_cast %add3A_277 : i32 to index
      %get3A_279 = tpu.vector_load %arg21[%get3A_278] {strides = array<i32>} : memref<20000xi32, #tpu.memory_space<vmem>>, vector<16xi32>,
      %get3A_280 = vector.shape_cast %get3A_279 : vector<16xi32> to vector<16xi32>
      %mul3A_281 = arith.constant 2 : i32
      %mul3A_282 = vector.broadcast %mul3A_281 : i32 to vector<16xi32>
      %mul3A_283 = arith.muli %get3A_280, %mul3A_282 : vector<16xi32>
      %add3A_284 = vector.broadcast %arg0 : i32 to vector<16xi32>
      %add3A_285 = arith.addi %mul3A_283, %add3A_284 : vector<16xi32>
      %swap3A_286 = arith.constant 0 : index
      %swap3A_287 = tpu.vector_load %arg7[%swap3A_286] {strides = array<i32>} : memref<80xi32, #tpu.memory_space<vmem>>, vector<16xi32>,
      %swap3A_288 = vector.shape_cast %swap3A_287 : vector<16xi32> to vector<16xi32>
      %swap3A_289 = vector.shape_cast %add3A_285 : vector<16xi32> to vector<16xi32>
      tpu.vector_store %arg7[%swap3A_286], %swap3A_289 {strides = array<i32>} : memref<80xi32, #tpu.memory_space<vmem>>, vector<16xi32>,
      %add3A_290 = arith.constant 0 : i32
      %add3A_291 = arith.addi %mul3A_275, %add3A_290 : i32
      %get3A_292 = arith.index_cast %add3A_291 : i32 to index
      %get3A_293 = tpu.vector_load %arg22[%get3A_292] {strides = array<i32>} : memref<20000xi32, #tpu.memory_space<vmem>>, vector<16xi32>,
      %get3A_294 = vector.shape_cast %get3A_293 : vector<16xi32> to vector<16xi32>
      %swap3A_295 = arith.constant 0 : index
      %swap3A_296 = tpu.vector_load %arg12[%swap3A_295] {strides = array<i32>} : memref<80xi32, #tpu.memory_space<vmem>>, vector<16xi32>,
      %swap3A_297 = vector.shape_cast %swap3A_296 : vector<16xi32> to vector<16xi32>
      %swap3A_298 = vector.shape_cast %get3A_294 : vector<16xi32> to vector<16xi32>
      tpu.vector_store %arg12[%swap3A_295], %swap3A_298 {strides = array<i32>} : memref<80xi32, #tpu.memory_space<vmem>>, vector<16xi32>,
      %add3A_299 = arith.constant 16 : i32
      %add3A_300 = arith.addi %mul3A_275, %add3A_299 : i32
      %get3A_301 = arith.index_cast %add3A_300 : i32 to index
      %get3A_302 = tpu.vector_load %arg21[%get3A_301] {strides = array<i32>} : memref<20000xi32, #tpu.memory_space<vmem>>, vector<16xi32>,
      %get3A_303 = vector.shape_cast %get3A_302 : vector<16xi32> to vector<16xi32>
      %mul3A_304 = arith.constant 2 : i32
      %mul3A_305 = vector.broadcast %mul3A_304 : i32 to vector<16xi32>
      %mul3A_306 = arith.muli %get3A_303, %mul3A_305 : vector<16xi32>
      %add3A_307 = vector.broadcast %arg0 : i32 to vector<16xi32>
      %add3A_308 = arith.addi %mul3A_306, %add3A_307 : vector<16xi32>
      %swap3A_309 = arith.constant 16 : index
      %swap3A_310 = tpu.vector_load %arg7[%swap3A_309] {strides = array<i32>} : memref<80xi32, #tpu.memory_space<vmem>>, vector<16xi32>,
      %swap3A_311 = vector.shape_cast %swap3A_310 : vector<16xi32> to vector<16xi32>
      %swap3A_312 = vector.shape_cast %add3A_308 : vector<16xi32> to vector<16xi32>
      tpu.vector_store %arg7[%swap3A_309], %swap3A_312 {strides = array<i32>} : memref<80xi32, #tpu.memory_space<vmem>>, vector<16xi32>,
      %add3A_313 = arith.constant 16 : i32
      %add3A_314 = arith.addi %mul3A_275, %add3A_313 : i32
      %get3A_315 = arith.index_cast %add3A_314 : i32 to index
      %get3A_316 = tpu.vector_load %arg22[%get3A_315] {strides = array<i32>} : memref<20000xi32, #tpu.memory_space<vmem>>, vector<16xi32>,
      %get3A_317 = vector.shape_cast %get3A_316 : vector<16xi32> to vector<16xi32>
      %swap3A_318 = arith.constant 16 : index
      %swap3A_319 = tpu.vector_load %arg12[%swap3A_318] {strides = array<i32>} : memref<80xi32, #tpu.memory_space<vmem>>, vector<16xi32>,
      %swap3A_320 = vector.shape_cast %swap3A_319 : vector<16xi32> to vector<16xi32>
      %swap3A_321 = vector.shape_cast %get3A_317 : vector<16xi32> to vector<16xi32>
      tpu.vector_store %arg12[%swap3A_318], %swap3A_321 {strides = array<i32>} : memref<80xi32, #tpu.memory_space<vmem>>, vector<16xi32>,
      %add3A_322 = arith.constant 32 : i32
      %add3A_323 = arith.addi %mul3A_275, %add3A_322 : i32
      %get3A_324 = arith.index_cast %add3A_323 : i32 to index
      %get3A_325 = tpu.vector_load %arg21[%get3A_324] {strides = array<i32>} : memref<20000xi32, #tpu.memory_space<vmem>>, vector<16xi32>,
      %get3A_326 = vector.shape_cast %get3A_325 : vector<16xi32> to vector<16xi32>
      %mul3A_327 = arith.constant 2 : i32
      %mul3A_328 = vector.broadcast %mul3A_327 : i32 to vector<16xi32>
      %mul3A_329 = arith.muli %get3A_326, %mul3A_328 : vector<16xi32>
      %add3A_330 = vector.broadcast %arg0 : i32 to vector<16xi32>
      %add3A_331 = arith.addi %mul3A_329, %add3A_330 : vector<16xi32>
      %swap3A_332 = arith.constant 32 : index
      %swap3A_333 = tpu.vector_load %arg7[%swap3A_332] {strides = array<i32>} : memref<80xi32, #tpu.memory_space<vmem>>, vector<16xi32>,
      %swap3A_334 = vector.shape_cast %swap3A_333 : vector<16xi32> to vector<16xi32>
      %swap3A_335 = vector.shape_cast %add3A_331 : vector<16xi32> to vector<16xi32>
      tpu.vector_store %arg7[%swap3A_332], %swap3A_335 {strides = array<i32>} : memref<80xi32, #tpu.memory_space<vmem>>, vector<16xi32>,
      %add3A_336 = arith.constant 32 : i32
      %add3A_337 = arith.addi %mul3A_275, %add3A_336 : i32
      %get3A_338 = arith.index_cast %add3A_337 : i32 to index
      %get3A_339 = tpu.vector_load %arg22[%get3A_338] {strides = array<i32>} : memref<20000xi32, #tpu.memory_space<vmem>>, vector<16xi32>,
      %get3A_340 = vector.shape_cast %get3A_339 : vector<16xi32> to vector<16xi32>
      %swap3A_341 = arith.constant 32 : index
      %swap3A_342 = tpu.vector_load %arg12[%swap3A_341] {strides = array<i32>} : memref<80xi32, #tpu.memory_space<vmem>>, vector<16xi32>,
      %swap3A_343 = vector.shape_cast %swap3A_342 : vector<16xi32> to vector<16xi32>
      %swap3A_344 = vector.shape_cast %get3A_340 : vector<16xi32> to vector<16xi32>
      tpu.vector_store %arg12[%swap3A_341], %swap3A_344 {strides = array<i32>} : memref<80xi32, #tpu.memory_space<vmem>>, vector<16xi32>,
      %add3A_345 = arith.constant 48 : i32
      %add3A_346 = arith.addi %mul3A_275, %add3A_345 : i32
      %get3A_347 = arith.index_cast %add3A_346 : i32 to index
      %get3A_348 = tpu.vector_load %arg21[%get3A_347] {strides = array<i32>} : memref<20000xi32, #tpu.memory_space<vmem>>, vector<16xi32>,
      %get3A_349 = vector.shape_cast %get3A_348 : vector<16xi32> to vector<16xi32>
      %mul3A_350 = arith.constant 2 : i32
      %mul3A_351 = vector.broadcast %mul3A_350 : i32 to vector<16xi32>
      %mul3A_352 = arith.muli %get3A_349, %mul3A_351 : vector<16xi32>
      %add3A_353 = vector.broadcast %arg0 : i32 to vector<16xi32>
      %add3A_354 = arith.addi %mul3A_352, %add3A_353 : vector<16xi32>
      %swap3A_355 = arith.constant 48 : index
      %swap3A_356 = tpu.vector_load %arg7[%swap3A_355] {strides = array<i32>} : memref<80xi32, #tpu.memory_space<vmem>>, vector<16xi32>,
      %swap3A_357 = vector.shape_cast %swap3A_356 : vector<16xi32> to vector<16xi32>
      %swap3A_358 = vector.shape_cast %add3A_354 : vector<16xi32> to vector<16xi32>
      tpu.vector_store %arg7[%swap3A_355], %swap3A_358 {strides = array<i32>} : memref<80xi32, #tpu.memory_space<vmem>>, vector<16xi32>,
      %add3A_359 = arith.constant 48 : i32
      %add3A_360 = arith.addi %mul3A_275, %add3A_359 : i32
      %get3A_361 = arith.index_cast %add3A_360 : i32 to index
      %get3A_362 = tpu.vector_load %arg22[%get3A_361] {strides = array<i32>} : memref<20000xi32, #tpu.memory_space<vmem>>, vector<16xi32>,
      %get3A_363 = vector.shape_cast %get3A_362 : vector<16xi32> to vector<16xi32>
      %swap3A_364 = arith.constant 48 : index
      %swap3A_365 = tpu.vector_load %arg12[%swap3A_364] {strides = array<i32>} : memref<80xi32, #tpu.memory_space<vmem>>, vector<16xi32>,
      %swap3A_366 = vector.shape_cast %swap3A_365 : vector<16xi32> to vector<16xi32>
      %swap3A_367 = vector.shape_cast %get3A_363 : vector<16xi32> to vector<16xi32>
      tpu.vector_store %arg12[%swap3A_364], %swap3A_367 {strides = array<i32>} : memref<80xi32, #tpu.memory_space<vmem>>, vector<16xi32>,
      %add3A_368 = arith.constant 64 : i32
      %add3A_369 = arith.addi %mul3A_275, %add3A_368 : i32
      %get3A_370 = arith.index_cast %add3A_369 : i32 to index
      %get3A_371 = tpu.vector_load %arg21[%get3A_370] {strides = array<i32>} : memref<20000xi32, #tpu.memory_space<vmem>>, vector<16xi32>,
      %get3A_372 = vector.shape_cast %get3A_371 : vector<16xi32> to vector<16xi32>
      %mul3A_373 = arith.constant 2 : i32
      %mul3A_374 = vector.broadcast %mul3A_373 : i32 to vector<16xi32>
      %mul3A_375 = arith.muli %get3A_372, %mul3A_374 : vector<16xi32>
      %add3A_376 = vector.broadcast %arg0 : i32 to vector<16xi32>
      %add3A_377 = arith.addi %mul3A_375, %add3A_376 : vector<16xi32>
      %swap3A_378 = arith.constant 64 : index
      %swap3A_379 = tpu.vector_load %arg7[%swap3A_378] {strides = array<i32>} : memref<80xi32, #tpu.memory_space<vmem>>, vector<16xi32>,
      %swap3A_380 = vector.shape_cast %swap3A_379 : vector<16xi32> to vector<16xi32>
      %swap3A_381 = vector.shape_cast %add3A_377 : vector<16xi32> to vector<16xi32>
      tpu.vector_store %arg7[%swap3A_378], %swap3A_381 {strides = array<i32>} : memref<80xi32, #tpu.memory_space<vmem>>, vector<16xi32>,
      %add3A_382 = arith.constant 64 : i32
      %add3A_383 = arith.addi %mul3A_275, %add3A_382 : i32
      %get3A_384 = arith.index_cast %add3A_383 : i32 to index
      %get3A_385 = tpu.vector_load %arg22[%get3A_384] {strides = array<i32>} : memref<20000xi32, #tpu.memory_space<vmem>>, vector<16xi32>,
      %get3A_386 = vector.shape_cast %get3A_385 : vector<16xi32> to vector<16xi32>
      %swap3A_387 = arith.constant 64 : index
      %swap3A_388 = tpu.vector_load %arg12[%swap3A_387] {strides = array<i32>} : memref<80xi32, #tpu.memory_space<vmem>>, vector<16xi32>,
      %swap3A_389 = vector.shape_cast %swap3A_388 : vector<16xi32> to vector<16xi32>
      %swap3A_390 = vector.shape_cast %get3A_386 : vector<16xi32> to vector<16xi32>
      tpu.vector_store %arg12[%swap3A_387], %swap3A_390 {strides = array<i32>} : memref<80xi32, #tpu.memory_space<vmem>>, vector<16xi32>,
      %dma_start3A_391 = arith.constant 0 : i32
      %dma_start3A_392 = arith.constant 0 : i32
      %dma_start3A_393 = tpu.memref_slice %arg4[%dma_start3A_391, %dma_start3A_392] : memref<20000x32xf32, #tpu.memory_space<hbm>> -> memref<20000x32xf32, #tpu.memory_space<hbm>>
      tpu.enqueue_indirect_dma source(%dma_start3A_393 : memref<20000x32xf32, #tpu.memory_space<hbm>>) target(%arg17 : memref<80x32xf32, #tpu.memory_space<vmem>>) offsets(%arg7 : memref<80xi32, #tpu.memory_space<vmem>>) semaphore(%arg25 : memref<!tpu.dma_semaphore, #tpu.memory_space<semaphore_mem>>)
      %mul3A_394 = arith.constant 5 : i32
      %mul3A_395 = arith.muli %scan3A_146, %mul3A_394 : i32
      %add3A_396 = arith.constant 2 : i32
      %add3A_397 = arith.addi %mul3A_395, %add3A_396 : i32
      %mul3A_398 = arith.constant 80 : i32
      %mul3A_399 = arith.muli %add3A_397, %mul3A_398 : i32
      %add3A_400 = arith.constant 0 : i32
      %add3A_401 = arith.addi %mul3A_399, %add3A_400 : i32
      %get3A_402 = arith.index_cast %add3A_401 : i32 to index
      %get3A_403 = tpu.vector_load %arg21[%get3A_402] {strides = array<i32>} : memref<20000xi32, #tpu.memory_space<vmem>>, vector<16xi32>,
      %get3A_404 = vector.shape_cast %get3A_403 : vector<16xi32> to vector<16xi32>
      %mul3A_405 = arith.constant 2 : i32
      %mul3A_406 = vector.broadcast %mul3A_405 : i32 to vector<16xi32>
      %mul3A_407 = arith.muli %get3A_404, %mul3A_406 : vector<16xi32>
      %add3A_408 = vector.broadcast %arg0 : i32 to vector<16xi32>
      %add3A_409 = arith.addi %mul3A_407, %add3A_408 : vector<16xi32>
      %swap3A_410 = arith.constant 0 : index
      %swap3A_411 = tpu.vector_load %arg8[%swap3A_410] {strides = array<i32>} : memref<80xi32, #tpu.memory_space<vmem>>, vector<16xi32>,
      %swap3A_412 = vector.shape_cast %swap3A_411 : vector<16xi32> to vector<16xi32>
      %swap3A_413 = vector.shape_cast %add3A_409 : vector<16xi32> to vector<16xi32>
      tpu.vector_store %arg8[%swap3A_410], %swap3A_413 {strides = array<i32>} : memref<80xi32, #tpu.memory_space<vmem>>, vector<16xi32>,
      %add3A_414 = arith.constant 0 : i32
      %add3A_415 = arith.addi %mul3A_399, %add3A_414 : i32
      %get3A_416 = arith.index_cast %add3A_415 : i32 to index
      %get3A_417 = tpu.vector_load %arg22[%get3A_416] {strides = array<i32>} : memref<20000xi32, #tpu.memory_space<vmem>>, vector<16xi32>,
      %get3A_418 = vector.shape_cast %get3A_417 : vector<16xi32> to vector<16xi32>
      %swap3A_419 = arith.constant 0 : index
      %swap3A_420 = tpu.vector_load %arg13[%swap3A_419] {strides = array<i32>} : memref<80xi32, #tpu.memory_space<vmem>>, vector<16xi32>,
      %swap3A_421 = vector.shape_cast %swap3A_420 : vector<16xi32> to vector<16xi32>
      %swap3A_422 = vector.shape_cast %get3A_418 : vector<16xi32> to vector<16xi32>
      tpu.vector_store %arg13[%swap3A_419], %swap3A_422 {strides = array<i32>} : memref<80xi32, #tpu.memory_space<vmem>>, vector<16xi32>,
      %add3A_423 = arith.constant 16 : i32
      %add3A_424 = arith.addi %mul3A_399, %add3A_423 : i32
      %get3A_425 = arith.index_cast %add3A_424 : i32 to index
      %get3A_426 = tpu.vector_load %arg21[%get3A_425] {strides = array<i32>} : memref<20000xi32, #tpu.memory_space<vmem>>, vector<16xi32>,
      %get3A_427 = vector.shape_cast %get3A_426 : vector<16xi32> to vector<16xi32>
      %mul3A_428 = arith.constant 2 : i32
      %mul3A_429 = vector.broadcast %mul3A_428 : i32 to vector<16xi32>
      %mul3A_430 = arith.muli %get3A_427, %mul3A_429 : vector<16xi32>
      %add3A_431 = vector.broadcast %arg0 : i32 to vector<16xi32>
      %add3A_432 = arith.addi %mul3A_430, %add3A_431 : vector<16xi32>
      %swap3A_433 = arith.constant 16 : index
      %swap3A_434 = tpu.vector_load %arg8[%swap3A_433] {strides = array<i32>} : memref<80xi32, #tpu.memory_space<vmem>>, vector<16xi32>,
      %swap3A_435 = vector.shape_cast %swap3A_434 : vector<16xi32> to vector<16xi32>
      %swap3A_436 = vector.shape_cast %add3A_432 : vector<16xi32> to vector<16xi32>
      tpu.vector_store %arg8[%swap3A_433], %swap3A_436 {strides = array<i32>} : memref<80xi32, #tpu.memory_space<vmem>>, vector<16xi32>,
      %add3A_437 = arith.constant 16 : i32
      %add3A_438 = arith.addi %mul3A_399, %add3A_437 : i32
      %get3A_439 = arith.index_cast %add3A_438 : i32 to index
      %get3A_440 = tpu.vector_load %arg22[%get3A_439] {strides = array<i32>} : memref<20000xi32, #tpu.memory_space<vmem>>, vector<16xi32>,
      %get3A_441 = vector.shape_cast %get3A_440 : vector<16xi32> to vector<16xi32>
      %swap3A_442 = arith.constant 16 : index
      %swap3A_443 = tpu.vector_load %arg13[%swap3A_442] {strides = array<i32>} : memref<80xi32, #tpu.memory_space<vmem>>, vector<16xi32>,
      %swap3A_444 = vector.shape_cast %swap3A_443 : vector<16xi32> to vector<16xi32>
      %swap3A_445 = vector.shape_cast %get3A_441 : vector<16xi32> to vector<16xi32>
      tpu.vector_store %arg13[%swap3A_442], %swap3A_445 {strides = array<i32>} : memref<80xi32, #tpu.memory_space<vmem>>, vector<16xi32>,
      %add3A_446 = arith.constant 32 : i32
      %add3A_447 = arith.addi %mul3A_399, %add3A_446 : i32
      %get3A_448 = arith.index_cast %add3A_447 : i32 to index
      %get3A_449 = tpu.vector_load %arg21[%get3A_448] {strides = array<i32>} : memref<20000xi32, #tpu.memory_space<vmem>>, vector<16xi32>,
      %get3A_450 = vector.shape_cast %get3A_449 : vector<16xi32> to vector<16xi32>
      %mul3A_451 = arith.constant 2 : i32
      %mul3A_452 = vector.broadcast %mul3A_451 : i32 to vector<16xi32>
      %mul3A_453 = arith.muli %get3A_450, %mul3A_452 : vector<16xi32>
      %add3A_454 = vector.broadcast %arg0 : i32 to vector<16xi32>
      %add3A_455 = arith.addi %mul3A_453, %add3A_454 : vector<16xi32>
      %swap3A_456 = arith.constant 32 : index
      %swap3A_457 = tpu.vector_load %arg8[%swap3A_456] {strides = array<i32>} : memref<80xi32, #tpu.memory_space<vmem>>, vector<16xi32>,
      %swap3A_458 = vector.shape_cast %swap3A_457 : vector<16xi32> to vector<16xi32>
      %swap3A_459 = vector.shape_cast %add3A_455 : vector<16xi32> to vector<16xi32>
      tpu.vector_store %arg8[%swap3A_456], %swap3A_459 {strides = array<i32>} : memref<80xi32, #tpu.memory_space<vmem>>, vector<16xi32>,
      %add3A_460 = arith.constant 32 : i32
      %add3A_461 = arith.addi %mul3A_399, %add3A_460 : i32
      %get3A_462 = arith.index_cast %add3A_461 : i32 to index
      %get3A_463 = tpu.vector_load %arg22[%get3A_462] {strides = array<i32>} : memref<20000xi32, #tpu.memory_space<vmem>>, vector<16xi32>,
      %get3A_464 = vector.shape_cast %get3A_463 : vector<16xi32> to vector<16xi32>
      %swap3A_465 = arith.constant 32 : index
      %swap3A_466 = tpu.vector_load %arg13[%swap3A_465] {strides = array<i32>} : memref<80xi32, #tpu.memory_space<vmem>>, vector<16xi32>,
      %swap3A_467 = vector.shape_cast %swap3A_466 : vector<16xi32> to vector<16xi32>
      %swap3A_468 = vector.shape_cast %get3A_464 : vector<16xi32> to vector<16xi32>
      tpu.vector_store %arg13[%swap3A_465], %swap3A_468 {strides = array<i32>} : memref<80xi32, #tpu.memory_space<vmem>>, vector<16xi32>,
      %add3A_469 = arith.constant 48 : i32
      %add3A_470 = arith.addi %mul3A_399, %add3A_469 : i32
      %get3A_471 = arith.index_cast %add3A_470 : i32 to index
      %get3A_472 = tpu.vector_load %arg21[%get3A_471] {strides = array<i32>} : memref<20000xi32, #tpu.memory_space<vmem>>, vector<16xi32>,
      %get3A_473 = vector.shape_cast %get3A_472 : vector<16xi32> to vector<16xi32>
      %mul3A_474 = arith.constant 2 : i32
      %mul3A_475 = vector.broadcast %mul3A_474 : i32 to vector<16xi32>
      %mul3A_476 = arith.muli %get3A_473, %mul3A_475 : vector<16xi32>
      %add3A_477 = vector.broadcast %arg0 : i32 to vector<16xi32>
      %add3A_478 = arith.addi %mul3A_476, %add3A_477 : vector<16xi32>
      %swap3A_479 = arith.constant 48 : index
      %swap3A_480 = tpu.vector_load %arg8[%swap3A_479] {strides = array<i32>} : memref<80xi32, #tpu.memory_space<vmem>>, vector<16xi32>,
      %swap3A_481 = vector.shape_cast %swap3A_480 : vector<16xi32> to vector<16xi32>
      %swap3A_482 = vector.shape_cast %add3A_478 : vector<16xi32> to vector<16xi32>
      tpu.vector_store %arg8[%swap3A_479], %swap3A_482 {strides = array<i32>} : memref<80xi32, #tpu.memory_space<vmem>>, vector<16xi32>,
      %add3A_483 = arith.constant 48 : i32
      %add3A_484 = arith.addi %mul3A_399, %add3A_483 : i32
      %get3A_485 = arith.index_cast %add3A_484 : i32 to index
      %get3A_486 = tpu.vector_load %arg22[%get3A_485] {strides = array<i32>} : memref<20000xi32, #tpu.memory_space<vmem>>, vector<16xi32>,
      %get3A_487 = vector.shape_cast %get3A_486 : vector<16xi32> to vector<16xi32>
      %swap3A_488 = arith.constant 48 : index
      %swap3A_489 = tpu.vector_load %arg13[%swap3A_488] {strides = array<i32>} : memref<80xi32, #tpu.memory_space<vmem>>, vector<16xi32>,
      %swap3A_490 = vector.shape_cast %swap3A_489 : vector<16xi32> to vector<16xi32>
      %swap3A_491 = vector.shape_cast %get3A_487 : vector<16xi32> to vector<16xi32>
      tpu.vector_store %arg13[%swap3A_488], %swap3A_491 {strides = array<i32>} : memref<80xi32, #tpu.memory_space<vmem>>, vector<16xi32>,
      %add3A_492 = arith.constant 64 : i32
      %add3A_493 = arith.addi %mul3A_399, %add3A_492 : i32
      %get3A_494 = arith.index_cast %add3A_493 : i32 to index
      %get3A_495 = tpu.vector_load %arg21[%get3A_494] {strides = array<i32>} : memref<20000xi32, #tpu.memory_space<vmem>>, vector<16xi32>,
      %get3A_496 = vector.shape_cast %get3A_495 : vector<16xi32> to vector<16xi32>
      %mul3A_497 = arith.constant 2 : i32
      %mul3A_498 = vector.broadcast %mul3A_497 : i32 to vector<16xi32>
      %mul3A_499 = arith.muli %get3A_496, %mul3A_498 : vector<16xi32>
      %add3A_500 = vector.broadcast %arg0 : i32 to vector<16xi32>
      %add3A_501 = arith.addi %mul3A_499, %add3A_500 : vector<16xi32>
      %swap3A_502 = arith.constant 64 : index
      %swap3A_503 = tpu.vector_load %arg8[%swap3A_502] {strides = array<i32>} : memref<80xi32, #tpu.memory_space<vmem>>, vector<16xi32>,
      %swap3A_504 = vector.shape_cast %swap3A_503 : vector<16xi32> to vector<16xi32>
      %swap3A_505 = vector.shape_cast %add3A_501 : vector<16xi32> to vector<16xi32>
      tpu.vector_store %arg8[%swap3A_502], %swap3A_505 {strides = array<i32>} : memref<80xi32, #tpu.memory_space<vmem>>, vector<16xi32>,
      %add3A_506 = arith.constant 64 : i32
      %add3A_507 = arith.addi %mul3A_399, %add3A_506 : i32
      %get3A_508 = arith.index_cast %add3A_507 : i32 to index
      %get3A_509 = tpu.vector_load %arg22[%get3A_508] {strides = array<i32>} : memref<20000xi32, #tpu.memory_space<vmem>>, vector<16xi32>,
      %get3A_510 = vector.shape_cast %get3A_509 : vector<16xi32> to vector<16xi32>
      %swap3A_511 = arith.constant 64 : index
      %swap3A_512 = tpu.vector_load %arg13[%swap3A_511] {strides = array<i32>} : memref<80xi32, #tpu.memory_space<vmem>>, vector<16xi32>,
      %swap3A_513 = vector.shape_cast %swap3A_512 : vector<16xi32> to vector<16xi32>
      %swap3A_514 = vector.shape_cast %get3A_510 : vector<16xi32> to vector<16xi32>
      tpu.vector_store %arg13[%swap3A_511], %swap3A_514 {strides = array<i32>} : memref<80xi32, #tpu.memory_space<vmem>>, vector<16xi32>,
      %dma_start3A_515 = arith.constant 0 : i32
      %dma_start3A_516 = arith.constant 0 : i32
      %dma_start3A_517 = tpu.memref_slice %arg4[%dma_start3A_515, %dma_start3A_516] : memref<20000x32xf32, #tpu.memory_space<hbm>> -> memref<20000x32xf32, #tpu.memory_space<hbm>>
      tpu.enqueue_indirect_dma source(%dma_start3A_517 : memref<20000x32xf32, #tpu.memory_space<hbm>>) target(%arg18 : memref<80x32xf32, #tpu.memory_space<vmem>>) offsets(%arg8 : memref<80xi32, #tpu.memory_space<vmem>>) semaphore(%arg25 : memref<!tpu.dma_semaphore, #tpu.memory_space<semaphore_mem>>)
      %mul3A_518 = arith.constant 5 : i32
      %mul3A_519 = arith.muli %scan3A_146, %mul3A_518 : i32
      %add3A_520 = arith.constant 3 : i32
      %add3A_521 = arith.addi %mul3A_519, %add3A_520 : i32
      %mul3A_522 = arith.constant 80 : i32
      %mul3A_523 = arith.muli %add3A_521, %mul3A_522 : i32
      %add3A_524 = arith.constant 0 : i32
      %add3A_525 = arith.addi %mul3A_523, %add3A_524 : i32
      %get3A_526 = arith.index_cast %add3A_525 : i32 to index
      %get3A_527 = tpu.vector_load %arg21[%get3A_526] {strides = array<i32>} : memref<20000xi32, #tpu.memory_space<vmem>>, vector<16xi32>,
      %get3A_528 = vector.shape_cast %get3A_527 : vector<16xi32> to vector<16xi32>
      %mul3A_529 = arith.constant 2 : i32
      %mul3A_530 = vector.broadcast %mul3A_529 : i32 to vector<16xi32>
      %mul3A_531 = arith.muli %get3A_528, %mul3A_530 : vector<16xi32>
      %add3A_532 = vector.broadcast %arg0 : i32 to vector<16xi32>
      %add3A_533 = arith.addi %mul3A_531, %add3A_532 : vector<16xi32>
      %swap3A_534 = arith.constant 0 : index
      %swap3A_535 = tpu.vector_load %arg9[%swap3A_534] {strides = array<i32>} : memref<80xi32, #tpu.memory_space<vmem>>, vector<16xi32>,
      %swap3A_536 = vector.shape_cast %swap3A_535 : vector<16xi32> to vector<16xi32>
      %swap3A_537 = vector.shape_cast %add3A_533 : vector<16xi32> to vector<16xi32>
      tpu.vector_store %arg9[%swap3A_534], %swap3A_537 {strides = array<i32>} : memref<80xi32, #tpu.memory_space<vmem>>, vector<16xi32>,
      %add3A_538 = arith.constant 0 : i32
      %add3A_539 = arith.addi %mul3A_523, %add3A_538 : i32
      %get3A_540 = arith.index_cast %add3A_539 : i32 to index
      %get3A_541 = tpu.vector_load %arg22[%get3A_540] {strides = array<i32>} : memref<20000xi32, #tpu.memory_space<vmem>>, vector<16xi32>,
      %get3A_542 = vector.shape_cast %get3A_541 : vector<16xi32> to vector<16xi32>
      %swap3A_543 = arith.constant 0 : index
      %swap3A_544 = tpu.vector_load %arg14[%swap3A_543] {strides = array<i32>} : memref<80xi32, #tpu.memory_space<vmem>>, vector<16xi32>,
      %swap3A_545 = vector.shape_cast %swap3A_544 : vector<16xi32> to vector<16xi32>
      %swap3A_546 = vector.shape_cast %get3A_542 : vector<16xi32> to vector<16xi32>
      tpu.vector_store %arg14[%swap3A_543], %swap3A_546 {strides = array<i32>} : memref<80xi32, #tpu.memory_space<vmem>>, vector<16xi32>,
      %add3A_547 = arith.constant 16 : i32
      %add3A_548 = arith.addi %mul3A_523, %add3A_547 : i32
      %get3A_549 = arith.index_cast %add3A_548 : i32 to index
      %get3A_550 = tpu.vector_load %arg21[%get3A_549] {strides = array<i32>} : memref<20000xi32, #tpu.memory_space<vmem>>, vector<16xi32>,
      %get3A_551 = vector.shape_cast %get3A_550 : vector<16xi32> to vector<16xi32>
      %mul3A_552 = arith.constant 2 : i32
      %mul3A_553 = vector.broadcast %mul3A_552 : i32 to vector<16xi32>
      %mul3A_554 = arith.muli %get3A_551, %mul3A_553 : vector<16xi32>
      %add3A_555 = vector.broadcast %arg0 : i32 to vector<16xi32>
      %add3A_556 = arith.addi %mul3A_554, %add3A_555 : vector<16xi32>
      %swap3A_557 = arith.constant 16 : index
      %swap3A_558 = tpu.vector_load %arg9[%swap3A_557] {strides = array<i32>} : memref<80xi32, #tpu.memory_space<vmem>>, vector<16xi32>,
      %swap3A_559 = vector.shape_cast %swap3A_558 : vector<16xi32> to vector<16xi32>
      %swap3A_560 = vector.shape_cast %add3A_556 : vector<16xi32> to vector<16xi32>
      tpu.vector_store %arg9[%swap3A_557], %swap3A_560 {strides = array<i32>} : memref<80xi32, #tpu.memory_space<vmem>>, vector<16xi32>,
      %add3A_561 = arith.constant 16 : i32
      %add3A_562 = arith.addi %mul3A_523, %add3A_561 : i32
      %get3A_563 = arith.index_cast %add3A_562 : i32 to index
      %get3A_564 = tpu.vector_load %arg22[%get3A_563] {strides = array<i32>} : memref<20000xi32, #tpu.memory_space<vmem>>, vector<16xi32>,
      %get3A_565 = vector.shape_cast %get3A_564 : vector<16xi32> to vector<16xi32>
      %swap3A_566 = arith.constant 16 : index
      %swap3A_567 = tpu.vector_load %arg14[%swap3A_566] {strides = array<i32>} : memref<80xi32, #tpu.memory_space<vmem>>, vector<16xi32>,
      %swap3A_568 = vector.shape_cast %swap3A_567 : vector<16xi32> to vector<16xi32>
      %swap3A_569 = vector.shape_cast %get3A_565 : vector<16xi32> to vector<16xi32>
      tpu.vector_store %arg14[%swap3A_566], %swap3A_569 {strides = array<i32>} : memref<80xi32, #tpu.memory_space<vmem>>, vector<16xi32>,
      %add3A_570 = arith.constant 32 : i32
      %add3A_571 = arith.addi %mul3A_523, %add3A_570 : i32
      %get3A_572 = arith.index_cast %add3A_571 : i32 to index
      %get3A_573 = tpu.vector_load %arg21[%get3A_572] {strides = array<i32>} : memref<20000xi32, #tpu.memory_space<vmem>>, vector<16xi32>,
      %get3A_574 = vector.shape_cast %get3A_573 : vector<16xi32> to vector<16xi32>
      %mul3A_575 = arith.constant 2 : i32
      %mul3A_576 = vector.broadcast %mul3A_575 : i32 to vector<16xi32>
      %mul3A_577 = arith.muli %get3A_574, %mul3A_576 : vector<16xi32>
      %add3A_578 = vector.broadcast %arg0 : i32 to vector<16xi32>
      %add3A_579 = arith.addi %mul3A_577, %add3A_578 : vector<16xi32>
      %swap3A_580 = arith.constant 32 : index
      %swap3A_581 = tpu.vector_load %arg9[%swap3A_580] {strides = array<i32>} : memref<80xi32, #tpu.memory_space<vmem>>, vector<16xi32>,
      %swap3A_582 = vector.shape_cast %swap3A_581 : vector<16xi32> to vector<16xi32>
      %swap3A_583 = vector.shape_cast %add3A_579 : vector<16xi32> to vector<16xi32>
      tpu.vector_store %arg9[%swap3A_580], %swap3A_583 {strides = array<i32>} : memref<80xi32, #tpu.memory_space<vmem>>, vector<16xi32>,
      %add3A_584 = arith.constant 32 : i32
      %add3A_585 = arith.addi %mul3A_523, %add3A_584 : i32
      %get3A_586 = arith.index_cast %add3A_585 : i32 to index
      %get3A_587 = tpu.vector_load %arg22[%get3A_586] {strides = array<i32>} : memref<20000xi32, #tpu.memory_space<vmem>>, vector<16xi32>,
      %get3A_588 = vector.shape_cast %get3A_587 : vector<16xi32> to vector<16xi32>
      %swap3A_589 = arith.constant 32 : index
      %swap3A_590 = tpu.vector_load %arg14[%swap3A_589] {strides = array<i32>} : memref<80xi32, #tpu.memory_space<vmem>>, vector<16xi32>,
      %swap3A_591 = vector.shape_cast %swap3A_590 : vector<16xi32> to vector<16xi32>
      %swap3A_592 = vector.shape_cast %get3A_588 : vector<16xi32> to vector<16xi32>
      tpu.vector_store %arg14[%swap3A_589], %swap3A_592 {strides = array<i32>} : memref<80xi32, #tpu.memory_space<vmem>>, vector<16xi32>,
      %add3A_593 = arith.constant 48 : i32
      %add3A_594 = arith.addi %mul3A_523, %add3A_593 : i32
      %get3A_595 = arith.index_cast %add3A_594 : i32 to index
      %get3A_596 = tpu.vector_load %arg21[%get3A_595] {strides = array<i32>} : memref<20000xi32, #tpu.memory_space<vmem>>, vector<16xi32>,
      %get3A_597 = vector.shape_cast %get3A_596 : vector<16xi32> to vector<16xi32>
      %mul3A_598 = arith.constant 2 : i32
      %mul3A_599 = vector.broadcast %mul3A_598 : i32 to vector<16xi32>
      %mul3A_600 = arith.muli %get3A_597, %mul3A_599 : vector<16xi32>
      %add3A_601 = vector.broadcast %arg0 : i32 to vector<16xi32>
      %add3A_602 = arith.addi %mul3A_600, %add3A_601 : vector<16xi32>
      %swap3A_603 = arith.constant 48 : index
      %swap3A_604 = tpu.vector_load %arg9[%swap3A_603] {strides = array<i32>} : memref<80xi32, #tpu.memory_space<vmem>>, vector<16xi32>,
      %swap3A_605 = vector.shape_cast %swap3A_604 : vector<16xi32> to vector<16xi32>
      %swap3A_606 = vector.shape_cast %add3A_602 : vector<16xi32> to vector<16xi32>
      tpu.vector_store %arg9[%swap3A_603], %swap3A_606 {strides = array<i32>} : memref<80xi32, #tpu.memory_space<vmem>>, vector<16xi32>,
      %add3A_607 = arith.constant 48 : i32
      %add3A_608 = arith.addi %mul3A_523, %add3A_607 : i32
      %get3A_609 = arith.index_cast %add3A_608 : i32 to index
      %get3A_610 = tpu.vector_load %arg22[%get3A_609] {strides = array<i32>} : memref<20000xi32, #tpu.memory_space<vmem>>, vector<16xi32>,
      %get3A_611 = vector.shape_cast %get3A_610 : vector<16xi32> to vector<16xi32>
      %swap3A_612 = arith.constant 48 : index
      %swap3A_613 = tpu.vector_load %arg14[%swap3A_612] {strides = array<i32>} : memref<80xi32, #tpu.memory_space<vmem>>, vector<16xi32>,
      %swap3A_614 = vector.shape_cast %swap3A_613 : vector<16xi32> to vector<16xi32>
      %swap3A_615 = vector.shape_cast %get3A_611 : vector<16xi32> to vector<16xi32>
      tpu.vector_store %arg14[%swap3A_612], %swap3A_615 {strides = array<i32>} : memref<80xi32, #tpu.memory_space<vmem>>, vector<16xi32>,
      %add3A_616 = arith.constant 64 : i32
      %add3A_617 = arith.addi %mul3A_523, %add3A_616 : i32
      %get3A_618 = arith.index_cast %add3A_617 : i32 to index
      %get3A_619 = tpu.vector_load %arg21[%get3A_618] {strides = array<i32>} : memref<20000xi32, #tpu.memory_space<vmem>>, vector<16xi32>,
      %get3A_620 = vector.shape_cast %get3A_619 : vector<16xi32> to vector<16xi32>
      %mul3A_621 = arith.constant 2 : i32
      %mul3A_622 = vector.broadcast %mul3A_621 : i32 to vector<16xi32>
      %mul3A_623 = arith.muli %get3A_620, %mul3A_622 : vector<16xi32>
      %add3A_624 = vector.broadcast %arg0 : i32 to vector<16xi32>
      %add3A_625 = arith.addi %mul3A_623, %add3A_624 : vector<16xi32>
      %swap3A_626 = arith.constant 64 : index
      %swap3A_627 = tpu.vector_load %arg9[%swap3A_626] {strides = array<i32>} : memref<80xi32, #tpu.memory_space<vmem>>, vector<16xi32>,
      %swap3A_628 = vector.shape_cast %swap3A_627 : vector<16xi32> to vector<16xi32>
      %swap3A_629 = vector.shape_cast %add3A_625 : vector<16xi32> to vector<16xi32>
      tpu.vector_store %arg9[%swap3A_626], %swap3A_629 {strides = array<i32>} : memref<80xi32, #tpu.memory_space<vmem>>, vector<16xi32>,
      %add3A_630 = arith.constant 64 : i32
      %add3A_631 = arith.addi %mul3A_523, %add3A_630 : i32
      %get3A_632 = arith.index_cast %add3A_631 : i32 to index
      %get3A_633 = tpu.vector_load %arg22[%get3A_632] {strides = array<i32>} : memref<20000xi32, #tpu.memory_space<vmem>>, vector<16xi32>,
      %get3A_634 = vector.shape_cast %get3A_633 : vector<16xi32> to vector<16xi32>
      %swap3A_635 = arith.constant 64 : index
      %swap3A_636 = tpu.vector_load %arg14[%swap3A_635] {strides = array<i32>} : memref<80xi32, #tpu.memory_space<vmem>>, vector<16xi32>,
      %swap3A_637 = vector.shape_cast %swap3A_636 : vector<16xi32> to vector<16xi32>
      %swap3A_638 = vector.shape_cast %get3A_634 : vector<16xi32> to vector<16xi32>
      tpu.vector_store %arg14[%swap3A_635], %swap3A_638 {strides = array<i32>} : memref<80xi32, #tpu.memory_space<vmem>>, vector<16xi32>,
      %dma_start3A_639 = arith.constant 0 : i32
      %dma_start3A_640 = arith.constant 0 : i32
      %dma_start3A_641 = tpu.memref_slice %arg4[%dma_start3A_639, %dma_start3A_640] : memref<20000x32xf32, #tpu.memory_space<hbm>> -> memref<20000x32xf32, #tpu.memory_space<hbm>>
      tpu.enqueue_indirect_dma source(%dma_start3A_641 : memref<20000x32xf32, #tpu.memory_space<hbm>>) target(%arg19 : memref<80x32xf32, #tpu.memory_space<vmem>>) offsets(%arg9 : memref<80xi32, #tpu.memory_space<vmem>>) semaphore(%arg25 : memref<!tpu.dma_semaphore, #tpu.memory_space<semaphore_mem>>)
      %mul3A_642 = arith.constant 5 : i32
      %mul3A_643 = arith.muli %scan3A_146, %mul3A_642 : i32
      %add3A_644 = arith.constant 4 : i32
      %add3A_645 = arith.addi %mul3A_643, %add3A_644 : i32
      %mul3A_646 = arith.constant 80 : i32
      %mul3A_647 = arith.muli %add3A_645, %mul3A_646 : i32
      %add3A_648 = arith.constant 0 : i32
      %add3A_649 = arith.addi %mul3A_647, %add3A_648 : i32
      %get3A_650 = arith.index_cast %add3A_649 : i32 to index
      %get3A_651 = tpu.vector_load %arg21[%get3A_650] {strides = array<i32>} : memref<20000xi32, #tpu.memory_space<vmem>>, vector<16xi32>,
      %get3A_652 = vector.shape_cast %get3A_651 : vector<16xi32> to vector<16xi32>
      %mul3A_653 = arith.constant 2 : i32
      %mul3A_654 = vector.broadcast %mul3A_653 : i32 to vector<16xi32>
      %mul3A_655 = arith.muli %get3A_652, %mul3A_654 : vector<16xi32>
      %add3A_656 = vector.broadcast %arg0 : i32 to vector<16xi32>
      %add3A_657 = arith.addi %mul3A_655, %add3A_656 : vector<16xi32>
      %swap3A_658 = arith.constant 0 : index
      %swap3A_659 = tpu.vector_load %arg10[%swap3A_658] {strides = array<i32>} : memref<80xi32, #tpu.memory_space<vmem>>, vector<16xi32>,
      %swap3A_660 = vector.shape_cast %swap3A_659 : vector<16xi32> to vector<16xi32>
      %swap3A_661 = vector.shape_cast %add3A_657 : vector<16xi32> to vector<16xi32>
      tpu.vector_store %arg10[%swap3A_658], %swap3A_661 {strides = array<i32>} : memref<80xi32, #tpu.memory_space<vmem>>, vector<16xi32>,
      %add3A_662 = arith.constant 0 : i32
      %add3A_663 = arith.addi %mul3A_647, %add3A_662 : i32
      %get3A_664 = arith.index_cast %add3A_663 : i32 to index
      %get3A_665 = tpu.vector_load %arg22[%get3A_664] {strides = array<i32>} : memref<20000xi32, #tpu.memory_space<vmem>>, vector<16xi32>,
      %get3A_666 = vector.shape_cast %get3A_665 : vector<16xi32> to vector<16xi32>
      %swap3A_667 = arith.constant 0 : index
      %swap3A_668 = tpu.vector_load %arg15[%swap3A_667] {strides = array<i32>} : memref<80xi32, #tpu.memory_space<vmem>>, vector<16xi32>,
      %swap3A_669 = vector.shape_cast %swap3A_668 : vector<16xi32> to vector<16xi32>
      %swap3A_670 = vector.shape_cast %get3A_666 : vector<16xi32> to vector<16xi32>
      tpu.vector_store %arg15[%swap3A_667], %swap3A_670 {strides = array<i32>} : memref<80xi32, #tpu.memory_space<vmem>>, vector<16xi32>,
      %add3A_671 = arith.constant 16 : i32
      %add3A_672 = arith.addi %mul3A_647, %add3A_671 : i32
      %get3A_673 = arith.index_cast %add3A_672 : i32 to index
      %get3A_674 = tpu.vector_load %arg21[%get3A_673] {strides = array<i32>} : memref<20000xi32, #tpu.memory_space<vmem>>, vector<16xi32>,
      %get3A_675 = vector.shape_cast %get3A_674 : vector<16xi32> to vector<16xi32>
      %mul3A_676 = arith.constant 2 : i32
      %mul3A_677 = vector.broadcast %mul3A_676 : i32 to vector<16xi32>
      %mul3A_678 = arith.muli %get3A_675, %mul3A_677 : vector<16xi32>
      %add3A_679 = vector.broadcast %arg0 : i32 to vector<16xi32>
      %add3A_680 = arith.addi %mul3A_678, %add3A_679 : vector<16xi32>
      %swap3A_681 = arith.constant 16 : index
      %swap3A_682 = tpu.vector_load %arg10[%swap3A_681] {strides = array<i32>} : memref<80xi32, #tpu.memory_space<vmem>>, vector<16xi32>,
      %swap3A_683 = vector.shape_cast %swap3A_682 : vector<16xi32> to vector<16xi32>
      %swap3A_684 = vector.shape_cast %add3A_680 : vector<16xi32> to vector<16xi32>
      tpu.vector_store %arg10[%swap3A_681], %swap3A_684 {strides = array<i32>} : memref<80xi32, #tpu.memory_space<vmem>>, vector<16xi32>,
      %add3A_685 = arith.constant 16 : i32
      %add3A_686 = arith.addi %mul3A_647, %add3A_685 : i32
      %get3A_687 = arith.index_cast %add3A_686 : i32 to index
      %get3A_688 = tpu.vector_load %arg22[%get3A_687] {strides = array<i32>} : memref<20000xi32, #tpu.memory_space<vmem>>, vector<16xi32>,
      %get3A_689 = vector.shape_cast %get3A_688 : vector<16xi32> to vector<16xi32>
      %swap3A_690 = arith.constant 16 : index
      %swap3A_691 = tpu.vector_load %arg15[%swap3A_690] {strides = array<i32>} : memref<80xi32, #tpu.memory_space<vmem>>, vector<16xi32>,
      %swap3A_692 = vector.shape_cast %swap3A_691 : vector<16xi32> to vector<16xi32>
      %swap3A_693 = vector.shape_cast %get3A_689 : vector<16xi32> to vector<16xi32>
      tpu.vector_store %arg15[%swap3A_690], %swap3A_693 {strides = array<i32>} : memref<80xi32, #tpu.memory_space<vmem>>, vector<16xi32>,
      %add3A_694 = arith.constant 32 : i32
      %add3A_695 = arith.addi %mul3A_647, %add3A_694 : i32
      %get3A_696 = arith.index_cast %add3A_695 : i32 to index
      %get3A_697 = tpu.vector_load %arg21[%get3A_696] {strides = array<i32>} : memref<20000xi32, #tpu.memory_space<vmem>>, vector<16xi32>,
      %get3A_698 = vector.shape_cast %get3A_697 : vector<16xi32> to vector<16xi32>
      %mul3A_699 = arith.constant 2 : i32
      %mul3A_700 = vector.broadcast %mul3A_699 : i32 to vector<16xi32>
      %mul3A_701 = arith.muli %get3A_698, %mul3A_700 : vector<16xi32>
      %add3A_702 = vector.broadcast %arg0 : i32 to vector<16xi32>
      %add3A_703 = arith.addi %mul3A_701, %add3A_702 : vector<16xi32>
      %swap3A_704 = arith.constant 32 : index
      %swap3A_705 = tpu.vector_load %arg10[%swap3A_704] {strides = array<i32>} : memref<80xi32, #tpu.memory_space<vmem>>, vector<16xi32>,
      %swap3A_706 = vector.shape_cast %swap3A_705 : vector<16xi32> to vector<16xi32>
      %swap3A_707 = vector.shape_cast %add3A_703 : vector<16xi32> to vector<16xi32>
      tpu.vector_store %arg10[%swap3A_704], %swap3A_707 {strides = array<i32>} : memref<80xi32, #tpu.memory_space<vmem>>, vector<16xi32>,
      %add3A_708 = arith.constant 32 : i32
      %add3A_709 = arith.addi %mul3A_647, %add3A_708 : i32
      %get3A_710 = arith.index_cast %add3A_709 : i32 to index
      %get3A_711 = tpu.vector_load %arg22[%get3A_710] {strides = array<i32>} : memref<20000xi32, #tpu.memory_space<vmem>>, vector<16xi32>,
      %get3A_712 = vector.shape_cast %get3A_711 : vector<16xi32> to vector<16xi32>
      %swap3A_713 = arith.constant 32 : index
      %swap3A_714 = tpu.vector_load %arg15[%swap3A_713] {strides = array<i32>} : memref<80xi32, #tpu.memory_space<vmem>>, vector<16xi32>,
      %swap3A_715 = vector.shape_cast %swap3A_714 : vector<16xi32> to vector<16xi32>
      %swap3A_716 = vector.shape_cast %get3A_712 : vector<16xi32> to vector<16xi32>
      tpu.vector_store %arg15[%swap3A_713], %swap3A_716 {strides = array<i32>} : memref<80xi32, #tpu.memory_space<vmem>>, vector<16xi32>,
      %add3A_717 = arith.constant 48 : i32
      %add3A_718 = arith.addi %mul3A_647, %add3A_717 : i32
      %get3A_719 = arith.index_cast %add3A_718 : i32 to index
      %get3A_720 = tpu.vector_load %arg21[%get3A_719] {strides = array<i32>} : memref<20000xi32, #tpu.memory_space<vmem>>, vector<16xi32>,
      %get3A_721 = vector.shape_cast %get3A_720 : vector<16xi32> to vector<16xi32>
      %mul3A_722 = arith.constant 2 : i32
      %mul3A_723 = vector.broadcast %mul3A_722 : i32 to vector<16xi32>
      %mul3A_724 = arith.muli %get3A_721, %mul3A_723 : vector<16xi32>
      %add3A_725 = vector.broadcast %arg0 : i32 to vector<16xi32>
      %add3A_726 = arith.addi %mul3A_724, %add3A_725 : vector<16xi32>
      %swap3A_727 = arith.constant 48 : index
      %swap3A_728 = tpu.vector_load %arg10[%swap3A_727] {strides = array<i32>} : memref<80xi32, #tpu.memory_space<vmem>>, vector<16xi32>,
      %swap3A_729 = vector.shape_cast %swap3A_728 : vector<16xi32> to vector<16xi32>
      %swap3A_730 = vector.shape_cast %add3A_726 : vector<16xi32> to vector<16xi32>
      tpu.vector_store %arg10[%swap3A_727], %swap3A_730 {strides = array<i32>} : memref<80xi32, #tpu.memory_space<vmem>>, vector<16xi32>,
      %add3A_731 = arith.constant 48 : i32
      %add3A_732 = arith.addi %mul3A_647, %add3A_731 : i32
      %get3A_733 = arith.index_cast %add3A_732 : i32 to index
      %get3A_734 = tpu.vector_load %arg22[%get3A_733] {strides = array<i32>} : memref<20000xi32, #tpu.memory_space<vmem>>, vector<16xi32>,
      %get3A_735 = vector.shape_cast %get3A_734 : vector<16xi32> to vector<16xi32>
      %swap3A_736 = arith.constant 48 : index
      %swap3A_737 = tpu.vector_load %arg15[%swap3A_736] {strides = array<i32>} : memref<80xi32, #tpu.memory_space<vmem>>, vector<16xi32>,
      %swap3A_738 = vector.shape_cast %swap3A_737 : vector<16xi32> to vector<16xi32>
      %swap3A_739 = vector.shape_cast %get3A_735 : vector<16xi32> to vector<16xi32>
      tpu.vector_store %arg15[%swap3A_736], %swap3A_739 {strides = array<i32>} : memref<80xi32, #tpu.memory_space<vmem>>, vector<16xi32>,
      %add3A_740 = arith.constant 64 : i32
      %add3A_741 = arith.addi %mul3A_647, %add3A_740 : i32
      %get3A_742 = arith.index_cast %add3A_741 : i32 to index
      %get3A_743 = tpu.vector_load %arg21[%get3A_742] {strides = array<i32>} : memref<20000xi32, #tpu.memory_space<vmem>>, vector<16xi32>,
      %get3A_744 = vector.shape_cast %get3A_743 : vector<16xi32> to vector<16xi32>
      %mul3A_745 = arith.constant 2 : i32
      %mul3A_746 = vector.broadcast %mul3A_745 : i32 to vector<16xi32>
      %mul3A_747 = arith.muli %get3A_744, %mul3A_746 : vector<16xi32>
      %add3A_748 = vector.broadcast %arg0 : i32 to vector<16xi32>
      %add3A_749 = arith.addi %mul3A_747, %add3A_748 : vector<16xi32>
      %swap3A_750 = arith.constant 64 : index
      %swap3A_751 = tpu.vector_load %arg10[%swap3A_750] {strides = array<i32>} : memref<80xi32, #tpu.memory_space<vmem>>, vector<16xi32>,
      %swap3A_752 = vector.shape_cast %swap3A_751 : vector<16xi32> to vector<16xi32>
      %swap3A_753 = vector.shape_cast %add3A_749 : vector<16xi32> to vector<16xi32>
      tpu.vector_store %arg10[%swap3A_750], %swap3A_753 {strides = array<i32>} : memref<80xi32, #tpu.memory_space<vmem>>, vector<16xi32>,
      %add3A_754 = arith.constant 64 : i32
      %add3A_755 = arith.addi %mul3A_647, %add3A_754 : i32
      %get3A_756 = arith.index_cast %add3A_755 : i32 to index
      %get3A_757 = tpu.vector_load %arg22[%get3A_756] {strides = array<i32>} : memref<20000xi32, #tpu.memory_space<vmem>>, vector<16xi32>,
      %get3A_758 = vector.shape_cast %get3A_757 : vector<16xi32> to vector<16xi32>
      %swap3A_759 = arith.constant 64 : index
      %swap3A_760 = tpu.vector_load %arg15[%swap3A_759] {strides = array<i32>} : memref<80xi32, #tpu.memory_space<vmem>>, vector<16xi32>,
      %swap3A_761 = vector.shape_cast %swap3A_760 : vector<16xi32> to vector<16xi32>
      %swap3A_762 = vector.shape_cast %get3A_758 : vector<16xi32> to vector<16xi32>
      tpu.vector_store %arg15[%swap3A_759], %swap3A_762 {strides = array<i32>} : memref<80xi32, #tpu.memory_space<vmem>>, vector<16xi32>,
      %dma_start3A_763 = arith.constant 0 : i32
      %dma_start3A_764 = arith.constant 0 : i32
      %dma_start3A_765 = tpu.memref_slice %arg4[%dma_start3A_763, %dma_start3A_764] : memref<20000x32xf32, #tpu.memory_space<hbm>> -> memref<20000x32xf32, #tpu.memory_space<hbm>>
      tpu.enqueue_indirect_dma source(%dma_start3A_765 : memref<20000x32xf32, #tpu.memory_space<hbm>>) target(%arg20 : memref<80x32xf32, #tpu.memory_space<vmem>>) offsets(%arg10 : memref<80xi32, #tpu.memory_space<vmem>>) semaphore(%arg25 : memref<!tpu.dma_semaphore, #tpu.memory_space<semaphore_mem>>)
      %dma_wait3A_766 = arith.constant 0 : i32
      %dma_wait3A_767 = arith.constant 0 : i32
      %dma_wait3A_768 = tpu.memref_slice %arg4[%dma_wait3A_766, %dma_wait3A_767] : memref<20000x32xf32, #tpu.memory_space<hbm>> -> memref<20000x32xf32, #tpu.memory_space<hbm>>
      tpu.wait_indirect_dma semaphore(%arg25 : memref<!tpu.dma_semaphore, #tpu.memory_space<semaphore_mem>>) src(%dma_wait3A_768 : memref<20000x32xf32, #tpu.memory_space<hbm>>) dst(%arg16 : memref<80x32xf32, #tpu.memory_space<vmem>>)
      %dma_start3A_769 = arith.constant 0 : i32
      %dma_start3A_770 = arith.constant 0 : i32
      %dma_start3A_771 = tpu.memref_slice %arg24[%dma_start3A_769, %dma_start3A_770] : memref<10240x32xf32, #tpu.memory_space<vmem_shared>> -> memref<10240x32xf32, #tpu.memory_space<vmem_shared>>
      tpu.enqueue_indirect_dma source(%arg16 : memref<80x32xf32, #tpu.memory_space<vmem>>) target(%dma_start3A_771 : memref<10240x32xf32, #tpu.memory_space<vmem_shared>>) offsets(%arg11 : memref<80xi32, #tpu.memory_space<vmem>>) semaphore(%arg26 : memref<!tpu.dma_semaphore, #tpu.memory_space<semaphore_mem>>) {add = true}
      %dma_wait3A_772 = arith.constant 0 : i32
      %dma_wait3A_773 = arith.constant 0 : i32
      %dma_wait3A_774 = tpu.memref_slice %arg4[%dma_wait3A_772, %dma_wait3A_773] : memref<20000x32xf32, #tpu.memory_space<hbm>> -> memref<20000x32xf32, #tpu.memory_space<hbm>>
      tpu.wait_indirect_dma semaphore(%arg25 : memref<!tpu.dma_semaphore, #tpu.memory_space<semaphore_mem>>) src(%dma_wait3A_774 : memref<20000x32xf32, #tpu.memory_space<hbm>>) dst(%arg17 : memref<80x32xf32, #tpu.memory_space<vmem>>)
      %dma_start3A_775 = arith.constant 0 : i32
      %dma_start3A_776 = arith.constant 0 : i32
      %dma_start3A_777 = tpu.memref_slice %arg24[%dma_start3A_775, %dma_start3A_776] : memref<10240x32xf32, #tpu.memory_space<vmem_shared>> -> memref<10240x32xf32, #tpu.memory_space<vmem_shared>>
      tpu.enqueue_indirect_dma source(%arg17 : memref<80x32xf32, #tpu.memory_space<vmem>>) target(%dma_start3A_777 : memref<10240x32xf32, #tpu.memory_space<vmem_shared>>) offsets(%arg12 : memref<80xi32, #tpu.memory_space<vmem>>) semaphore(%arg26 : memref<!tpu.dma_semaphore, #tpu.memory_space<semaphore_mem>>) {add = true}
      %dma_wait3A_778 = arith.constant 0 : i32
      %dma_wait3A_779 = arith.constant 0 : i32
      %dma_wait3A_780 = tpu.memref_slice %arg4[%dma_wait3A_778, %dma_wait3A_779] : memref<20000x32xf32, #tpu.memory_space<hbm>> -> memref<20000x32xf32, #tpu.memory_space<hbm>>
      tpu.wait_indirect_dma semaphore(%arg25 : memref<!tpu.dma_semaphore, #tpu.memory_space<semaphore_mem>>) src(%dma_wait3A_780 : memref<20000x32xf32, #tpu.memory_space<hbm>>) dst(%arg18 : memref<80x32xf32, #tpu.memory_space<vmem>>)
      %dma_start3A_781 = arith.constant 0 : i32
      %dma_start3A_782 = arith.constant 0 : i32
      %dma_start3A_783 = tpu.memref_slice %arg24[%dma_start3A_781, %dma_start3A_782] : memref<10240x32xf32, #tpu.memory_space<vmem_shared>> -> memref<10240x32xf32, #tpu.memory_space<vmem_shared>>
      tpu.enqueue_indirect_dma source(%arg18 : memref<80x32xf32, #tpu.memory_space<vmem>>) target(%dma_start3A_783 : memref<10240x32xf32, #tpu.memory_space<vmem_shared>>) offsets(%arg13 : memref<80xi32, #tpu.memory_space<vmem>>) semaphore(%arg26 : memref<!tpu.dma_semaphore, #tpu.memory_space<semaphore_mem>>) {add = true}
      %dma_wait3A_784 = arith.constant 0 : i32
      %dma_wait3A_785 = arith.constant 0 : i32
      %dma_wait3A_786 = tpu.memref_slice %arg4[%dma_wait3A_784, %dma_wait3A_785] : memref<20000x32xf32, #tpu.memory_space<hbm>> -> memref<20000x32xf32, #tpu.memory_space<hbm>>
      tpu.wait_indirect_dma semaphore(%arg25 : memref<!tpu.dma_semaphore, #tpu.memory_space<semaphore_mem>>) src(%dma_wait3A_786 : memref<20000x32xf32, #tpu.memory_space<hbm>>) dst(%arg19 : memref<80x32xf32, #tpu.memory_space<vmem>>)
      %dma_start3A_787 = arith.constant 0 : i32
      %dma_start3A_788 = arith.constant 0 : i32
      %dma_start3A_789 = tpu.memref_slice %arg24[%dma_start3A_787, %dma_start3A_788] : memref<10240x32xf32, #tpu.memory_space<vmem_shared>> -> memref<10240x32xf32, #tpu.memory_space<vmem_shared>>
      tpu.enqueue_indirect_dma source(%arg19 : memref<80x32xf32, #tpu.memory_space<vmem>>) target(%dma_start3A_789 : memref<10240x32xf32, #tpu.memory_space<vmem_shared>>) offsets(%arg14 : memref<80xi32, #tpu.memory_space<vmem>>) semaphore(%arg26 : memref<!tpu.dma_semaphore, #tpu.memory_space<semaphore_mem>>) {add = true}
      %dma_wait3A_790 = arith.constant 0 : i32
      %dma_wait3A_791 = arith.constant 0 : i32
      %dma_wait3A_792 = tpu.memref_slice %arg4[%dma_wait3A_790, %dma_wait3A_791] : memref<20000x32xf32, #tpu.memory_space<hbm>> -> memref<20000x32xf32, #tpu.memory_space<hbm>>
      tpu.wait_indirect_dma semaphore(%arg25 : memref<!tpu.dma_semaphore, #tpu.memory_space<semaphore_mem>>) src(%dma_wait3A_792 : memref<20000x32xf32, #tpu.memory_space<hbm>>) dst(%arg20 : memref<80x32xf32, #tpu.memory_space<vmem>>)
      %dma_start3A_793 = arith.constant 0 : i32
      %dma_start3A_794 = arith.constant 0 : i32
      %dma_start3A_795 = tpu.memref_slice %arg24[%dma_start3A_793, %dma_start3A_794] : memref<10240x32xf32, #tpu.memory_space<vmem_shared>> -> memref<10240x32xf32, #tpu.memory_space<vmem_shared>>
      tpu.enqueue_indirect_dma source(%arg20 : memref<80x32xf32, #tpu.memory_space<vmem>>) target(%dma_start3A_795 : memref<10240x32xf32, #tpu.memory_space<vmem_shared>>) offsets(%arg15 : memref<80xi32, #tpu.memory_space<vmem>>) semaphore(%arg26 : memref<!tpu.dma_semaphore, #tpu.memory_space<semaphore_mem>>) {add = true}
      %dma_wait3A_796 = arith.constant 0 : i32
      %dma_wait3A_797 = arith.constant 0 : i32
      %dma_wait3A_798 = tpu.memref_slice %arg24[%dma_wait3A_796, %dma_wait3A_797] : memref<10240x32xf32, #tpu.memory_space<vmem_shared>> -> memref<10240x32xf32, #tpu.memory_space<vmem_shared>>
      tpu.wait_indirect_dma semaphore(%arg26 : memref<!tpu.dma_semaphore, #tpu.memory_space<semaphore_mem>>) src(%arg16 : memref<80x32xf32, #tpu.memory_space<vmem>>) dst(%dma_wait3A_798 : memref<10240x32xf32, #tpu.memory_space<vmem_shared>>)
      %dma_wait3A_799 = arith.constant 0 : i32
      %dma_wait3A_800 = arith.constant 0 : i32
      %dma_wait3A_801 = tpu.memref_slice %arg24[%dma_wait3A_799, %dma_wait3A_800] : memref<10240x32xf32, #tpu.memory_space<vmem_shared>> -> memref<10240x32xf32, #tpu.memory_space<vmem_shared>>
      tpu.wait_indirect_dma semaphore(%arg26 : memref<!tpu.dma_semaphore, #tpu.memory_space<semaphore_mem>>) src(%arg17 : memref<80x32xf32, #tpu.memory_space<vmem>>) dst(%dma_wait3A_801 : memref<10240x32xf32, #tpu.memory_space<vmem_shared>>)
      %dma_wait3A_802 = arith.constant 0 : i32
      %dma_wait3A_803 = arith.constant 0 : i32
      %dma_wait3A_804 = tpu.memref_slice %arg24[%dma_wait3A_802, %dma_wait3A_803] : memref<10240x32xf32, #tpu.memory_space<vmem_shared>> -> memref<10240x32xf32, #tpu.memory_space<vmem_shared>>
      tpu.wait_indirect_dma semaphore(%arg26 : memref<!tpu.dma_semaphore, #tpu.memory_space<semaphore_mem>>) src(%arg18 : memref<80x32xf32, #tpu.memory_space<vmem>>) dst(%dma_wait3A_804 : memref<10240x32xf32, #tpu.memory_space<vmem_shared>>)
      %dma_wait3A_805 = arith.constant 0 : i32
      %dma_wait3A_806 = arith.constant 0 : i32
      %dma_wait3A_807 = tpu.memref_slice %arg24[%dma_wait3A_805, %dma_wait3A_806] : memref<10240x32xf32, #tpu.memory_space<vmem_shared>> -> memref<10240x32xf32, #tpu.memory_space<vmem_shared>>
      tpu.wait_indirect_dma semaphore(%arg26 : memref<!tpu.dma_semaphore, #tpu.memory_space<semaphore_mem>>) src(%arg19 : memref<80x32xf32, #tpu.memory_space<vmem>>) dst(%dma_wait3A_807 : memref<10240x32xf32, #tpu.memory_space<vmem_shared>>)
      %dma_wait3A_808 = arith.constant 0 : i32
      %dma_wait3A_809 = arith.constant 0 : i32
      %dma_wait3A_810 = tpu.memref_slice %arg24[%dma_wait3A_808, %dma_wait3A_809] : memref<10240x32xf32, #tpu.memory_space<vmem_shared>> -> memref<10240x32xf32, #tpu.memory_space<vmem_shared>>
      tpu.wait_indirect_dma semaphore(%arg26 : memref<!tpu.dma_semaphore, #tpu.memory_space<semaphore_mem>>) src(%arg20 : memref<80x32xf32, #tpu.memory_space<vmem>>) dst(%dma_wait3A_810 : memref<10240x32xf32, #tpu.memory_space<vmem_shared>>)
      %scan3A_811 = arith.constant 0 : i32
      scf.yield %scan3A_811 : i32
    }
    %scan3A_140 = arith.constant 50 : i32
    %barrier3A_141 = arith.constant 0 : index
    tpu.barrier barrier_id(%barrier3A_141)
    %mul3A_142 = arith.constant 640 : i32
    %mul3A_143 = arith.muli %arg1, %mul3A_142 : i32
    %mul3A_144 = arith.constant 640 : i32
    %mul3A_145 = arith.muli %arg1, %mul3A_144 : i32
    "tpu.region"() ({
      %run_scoped3A = tpu.sem_alloc : memref<!tpu.dma_semaphore, #tpu.memory_space<semaphore_mem>>
      %dma_start3A_146 = arith.constant 0 : i32
      %dma_start3A_147 = tpu.memref_slice %arg5[%arg0, %mul3A_145, %dma_start3A_146] : memref<2x10240x32xf32, #tpu.memory_space<hbm>> -> memref<1x640x32xf32, #tpu.memory_space<hbm>>
      %dma_start3A_148 = tpu.memref_squeeze %dma_start3A_147 : memref<1x640x32xf32, #tpu.memory_space<hbm>> -> memref<640x32xf32, #tpu.memory_space<hbm>>
      %dma_start3A_149 = arith.constant 0 : i32
      %dma_start3A_150 = tpu.memref_slice %arg24[%mul3A_143, %dma_start3A_149] : memref<10240x32xf32, #tpu.memory_space<vmem_shared>> -> memref<640x32xf32, #tpu.memory_space<vmem_shared>>
      tpu.enqueue_dma source(%dma_start3A_150 : memref<640x32xf32, #tpu.memory_space<vmem_shared>>) target(%dma_start3A_148 : memref<640x32xf32, #tpu.memory_space<hbm>>) target_semaphore(%run_scoped3A : memref<!tpu.dma_semaphore, #tpu.memory_space<semaphore_mem>>)
      %dma_wait3A_151 = arith.constant 0 : i32
      %dma_wait3A_152 = tpu.memref_slice %arg5[%arg0, %mul3A_145, %dma_wait3A_151] : memref<2x10240x32xf32, #tpu.memory_space<hbm>> -> memref<1x640x32xf32, #tpu.memory_space<hbm>>
      %dma_wait3A_153 = tpu.memref_squeeze %dma_wait3A_152 : memref<1x640x32xf32, #tpu.memory_space<hbm>> -> memref<640x32xf32, #tpu.memory_space<hbm>>
      %dma_wait3A_154 = arith.constant 0 : i32
      %dma_wait3A_155 = tpu.memref_slice %arg24[%mul3A_143, %dma_wait3A_154] : memref<10240x32xf32, #tpu.memory_space<vmem_shared>> -> memref<640x32xf32, #tpu.memory_space<vmem_shared>>
      tpu.wait_dma2 semaphore(%run_scoped3A : memref<!tpu.dma_semaphore, #tpu.memory_space<semaphore_mem>>) src(%dma_wait3A_155 : memref<640x32xf32, #tpu.memory_space<vmem_shared>>) dst(%dma_wait3A_153 : memref<640x32xf32, #tpu.memory_space<hbm>>)
      tpu.yield
    }) : () -> ()
    return
  }
}

module attributes {stable_mosaic.version = 14 : i64} {
  func.func @_tc0_body(%arg0: i32, %arg1: memref<2000x128xf32, #tpu.memory_space<vmem>>, %arg2: memref<2x2000x64xf32, #tpu.memory_space<vmem>>, %arg3: memref<2x2000x16xf32, #tpu.memory_space<vmem>>, %arg4: memref<128x128xf32, #tpu.memory_space<vmem>>, %arg5: memref<128x128xf32, #tpu.memory_space<vmem>>, %arg6: memref<1x128xf32, #tpu.memory_space<vmem>>, %arg7: memref<2000x128xf32, #tpu.memory_space<vmem>>, %arg8: memref<2000x128xf32, #tpu.memory_space<vmem>>) attributes {dimension_semantics = [#tpu.dimension_semantics<arbitrary>], iteration_bounds = array<i64: 5>, scalar_prefetch = 0 : i64, scratch_operands = 0 : i64, tpu.core_type = #tpu.core_type<tc>, window_params = [{transform_indices = @transform_0, window_bounds = array<i64: 2000, 128>}, {transform_indices = @transform_1, window_bounds = array<i64: 2, 2000, 64>}, {transform_indices = @transform_2, window_bounds = array<i64: 2, 2000, 16>}, {pipeline_mode = #tpu.pipeline_mode<synchronous>, transform_indices = @transform_3, window_bounds = array<i64: 128, 128>}, {pipeline_mode = #tpu.pipeline_mode<synchronous>, transform_indices = @transform_4, window_bounds = array<i64: 128, 128>}, {pipeline_mode = #tpu.pipeline_mode<synchronous>, transform_indices = @transform_5, window_bounds = array<i64: 1, 128>}, {transform_indices = @transform_6, window_bounds = array<i64: 2000, 128>}, {transform_indices = @transform_7, window_bounds = array<i64: 2000, 128>}]} {
    %get3A = arith.constant 0 : index
    %get3A_0 = arith.constant 0 : index
    %get3A_1 = arith.constant 0 : index
    %get3A_2 = vector.load %arg2[%get3A, %get3A_0, %get3A_1] : memref<2x2000x64xf32, #tpu.memory_space<vmem>>, vector<1x2000x64xf32>
    %get3A_3 = vector.shape_cast %get3A_2 : vector<1x2000x64xf32> to vector<2000x64xf32>
    %get3A_4 = arith.constant 1 : index
    %get3A_5 = arith.constant 0 : index
    %get3A_6 = arith.constant 0 : index
    %get3A_7 = vector.load %arg2[%get3A_4, %get3A_5, %get3A_6] : memref<2x2000x64xf32, #tpu.memory_space<vmem>>, vector<1x2000x64xf32>
    %get3A_8 = vector.shape_cast %get3A_7 : vector<1x2000x64xf32> to vector<2000x64xf32>
    %concatenate3A = tpu.concatenate %get3A_3, %get3A_8 in 1 : vector<2000x64xf32>, vector<2000x64xf32> -> vector<2000x128xf32>
    %get3A_9 = arith.constant 0 : index
    %get3A_10 = arith.constant 0 : index
    %get3A_11 = arith.constant 0 : index
    %get3A_12 = vector.load %arg3[%get3A_9, %get3A_10, %get3A_11] : memref<2x2000x16xf32, #tpu.memory_space<vmem>>, vector<1x2000x16xf32>
    %get3A_13 = vector.shape_cast %get3A_12 : vector<1x2000x16xf32> to vector<2000x16xf32>
    %get3A_14 = arith.constant 1 : index
    %get3A_15 = arith.constant 0 : index
    %get3A_16 = arith.constant 0 : index
    %get3A_17 = vector.load %arg3[%get3A_14, %get3A_15, %get3A_16] : memref<2x2000x16xf32, #tpu.memory_space<vmem>>, vector<1x2000x16xf32>
    %get3A_18 = vector.shape_cast %get3A_17 : vector<1x2000x16xf32> to vector<2000x16xf32>
    %add3A = arith.addf %get3A_13, %get3A_18 : vector<2000x16xf32>
    %reduce_sum3A = arith.constant dense<0.000000e+00> : vector<2000xf32>
    %reduce_sum3A_19 = vector.multi_reduction <add>, %add3A, %reduce_sum3A [1] : vector<2000x16xf32> to vector<2000xf32>
    %broadcast_in_dim3A = vector.shape_cast %reduce_sum3A_19 : vector<2000xf32> to vector<2000x1xf32>
    %mul3A = arith.constant 6.250000e-02 : f32
    %mul3A_20 = vector.broadcast %mul3A : f32 to vector<2000x1xf32>
    %mul3A_21 = arith.mulf %broadcast_in_dim3A, %mul3A_20 : vector<2000x1xf32>
    %max3A = arith.constant 1.000000e+00 : f32
    %max3A_22 = vector.broadcast %max3A : f32 to vector<2000x1xf32>
    %max3A_23 = arith.maximumf %mul3A_21, %max3A_22 : vector<2000x1xf32>
    %div3A = arith.constant 1.000000e+00 : f32
    %div3A_24 = vector.broadcast %div3A : f32 to vector<2000x1xf32>
    %div3A_25 = arith.divf %div3A_24, %max3A_23 : vector<2000x1xf32>
    %mul3A_26 = vector.broadcast %div3A_25 : vector<2000x1xf32> to vector<2000x128xf32>
    %mul3A_27 = arith.mulf %concatenate3A, %mul3A_26 : vector<2000x128xf32>
    %get3A_28 = arith.constant 0 : index
    %get3A_29 = arith.constant 0 : index
    %get3A_30 = vector.load %arg1[%get3A_28, %get3A_29] : memref<2000x128xf32, #tpu.memory_space<vmem>>, vector<2000x128xf32>
    %get3A_31 = arith.constant 0 : index
    %get3A_32 = arith.constant 0 : index
    %get3A_33 = vector.load %arg4[%get3A_31, %get3A_32] : memref<128x128xf32, #tpu.memory_space<vmem>>, vector<128x128xf32>
    %dot_general3A = arith.constant dense<0.000000e+00> : vector<2000x128xf32>
    %dot_general3A_34 = tpu.matmul %get3A_30, %get3A_33, %dot_general3A {dimension_numbers = #tpu.dot_dimension_numbers<[1], [0], [0], [1], [0, 0, 1, 1], [], []>, transpose_lhs_hint = false} : vector<2000x128xf32>, vector<128x128xf32>, vector<2000x128xf32> -> vector<2000x128xf32>
    %get3A_35 = arith.constant 0 : index
    %get3A_36 = arith.constant 0 : index
    %get3A_37 = vector.load %arg5[%get3A_35, %get3A_36] : memref<128x128xf32, #tpu.memory_space<vmem>>, vector<128x128xf32>
    %dot_general3A_38 = arith.constant dense<0.000000e+00> : vector<2000x128xf32>
    %dot_general3A_39 = tpu.matmul %mul3A_27, %get3A_37, %dot_general3A_38 {dimension_numbers = #tpu.dot_dimension_numbers<[1], [0], [0], [1], [0, 0, 1, 1], [], []>, transpose_lhs_hint = false} : vector<2000x128xf32>, vector<128x128xf32>, vector<2000x128xf32> -> vector<2000x128xf32>
    %add3A_40 = arith.addf %dot_general3A_34, %dot_general3A_39 : vector<2000x128xf32>
    %get3A_41 = arith.constant 0 : index
    %get3A_42 = arith.constant 0 : index
    %get3A_43 = vector.load %arg6[%get3A_41, %get3A_42] : memref<1x128xf32, #tpu.memory_space<vmem>>, vector<1x128xf32>
    %add3A_44 = vector.broadcast %get3A_43 : vector<1x128xf32> to vector<2000x128xf32>
    %add3A_45 = arith.addf %add3A_40, %add3A_44 : vector<2000x128xf32>
    %max3A_46 = arith.constant 0.000000e+00 : f32
    %max3A_47 = vector.broadcast %max3A_46 : f32 to vector<2000x128xf32>
    %max3A_48 = arith.maximumf %add3A_45, %max3A_47 : vector<2000x128xf32>
    %swap3A = arith.constant 0 : index
    %swap3A_49 = arith.constant 0 : index
    %swap3A_50 = vector.load %arg7[%swap3A, %swap3A_49] : memref<2000x128xf32, #tpu.memory_space<vmem>>, vector<2000x128xf32>
    tpu.vector_store %arg7[%swap3A, %swap3A_49], %max3A_48 {strides = array<i32>} : memref<2000x128xf32, #tpu.memory_space<vmem>>, vector<2000x128xf32>,
    %broadcast_in_dim3A_51 = vector.shape_cast %div3A_25 : vector<2000x1xf32> to vector<2000x1xf32>
    %broadcast_in_dim3A_52 = vector.broadcast %broadcast_in_dim3A_51 : vector<2000x1xf32> to vector<2000x128xf32>
    %swap3A_53 = arith.constant 0 : index
    %swap3A_54 = arith.constant 0 : index
    %swap3A_55 = vector.load %arg8[%swap3A_53, %swap3A_54] : memref<2000x128xf32, #tpu.memory_space<vmem>>, vector<2000x128xf32>
    tpu.vector_store %arg8[%swap3A_53, %swap3A_54], %broadcast_in_dim3A_52 {strides = array<i32>} : memref<2000x128xf32, #tpu.memory_space<vmem>>, vector<2000x128xf32>,
    return
  }
  func.func @transform_0(%arg0: i32) -> (i32, i32) {
    %c0_i32 = arith.constant 0 : i32
    %c0_i32_0 = arith.constant 0 : i32
    return %arg0, %c0_i32 : i32, i32
  }
  func.func @transform_1(%arg0: i32) -> (i32, i32, i32) {
    %c0_i32 = arith.constant 0 : i32
    %c0_i32_0 = arith.constant 0 : i32
    %c0_i32_1 = arith.constant 0 : i32
    return %c0_i32, %arg0, %c0_i32_0 : i32, i32, i32
  }
  func.func @transform_2(%arg0: i32) -> (i32, i32, i32) {
    %c0_i32 = arith.constant 0 : i32
    %c0_i32_0 = arith.constant 0 : i32
    %c0_i32_1 = arith.constant 0 : i32
    return %c0_i32, %arg0, %c0_i32_0 : i32, i32, i32
  }
  func.func @transform_3(%arg0: i32) -> (i32, i32) {
    %c0_i32 = arith.constant 0 : i32
    %c0_i32_0 = arith.constant 0 : i32
    %c0_i32_1 = arith.constant 0 : i32
    return %c0_i32, %c0_i32_0 : i32, i32
  }
  func.func @transform_4(%arg0: i32) -> (i32, i32) {
    %c0_i32 = arith.constant 0 : i32
    %c0_i32_0 = arith.constant 0 : i32
    %c0_i32_1 = arith.constant 0 : i32
    return %c0_i32, %c0_i32_0 : i32, i32
  }
  func.func @transform_5(%arg0: i32) -> (i32, i32) {
    %c0_i32 = arith.constant 0 : i32
    %c0_i32_0 = arith.constant 0 : i32
    %c0_i32_1 = arith.constant 0 : i32
    return %c0_i32, %c0_i32_0 : i32, i32
  }
  func.func @transform_6(%arg0: i32) -> (i32, i32) {
    %c0_i32 = arith.constant 0 : i32
    %c0_i32_0 = arith.constant 0 : i32
    return %arg0, %c0_i32 : i32, i32
  }
  func.func @transform_7(%arg0: i32) -> (i32, i32) {
    %c0_i32 = arith.constant 0 : i32
    %c0_i32_0 = arith.constant 0 : i32
    return %arg0, %c0_i32 : i32, i32
  }
}

module attributes {stable_mosaic.version = 14 : i64} {
  func.func @_tc1_body(%arg0: i32, %arg1: memref<2000x128xf32, #tpu.memory_space<vmem>>, %arg2: memref<2x2000x64xf32, #tpu.memory_space<vmem>>, %arg3: memref<2000x128xf32, #tpu.memory_space<vmem>>, %arg4: memref<128x128xf32, #tpu.memory_space<vmem>>, %arg5: memref<128x128xf32, #tpu.memory_space<vmem>>, %arg6: memref<1x128xf32, #tpu.memory_space<vmem>>, %arg7: memref<128x64xf32, #tpu.memory_space<vmem>>, %arg8: memref<2000x128xf32, #tpu.memory_space<vmem>>, %arg9: memref<2000x64xf32, #tpu.memory_space<vmem>>) attributes {dimension_semantics = [#tpu.dimension_semantics<arbitrary>], iteration_bounds = array<i64: 5>, scalar_prefetch = 0 : i64, scratch_operands = 0 : i64, tpu.core_type = #tpu.core_type<tc>, window_params = [{transform_indices = @transform_0, window_bounds = array<i64: 2000, 128>}, {transform_indices = @transform_1, window_bounds = array<i64: 2, 2000, 64>}, {transform_indices = @transform_2, window_bounds = array<i64: 2000, 128>}, {pipeline_mode = #tpu.pipeline_mode<synchronous>, transform_indices = @transform_3, window_bounds = array<i64: 128, 128>}, {pipeline_mode = #tpu.pipeline_mode<synchronous>, transform_indices = @transform_4, window_bounds = array<i64: 128, 128>}, {pipeline_mode = #tpu.pipeline_mode<synchronous>, transform_indices = @transform_5, window_bounds = array<i64: 1, 128>}, {pipeline_mode = #tpu.pipeline_mode<synchronous>, transform_indices = @transform_6, window_bounds = array<i64: 128, 64>}, {transform_indices = @transform_7, window_bounds = array<i64: 2000, 128>}, {transform_indices = @transform_8, window_bounds = array<i64: 2000, 64>}]} {
    %get3A = arith.constant 0 : index
    %get3A_0 = arith.constant 0 : index
    %get3A_1 = arith.constant 0 : index
    %get3A_2 = vector.load %arg2[%get3A, %get3A_0, %get3A_1] : memref<2x2000x64xf32, #tpu.memory_space<vmem>>, vector<1x2000x64xf32>
    %get3A_3 = vector.shape_cast %get3A_2 : vector<1x2000x64xf32> to vector<2000x64xf32>
    %get3A_4 = arith.constant 1 : index
    %get3A_5 = arith.constant 0 : index
    %get3A_6 = arith.constant 0 : index
    %get3A_7 = vector.load %arg2[%get3A_4, %get3A_5, %get3A_6] : memref<2x2000x64xf32, #tpu.memory_space<vmem>>, vector<1x2000x64xf32>
    %get3A_8 = vector.shape_cast %get3A_7 : vector<1x2000x64xf32> to vector<2000x64xf32>
    %concatenate3A = tpu.concatenate %get3A_3, %get3A_8 in 1 : vector<2000x64xf32>, vector<2000x64xf32> -> vector<2000x128xf32>
    %get3A_9 = arith.constant 0 : index
    %get3A_10 = arith.constant 0 : index
    %get3A_11 = vector.load %arg3[%get3A_9, %get3A_10] : memref<2000x128xf32, #tpu.memory_space<vmem>>, vector<2000x128xf32>
    %mul3A = arith.mulf %concatenate3A, %get3A_11 : vector<2000x128xf32>
    %get3A_12 = arith.constant 0 : index
    %get3A_13 = arith.constant 0 : index
    %get3A_14 = vector.load %arg1[%get3A_12, %get3A_13] : memref<2000x128xf32, #tpu.memory_space<vmem>>, vector<2000x128xf32>
    %get3A_15 = arith.constant 0 : index
    %get3A_16 = arith.constant 0 : index
    %get3A_17 = vector.load %arg4[%get3A_15, %get3A_16] : memref<128x128xf32, #tpu.memory_space<vmem>>, vector<128x128xf32>
    %dot_general3A = arith.constant dense<0.000000e+00> : vector<2000x128xf32>
    %dot_general3A_18 = tpu.matmul %get3A_14, %get3A_17, %dot_general3A {dimension_numbers = #tpu.dot_dimension_numbers<[1], [0], [0], [1], [0, 0, 1, 1], [], []>, transpose_lhs_hint = false} : vector<2000x128xf32>, vector<128x128xf32>, vector<2000x128xf32> -> vector<2000x128xf32>
    %get3A_19 = arith.constant 0 : index
    %get3A_20 = arith.constant 0 : index
    %get3A_21 = vector.load %arg5[%get3A_19, %get3A_20] : memref<128x128xf32, #tpu.memory_space<vmem>>, vector<128x128xf32>
    %dot_general3A_22 = arith.constant dense<0.000000e+00> : vector<2000x128xf32>
    %dot_general3A_23 = tpu.matmul %mul3A, %get3A_21, %dot_general3A_22 {dimension_numbers = #tpu.dot_dimension_numbers<[1], [0], [0], [1], [0, 0, 1, 1], [], []>, transpose_lhs_hint = false} : vector<2000x128xf32>, vector<128x128xf32>, vector<2000x128xf32> -> vector<2000x128xf32>
    %add3A = arith.addf %dot_general3A_18, %dot_general3A_23 : vector<2000x128xf32>
    %get3A_24 = arith.constant 0 : index
    %get3A_25 = arith.constant 0 : index
    %get3A_26 = vector.load %arg6[%get3A_24, %get3A_25] : memref<1x128xf32, #tpu.memory_space<vmem>>, vector<1x128xf32>
    %add3A_27 = vector.broadcast %get3A_26 : vector<1x128xf32> to vector<2000x128xf32>
    %add3A_28 = arith.addf %add3A, %add3A_27 : vector<2000x128xf32>
    %max3A = arith.constant 0.000000e+00 : f32
    %max3A_29 = vector.broadcast %max3A : f32 to vector<2000x128xf32>
    %max3A_30 = arith.maximumf %add3A_28, %max3A_29 : vector<2000x128xf32>
    %swap3A = arith.constant 0 : index
    %swap3A_31 = arith.constant 0 : index
    %swap3A_32 = vector.load %arg8[%swap3A, %swap3A_31] : memref<2000x128xf32, #tpu.memory_space<vmem>>, vector<2000x128xf32>
    tpu.vector_store %arg8[%swap3A, %swap3A_31], %max3A_30 {strides = array<i32>} : memref<2000x128xf32, #tpu.memory_space<vmem>>, vector<2000x128xf32>,
    %get3A_33 = arith.constant 0 : index
    %get3A_34 = arith.constant 0 : index
    %get3A_35 = vector.load %arg7[%get3A_33, %get3A_34] : memref<128x64xf32, #tpu.memory_space<vmem>>, vector<128x64xf32>
    %dot_general3A_36 = arith.constant dense<0.000000e+00> : vector<2000x64xf32>
    %dot_general3A_37 = tpu.matmul %max3A_30, %get3A_35, %dot_general3A_36 {dimension_numbers = #tpu.dot_dimension_numbers<[1], [0], [0], [1], [0, 0, 1, 1], [], []>, transpose_lhs_hint = false} : vector<2000x128xf32>, vector<128x64xf32>, vector<2000x64xf32> -> vector<2000x64xf32>
    %swap3A_38 = arith.constant 0 : index
    %swap3A_39 = arith.constant 0 : index
    %swap3A_40 = vector.load %arg9[%swap3A_38, %swap3A_39] : memref<2000x64xf32, #tpu.memory_space<vmem>>, vector<2000x64xf32>
    tpu.vector_store %arg9[%swap3A_38, %swap3A_39], %dot_general3A_37 {strides = array<i32>} : memref<2000x64xf32, #tpu.memory_space<vmem>>, vector<2000x64xf32>,
    return
  }
  func.func @transform_0(%arg0: i32) -> (i32, i32) {
    %c0_i32 = arith.constant 0 : i32
    %c0_i32_0 = arith.constant 0 : i32
    return %arg0, %c0_i32 : i32, i32
  }
  func.func @transform_1(%arg0: i32) -> (i32, i32, i32) {
    %c0_i32 = arith.constant 0 : i32
    %c0_i32_0 = arith.constant 0 : i32
    %c0_i32_1 = arith.constant 0 : i32
    return %c0_i32, %arg0, %c0_i32_0 : i32, i32, i32
  }
  func.func @transform_2(%arg0: i32) -> (i32, i32) {
    %c0_i32 = arith.constant 0 : i32
    %c0_i32_0 = arith.constant 0 : i32
    return %arg0, %c0_i32 : i32, i32
  }
  func.func @transform_3(%arg0: i32) -> (i32, i32) {
    %c0_i32 = arith.constant 0 : i32
    %c0_i32_0 = arith.constant 0 : i32
    %c0_i32_1 = arith.constant 0 : i32
    return %c0_i32, %c0_i32_0 : i32, i32
  }
  func.func @transform_4(%arg0: i32) -> (i32, i32) {
    %c0_i32 = arith.constant 0 : i32
    %c0_i32_0 = arith.constant 0 : i32
    %c0_i32_1 = arith.constant 0 : i32
    return %c0_i32, %c0_i32_0 : i32, i32
  }
  func.func @transform_5(%arg0: i32) -> (i32, i32) {
    %c0_i32 = arith.constant 0 : i32
    %c0_i32_0 = arith.constant 0 : i32
    %c0_i32_1 = arith.constant 0 : i32
    return %c0_i32, %c0_i32_0 : i32, i32
  }
  func.func @transform_6(%arg0: i32) -> (i32, i32) {
    %c0_i32 = arith.constant 0 : i32
    %c0_i32_0 = arith.constant 0 : i32
    %c0_i32_1 = arith.constant 0 : i32
    return %c0_i32, %c0_i32_0 : i32, i32
  }
  func.func @transform_7(%arg0: i32) -> (i32, i32) {
    %c0_i32 = arith.constant 0 : i32
    %c0_i32_0 = arith.constant 0 : i32
    return %arg0, %c0_i32 : i32, i32
  }
  func.func @transform_8(%arg0: i32) -> (i32, i32) {
    %c0_i32 = arith.constant 0 : i32
    %c0_i32_0 = arith.constant 0 : i32
    return %arg0, %c0_i32 : i32, i32
  }
}

module attributes {stable_mosaic.version = 14 : i64} {
  func.func @_tc2_body(%arg0: i32, %arg1: memref<2000x128xf32, #tpu.memory_space<vmem>>, %arg2: memref<2x2000x32xf32, #tpu.memory_space<vmem>>, %arg3: memref<2000x128xf32, #tpu.memory_space<vmem>>, %arg4: memref<128x64xf32, #tpu.memory_space<vmem>>, %arg5: memref<1x64xf32, #tpu.memory_space<vmem>>, %arg6: memref<2000x64xf32, #tpu.memory_space<vmem>>) attributes {dimension_semantics = [#tpu.dimension_semantics<arbitrary>], iteration_bounds = array<i64: 5>, scalar_prefetch = 0 : i64, scratch_operands = 0 : i64, tpu.core_type = #tpu.core_type<tc>, window_params = [{transform_indices = @transform_0, window_bounds = array<i64: 2000, 128>}, {transform_indices = @transform_1, window_bounds = array<i64: 2, 2000, 32>}, {transform_indices = @transform_2, window_bounds = array<i64: 2000, 128>}, {pipeline_mode = #tpu.pipeline_mode<synchronous>, transform_indices = @transform_3, window_bounds = array<i64: 128, 64>}, {pipeline_mode = #tpu.pipeline_mode<synchronous>, transform_indices = @transform_4, window_bounds = array<i64: 1, 64>}, {transform_indices = @transform_5, window_bounds = array<i64: 2000, 64>}]} {
    %get3A = arith.constant 0 : index
    %get3A_0 = arith.constant 0 : index
    %get3A_1 = arith.constant 0 : index
    %get3A_2 = vector.load %arg2[%get3A, %get3A_0, %get3A_1] : memref<2x2000x32xf32, #tpu.memory_space<vmem>>, vector<1x2000x32xf32>
    %get3A_3 = vector.shape_cast %get3A_2 : vector<1x2000x32xf32> to vector<2000x32xf32>
    %get3A_4 = arith.constant 1 : index
    %get3A_5 = arith.constant 0 : index
    %get3A_6 = arith.constant 0 : index
    %get3A_7 = vector.load %arg2[%get3A_4, %get3A_5, %get3A_6] : memref<2x2000x32xf32, #tpu.memory_space<vmem>>, vector<1x2000x32xf32>
    %get3A_8 = vector.shape_cast %get3A_7 : vector<1x2000x32xf32> to vector<2000x32xf32>
    %concatenate3A = tpu.concatenate %get3A_3, %get3A_8 in 1 : vector<2000x32xf32>, vector<2000x32xf32> -> vector<2000x64xf32>
    %get3A_9 = arith.constant 0 : index
    %get3A_10 = arith.constant 0 : index
    %get3A_11 = vector.load %arg3[%get3A_9, %get3A_10] : memref<2000x128xf32, #tpu.memory_space<vmem>>, vector<2000x64xf32>
    %mul3A = arith.mulf %concatenate3A, %get3A_11 : vector<2000x64xf32>
    %get3A_12 = arith.constant 0 : index
    %get3A_13 = arith.constant 0 : index
    %get3A_14 = vector.load %arg1[%get3A_12, %get3A_13] : memref<2000x128xf32, #tpu.memory_space<vmem>>, vector<2000x128xf32>
    %get3A_15 = arith.constant 0 : index
    %get3A_16 = arith.constant 0 : index
    %get3A_17 = vector.load %arg4[%get3A_15, %get3A_16] : memref<128x64xf32, #tpu.memory_space<vmem>>, vector<128x64xf32>
    %dot_general3A = arith.constant dense<0.000000e+00> : vector<2000x64xf32>
    %dot_general3A_18 = tpu.matmul %get3A_14, %get3A_17, %dot_general3A {dimension_numbers = #tpu.dot_dimension_numbers<[1], [0], [0], [1], [0, 0, 1, 1], [], []>, transpose_lhs_hint = false} : vector<2000x128xf32>, vector<128x64xf32>, vector<2000x64xf32> -> vector<2000x64xf32>
    %add3A = arith.addf %dot_general3A_18, %mul3A : vector<2000x64xf32>
    %get3A_19 = arith.constant 0 : index
    %get3A_20 = arith.constant 0 : index
    %get3A_21 = vector.load %arg5[%get3A_19, %get3A_20] : memref<1x64xf32, #tpu.memory_space<vmem>>, vector<1x64xf32>
    %add3A_22 = vector.broadcast %get3A_21 : vector<1x64xf32> to vector<2000x64xf32>
    %add3A_23 = arith.addf %add3A, %add3A_22 : vector<2000x64xf32>
    %swap3A = arith.constant 0 : index
    %swap3A_24 = arith.constant 0 : index
    %swap3A_25 = vector.load %arg6[%swap3A, %swap3A_24] : memref<2000x64xf32, #tpu.memory_space<vmem>>, vector<2000x64xf32>
    tpu.vector_store %arg6[%swap3A, %swap3A_24], %add3A_23 {strides = array<i32>} : memref<2000x64xf32, #tpu.memory_space<vmem>>, vector<2000x64xf32>,
    return
  }
  func.func @transform_0(%arg0: i32) -> (i32, i32) {
    %c0_i32 = arith.constant 0 : i32
    %c0_i32_0 = arith.constant 0 : i32
    return %arg0, %c0_i32 : i32, i32
  }
  func.func @transform_1(%arg0: i32) -> (i32, i32, i32) {
    %c0_i32 = arith.constant 0 : i32
    %c0_i32_0 = arith.constant 0 : i32
    %c0_i32_1 = arith.constant 0 : i32
    return %c0_i32, %arg0, %c0_i32_0 : i32, i32, i32
  }
  func.func @transform_2(%arg0: i32) -> (i32, i32) {
    %c0_i32 = arith.constant 0 : i32
    %c0_i32_0 = arith.constant 0 : i32
    return %arg0, %c0_i32 : i32, i32
  }
  func.func @transform_3(%arg0: i32) -> (i32, i32) {
    %c0_i32 = arith.constant 0 : i32
    %c0_i32_0 = arith.constant 0 : i32
    %c0_i32_1 = arith.constant 0 : i32
    return %c0_i32, %c0_i32_0 : i32, i32
  }
  func.func @transform_4(%arg0: i32) -> (i32, i32) {
    %c0_i32 = arith.constant 0 : i32
    %c0_i32_0 = arith.constant 0 : i32
    %c0_i32_1 = arith.constant 0 : i32
    return %c0_i32, %c0_i32_0 : i32, i32
  }
  func.func @transform_5(%arg0: i32) -> (i32, i32) {
    %c0_i32 = arith.constant 0 : i32
    %c0_i32_0 = arith.constant 0 : i32
    return %arg0, %c0_i32 : i32, i32
  }
}

</mosaic_0001>

<sc_bundles>
// kernel: kernel.11.cloned.1.call-start
scs
__scs_entry_jumppad:
0x0: {  	(pc) =	sbr.rel $0x88, $3  }
0x1: {  	(tag) =	ssettag $0x0;
	lr =	simm.s32 $0x1  }
0x2: {  	[smem:$0x3F96] =	sst lr;
	_ =	strace $0xD0000000  }
0x3: {  	_ = 	snop  }
0x4: {  	_ = 	snop  }
0x5: {  	_ = 	snop  }
0x6: {  	_ = 	snop  }
0x7: {  	_ = 	snop  }
__scs_overlays_trampoline_lowered:
0x8: {  	[smem:$0x3FA5] =	sst s0  }
0x9: {  	[smem:$0x3FA6] =	sst s1  }
0xa: {  	[smem:$0x3FA7] =	sst s2  }
0xb: {  	[smem:$0x3FA8] =	sst s3  }
0xc: {  	[smem:$0x3FA9] =	sst s4  }
0xd: {  	[smem:$0x3FAA] =	sst s5  }
0xe: {  	[smem:$0x3FAB] =	sst s6  }
0xf: {  	[smem:$0x3FAC] =	sst s7  }
0x10: {  	[smem:$0x3FAD] =	sst s8  }
0x11: {  	[smem:$0x3FAE] =	sst s9;
	s0 =	simm.s32 @!p0 $0x0  }
0x12: {  	s1 =	sld [smem:$0x3F94];
	s0 =	simm.s32 @p0 $0x1  }
0x13: {  	[smem:$0x3FAF] =	sst s0;
	s0 =	simm.s32 @!p1 $0x0  }
0x14: {  	s2 =	sld [smem:$0x3F93];
	s0 =	simm.s32 @p1 $0x1  }
0x15: {  	[smem:$0x3FB0] =	sst s0;
	s0 =	simm.s32 @!p2 $0x0  }
0x16: {  	s3 =	sld [smem:$0x3FDB];
	s0 =	simm.s32 @p2 $0x1  }
0x17: {  	s4 =	simm.s32 $0x1BF5;
	[smem:$0x3FB2] =	sst s0  }
0x18: {  	s0 =	sld [smem:$0x3F95];
	_ =	swait.ge [sflag:s4], $0x0  }
0x19: {  	s7 =	sld [smem:$0x3F96]  }
0x1a: {  	s8 =	sadd.s32 $0xFFFFE003, lr  }
0x1b: {  	s9 =	sadd.s32 $0xFFFFFEF7, lr;
	s5 =	simm.s32 $0xFFFFFFFF;
	p2 =	slt.u32 s8, $0xFFFFF086  }
0x1c: {  	p1 =	slt.u32 s9, $0xF7A;
	s5 =	simm.s32 @!p2 $0x0  }
0x1d: {  	s5 =	simm.s32 @p1 $0x1;
	p0 =	seq.s32 s7, s2  }
0x1e: {  	s7 =	smul.u32 @!p0 $0xF7A, s2;
	p2 =	seq.s32 @!p0 s5, $0x0  }
0x1f: {  	s9 =	smul.u32 $0xF7A, s1;
	s8 =	simm.s32 @!p0 $0x1BF5;
	p2 =	por !p2, p0  }
0x20: {  	[sflag:s8] =	ssyncset.s32 @!p0 $0xFFFFF086;
	s6 =	sadd.s32 @!p0 s3, s7;
	s7 =	simm.s32 @!p0 $0x108  }
0x21: {  	s3 =	sadd.s32 s3, s9;
	s6 =	sadd.s32 @!p0 $0x88, s6;
	s7 =	simm.s32 @p2 $0x1082  }
0x22: {  	[simem:s7], [sflag:s8] =	dma.local @!p0 [hbm:s6], $0xF7A  }
0x23: {  	s9 =	sor.u32 $0xD0000000, s2;
	s6 =	simm.s32 $0x108;
	_ =	swait.ge @!p0 [sflag:s8], $0x0  }
0x24: {  	s3 =	sadd.s32 $0x88, s3;
	s6 =	simm.s32 @!p1 $0x1082;
	[sflag:s4] =	ssyncset.s32 $0xFFFFF086  }
0x25: {  	[simem:s6], [sflag:s4] =	dma.local [hbm:s3], $0xF7A  }
0x26: {  	[smem:$0x3F96] =	sst s1;
	(tag) =	ssettag s2;
	_ =	strace s9  }
0x27: {  	s1 =	sld [smem:$0x3FA6]  }
0x28: {  	s2 =	sld [smem:$0x3FA7]  }
0x29: {  	s4 =	sld [smem:$0x3FA9]  }
0x2a: {  	p0 =	seq.s32 s5, $0x0;
	s5 =	sld [smem:$0x3FAA]  }
0x2b: {  	s6 =	sld [smem:$0x3FAB]  }
0x2c: {  	s7 =	sld [smem:$0x3FAC]  }
0x2d: {  	s3 =	simm.s32 $0x108;
	s8 =	sld [smem:$0x3FAD]  }
0x2e: {  	s3 =	simm.s32 @!p0 $0x1082;
	s9 =	sld [smem:$0x3FAE]  }
0x2f: {  	lr =	sadd.s32 s0, s3;
	s0 =	sld [smem:$0x3FA5]  }
0x30: {  	s3 =	sld [smem:$0x3FA8]  }
0x31: {  	[smem:$0x3FB1] =	sst s10  }
0x32: {  	s10 =	sld [smem:$0x3FAF];
	_ =	sdelay $0x3  }
0x33: {  	p0 =	seq.s32 s10, $0x1;
	s10 =	sld [smem:$0x3FB1];
	_ =	sdelay $0x3  }
0x34: {  	[smem:$0x3FB1] =	sst s10  }
0x35: {  	s10 =	sld [smem:$0x3FB0];
	_ =	sdelay $0x3  }
0x36: {  	p1 =	seq.s32 s10, $0x1;
	s10 =	sld [smem:$0x3FB1];
	_ =	sdelay $0x3  }
0x37: {  	[smem:$0x3FB1] =	sst s10  }
0x38: {  	s10 =	sld [smem:$0x3FB2]  }
0x39: {  	_ = 	snop;
	(pc) =	sbr.ind lr, $3  }
0x3a: {  	_ = 	snop  }
0x3b: {  	_ = 	snop  }
0x3c: {  	p2 =	seq.s32 s10, $0x1;
	s10 =	sld [smem:$0x3FB1]  }
0x3d: {  	_ =	shalt  }
0x3e: {  	_ =	shalt  }
0x3f: {  	_ =	shalt  }
0x40: {  	_ =	shalt  }
0x41: {  	_ =	shalt  }
0x42: {  	_ =	shalt  }
0x43: {  	_ =	shalt  }
0x44: {  	_ =	shalt  }
0x45: {  	_ =	shalt  }
0x46: {  	_ =	shalt  }
0x47: {  	_ =	shalt  }
0x48: {  	_ =	shalt  }
0x49: {  	_ =	shalt  }
0x4a: {  	_ =	shalt  }
0x4b: {  	_ =	shalt  }
0x4c: {  	_ =	shalt  }
0x4d: {  	_ =	shalt  }
0x4e: {  	_ =	shalt  }
0x4f: {  	_ =	shalt  }
0x50: {  	_ =	shalt  }
0x51: {  	_ =	shalt  }
0x52: {  	_ =	shalt  }
0x53: {  	_ =	shalt  }
0x54: {  	_ =	shalt  }
0x55: {  	_ =	shalt  }
0x56: {  	_ =	shalt  }
0x57: {  	_ =	shalt  }
0x58: {  	_ =	shalt  }
0x59: {  	_ =	shalt  }
0x5a: {  	_ =	shalt  }
0x5b: {  	_ =	shalt  }
0x5c: {  	_ =	shalt  }
0x5d: {  	_ =	shalt  }
0x5e: {  	_ =	shalt  }
0x5f: {  	_ =	shalt  }
0x60: {  	_ =	shalt  }
0x61: {  	_ =	shalt  }
0x62: {  	_ =	shalt  }
0x63: {  	_ =	shalt  }
0x64: {  	_ =	shalt  }
0x65: {  	_ =	shalt  }
0x66: {  	_ =	shalt  }
0x67: {  	_ =	shalt  }
0x68: {  	_ =	shalt  }
0x69: {  	_ =	shalt  }
0x6a: {  	_ =	shalt  }
0x6b: {  	_ =	shalt  }
0x6c: {  	_ =	shalt  }
0x6d: {  	_ =	shalt  }
0x6e: {  	_ =	shalt  }
0x6f: {  	_ =	shalt  }
0x70: {  	_ =	shalt  }
0x71: {  	_ =	shalt  }
0x72: {  	_ =	shalt  }
0x73: {  	_ =	shalt  }
0x74: {  	_ =	shalt  }
0x75: {  	_ =	shalt  }
0x76: {  	_ =	shalt  }
0x77: {  	_ =	shalt  }
0x78: {  	_ =	shalt  }
0x79: {  	_ =	shalt  }
0x7a: {  	_ =	shalt  }
0x7b: {  	_ =	shalt  }
0x7c: {  	_ =	shalt  }
0x7d: {  	_ =	shalt  }
0x7e: {  	_ =	shalt  }
0x7f: {  	_ =	shalt  }
0x80: {  	_ =	shalt  }
0x81: {  	_ =	shalt  }
0x82: {  	_ =	shalt  }
0x83: {  	_ =	shalt  }
0x84: {  	_ =	shalt  }
0x85: {  	_ =	shalt  }
0x86: {  	_ =	shalt  }
0x87: {  	_ =	shalt  }
.Lfunc_end0:
.L_simem_size_0:
called_computation.1_lowered:
.L_overlay_start_0:
0x88: {  	s2 =	sld [smem:$0x3FD9]  }
0x89: {  	s3 =	sld [smem:$0x3FFE];
	_ =	sdelay $0x1  }
0x8a: {  	s1 =	srdreg.scid  }
0x8b: {  	s0 =	sand.u32 $0x1, s1  }
0x8c: {  	s16 =	sshll.u32 s0, $0xA;
	s2 =	sadd.s32 s3, s2  }
0x8d: {  	s2 =	sadd.s32 s2, s16  }
0x8e: {  	[smem:$0x3FBD] =	sst s2  }
0x8f: {  	_ = 	snop  }
0x90: {  	(tm) =	ssettm $0x1  }
0x91: {  	s17 =	sld [smem:$0x3FFB];
	_ =	sdelay $0x3  }
0x92: {  	_ =	strace s17  }
0x93: {  	s2 =	sld [smem:$0x3FFC];
	_ =	sdelay $0x3  }
0x94: {  	_ =	strace s2  }
0x95: {  	s2 =	sld [smem:$0x3FFD];
	_ =	sdelay $0x3  }
0x96: {  	_ =	strace s2  }
0x97: {  	_ =	strace $0x8FFFFFFF  }
0x98: {  	s18 =	sld [smem:$0x3FDB];
	_ =	sdelay $0x1  }
0x99: {  	s19 =	simm.s32 $_scs_section_size  }
0x9a: {  	s4 =	simm.s32 $_size__tile_overlayer_lowered;
	s5 =	simm.s32 $_tile_overlayer_lowered  }
0x9b: {  	s22 =	simm.s32 $0x1BFF;
	s21 =	sshll.u32 s5, $0x1;
	s2 =	sadd.s32 s19, s18  }
0x9c: {  	s6 =	simm.s32 $0x0;
	s20 =	sshll.u32 s4, $0x1;
	s4 =	sadd.s32 s21, s2  }
0x9d: {  	[timem:s6], [sflag:s22] =	dma.local [hbm:s4], s20  }
0x9e: {  	_ =	swait.ge [sflag:s22], s20  }
0x9f: {  	s3 =	ssub.s32 $0x0, s20;
	[sflag:s22] =	ssyncset.done $0x0  }
0xa0: {  	[sflag:s22] =	ssyncadd.s32 s3;
	_ =	sdelay $0x1  }
0xa1: {  	s23 =	simm.s32 $0x1B8B  }
0xa2: {  	_ =	swait.ge [sflag:s23], $0x1  }
0xa3: {  	[sflag:s23] =	ssyncset.done $0x0  }
0xa4: {  	s25 =	simm.s32 $0x1B8E;
	s24 =	sld [smem:$0x3FFE];
	[sflag:s23] =	ssyncadd.s32 $0xFFFFFFFF  }
0xa5: {  	s26 =	simm.s32 $execute0_lowered;
	[smem:$0x3FD2] =	sst s25  }
0xa6: {  	s4 =	sshll.u32 s26, $0x1;
	_ =	strace $0x80000049;
	[dreg:$0x1] =	wrdreg $0xFFFFFFFF  }
0xa7: {  	s28 =	simm.s32 $_size_execute0_lowered;
	s2 =	sadd.s32 s2, s4;
	[dreg:$0x0] =	wrdreg $0x0  }
0xa8: {  	s4 =	sshll.u32 s28, $0x1;
	[dreg:$0x2] =	wrdreg s2  }
0xa9: {  	[dreg:$0x3] =	wrdreg s4  }
0xaa: {  	[dreg:$0x4] =	wrdreg $0xC0  }
0xab: {  	_ =	task [dreg:s6], $0x5FFFF  }
0xac: {  	[dreg:$0x1] =	wrdreg $0xFFFFFFFF  }
0xad: {  	[dreg:$0x0] =	wrdreg $0x60  }
0xae: {  	[dreg:$0x2] =	wrdreg s24  }
0xaf: {  	[dreg:$0x3] =	wrdreg $0x113600  }
0xb0: {  	[dreg:$0x4] =	wrdreg $0x9  }
0xb1: {  	_ =	task.clear_ibuf [dreg:s6], $0x5FFFF;
	_ =	strace $0x90000049  }
0xb2: {  	s29 =	simm.s32 $0x9;
	_ =	strace $0x8000004B  }
0xb3: {  	_ =	swait.ge [sflag:s29], $0x1  }
0xb4: {  	[sflag:s29] =	ssyncadd.s32 $0xFFFFFFFF  }
0xb5: {  	_ =	strace $0x9000004B  }
0xb6: {  	_ =	sfence  }
0xb7: {  	s30 =	sld [smem:$0x0];
	_ =	sdelay $0x2  }
0xb8: {  	s31 =	sshll.u32 s1, $0xD;
	s1 =	sshrl.u32 s1, $0x2  }
0xb9: {  	s3 =	sand.u32 $0x4000, s31;
	s1 =	sadd.s32 s1, s30  }
0xba: {  	s0 =	sor.u32 s3, s0;
	s1 =	sshll.u32 s1, $0x11  }
0xbb: {  	s0 =	sor.u32 s1, s0  }
0xbc: {  	s0 =	sadd.s32 $0x8F2B, s0  }
0xbd: {  	[sflag:s0] =	ssyncadd.remote.s32 $0x1  }
0xbe: {  	_ =	sfence.sel $0xFFFF  }
0xbf: {  	[dreg:$0x0] =	wrdreg $0xFFFFFFFF;
	(pc) =	sbr.abs _section_cstart, $3  }
0xc0: {  	[dreg:$0x1] =	wrdreg $0xFFFFFFFF  }
0xc1: {  	_ =	task.clear_ibuf [dreg:s6], $0x2FFFF;
	_ =	strace $0x9FFFFFFF  }
0xc2: {  	(tm) =	ssettm $0x7FFFFFFF  }
0xc3: {  	_ =	shalt  }
tec
execute0_lowered:
.L_overlay_start_1:
0x0: {  	(tag) =	ssettag $0x1  }
0x1: {  	s0 =	rddreg [dreg:$0x0]  }
0x2: {  	s2 =	rddreg [dreg:$0x1]  }
0x3: {  	s9 =	stileid.u32;
	s4 =	srdreg.scid  }
0x4: {  	s3 =	simm.s32 $0x0;
	s28 =	simm.s32 $0xA0;
	s1 =	smul.u32 $0x9C4, s9  }
0x5: {  	s29 =	simm.s32 $0x2B20;
	s30 =	simm.s32 $0xF0;
	s5 =	smul.u32 $0xA000, s9  }
0x6: {  	s8 =	sand.u32 $0x1, s4;
	[smem:$0x7FF] =	sst s3;
	s9 =	smul.u32 $0x28000, s9  }
0x7: {  	s31 =	simm.s32 $0x3F20;
	s4 =	smul.u32 $0xA0000, s8;
	_ =	strace $0x8000004A  }
0x8: {  	s7 =	ssub.s32 $0x2, s8;
	v0 =	vmov s8;
	s8 =	simm.s32 $0x2D0;
	s1 =	sadd.s32 s1, s0  }
0x9: {  	s10 =	sshrl.u32 s7, $0x1;
	s17 =	sshrl.u32 s9, $0x2;
	s9 =	simm.s32 $0x3  }
0xa: {  	s6 =	sadd.s32 s5, s4;
	s4 =	sadd.s32 $0x16800, s0;
	s14 =	ssub.s32 s7, s10  }
0xb: {  	s18 =	sadd.s32 $0xCA00, s1;
	s1 =	sadd.s32 $0x2C00, s1;
	s19 =	sadd.s32 s17, s2  }
0xc: {  	s7 =	sadd.s32 s5, s2;
	s5 =	simm.s32 $0x230;
	[dreg:$0x3] =	wrdreg s18  }
0xd: {  	s10 =	simm.s32 $0x0;
	[dreg:$0x4] =	wrdreg s1;
	s20 =	sadd.s32 $0x1000, s19  }
0xe: {  	s6 =	sshrl.u32 s6, $0x3;
	s21 =	sadd.s32 $0x2000, s19;
	[dreg:$0x5] =	wrdreg s20  }
0xf: {  	s22 =	sadd.s32 $0x3000, s19;
	s23 =	sadd.s32 $0x4000, s19;
	[dreg:$0x6] =	wrdreg s21  }
0x10: {  	s24 =	sadd.s32 $0x5000, s19;
	s25 =	sadd.s32 $0x6000, s19;
	[dreg:$0x7] =	wrdreg s22  }
0x11: {  	s26 =	sadd.s32 $0x7000, s19;
	s15 =	sadd.s32 $0x8000, s19;
	[dreg:$0x8] =	wrdreg s23  }
0x12: {  	s16 =	sadd.s32 $0x9000, s19;
	s18 =	smax.u32 s14, $0x1;
	[dreg:$0x9] =	wrdreg s24  }
0x13: {  	s19 =	simm.s32 $0x5320;
	s1 =	simm.s32 $0x1E0;
	[dreg:$0xa] =	wrdreg s25  }
0x14: {  	s0 =	sadd.s32 s6, s0;
	[dreg:$0xb] =	wrdreg s26;
	s21 =	simm.s32 $0x10360  }
0x15: {  	s22 =	simm.s32 $0x2;
	s23 =	simm.s32 $0x1;
	s24 =	simm.s32 $0x50  }
0x16: {  	s25 =	simm.s32 $0x320;
	s26 =	simm.s32 $0x1720;
	s20 =	simm.s32 $0x190  }
0x17: {  	v1 =	vimm.f32 $0.0e+00;
	s6 =	simm.s32 $0x280;
	s17 =	sadd.s32 $0x3DA00, s0;
	s0 =	simm.s32 $0x140  }
.LBB2_1:
0x18: {  	s11 =	rddreg [dreg:$0x3];
	s12 =	simm.s32 $0x6720  }
0x19: {  	[tilespmem:s12], [sflag:$0x1] =	stream.linear.gather [hbm4b:s11+s3], $0x4E20, $0x38;
	[tilespmem:$0x1B360] =	vst v63  }
0x1a: {  	s13 =	rddreg [dreg:$0x4];
	s14 =	simm.s32 $0xB540  }
0x1b: {  	[tilespmem:s14], [sflag:$0x1] =	stream.linear.gather [hbm4b:s13+s3], $0x4E20, $0x38;
	[tilespmem:$0x1B360] =	vst v63  }
0x1c: {  	s13 =	sand.u32 $0x3F00, s3  }
0x1d: {  	s14 =	sand.u32 $0x30, s3;
	s13 =	sshrl.u32 s13, $0x2  }
0x1e: {  	s11 =	simm.s32 $0x40;
	s12 =	simm.s32 $0x0;
	s13 =	sor.u32 s14, s13  }
.LBB2_2:
0x1f: {  	p0 =	sne.s32 s11, $0x3FC0  }
0x20: {  	[tilespmem:s13+$0x10360] =	vst v1;
	s12 =	sadd.s32 $0x10, s12;
	s13 =	smov.u32 s11;
	s11 =	sadd.s32 $0x40, s11  }
.Ltmp0:
0x21: {  	(pc) =	sbr.rel @p0 .LBB2_2-.Ltmp0, $4  }
0x22: {  	_ = 	snop  }
0x23: {  	s13 =	sand.u32 $0x3F00, s13  }
0x24: {  	s14 =	sand.u32 $0x30, s12;
	s13 =	sshrl.u32 s13, $0x2  }
0x25: {  	s13 =	sor.u32 s14, s13  }
0x26: {  	[tilespmem:s13+$0x10360] =	vst v1  }
0x27: {  	[spmem:s7] =	stream.linear.scatter [tilespmem:s21], [sflag:$0x2], $0x1000, $0x38;
	[tilespmem:$0x1B360] =	vst v63  }
0x28: {  	s11 =	rddreg [dreg:$0x5]  }
0x29: {  	[spmem:s11] =	stream.linear.scatter [tilespmem:s21], [sflag:$0x2], $0x1000, $0x38;
	[tilespmem:$0x1B360] =	vst v63  }
0x2a: {  	s12 =	rddreg [dreg:$0x6]  }
0x2b: {  	[spmem:s12] =	stream.linear.scatter [tilespmem:s21], [sflag:$0x2], $0x1000, $0x38;
	[tilespmem:$0x1B360] =	vst v63  }
0x2c: {  	s13 =	rddreg [dreg:$0x7]  }
0x2d: {  	[spmem:s13] =	stream.linear.scatter [tilespmem:s21], [sflag:$0x2], $0x1000, $0x38;
	[tilespmem:$0x1B360] =	vst v63  }
0x2e: {  	s14 =	rddreg [dreg:$0x8]  }
0x2f: {  	[spmem:s14] =	stream.linear.scatter [tilespmem:s21], [sflag:$0x2], $0x1000, $0x38;
	[tilespmem:$0x1B360] =	vst v63  }
0x30: {  	s12 =	rddreg [dreg:$0x9]  }
0x31: {  	[spmem:s12] =	stream.linear.scatter [tilespmem:s21], [sflag:$0x2], $0x1000, $0x38;
	[tilespmem:$0x1B360] =	vst v63  }
0x32: {  	s13 =	rddreg [dreg:$0xa]  }
0x33: {  	[spmem:s13] =	stream.linear.scatter [tilespmem:s21], [sflag:$0x2], $0x1000, $0x38;
	[tilespmem:$0x1B360] =	vst v63  }
0x34: {  	s14 =	rddreg [dreg:$0xb]  }
0x35: {  	[spmem:s14] =	stream.linear.scatter [tilespmem:s21], [sflag:$0x2], $0x1000, $0x38;
	[tilespmem:$0x1B360] =	vst v63  }
0x36: {  	_ = 	snop  }
0x37: {  	[spmem:s15] =	stream.linear.scatter [tilespmem:s21], [sflag:$0x2], $0x1000, $0x38;
	[tilespmem:$0x1B360] =	vst v63  }
0x38: {  	_ = 	snop  }
0x39: {  	[spmem:s16] =	stream.linear.scatter [tilespmem:s21], [sflag:$0x2], $0x1000, $0x38;
	[tilespmem:$0x1B360] =	vst v63  }
0x3a: {  	_ =	swait.ge [sflag:s22], $0x1000  }
0x3b: {  	[sflag:s22] =	ssyncset.done $0x0  }
0x3c: {  	[sflag:s22] =	ssyncadd.s32 $0xFFFFF000  }
0x3d: {  	_ =	swait.ge [sflag:s22], $0x1000  }
0x3e: {  	[sflag:s22] =	ssyncset.done $0x0  }
0x3f: {  	[sflag:s22] =	ssyncadd.s32 $0xFFFFF000  }
0x40: {  	_ =	swait.ge [sflag:s22], $0x1000  }
0x41: {  	[sflag:s22] =	ssyncset.done $0x0  }
0x42: {  	[sflag:s22] =	ssyncadd.s32 $0xFFFFF000  }
0x43: {  	_ =	swait.ge [sflag:s22], $0x1000  }
0x44: {  	[sflag:s22] =	ssyncset.done $0x0  }
0x45: {  	[sflag:s22] =	ssyncadd.s32 $0xFFFFF000  }
0x46: {  	_ =	swait.ge [sflag:s22], $0x1000  }
0x47: {  	[sflag:s22] =	ssyncset.done $0x0  }
0x48: {  	[sflag:s22] =	ssyncadd.s32 $0xFFFFF000  }
0x49: {  	_ =	swait.ge [sflag:s22], $0x1000  }
0x4a: {  	[sflag:s22] =	ssyncset.done $0x0  }
0x4b: {  	[sflag:s22] =	ssyncadd.s32 $0xFFFFF000  }
0x4c: {  	_ =	swait.ge [sflag:s22], $0x1000  }
0x4d: {  	[sflag:s22] =	ssyncset.done $0x0  }
0x4e: {  	[sflag:s22] =	ssyncadd.s32 $0xFFFFF000  }
0x4f: {  	_ =	swait.ge [sflag:s22], $0x1000  }
0x50: {  	[sflag:s22] =	ssyncset.done $0x0  }
0x51: {  	[sflag:s22] =	ssyncadd.s32 $0xFFFFF000  }
0x52: {  	_ =	swait.ge [sflag:s22], $0x1000  }
0x53: {  	[sflag:s22] =	ssyncset.done $0x0  }
0x54: {  	[sflag:s22] =	ssyncadd.s32 $0xFFFFF000  }
0x55: {  	_ =	swait.ge [sflag:s22], $0x1000  }
0x56: {  	[sflag:s22] =	ssyncset.done $0x0  }
0x57: {  	[sflag:s22] =	ssyncadd.s32 $0xFFFFF000  }
0x58: {  	_ =	swait.ge [sflag:s23], $0x4E20  }
0x59: {  	[sflag:s23] =	ssyncset.done $0x0  }
0x5a: {  	[sflag:s23] =	ssyncadd.s32 $0xFFFFB1E0  }
0x5b: {  	_ =	swait.ge [sflag:s23], $0x4E20  }
0x5c: {  	[sflag:s23] =	ssyncset.done $0x0  }
0x5d: {  	[sflag:s23] =	ssyncadd.s32 $0xFFFFB1E0  }
0x5e: {  	s11 =	simm.s32 $0x600;
	[bflag:$0x0] =	sbarrier.arrive $0xFFFF  }
.LBB2_4:
0x5f: {  	s12 =	sshra.s32 s11, $0x2  }
0x60: {  	v2 =	vld [tilespmem:s12+$0x65A0];
	_ =	sdelay $0x4  }
0x61: {  	v2 =	vshll.u32 v2, $0x1  }
0x62: {  	v2 =	vor.u32 v0, v2  }
0x63: {  	[tilespmem:$0x0] =	vst v2  }
0x64: {  	v2 =	vld [tilespmem:s12+$0xB3C0];
	_ =	sdelay $0x4  }
0x65: {  	[tilespmem:$0x190] =	vst v2  }
0x66: {  	v2 =	vld [tilespmem:s12+$0x65B0];
	_ =	sdelay $0x4  }
0x67: {  	v2 =	vshll.u32 v2, $0x1  }
0x68: {  	v2 =	vor.u32 v0, v2  }
0x69: {  	[tilespmem:$0x10] =	vst v2  }
0x6a: {  	v2 =	vld [tilespmem:s12+$0xB3D0];
	_ =	sdelay $0x4  }
0x6b: {  	[tilespmem:$0x1A0] =	vst v2  }
0x6c: {  	v2 =	vld [tilespmem:s12+$0x65C0];
	_ =	sdelay $0x4  }
0x6d: {  	v2 =	vshll.u32 v2, $0x1  }
0x6e: {  	v2 =	vor.u32 v0, v2  }
0x6f: {  	[tilespmem:$0x20] =	vst v2  }
0x70: {  	v2 =	vld [tilespmem:s12+$0xB3E0];
	_ =	sdelay $0x4  }
0x71: {  	[tilespmem:$0x1B0] =	vst v2  }
0x72: {  	v2 =	vld [tilespmem:s12+$0x65D0];
	_ =	sdelay $0x4  }
0x73: {  	v2 =	vshll.u32 v2, $0x1  }
0x74: {  	v2 =	vor.u32 v0, v2  }
0x75: {  	[tilespmem:$0x30] =	vst v2  }
0x76: {  	v2 =	vld [tilespmem:s12+$0xB3F0];
	_ =	sdelay $0x4  }
0x77: {  	[tilespmem:$0x1C0] =	vst v2  }
0x78: {  	v2 =	vld [tilespmem:s12+$0x65E0];
	_ =	sdelay $0x4  }
0x79: {  	v2 =	vshll.u32 v2, $0x1  }
0x7a: {  	v2 =	vor.u32 v0, v2  }
0x7b: {  	[tilespmem:$0x40] =	vst v2  }
0x7c: {  	v2 =	vld [tilespmem:s12+$0xB400];
	_ =	sdelay $0x4  }
0x7d: {  	[tilespmem:$0x1D0] =	vst v2  }
0x7e: {  	[tilespmem:s25], [sflag:$0x1] =	stream.indirect.gather [hbm4b:s4+s24], $0x40, s3, s24, $0xb8;
	[tilespmem:$0x1B360] =	vst v63  }
0x7f: {  	v2 =	vld [tilespmem:s12+$0x65F0];
	_ =	sdelay $0x4  }
0x80: {  	v2 =	vshll.u32 v2, $0x1  }
0x81: {  	v2 =	vor.u32 v0, v2  }
0x82: {  	[tilespmem:$0x50] =	vst v2  }
0x83: {  	v2 =	vld [tilespmem:s12+$0xB410];
	_ =	sdelay $0x4  }
0x84: {  	[tilespmem:$0x1E0] =	vst v2  }
0x85: {  	v2 =	vld [tilespmem:s12+$0x6600];
	_ =	sdelay $0x4  }
0x86: {  	v2 =	vshll.u32 v2, $0x1  }
0x87: {  	v2 =	vor.u32 v0, v2  }
0x88: {  	[tilespmem:$0x60] =	vst v2  }
0x89: {  	v2 =	vld [tilespmem:s12+$0xB420];
	_ =	sdelay $0x4  }
0x8a: {  	[tilespmem:$0x1F0] =	vst v2  }
0x8b: {  	v2 =	vld [tilespmem:s12+$0x6610];
	_ =	sdelay $0x4  }
0x8c: {  	v2 =	vshll.u32 v2, $0x1  }
0x8d: {  	v2 =	vor.u32 v0, v2  }
0x8e: {  	[tilespmem:$0x70] =	vst v2  }
0x8f: {  	v2 =	vld [tilespmem:s12+$0xB430];
	_ =	sdelay $0x4  }
0x90: {  	[tilespmem:$0x200] =	vst v2  }
0x91: {  	v2 =	vld [tilespmem:s12+$0x6620];
	_ =	sdelay $0x4  }
0x92: {  	v2 =	vshll.u32 v2, $0x1  }
0x93: {  	v2 =	vor.u32 v0, v2  }
0x94: {  	[tilespmem:$0x80] =	vst v2  }
0x95: {  	v2 =	vld [tilespmem:s12+$0xB440];
	_ =	sdelay $0x4  }
0x96: {  	[tilespmem:$0x210] =	vst v2  }
0x97: {  	v2 =	vld [tilespmem:s12+$0x6630];
	_ =	sdelay $0x4  }
0x98: {  	v2 =	vshll.u32 v2, $0x1  }
0x99: {  	v2 =	vor.u32 v0, v2  }
0x9a: {  	[tilespmem:$0x90] =	vst v2  }
0x9b: {  	v2 =	vld [tilespmem:s12+$0xB450];
	_ =	sdelay $0x4  }
0x9c: {  	[tilespmem:$0x220] =	vst v2  }
0x9d: {  	[tilespmem:s26], [sflag:$0x1] =	stream.indirect.gather [hbm4b:s4+s24], $0x40, s24, s24, $0xb8;
	[tilespmem:$0x1B360] =	vst v63  }
0x9e: {  	v2 =	vld [tilespmem:s12+$0x6640];
	_ =	sdelay $0x4  }
0x9f: {  	v2 =	vshll.u32 v2, $0x1  }
0xa0: {  	v2 =	vor.u32 v0, v2  }
0xa1: {  	[tilespmem:$0xA0] =	vst v2  }
0xa2: {  	v2 =	vld [tilespmem:s12+$0xB460];
	_ =	sdelay $0x4  }
0xa3: {  	[tilespmem:$0x230] =	vst v2  }
0xa4: {  	v2 =	vld [tilespmem:s12+$0x6650];
	_ =	sdelay $0x4  }
0xa5: {  	v2 =	vshll.u32 v2, $0x1  }
0xa6: {  	v2 =	vor.u32 v0, v2  }
0xa7: {  	[tilespmem:$0xB0] =	vst v2  }
0xa8: {  	v2 =	vld [tilespmem:s12+$0xB470];
	_ =	sdelay $0x4  }
0xa9: {  	[tilespmem:$0x240] =	vst v2  }
0xaa: {  	v2 =	vld [tilespmem:s12+$0x6660];
	_ =	sdelay $0x4  }
0xab: {  	v2 =	vshll.u32 v2, $0x1  }
0xac: {  	v2 =	vor.u32 v0, v2  }
0xad: {  	[tilespmem:$0xC0] =	vst v2  }
0xae: {  	v2 =	vld [tilespmem:s12+$0xB480];
	_ =	sdelay $0x4  }
0xaf: {  	[tilespmem:$0x250] =	vst v2  }
0xb0: {  	v2 =	vld [tilespmem:s12+$0x6670];
	_ =	sdelay $0x4  }
0xb1: {  	v2 =	vshll.u32 v2, $0x1  }
0xb2: {  	v2 =	vor.u32 v0, v2  }
0xb3: {  	[tilespmem:$0xD0] =	vst v2  }
0xb4: {  	v2 =	vld [tilespmem:s12+$0xB490];
	_ =	sdelay $0x4  }
0xb5: {  	[tilespmem:$0x260] =	vst v2  }
0xb6: {  	v2 =	vld [tilespmem:s12+$0x6680];
	_ =	sdelay $0x4  }
0xb7: {  	v2 =	vshll.u32 v2, $0x1  }
0xb8: {  	v2 =	vor.u32 v0, v2  }
0xb9: {  	[tilespmem:$0xE0] =	vst v2  }
0xba: {  	v2 =	vld [tilespmem:s12+$0xB4A0];
	_ =	sdelay $0x4  }
0xbb: {  	[tilespmem:$0x270] =	vst v2  }
0xbc: {  	[tilespmem:s29], [sflag:$0x1] =	stream.indirect.gather [hbm4b:s4+s24], $0x40, s28, s24, $0xb8;
	[tilespmem:$0x1B360] =	vst v63  }
0xbd: {  	v2 =	vld [tilespmem:s12+$0x6690];
	_ =	sdelay $0x4  }
0xbe: {  	v2 =	vshll.u32 v2, $0x1  }
0xbf: {  	v2 =	vor.u32 v0, v2  }
0xc0: {  	[tilespmem:$0xF0] =	vst v2  }
0xc1: {  	v2 =	vld [tilespmem:s12+$0xB4B0];
	_ =	sdelay $0x4  }
0xc2: {  	[tilespmem:$0x280] =	vst v2  }
0xc3: {  	v2 =	vld [tilespmem:s12+$0x66A0];
	_ =	sdelay $0x4  }
0xc4: {  	v2 =	vshll.u32 v2, $0x1  }
0xc5: {  	v2 =	vor.u32 v0, v2  }
0xc6: {  	[tilespmem:$0x100] =	vst v2  }
0xc7: {  	v2 =	vld [tilespmem:s12+$0xB4C0];
	_ =	sdelay $0x4  }
0xc8: {  	[tilespmem:$0x290] =	vst v2  }
0xc9: {  	v2 =	vld [tilespmem:s12+$0x66B0];
	_ =	sdelay $0x4  }
0xca: {  	v2 =	vshll.u32 v2, $0x1  }
0xcb: {  	v2 =	vor.u32 v0, v2  }
0xcc: {  	[tilespmem:$0x110] =	vst v2  }
0xcd: {  	v2 =	vld [tilespmem:s12+$0xB4D0];
	_ =	sdelay $0x4  }
0xce: {  	[tilespmem:$0x2A0] =	vst v2  }
0xcf: {  	v2 =	vld [tilespmem:s12+$0x66C0];
	_ =	sdelay $0x4  }
0xd0: {  	v2 =	vshll.u32 v2, $0x1  }
0xd1: {  	v2 =	vor.u32 v0, v2  }
0xd2: {  	[tilespmem:$0x120] =	vst v2  }
0xd3: {  	v2 =	vld [tilespmem:s12+$0xB4E0];
	_ =	sdelay $0x4  }
0xd4: {  	[tilespmem:$0x2B0] =	vst v2  }
0xd5: {  	v2 =	vld [tilespmem:s12+$0x66D0];
	_ =	sdelay $0x4  }
0xd6: {  	v2 =	vshll.u32 v2, $0x1  }
0xd7: {  	v2 =	vor.u32 v0, v2  }
0xd8: {  	[tilespmem:$0x130] =	vst v2  }
0xd9: {  	v2 =	vld [tilespmem:s12+$0xB4F0];
	_ =	sdelay $0x4  }
0xda: {  	[tilespmem:$0x2C0] =	vst v2  }
0xdb: {  	[tilespmem:s31], [sflag:$0x1] =	stream.indirect.gather [hbm4b:s4+s24], $0x40, s30, s24, $0xb8;
	[tilespmem:$0x1B360] =	vst v63  }
0xdc: {  	v2 =	vld [tilespmem:s12+$0x66E0];
	_ =	sdelay $0x4  }
0xdd: {  	v2 =	vshll.u32 v2, $0x1  }
0xde: {  	v2 =	vor.u32 v0, v2  }
0xdf: {  	[tilespmem:$0x140] =	vst v2  }
0xe0: {  	v2 =	vld [tilespmem:s12+$0xB500];
	_ =	sdelay $0x4  }
0xe1: {  	[tilespmem:$0x2D0] =	vst v2  }
0xe2: {  	v2 =	vld [tilespmem:s12+$0x66F0];
	_ =	sdelay $0x4  }
0xe3: {  	v2 =	vshll.u32 v2, $0x1  }
0xe4: {  	v2 =	vor.u32 v0, v2  }
0xe5: {  	[tilespmem:$0x150] =	vst v2  }
0xe6: {  	v2 =	vld [tilespmem:s12+$0xB510];
	_ =	sdelay $0x4  }
0xe7: {  	[tilespmem:$0x2E0] =	vst v2  }
0xe8: {  	v2 =	vld [tilespmem:s12+$0x6700];
	_ =	sdelay $0x4  }
0xe9: {  	v2 =	vshll.u32 v2, $0x1  }
0xea: {  	v2 =	vor.u32 v0, v2  }
0xeb: {  	[tilespmem:$0x160] =	vst v2  }
0xec: {  	v2 =	vld [tilespmem:s12+$0xB520];
	_ =	sdelay $0x4  }
0xed: {  	[tilespmem:$0x2F0] =	vst v2  }
0xee: {  	v2 =	vld [tilespmem:s12+$0x6710];
	_ =	sdelay $0x4  }
0xef: {  	v2 =	vshll.u32 v2, $0x1  }
0xf0: {  	v2 =	vor.u32 v0, v2  }
0xf1: {  	[tilespmem:$0x170] =	vst v2  }
0xf2: {  	v2 =	vld [tilespmem:s12+$0xB530];
	_ =	sdelay $0x4  }
0xf3: {  	[tilespmem:$0x300] =	vst v2  }
0xf4: {  	v2 =	vld [tilespmem:s12+$0x6720];
	_ =	sdelay $0x4  }
0xf5: {  	v2 =	vshll.u32 v2, $0x1  }
0xf6: {  	v2 =	vor.u32 v0, v2  }
0xf7: {  	[tilespmem:$0x180] =	vst v2  }
0xf8: {  	v2 =	vld [tilespmem:s12+$0xB540];
	_ =	sdelay $0x4  }
0xf9: {  	[tilespmem:$0x310] =	vst v2  }
0xfa: {  	[tilespmem:s19], [sflag:$0x1] =	stream.indirect.gather [hbm4b:s4+s24], $0x40, s0, s24, $0xb8;
	[tilespmem:$0x1B360] =	vst v63  }
0xfb: {  	_ =	swait.ge [sflag:s23], $0x1400  }
0xfc: {  	[sflag:s23] =	ssyncset.done $0x0  }
0xfd: {  	[sflag:s23] =	ssyncadd.s32 $0xFFFFEC00  }
0xfe: {  	[spmem:s2] =	stream.indirect.scatter.add.f32 [tilespmem:s25], [sflag:$0x2], $0x40, s20, s24, $0xb8;
	[tilespmem:$0x1B360] =	vst v63  }
0xff: {  	_ =	swait.ge [sflag:s23], $0x1400  }
0x100: {  	[sflag:s23] =	ssyncset.done $0x0  }
0x101: {  	[sflag:s23] =	ssyncadd.s32 $0xFFFFEC00  }
0x102: {  	[spmem:s2] =	stream.indirect.scatter.add.f32 [tilespmem:s26], [sflag:$0x2], $0x40, s1, s24, $0xb8;
	[tilespmem:$0x1B360] =	vst v63  }
0x103: {  	_ =	swait.ge [sflag:s23], $0x1400  }
0x104: {  	[sflag:s23] =	ssyncset.done $0x0  }
0x105: {  	[sflag:s23] =	ssyncadd.s32 $0xFFFFEC00  }
0x106: {  	[spmem:s2] =	stream.indirect.scatter.add.f32 [tilespmem:s29], [sflag:$0x2], $0x40, s5, s24, $0xb8;
	[tilespmem:$0x1B360] =	vst v63  }
0x107: {  	_ =	swait.ge [sflag:s23], $0x1400  }
0x108: {  	[sflag:s23] =	ssyncset.done $0x0  }
0x109: {  	[sflag:s23] =	ssyncadd.s32 $0xFFFFEC00  }
0x10a: {  	[spmem:s2] =	stream.indirect.scatter.add.f32 [tilespmem:s31], [sflag:$0x2], $0x40, s6, s24, $0xb8;
	[tilespmem:$0x1B360] =	vst v63  }
0x10b: {  	_ =	swait.ge [sflag:s23], $0x1400  }
0x10c: {  	[sflag:s23] =	ssyncset.done $0x0  }
0x10d: {  	[sflag:s23] =	ssyncadd.s32 $0xFFFFEC00  }
0x10e: {  	[spmem:s2] =	stream.indirect.scatter.add.f32 [tilespmem:s19], [sflag:$0x2], $0x40, s8, s24, $0xb8;
	[tilespmem:$0x1B360] =	vst v63  }
0x10f: {  	_ =	swait.ge [sflag:s22], $0x1400  }
0x110: {  	[sflag:s22] =	ssyncset.done $0x0  }
0x111: {  	[sflag:s22] =	ssyncadd.s32 $0xFFFFEC00  }
0x112: {  	_ =	swait.ge [sflag:s22], $0x1400  }
0x113: {  	[sflag:s22] =	ssyncset.done $0x0  }
0x114: {  	[sflag:s22] =	ssyncadd.s32 $0xFFFFEC00  }
0x115: {  	_ =	swait.ge [sflag:s22], $0x1400  }
0x116: {  	[sflag:s22] =	ssyncset.done $0x0  }
0x117: {  	[sflag:s22] =	ssyncadd.s32 $0xFFFFEC00  }
0x118: {  	p0 =	sne.s32 s11, $0x13840;
	_ =	swait.ge [sflag:s22], $0x1400  }
.Ltmp1:
0x119: {  	[sflag:s22] =	ssyncset.done $0x0;
	(pc) =	sbr.rel @p0 .LBB2_4-.Ltmp1, $4  }
0x11a: {  	[sflag:s22] =	ssyncadd.s32 $0xFFFFEC00  }
0x11b: {  	_ =	swait.ge [sflag:s22], $0x1400  }
0x11c: {  	[sflag:s22] =	ssyncset.done $0x0  }
0x11d: {  	s11 =	sadd.s32 $0x640, s11;
	[sflag:s22] =	ssyncadd.s32 $0xFFFFEC00  }
0x11e: {  	s11 =	stileid.u32;
	s10 =	sadd.s32 $0x1, s10  }
0x11f: {  	[bflag:$0x0] =	sbarrier.arrive $0xFFFF;
	s11 =	sshll.u32 s11, $0x6;
	p0 =	sne.s32 s10, s18  }
.Ltmp2:
0x120: {  	s12 =	sshrl.u32 s7, $0x3;
	s11 =	sor.u32 $0x1C03, s11;
	(pc) =	sbr.rel @p0 .LBB2_1-.Ltmp2, $4  }
0x121: {  	[hbm:s17], [sflag:s11] =	dma.local [spmem:s12], $0x1400  }
0x122: {  	_ =	swait.ge [sflag:s9], $0x1400  }
0x123: {  	[sflag:s9] =	ssyncset.done $0x0  }
0x124: {  	[sflag:s9] =	ssyncadd.s32 $0xFFFFEC00  }
0x125: {  	_ =	sfence.sel $0x180000  }
0x126: {  	[bflag:$0x0] =	sbarrier.arrive $0xFFFF  }
0x127: {  	_ =	strace $0x9000004A  }
0x128: {  	s0 =	stileid.u32;
	[bflag:$0x2] =	sbarrier.arrive $0xFFFF  }
0x129: {  	p0 =	sne.s32 s0, $0x0;
	s0 =	rddreg [dreg:$0x2]  }
0x12a: {  	s0 =	sadd.s32 @!p0 $0x100000, s0  }
0x12b: {  	[sflag:s0] =	ssyncadd.tile.s32 @!p0 $0x1;
	_ =	shalt  }
.Lfunc_end2:
_tile_overlayer_lowered:
.L_overlay_start_2:
0x12c: {  	(tag) =	ssettag $0x2  }
0x12d: {  	s0 =	rddreg [dreg:$0x0];
	s2 =	stileid.u32  }
0x12e: {  	s1 =	rddreg [dreg:$0x1];
	p0 =	sne.s32 s2, $0x0  }
0x12f: {  	s3 =	rddreg [dreg:$0x2];
	[bflag:$0x3] =	sbarrier.arrive $0xFFFF;
	s2 =	simm.s32 @!p0 $0x1C03  }
0x130: {  	[timem:s3], [sflag:s2] =	dma.local @!p0 [hbm:s0], s1  }
0x131: {  	s0 =	simm.s32 @!p0 $0x3  }
0x132: {  	_ =	swait.ge @!p0 [sflag:s0], s1  }
0x133: {  	s1 =	ssub.s32 @!p0 $0x0, s1;
	[sflag:s0] =	ssyncset.done @!p0 $0x0  }
0x134: {  	[sflag:s0] =	ssyncadd.s32 @!p0 s1  }
0x135: {  	[bflag:$0x3] =	sbarrier.arrive $0xFFFF  }
0x136: {  	_ =	shalt  }

// kernel: kernel.14.cloned.1.call-start
scs
__scs_entry_jumppad:
0x0: {  	(pc) =	sbr.rel $0x88, $3  }
0x1: {  	(tag) =	ssettag $0x0;
	lr =	simm.s32 $0x1  }
0x2: {  	[smem:$0x3F96] =	sst lr;
	_ =	strace $0xD0000000  }
0x3: {  	_ = 	snop  }
0x4: {  	_ = 	snop  }
0x5: {  	_ = 	snop  }
0x6: {  	_ = 	snop  }
0x7: {  	_ = 	snop  }
__scs_overlays_trampoline_lowered:
0x8: {  	[smem:$0x3FA5] =	sst s0  }
0x9: {  	[smem:$0x3FA6] =	sst s1  }
0xa: {  	[smem:$0x3FA7] =	sst s2  }
0xb: {  	[smem:$0x3FA8] =	sst s3  }
0xc: {  	[smem:$0x3FA9] =	sst s4  }
0xd: {  	[smem:$0x3FAA] =	sst s5  }
0xe: {  	[smem:$0x3FAB] =	sst s6  }
0xf: {  	[smem:$0x3FAC] =	sst s7  }
0x10: {  	[smem:$0x3FAD] =	sst s8  }
0x11: {  	[smem:$0x3FAE] =	sst s9;
	s0 =	simm.s32 @!p0 $0x0  }
0x12: {  	s1 =	sld [smem:$0x3F94];
	s0 =	simm.s32 @p0 $0x1  }
0x13: {  	[smem:$0x3FAF] =	sst s0;
	s0 =	simm.s32 @!p1 $0x0  }
0x14: {  	s2 =	sld [smem:$0x3F93];
	s0 =	simm.s32 @p1 $0x1  }
0x15: {  	[smem:$0x3FB0] =	sst s0;
	s0 =	simm.s32 @!p2 $0x0  }
0x16: {  	s3 =	sld [smem:$0x3FDB];
	s0 =	simm.s32 @p2 $0x1  }
0x17: {  	s4 =	simm.s32 $0x1BF5;
	[smem:$0x3FB2] =	sst s0  }
0x18: {  	s0 =	sld [smem:$0x3F95];
	_ =	swait.ge [sflag:s4], $0x0  }
0x19: {  	s7 =	sld [smem:$0x3F96]  }
0x1a: {  	s8 =	sadd.s32 $0xFFFFE003, lr  }
0x1b: {  	s9 =	sadd.s32 $0xFFFFFEF7, lr;
	s5 =	simm.s32 $0xFFFFFFFF;
	p2 =	slt.u32 s8, $0xFFFFF086  }
0x1c: {  	p1 =	slt.u32 s9, $0xF7A;
	s5 =	simm.s32 @!p2 $0x0  }
0x1d: {  	s5 =	simm.s32 @p1 $0x1;
	p0 =	seq.s32 s7, s2  }
0x1e: {  	s7 =	smul.u32 @!p0 $0xF7A, s2;
	p2 =	seq.s32 @!p0 s5, $0x0  }
0x1f: {  	s9 =	smul.u32 $0xF7A, s1;
	s8 =	simm.s32 @!p0 $0x1BF5;
	p2 =	por !p2, p0  }
0x20: {  	[sflag:s8] =	ssyncset.s32 @!p0 $0xFFFFF086;
	s6 =	sadd.s32 @!p0 s3, s7;
	s7 =	simm.s32 @!p0 $0x108  }
0x21: {  	s3 =	sadd.s32 s3, s9;
	s6 =	sadd.s32 @!p0 $0x88, s6;
	s7 =	simm.s32 @p2 $0x1082  }
0x22: {  	[simem:s7], [sflag:s8] =	dma.local @!p0 [hbm:s6], $0xF7A  }
0x23: {  	s9 =	sor.u32 $0xD0000000, s2;
	s6 =	simm.s32 $0x108;
	_ =	swait.ge @!p0 [sflag:s8], $0x0  }
0x24: {  	s3 =	sadd.s32 $0x88, s3;
	s6 =	simm.s32 @!p1 $0x1082;
	[sflag:s4] =	ssyncset.s32 $0xFFFFF086  }
0x25: {  	[simem:s6], [sflag:s4] =	dma.local [hbm:s3], $0xF7A  }
0x26: {  	[smem:$0x3F96] =	sst s1;
	(tag) =	ssettag s2;
	_ =	strace s9  }
0x27: {  	s1 =	sld [smem:$0x3FA6]  }
0x28: {  	s2 =	sld [smem:$0x3FA7]  }
0x29: {  	s4 =	sld [smem:$0x3FA9]  }
0x2a: {  	p0 =	seq.s32 s5, $0x0;
	s5 =	sld [smem:$0x3FAA]  }
0x2b: {  	s6 =	sld [smem:$0x3FAB]  }
0x2c: {  	s7 =	sld [smem:$0x3FAC]  }
0x2d: {  	s3 =	simm.s32 $0x108;
	s8 =	sld [smem:$0x3FAD]  }
0x2e: {  	s3 =	simm.s32 @!p0 $0x1082;
	s9 =	sld [smem:$0x3FAE]  }
0x2f: {  	lr =	sadd.s32 s0, s3;
	s0 =	sld [smem:$0x3FA5]  }
0x30: {  	s3 =	sld [smem:$0x3FA8]  }
0x31: {  	[smem:$0x3FB1] =	sst s10  }
0x32: {  	s10 =	sld [smem:$0x3FAF];
	_ =	sdelay $0x3  }
0x33: {  	p0 =	seq.s32 s10, $0x1;
	s10 =	sld [smem:$0x3FB1];
	_ =	sdelay $0x3  }
0x34: {  	[smem:$0x3FB1] =	sst s10  }
0x35: {  	s10 =	sld [smem:$0x3FB0];
	_ =	sdelay $0x3  }
0x36: {  	p1 =	seq.s32 s10, $0x1;
	s10 =	sld [smem:$0x3FB1];
	_ =	sdelay $0x3  }
0x37: {  	[smem:$0x3FB1] =	sst s10  }
0x38: {  	s10 =	sld [smem:$0x3FB2]  }
0x39: {  	_ = 	snop;
	(pc) =	sbr.ind lr, $3  }
0x3a: {  	_ = 	snop  }
0x3b: {  	_ = 	snop  }
0x3c: {  	p2 =	seq.s32 s10, $0x1;
	s10 =	sld [smem:$0x3FB1]  }
0x3d: {  	_ =	shalt  }
0x3e: {  	_ =	shalt  }
0x3f: {  	_ =	shalt  }
0x40: {  	_ =	shalt  }
0x41: {  	_ =	shalt  }
0x42: {  	_ =	shalt  }
0x43: {  	_ =	shalt  }
0x44: {  	_ =	shalt  }
0x45: {  	_ =	shalt  }
0x46: {  	_ =	shalt  }
0x47: {  	_ =	shalt  }
0x48: {  	_ =	shalt  }
0x49: {  	_ =	shalt  }
0x4a: {  	_ =	shalt  }
0x4b: {  	_ =	shalt  }
0x4c: {  	_ =	shalt  }
0x4d: {  	_ =	shalt  }
0x4e: {  	_ =	shalt  }
0x4f: {  	_ =	shalt  }
0x50: {  	_ =	shalt  }
0x51: {  	_ =	shalt  }
0x52: {  	_ =	shalt  }
0x53: {  	_ =	shalt  }
0x54: {  	_ =	shalt  }
0x55: {  	_ =	shalt  }
0x56: {  	_ =	shalt  }
0x57: {  	_ =	shalt  }
0x58: {  	_ =	shalt  }
0x59: {  	_ =	shalt  }
0x5a: {  	_ =	shalt  }
0x5b: {  	_ =	shalt  }
0x5c: {  	_ =	shalt  }
0x5d: {  	_ =	shalt  }
0x5e: {  	_ =	shalt  }
0x5f: {  	_ =	shalt  }
0x60: {  	_ =	shalt  }
0x61: {  	_ =	shalt  }
0x62: {  	_ =	shalt  }
0x63: {  	_ =	shalt  }
0x64: {  	_ =	shalt  }
0x65: {  	_ =	shalt  }
0x66: {  	_ =	shalt  }
0x67: {  	_ =	shalt  }
0x68: {  	_ =	shalt  }
0x69: {  	_ =	shalt  }
0x6a: {  	_ =	shalt  }
0x6b: {  	_ =	shalt  }
0x6c: {  	_ =	shalt  }
0x6d: {  	_ =	shalt  }
0x6e: {  	_ =	shalt  }
0x6f: {  	_ =	shalt  }
0x70: {  	_ =	shalt  }
0x71: {  	_ =	shalt  }
0x72: {  	_ =	shalt  }
0x73: {  	_ =	shalt  }
0x74: {  	_ =	shalt  }
0x75: {  	_ =	shalt  }
0x76: {  	_ =	shalt  }
0x77: {  	_ =	shalt  }
0x78: {  	_ =	shalt  }
0x79: {  	_ =	shalt  }
0x7a: {  	_ =	shalt  }
0x7b: {  	_ =	shalt  }
0x7c: {  	_ =	shalt  }
0x7d: {  	_ =	shalt  }
0x7e: {  	_ =	shalt  }
0x7f: {  	_ =	shalt  }
0x80: {  	_ =	shalt  }
0x81: {  	_ =	shalt  }
0x82: {  	_ =	shalt  }
0x83: {  	_ =	shalt  }
0x84: {  	_ =	shalt  }
0x85: {  	_ =	shalt  }
0x86: {  	_ =	shalt  }
0x87: {  	_ =	shalt  }
.Lfunc_end0:
.L_simem_size_0:
called_computation.2_lowered:
.L_overlay_start_0:
0x88: {  	s2 =	sld [smem:$0x3FD9]  }
0x89: {  	s3 =	sld [smem:$0x3FFE];
	_ =	sdelay $0x1  }
0x8a: {  	s1 =	srdreg.scid  }
0x8b: {  	s0 =	sand.u32 $0x1, s1  }
0x8c: {  	s16 =	sshll.u32 s0, $0xA;
	s2 =	sadd.s32 s3, s2  }
0x8d: {  	s2 =	sadd.s32 s2, s16  }
0x8e: {  	[smem:$0x3FBD] =	sst s2  }
0x8f: {  	_ = 	snop  }
0x90: {  	(tm) =	ssettm $0x1  }
0x91: {  	s17 =	sld [smem:$0x3FFB];
	_ =	sdelay $0x3  }
0x92: {  	_ =	strace s17  }
0x93: {  	s2 =	sld [smem:$0x3FFC];
	_ =	sdelay $0x3  }
0x94: {  	_ =	strace s2  }
0x95: {  	s2 =	sld [smem:$0x3FFD];
	_ =	sdelay $0x3  }
0x96: {  	_ =	strace s2  }
0x97: {  	_ =	strace $0x8FFFFFFF  }
0x98: {  	s18 =	sld [smem:$0x3FDB];
	_ =	sdelay $0x1  }
0x99: {  	s19 =	simm.s32 $_scs_section_size  }
0x9a: {  	s4 =	simm.s32 $_size__tile_overlayer_lowered;
	s5 =	simm.s32 $_tile_overlayer_lowered  }
0x9b: {  	s22 =	simm.s32 $0x1BFF;
	s21 =	sshll.u32 s5, $0x1;
	s2 =	sadd.s32 s19, s18  }
0x9c: {  	s6 =	simm.s32 $0x0;
	s20 =	sshll.u32 s4, $0x1;
	s4 =	sadd.s32 s21, s2  }
0x9d: {  	[timem:s6], [sflag:s22] =	dma.local [hbm:s4], s20  }
0x9e: {  	_ =	swait.ge [sflag:s22], s20  }
0x9f: {  	s3 =	ssub.s32 $0x0, s20;
	[sflag:s22] =	ssyncset.done $0x0  }
0xa0: {  	[sflag:s22] =	ssyncadd.s32 s3;
	_ =	sdelay $0x1  }
0xa1: {  	s23 =	simm.s32 $0x1B8B  }
0xa2: {  	_ =	swait.ge [sflag:s23], $0x1  }
0xa3: {  	[sflag:s23] =	ssyncset.done $0x0  }
0xa4: {  	s25 =	simm.s32 $0x1B8E;
	s24 =	sld [smem:$0x3FFE];
	[sflag:s23] =	ssyncadd.s32 $0xFFFFFFFF  }
0xa5: {  	s26 =	simm.s32 $execute0_lowered;
	[smem:$0x3FD2] =	sst s25  }
0xa6: {  	s4 =	sshll.u32 s26, $0x1;
	_ =	strace $0x8000004C;
	[dreg:$0x1] =	wrdreg $0xFFFFFFFF  }
0xa7: {  	s28 =	simm.s32 $_size_execute0_lowered;
	s2 =	sadd.s32 s2, s4;
	[dreg:$0x0] =	wrdreg $0x0  }
0xa8: {  	s4 =	sshll.u32 s28, $0x1;
	[dreg:$0x2] =	wrdreg s2  }
0xa9: {  	[dreg:$0x3] =	wrdreg s4  }
0xaa: {  	[dreg:$0x4] =	wrdreg $0xC0  }
0xab: {  	_ =	task [dreg:s6], $0x5FFFF  }
0xac: {  	[dreg:$0x1] =	wrdreg $0xFFFFFFFF  }
0xad: {  	[dreg:$0x0] =	wrdreg $0x60  }
0xae: {  	[dreg:$0x2] =	wrdreg s24  }
0xaf: {  	[dreg:$0x3] =	wrdreg $0xD9600  }
0xb0: {  	[dreg:$0x4] =	wrdreg $0x9  }
0xb1: {  	_ =	task.clear_ibuf [dreg:s6], $0x5FFFF;
	_ =	strace $0x9000004C  }
0xb2: {  	s29 =	simm.s32 $0x9;
	_ =	strace $0x8000004E  }
0xb3: {  	_ =	swait.ge [sflag:s29], $0x1  }
0xb4: {  	[sflag:s29] =	ssyncadd.s32 $0xFFFFFFFF  }
0xb5: {  	_ =	strace $0x9000004E  }
0xb6: {  	_ =	sfence  }
0xb7: {  	s30 =	sld [smem:$0x0];
	_ =	sdelay $0x2  }
0xb8: {  	s31 =	sshll.u32 s1, $0xD;
	s1 =	sshrl.u32 s1, $0x2  }
0xb9: {  	s3 =	sand.u32 $0x4000, s31;
	s1 =	sadd.s32 s1, s30  }
0xba: {  	s0 =	sor.u32 s3, s0;
	s1 =	sshll.u32 s1, $0x11  }
0xbb: {  	s0 =	sor.u32 s1, s0  }
0xbc: {  	s0 =	sadd.s32 $0x8F2B, s0  }
0xbd: {  	[sflag:s0] =	ssyncadd.remote.s32 $0x1  }
0xbe: {  	_ =	sfence.sel $0xFFFF  }
0xbf: {  	[dreg:$0x0] =	wrdreg $0xFFFFFFFF;
	(pc) =	sbr.abs _section_cstart, $3  }
0xc0: {  	[dreg:$0x1] =	wrdreg $0xFFFFFFFF  }
0xc1: {  	_ =	task.clear_ibuf [dreg:s6], $0x2FFFF;
	_ =	strace $0x9FFFFFFF  }
0xc2: {  	(tm) =	ssettm $0x7FFFFFFF  }
0xc3: {  	_ =	shalt  }
tec
execute0_lowered:
.L_overlay_start_1:
0x0: {  	(tag) =	ssettag $0x1  }
0x1: {  	s0 =	rddreg [dreg:$0x0]  }
0x2: {  	s2 =	rddreg [dreg:$0x1]  }
0x3: {  	s9 =	stileid.u32;
	s4 =	srdreg.scid  }
0x4: {  	s3 =	simm.s32 $0x0;
	s28 =	simm.s32 $0xA0;
	s1 =	smul.u32 $0x9C4, s9  }
0x5: {  	s29 =	simm.s32 $0x1720;
	s30 =	simm.s32 $0xF0;
	s5 =	smul.u32 $0x5000, s9  }
0x6: {  	s8 =	sand.u32 $0x1, s4;
	[smem:$0x7FF] =	sst s3;
	s9 =	smul.u32 $0x14000, s9  }
0x7: {  	s31 =	simm.s32 $0x2120;
	s4 =	smul.u32 $0x50000, s8;
	_ =	strace $0x8000004D  }
0x8: {  	s7 =	ssub.s32 $0x2, s8;
	v0 =	vmov s8;
	s8 =	simm.s32 $0x2D0;
	s1 =	sadd.s32 s1, s0  }
0x9: {  	s10 =	sshrl.u32 s7, $0x1;
	s17 =	sshrl.u32 s9, $0x2;
	s9 =	simm.s32 $0x3  }
0xa: {  	s6 =	sadd.s32 s5, s4;
	s4 =	sadd.s32 $0x16800, s0;
	s14 =	ssub.s32 s7, s10  }
0xb: {  	s18 =	sadd.s32 $0xCA00, s1;
	s1 =	sadd.s32 $0x2C00, s1;
	s19 =	sadd.s32 s17, s2  }
0xc: {  	s7 =	sadd.s32 s5, s2;
	s5 =	simm.s32 $0x230;
	[dreg:$0x3] =	wrdreg s18  }
0xd: {  	s10 =	simm.s32 $0x0;
	[dreg:$0x4] =	wrdreg s1;
	s20 =	sadd.s32 $0x800, s19  }
0xe: {  	s6 =	sshrl.u32 s6, $0x3;
	s21 =	sadd.s32 $0x1000, s19;
	[dreg:$0x5] =	wrdreg s20  }
0xf: {  	s22 =	sadd.s32 $0x1800, s19;
	s23 =	sadd.s32 $0x2000, s19;
	[dreg:$0x6] =	wrdreg s21  }
0x10: {  	s24 =	sadd.s32 $0x2800, s19;
	s25 =	sadd.s32 $0x3000, s19;
	[dreg:$0x7] =	wrdreg s22  }
0x11: {  	s26 =	sadd.s32 $0x3800, s19;
	s15 =	sadd.s32 $0x4000, s19;
	[dreg:$0x8] =	wrdreg s23  }
0x12: {  	s16 =	sadd.s32 $0x4800, s19;
	s18 =	smax.u32 s14, $0x1;
	[dreg:$0x9] =	wrdreg s24  }
0x13: {  	s19 =	simm.s32 $0x2B20;
	s1 =	simm.s32 $0x1E0;
	[dreg:$0xa] =	wrdreg s25  }
0x14: {  	s0 =	sadd.s32 s6, s0;
	[dreg:$0xb] =	wrdreg s26;
	s21 =	simm.s32 $0xD160  }
0x15: {  	s22 =	simm.s32 $0x2;
	s23 =	simm.s32 $0x1;
	s24 =	simm.s32 $0x50  }
0x16: {  	s25 =	simm.s32 $0x320;
	s26 =	simm.s32 $0xD20;
	s20 =	simm.s32 $0x190  }
0x17: {  	v1 =	vimm.f32 $0.0e+00;
	s6 =	simm.s32 $0x280;
	s17 =	sadd.s32 $0x2A200, s0;
	s0 =	simm.s32 $0x140  }
.LBB2_1:
0x18: {  	s11 =	rddreg [dreg:$0x3];
	s12 =	simm.s32 $0x3520  }
0x19: {  	[tilespmem:s12], [sflag:$0x1] =	stream.linear.gather [hbm4b:s11+s3], $0x4E20, $0x38;
	[tilespmem:$0x12960] =	vst v63  }
0x1a: {  	s13 =	rddreg [dreg:$0x4];
	s14 =	simm.s32 $0x8340  }
0x1b: {  	[tilespmem:s14], [sflag:$0x1] =	stream.linear.gather [hbm4b:s13+s3], $0x4E20, $0x38;
	[tilespmem:$0x12960] =	vst v63  }
0x1c: {  	s13 =	sand.u32 $0x1F80, s3  }
0x1d: {  	s14 =	sand.u32 $0x10, s3;
	s13 =	sshrl.u32 s13, $0x2  }
0x1e: {  	s11 =	simm.s32 $0x40;
	s12 =	simm.s32 $0x0;
	s13 =	sor.u32 s14, s13  }
.LBB2_2:
0x1f: {  	p0 =	sne.s32 s11, $0x1FC0  }
0x20: {  	[tilespmem:s13+$0xD160] =	vst v1;
	s12 =	sadd.s32 $0x10, s12;
	s13 =	smov.u32 s11;
	s11 =	sadd.s32 $0x40, s11  }
.Ltmp0:
0x21: {  	(pc) =	sbr.rel @p0 .LBB2_2-.Ltmp0, $4  }
0x22: {  	_ = 	snop  }
0x23: {  	s13 =	sand.u32 $0x1F80, s13  }
0x24: {  	s14 =	sand.u32 $0x10, s12;
	s13 =	sshrl.u32 s13, $0x2  }
0x25: {  	s13 =	sor.u32 s14, s13  }
0x26: {  	[tilespmem:s13+$0xD160] =	vst v1  }
0x27: {  	[spmem:s7] =	stream.linear.scatter [tilespmem:s21], [sflag:$0x2], $0x800, $0x38;
	[tilespmem:$0x12960] =	vst v63  }
0x28: {  	s11 =	rddreg [dreg:$0x5]  }
0x29: {  	[spmem:s11] =	stream.linear.scatter [tilespmem:s21], [sflag:$0x2], $0x800, $0x38;
	[tilespmem:$0x12960] =	vst v63  }
0x2a: {  	s12 =	rddreg [dreg:$0x6]  }
0x2b: {  	[spmem:s12] =	stream.linear.scatter [tilespmem:s21], [sflag:$0x2], $0x800, $0x38;
	[tilespmem:$0x12960] =	vst v63  }
0x2c: {  	s13 =	rddreg [dreg:$0x7]  }
0x2d: {  	[spmem:s13] =	stream.linear.scatter [tilespmem:s21], [sflag:$0x2], $0x800, $0x38;
	[tilespmem:$0x12960] =	vst v63  }
0x2e: {  	s14 =	rddreg [dreg:$0x8]  }
0x2f: {  	[spmem:s14] =	stream.linear.scatter [tilespmem:s21], [sflag:$0x2], $0x800, $0x38;
	[tilespmem:$0x12960] =	vst v63  }
0x30: {  	s12 =	rddreg [dreg:$0x9]  }
0x31: {  	[spmem:s12] =	stream.linear.scatter [tilespmem:s21], [sflag:$0x2], $0x800, $0x38;
	[tilespmem:$0x12960] =	vst v63  }
0x32: {  	s13 =	rddreg [dreg:$0xa]  }
0x33: {  	[spmem:s13] =	stream.linear.scatter [tilespmem:s21], [sflag:$0x2], $0x800, $0x38;
	[tilespmem:$0x12960] =	vst v63  }
0x34: {  	s14 =	rddreg [dreg:$0xb]  }
0x35: {  	[spmem:s14] =	stream.linear.scatter [tilespmem:s21], [sflag:$0x2], $0x800, $0x38;
	[tilespmem:$0x12960] =	vst v63  }
0x36: {  	_ = 	snop  }
0x37: {  	[spmem:s15] =	stream.linear.scatter [tilespmem:s21], [sflag:$0x2], $0x800, $0x38;
	[tilespmem:$0x12960] =	vst v63  }
0x38: {  	_ = 	snop  }
0x39: {  	[spmem:s16] =	stream.linear.scatter [tilespmem:s21], [sflag:$0x2], $0x800, $0x38;
	[tilespmem:$0x12960] =	vst v63  }
0x3a: {  	_ =	swait.ge [sflag:s22], $0x800  }
0x3b: {  	[sflag:s22] =	ssyncset.done $0x0  }
0x3c: {  	[sflag:s22] =	ssyncadd.s32 $0xFFFFF800  }
0x3d: {  	_ =	swait.ge [sflag:s22], $0x800  }
0x3e: {  	[sflag:s22] =	ssyncset.done $0x0  }
0x3f: {  	[sflag:s22] =	ssyncadd.s32 $0xFFFFF800  }
0x40: {  	_ =	swait.ge [sflag:s22], $0x800  }
0x41: {  	[sflag:s22] =	ssyncset.done $0x0  }
0x42: {  	[sflag:s22] =	ssyncadd.s32 $0xFFFFF800  }
0x43: {  	_ =	swait.ge [sflag:s22], $0x800  }
0x44: {  	[sflag:s22] =	ssyncset.done $0x0  }
0x45: {  	[sflag:s22] =	ssyncadd.s32 $0xFFFFF800  }
0x46: {  	_ =	swait.ge [sflag:s22], $0x800  }
0x47: {  	[sflag:s22] =	ssyncset.done $0x0  }
0x48: {  	[sflag:s22] =	ssyncadd.s32 $0xFFFFF800  }
0x49: {  	_ =	swait.ge [sflag:s22], $0x800  }
0x4a: {  	[sflag:s22] =	ssyncset.done $0x0  }
0x4b: {  	[sflag:s22] =	ssyncadd.s32 $0xFFFFF800  }
0x4c: {  	_ =	swait.ge [sflag:s22], $0x800  }
0x4d: {  	[sflag:s22] =	ssyncset.done $0x0  }
0x4e: {  	[sflag:s22] =	ssyncadd.s32 $0xFFFFF800  }
0x4f: {  	_ =	swait.ge [sflag:s22], $0x800  }
0x50: {  	[sflag:s22] =	ssyncset.done $0x0  }
0x51: {  	[sflag:s22] =	ssyncadd.s32 $0xFFFFF800  }
0x52: {  	_ =	swait.ge [sflag:s22], $0x800  }
0x53: {  	[sflag:s22] =	ssyncset.done $0x0  }
0x54: {  	[sflag:s22] =	ssyncadd.s32 $0xFFFFF800  }
0x55: {  	_ =	swait.ge [sflag:s22], $0x800  }
0x56: {  	[sflag:s22] =	ssyncset.done $0x0  }
0x57: {  	[sflag:s22] =	ssyncadd.s32 $0xFFFFF800  }
0x58: {  	_ =	swait.ge [sflag:s23], $0x4E20  }
0x59: {  	[sflag:s23] =	ssyncset.done $0x0  }
0x5a: {  	[sflag:s23] =	ssyncadd.s32 $0xFFFFB1E0  }
0x5b: {  	_ =	swait.ge [sflag:s23], $0x4E20  }
0x5c: {  	[sflag:s23] =	ssyncset.done $0x0  }
0x5d: {  	[sflag:s23] =	ssyncadd.s32 $0xFFFFB1E0  }
0x5e: {  	s11 =	simm.s32 $0x600;
	[bflag:$0x0] =	sbarrier.arrive $0xFFFF  }
.LBB2_4:
0x5f: {  	s12 =	sshra.s32 s11, $0x2  }
0x60: {  	v2 =	vld [tilespmem:s12+$0x33A0];
	_ =	sdelay $0x4  }
0x61: {  	v2 =	vshll.u32 v2, $0x1  }
0x62: {  	v2 =	vor.u32 v0, v2  }
0x63: {  	[tilespmem:$0x0] =	vst v2  }
0x64: {  	v2 =	vld [tilespmem:s12+$0x81C0];
	_ =	sdelay $0x4  }
0x65: {  	[tilespmem:$0x190] =	vst v2  }
0x66: {  	v2 =	vld [tilespmem:s12+$0x33B0];
	_ =	sdelay $0x4  }
0x67: {  	v2 =	vshll.u32 v2, $0x1  }
0x68: {  	v2 =	vor.u32 v0, v2  }
0x69: {  	[tilespmem:$0x10] =	vst v2  }
0x6a: {  	v2 =	vld [tilespmem:s12+$0x81D0];
	_ =	sdelay $0x4  }
0x6b: {  	[tilespmem:$0x1A0] =	vst v2  }
0x6c: {  	v2 =	vld [tilespmem:s12+$0x33C0];
	_ =	sdelay $0x4  }
0x6d: {  	v2 =	vshll.u32 v2, $0x1  }
0x6e: {  	v2 =	vor.u32 v0, v2  }
0x6f: {  	[tilespmem:$0x20] =	vst v2  }
0x70: {  	v2 =	vld [tilespmem:s12+$0x81E0];
	_ =	sdelay $0x4  }
0x71: {  	[tilespmem:$0x1B0] =	vst v2  }
0x72: {  	v2 =	vld [tilespmem:s12+$0x33D0];
	_ =	sdelay $0x4  }
0x73: {  	v2 =	vshll.u32 v2, $0x1  }
0x74: {  	v2 =	vor.u32 v0, v2  }
0x75: {  	[tilespmem:$0x30] =	vst v2  }
0x76: {  	v2 =	vld [tilespmem:s12+$0x81F0];
	_ =	sdelay $0x4  }
0x77: {  	[tilespmem:$0x1C0] =	vst v2  }
0x78: {  	v2 =	vld [tilespmem:s12+$0x33E0];
	_ =	sdelay $0x4  }
0x79: {  	v2 =	vshll.u32 v2, $0x1  }
0x7a: {  	v2 =	vor.u32 v0, v2  }
0x7b: {  	[tilespmem:$0x40] =	vst v2  }
0x7c: {  	v2 =	vld [tilespmem:s12+$0x8200];
	_ =	sdelay $0x4  }
0x7d: {  	[tilespmem:$0x1D0] =	vst v2  }
0x7e: {  	[tilespmem:s25], [sflag:$0x1] =	stream.indirect.gather [hbm4b:s4+s24], $0x20, s3, s24, $0xb8;
	[tilespmem:$0x12960] =	vst v63  }
0x7f: {  	v2 =	vld [tilespmem:s12+$0x33F0];
	_ =	sdelay $0x4  }
0x80: {  	v2 =	vshll.u32 v2, $0x1  }
0x81: {  	v2 =	vor.u32 v0, v2  }
0x82: {  	[tilespmem:$0x50] =	vst v2  }
0x83: {  	v2 =	vld [tilespmem:s12+$0x8210];
	_ =	sdelay $0x4  }
0x84: {  	[tilespmem:$0x1E0] =	vst v2  }
0x85: {  	v2 =	vld [tilespmem:s12+$0x3400];
	_ =	sdelay $0x4  }
0x86: {  	v2 =	vshll.u32 v2, $0x1  }
0x87: {  	v2 =	vor.u32 v0, v2  }
0x88: {  	[tilespmem:$0x60] =	vst v2  }
0x89: {  	v2 =	vld [tilespmem:s12+$0x8220];
	_ =	sdelay $0x4  }
0x8a: {  	[tilespmem:$0x1F0] =	vst v2  }
0x8b: {  	v2 =	vld [tilespmem:s12+$0x3410];
	_ =	sdelay $0x4  }
0x8c: {  	v2 =	vshll.u32 v2, $0x1  }
0x8d: {  	v2 =	vor.u32 v0, v2  }
0x8e: {  	[tilespmem:$0x70] =	vst v2  }
0x8f: {  	v2 =	vld [tilespmem:s12+$0x8230];
	_ =	sdelay $0x4  }
0x90: {  	[tilespmem:$0x200] =	vst v2  }
0x91: {  	v2 =	vld [tilespmem:s12+$0x3420];
	_ =	sdelay $0x4  }
0x92: {  	v2 =	vshll.u32 v2, $0x1  }
0x93: {  	v2 =	vor.u32 v0, v2  }
0x94: {  	[tilespmem:$0x80] =	vst v2  }
0x95: {  	v2 =	vld [tilespmem:s12+$0x8240];
	_ =	sdelay $0x4  }
0x96: {  	[tilespmem:$0x210] =	vst v2  }
0x97: {  	v2 =	vld [tilespmem:s12+$0x3430];
	_ =	sdelay $0x4  }
0x98: {  	v2 =	vshll.u32 v2, $0x1  }
0x99: {  	v2 =	vor.u32 v0, v2  }
0x9a: {  	[tilespmem:$0x90] =	vst v2  }
0x9b: {  	v2 =	vld [tilespmem:s12+$0x8250];
	_ =	sdelay $0x4  }
0x9c: {  	[tilespmem:$0x220] =	vst v2  }
0x9d: {  	[tilespmem:s26], [sflag:$0x1] =	stream.indirect.gather [hbm4b:s4+s24], $0x20, s24, s24, $0xb8;
	[tilespmem:$0x12960] =	vst v63  }
0x9e: {  	v2 =	vld [tilespmem:s12+$0x3440];
	_ =	sdelay $0x4  }
0x9f: {  	v2 =	vshll.u32 v2, $0x1  }
0xa0: {  	v2 =	vor.u32 v0, v2  }
0xa1: {  	[tilespmem:$0xA0] =	vst v2  }
0xa2: {  	v2 =	vld [tilespmem:s12+$0x8260];
	_ =	sdelay $0x4  }
0xa3: {  	[tilespmem:$0x230] =	vst v2  }
0xa4: {  	v2 =	vld [tilespmem:s12+$0x3450];
	_ =	sdelay $0x4  }
0xa5: {  	v2 =	vshll.u32 v2, $0x1  }
0xa6: {  	v2 =	vor.u32 v0, v2  }
0xa7: {  	[tilespmem:$0xB0] =	vst v2  }
0xa8: {  	v2 =	vld [tilespmem:s12+$0x8270];
	_ =	sdelay $0x4  }
0xa9: {  	[tilespmem:$0x240] =	vst v2  }
0xaa: {  	v2 =	vld [tilespmem:s12+$0x3460];
	_ =	sdelay $0x4  }
0xab: {  	v2 =	vshll.u32 v2, $0x1  }
0xac: {  	v2 =	vor.u32 v0, v2  }
0xad: {  	[tilespmem:$0xC0] =	vst v2  }
0xae: {  	v2 =	vld [tilespmem:s12+$0x8280];
	_ =	sdelay $0x4  }
0xaf: {  	[tilespmem:$0x250] =	vst v2  }
0xb0: {  	v2 =	vld [tilespmem:s12+$0x3470];
	_ =	sdelay $0x4  }
0xb1: {  	v2 =	vshll.u32 v2, $0x1  }
0xb2: {  	v2 =	vor.u32 v0, v2  }
0xb3: {  	[tilespmem:$0xD0] =	vst v2  }
0xb4: {  	v2 =	vld [tilespmem:s12+$0x8290];
	_ =	sdelay $0x4  }
0xb5: {  	[tilespmem:$0x260] =	vst v2  }
0xb6: {  	v2 =	vld [tilespmem:s12+$0x3480];
	_ =	sdelay $0x4  }
0xb7: {  	v2 =	vshll.u32 v2, $0x1  }
0xb8: {  	v2 =	vor.u32 v0, v2  }
0xb9: {  	[tilespmem:$0xE0] =	vst v2  }
0xba: {  	v2 =	vld [tilespmem:s12+$0x82A0];
	_ =	sdelay $0x4  }
0xbb: {  	[tilespmem:$0x270] =	vst v2  }
0xbc: {  	[tilespmem:s29], [sflag:$0x1] =	stream.indirect.gather [hbm4b:s4+s24], $0x20, s28, s24, $0xb8;
	[tilespmem:$0x12960] =	vst v63  }
0xbd: {  	v2 =	vld [tilespmem:s12+$0x3490];
	_ =	sdelay $0x4  }
0xbe: {  	v2 =	vshll.u32 v2, $0x1  }
0xbf: {  	v2 =	vor.u32 v0, v2  }
0xc0: {  	[tilespmem:$0xF0] =	vst v2  }
0xc1: {  	v2 =	vld [tilespmem:s12+$0x82B0];
	_ =	sdelay $0x4  }
0xc2: {  	[tilespmem:$0x280] =	vst v2  }
0xc3: {  	v2 =	vld [tilespmem:s12+$0x34A0];
	_ =	sdelay $0x4  }
0xc4: {  	v2 =	vshll.u32 v2, $0x1  }
0xc5: {  	v2 =	vor.u32 v0, v2  }
0xc6: {  	[tilespmem:$0x100] =	vst v2  }
0xc7: {  	v2 =	vld [tilespmem:s12+$0x82C0];
	_ =	sdelay $0x4  }
0xc8: {  	[tilespmem:$0x290] =	vst v2  }
0xc9: {  	v2 =	vld [tilespmem:s12+$0x34B0];
	_ =	sdelay $0x4  }
0xca: {  	v2 =	vshll.u32 v2, $0x1  }
0xcb: {  	v2 =	vor.u32 v0, v2  }
0xcc: {  	[tilespmem:$0x110] =	vst v2  }
0xcd: {  	v2 =	vld [tilespmem:s12+$0x82D0];
	_ =	sdelay $0x4  }
0xce: {  	[tilespmem:$0x2A0] =	vst v2  }
0xcf: {  	v2 =	vld [tilespmem:s12+$0x34C0];
	_ =	sdelay $0x4  }
0xd0: {  	v2 =	vshll.u32 v2, $0x1  }
0xd1: {  	v2 =	vor.u32 v0, v2  }
0xd2: {  	[tilespmem:$0x120] =	vst v2  }
0xd3: {  	v2 =	vld [tilespmem:s12+$0x82E0];
	_ =	sdelay $0x4  }
0xd4: {  	[tilespmem:$0x2B0] =	vst v2  }
0xd5: {  	v2 =	vld [tilespmem:s12+$0x34D0];
	_ =	sdelay $0x4  }
0xd6: {  	v2 =	vshll.u32 v2, $0x1  }
0xd7: {  	v2 =	vor.u32 v0, v2  }
0xd8: {  	[tilespmem:$0x130] =	vst v2  }
0xd9: {  	v2 =	vld [tilespmem:s12+$0x82F0];
	_ =	sdelay $0x4  }
0xda: {  	[tilespmem:$0x2C0] =	vst v2  }
0xdb: {  	[tilespmem:s31], [sflag:$0x1] =	stream.indirect.gather [hbm4b:s4+s24], $0x20, s30, s24, $0xb8;
	[tilespmem:$0x12960] =	vst v63  }
0xdc: {  	v2 =	vld [tilespmem:s12+$0x34E0];
	_ =	sdelay $0x4  }
0xdd: {  	v2 =	vshll.u32 v2, $0x1  }
0xde: {  	v2 =	vor.u32 v0, v2  }
0xdf: {  	[tilespmem:$0x140] =	vst v2  }
0xe0: {  	v2 =	vld [tilespmem:s12+$0x8300];
	_ =	sdelay $0x4  }
0xe1: {  	[tilespmem:$0x2D0] =	vst v2  }
0xe2: {  	v2 =	vld [tilespmem:s12+$0x34F0];
	_ =	sdelay $0x4  }
0xe3: {  	v2 =	vshll.u32 v2, $0x1  }
0xe4: {  	v2 =	vor.u32 v0, v2  }
0xe5: {  	[tilespmem:$0x150] =	vst v2  }
0xe6: {  	v2 =	vld [tilespmem:s12+$0x8310];
	_ =	sdelay $0x4  }
0xe7: {  	[tilespmem:$0x2E0] =	vst v2  }
0xe8: {  	v2 =	vld [tilespmem:s12+$0x3500];
	_ =	sdelay $0x4  }
0xe9: {  	v2 =	vshll.u32 v2, $0x1  }
0xea: {  	v2 =	vor.u32 v0, v2  }
0xeb: {  	[tilespmem:$0x160] =	vst v2  }
0xec: {  	v2 =	vld [tilespmem:s12+$0x8320];
	_ =	sdelay $0x4  }
0xed: {  	[tilespmem:$0x2F0] =	vst v2  }
0xee: {  	v2 =	vld [tilespmem:s12+$0x3510];
	_ =	sdelay $0x4  }
0xef: {  	v2 =	vshll.u32 v2, $0x1  }
0xf0: {  	v2 =	vor.u32 v0, v2  }
0xf1: {  	[tilespmem:$0x170] =	vst v2  }
0xf2: {  	v2 =	vld [tilespmem:s12+$0x8330];
	_ =	sdelay $0x4  }
0xf3: {  	[tilespmem:$0x300] =	vst v2  }
0xf4: {  	v2 =	vld [tilespmem:s12+$0x3520];
	_ =	sdelay $0x4  }
0xf5: {  	v2 =	vshll.u32 v2, $0x1  }
0xf6: {  	v2 =	vor.u32 v0, v2  }
0xf7: {  	[tilespmem:$0x180] =	vst v2  }
0xf8: {  	v2 =	vld [tilespmem:s12+$0x8340];
	_ =	sdelay $0x4  }
0xf9: {  	[tilespmem:$0x310] =	vst v2  }
0xfa: {  	[tilespmem:s19], [sflag:$0x1] =	stream.indirect.gather [hbm4b:s4+s24], $0x20, s0, s24, $0xb8;
	[tilespmem:$0x12960] =	vst v63  }
0xfb: {  	_ =	swait.ge [sflag:s23], $0xA00  }
0xfc: {  	[sflag:s23] =	ssyncset.done $0x0  }
0xfd: {  	[sflag:s23] =	ssyncadd.s32 $0xFFFFF600  }
0xfe: {  	[spmem:s2] =	stream.indirect.scatter.add.f32 [tilespmem:s25], [sflag:$0x2], $0x20, s20, s24, $0xb8;
	[tilespmem:$0x12960] =	vst v63  }
0xff: {  	_ =	swait.ge [sflag:s23], $0xA00  }
0x100: {  	[sflag:s23] =	ssyncset.done $0x0  }
0x101: {  	[sflag:s23] =	ssyncadd.s32 $0xFFFFF600  }
0x102: {  	[spmem:s2] =	stream.indirect.scatter.add.f32 [tilespmem:s26], [sflag:$0x2], $0x20, s1, s24, $0xb8;
	[tilespmem:$0x12960] =	vst v63  }
0x103: {  	_ =	swait.ge [sflag:s23], $0xA00  }
0x104: {  	[sflag:s23] =	ssyncset.done $0x0  }
0x105: {  	[sflag:s23] =	ssyncadd.s32 $0xFFFFF600  }
0x106: {  	[spmem:s2] =	stream.indirect.scatter.add.f32 [tilespmem:s29], [sflag:$0x2], $0x20, s5, s24, $0xb8;
	[tilespmem:$0x12960] =	vst v63  }
0x107: {  	_ =	swait.ge [sflag:s23], $0xA00  }
0x108: {  	[sflag:s23] =	ssyncset.done $0x0  }
0x109: {  	[sflag:s23] =	ssyncadd.s32 $0xFFFFF600  }
0x10a: {  	[spmem:s2] =	stream.indirect.scatter.add.f32 [tilespmem:s31], [sflag:$0x2], $0x20, s6, s24, $0xb8;
	[tilespmem:$0x12960] =	vst v63  }
0x10b: {  	_ =	swait.ge [sflag:s23], $0xA00  }
0x10c: {  	[sflag:s23] =	ssyncset.done $0x0  }
0x10d: {  	[sflag:s23] =	ssyncadd.s32 $0xFFFFF600  }
0x10e: {  	[spmem:s2] =	stream.indirect.scatter.add.f32 [tilespmem:s19], [sflag:$0x2], $0x20, s8, s24, $0xb8;
	[tilespmem:$0x12960] =	vst v63  }
0x10f: {  	_ =	swait.ge [sflag:s22], $0xA00  }
0x110: {  	[sflag:s22] =	ssyncset.done $0x0  }
0x111: {  	[sflag:s22] =	ssyncadd.s32 $0xFFFFF600  }
0x112: {  	_ =	swait.ge [sflag:s22], $0xA00  }
0x113: {  	[sflag:s22] =	ssyncset.done $0x0  }
0x114: {  	[sflag:s22] =	ssyncadd.s32 $0xFFFFF600  }
0x115: {  	_ =	swait.ge [sflag:s22], $0xA00  }
0x116: {  	[sflag:s22] =	ssyncset.done $0x0  }
0x117: {  	[sflag:s22] =	ssyncadd.s32 $0xFFFFF600  }
0x118: {  	p0 =	sne.s32 s11, $0x13840;
	_ =	swait.ge [sflag:s22], $0xA00  }
.Ltmp1:
0x119: {  	[sflag:s22] =	ssyncset.done $0x0;
	(pc) =	sbr.rel @p0 .LBB2_4-.Ltmp1, $4  }
0x11a: {  	[sflag:s22] =	ssyncadd.s32 $0xFFFFF600  }
0x11b: {  	_ =	swait.ge [sflag:s22], $0xA00  }
0x11c: {  	[sflag:s22] =	ssyncset.done $0x0  }
0x11d: {  	s11 =	sadd.s32 $0x640, s11;
	[sflag:s22] =	ssyncadd.s32 $0xFFFFF600  }
0x11e: {  	s11 =	stileid.u32;
	s10 =	sadd.s32 $0x1, s10  }
0x11f: {  	[bflag:$0x0] =	sbarrier.arrive $0xFFFF;
	s11 =	sshll.u32 s11, $0x6;
	p0 =	sne.s32 s10, s18  }
.Ltmp2:
0x120: {  	s12 =	sshrl.u32 s7, $0x3;
	s11 =	sor.u32 $0x1C03, s11;
	(pc) =	sbr.rel @p0 .LBB2_1-.Ltmp2, $4  }
0x121: {  	[hbm:s17], [sflag:s11] =	dma.local [spmem:s12], $0xA00  }
0x122: {  	_ =	swait.ge [sflag:s9], $0xA00  }
0x123: {  	[sflag:s9] =	ssyncset.done $0x0  }
0x124: {  	[sflag:s9] =	ssyncadd.s32 $0xFFFFF600  }
0x125: {  	_ =	sfence.sel $0x180000  }
0x126: {  	[bflag:$0x0] =	sbarrier.arrive $0xFFFF  }
0x127: {  	_ =	strace $0x9000004D  }
0x128: {  	s0 =	stileid.u32;
	[bflag:$0x2] =	sbarrier.arrive $0xFFFF  }
0x129: {  	p0 =	sne.s32 s0, $0x0;
	s0 =	rddreg [dreg:$0x2]  }
0x12a: {  	s0 =	sadd.s32 @!p0 $0x100000, s0  }
0x12b: {  	[sflag:s0] =	ssyncadd.tile.s32 @!p0 $0x1;
	_ =	shalt  }
.Lfunc_end2:
_tile_overlayer_lowered:
.L_overlay_start_2:
0x12c: {  	(tag) =	ssettag $0x2  }
0x12d: {  	s0 =	rddreg [dreg:$0x0];
	s2 =	stileid.u32  }
0x12e: {  	s1 =	rddreg [dreg:$0x1];
	p0 =	sne.s32 s2, $0x0  }
0x12f: {  	s3 =	rddreg [dreg:$0x2];
	[bflag:$0x3] =	sbarrier.arrive $0xFFFF;
	s2 =	simm.s32 @!p0 $0x1C03  }
0x130: {  	[timem:s3], [sflag:s2] =	dma.local @!p0 [hbm:s0], s1  }
0x131: {  	s0 =	simm.s32 @!p0 $0x3  }
0x132: {  	_ =	swait.ge @!p0 [sflag:s0], s1  }
0x133: {  	s1 =	ssub.s32 @!p0 $0x0, s1;
	[sflag:s0] =	ssyncset.done @!p0 $0x0  }
0x134: {  	[sflag:s0] =	ssyncadd.s32 @!p0 s1  }
0x135: {  	[bflag:$0x3] =	sbarrier.arrive $0xFFFF  }
0x136: {  	_ =	shalt  }

// kernel: kernel.8.cloned.1.call-start
scs
__scs_entry_jumppad:
0x0: {  	(pc) =	sbr.rel $0x88, $3  }
0x1: {  	(tag) =	ssettag $0x0;
	lr =	simm.s32 $0x1  }
0x2: {  	[smem:$0x3F96] =	sst lr;
	_ =	strace $0xD0000000  }
0x3: {  	_ = 	snop  }
0x4: {  	_ = 	snop  }
0x5: {  	_ = 	snop  }
0x6: {  	_ = 	snop  }
0x7: {  	_ = 	snop  }
__scs_overlays_trampoline_lowered:
0x8: {  	[smem:$0x3FA5] =	sst s0  }
0x9: {  	[smem:$0x3FA6] =	sst s1  }
0xa: {  	[smem:$0x3FA7] =	sst s2  }
0xb: {  	[smem:$0x3FA8] =	sst s3  }
0xc: {  	[smem:$0x3FA9] =	sst s4  }
0xd: {  	[smem:$0x3FAA] =	sst s5  }
0xe: {  	[smem:$0x3FAB] =	sst s6  }
0xf: {  	[smem:$0x3FAC] =	sst s7  }
0x10: {  	[smem:$0x3FAD] =	sst s8  }
0x11: {  	[smem:$0x3FAE] =	sst s9;
	s0 =	simm.s32 @!p0 $0x0  }
0x12: {  	s1 =	sld [smem:$0x3F94];
	s0 =	simm.s32 @p0 $0x1  }
0x13: {  	[smem:$0x3FAF] =	sst s0;
	s0 =	simm.s32 @!p1 $0x0  }
0x14: {  	s2 =	sld [smem:$0x3F93];
	s0 =	simm.s32 @p1 $0x1  }
0x15: {  	[smem:$0x3FB0] =	sst s0;
	s0 =	simm.s32 @!p2 $0x0  }
0x16: {  	s3 =	sld [smem:$0x3FDB];
	s0 =	simm.s32 @p2 $0x1  }
0x17: {  	s4 =	simm.s32 $0x1BF5;
	[smem:$0x3FB2] =	sst s0  }
0x18: {  	s0 =	sld [smem:$0x3F95];
	_ =	swait.ge [sflag:s4], $0x0  }
0x19: {  	s7 =	sld [smem:$0x3F96]  }
0x1a: {  	s8 =	sadd.s32 $0xFFFFE003, lr  }
0x1b: {  	s9 =	sadd.s32 $0xFFFFFEF7, lr;
	s5 =	simm.s32 $0xFFFFFFFF;
	p2 =	slt.u32 s8, $0xFFFFF086  }
0x1c: {  	p1 =	slt.u32 s9, $0xF7A;
	s5 =	simm.s32 @!p2 $0x0  }
0x1d: {  	s5 =	simm.s32 @p1 $0x1;
	p0 =	seq.s32 s7, s2  }
0x1e: {  	s7 =	smul.u32 @!p0 $0xF7A, s2;
	p2 =	seq.s32 @!p0 s5, $0x0  }
0x1f: {  	s9 =	smul.u32 $0xF7A, s1;
	s8 =	simm.s32 @!p0 $0x1BF5;
	p2 =	por !p2, p0  }
0x20: {  	[sflag:s8] =	ssyncset.s32 @!p0 $0xFFFFF086;
	s6 =	sadd.s32 @!p0 s3, s7;
	s7 =	simm.s32 @!p0 $0x108  }
0x21: {  	s3 =	sadd.s32 s3, s9;
	s6 =	sadd.s32 @!p0 $0x88, s6;
	s7 =	simm.s32 @p2 $0x1082  }
0x22: {  	[simem:s7], [sflag:s8] =	dma.local @!p0 [hbm:s6], $0xF7A  }
0x23: {  	s9 =	sor.u32 $0xD0000000, s2;
	s6 =	simm.s32 $0x108;
	_ =	swait.ge @!p0 [sflag:s8], $0x0  }
0x24: {  	s3 =	sadd.s32 $0x88, s3;
	s6 =	simm.s32 @!p1 $0x1082;
	[sflag:s4] =	ssyncset.s32 $0xFFFFF086  }
0x25: {  	[simem:s6], [sflag:s4] =	dma.local [hbm:s3], $0xF7A  }
0x26: {  	[smem:$0x3F96] =	sst s1;
	(tag) =	ssettag s2;
	_ =	strace s9  }
0x27: {  	s1 =	sld [smem:$0x3FA6]  }
0x28: {  	s2 =	sld [smem:$0x3FA7]  }
0x29: {  	s4 =	sld [smem:$0x3FA9]  }
0x2a: {  	p0 =	seq.s32 s5, $0x0;
	s5 =	sld [smem:$0x3FAA]  }
0x2b: {  	s6 =	sld [smem:$0x3FAB]  }
0x2c: {  	s7 =	sld [smem:$0x3FAC]  }
0x2d: {  	s3 =	simm.s32 $0x108;
	s8 =	sld [smem:$0x3FAD]  }
0x2e: {  	s3 =	simm.s32 @!p0 $0x1082;
	s9 =	sld [smem:$0x3FAE]  }
0x2f: {  	lr =	sadd.s32 s0, s3;
	s0 =	sld [smem:$0x3FA5]  }
0x30: {  	s3 =	sld [smem:$0x3FA8]  }
0x31: {  	[smem:$0x3FB1] =	sst s10  }
0x32: {  	s10 =	sld [smem:$0x3FAF];
	_ =	sdelay $0x3  }
0x33: {  	p0 =	seq.s32 s10, $0x1;
	s10 =	sld [smem:$0x3FB1];
	_ =	sdelay $0x3  }
0x34: {  	[smem:$0x3FB1] =	sst s10  }
0x35: {  	s10 =	sld [smem:$0x3FB0];
	_ =	sdelay $0x3  }
0x36: {  	p1 =	seq.s32 s10, $0x1;
	s10 =	sld [smem:$0x3FB1];
	_ =	sdelay $0x3  }
0x37: {  	[smem:$0x3FB1] =	sst s10  }
0x38: {  	s10 =	sld [smem:$0x3FB2]  }
0x39: {  	_ = 	snop;
	(pc) =	sbr.ind lr, $3  }
0x3a: {  	_ = 	snop  }
0x3b: {  	_ = 	snop  }
0x3c: {  	p2 =	seq.s32 s10, $0x1;
	s10 =	sld [smem:$0x3FB1]  }
0x3d: {  	_ =	shalt  }
0x3e: {  	_ =	shalt  }
0x3f: {  	_ =	shalt  }
0x40: {  	_ =	shalt  }
0x41: {  	_ =	shalt  }
0x42: {  	_ =	shalt  }
0x43: {  	_ =	shalt  }
0x44: {  	_ =	shalt  }
0x45: {  	_ =	shalt  }
0x46: {  	_ =	shalt  }
0x47: {  	_ =	shalt  }
0x48: {  	_ =	shalt  }
0x49: {  	_ =	shalt  }
0x4a: {  	_ =	shalt  }
0x4b: {  	_ =	shalt  }
0x4c: {  	_ =	shalt  }
0x4d: {  	_ =	shalt  }
0x4e: {  	_ =	shalt  }
0x4f: {  	_ =	shalt  }
0x50: {  	_ =	shalt  }
0x51: {  	_ =	shalt  }
0x52: {  	_ =	shalt  }
0x53: {  	_ =	shalt  }
0x54: {  	_ =	shalt  }
0x55: {  	_ =	shalt  }
0x56: {  	_ =	shalt  }
0x57: {  	_ =	shalt  }
0x58: {  	_ =	shalt  }
0x59: {  	_ =	shalt  }
0x5a: {  	_ =	shalt  }
0x5b: {  	_ =	shalt  }
0x5c: {  	_ =	shalt  }
0x5d: {  	_ =	shalt  }
0x5e: {  	_ =	shalt  }
0x5f: {  	_ =	shalt  }
0x60: {  	_ =	shalt  }
0x61: {  	_ =	shalt  }
0x62: {  	_ =	shalt  }
0x63: {  	_ =	shalt  }
0x64: {  	_ =	shalt  }
0x65: {  	_ =	shalt  }
0x66: {  	_ =	shalt  }
0x67: {  	_ =	shalt  }
0x68: {  	_ =	shalt  }
0x69: {  	_ =	shalt  }
0x6a: {  	_ =	shalt  }
0x6b: {  	_ =	shalt  }
0x6c: {  	_ =	shalt  }
0x6d: {  	_ =	shalt  }
0x6e: {  	_ =	shalt  }
0x6f: {  	_ =	shalt  }
0x70: {  	_ =	shalt  }
0x71: {  	_ =	shalt  }
0x72: {  	_ =	shalt  }
0x73: {  	_ =	shalt  }
0x74: {  	_ =	shalt  }
0x75: {  	_ =	shalt  }
0x76: {  	_ =	shalt  }
0x77: {  	_ =	shalt  }
0x78: {  	_ =	shalt  }
0x79: {  	_ =	shalt  }
0x7a: {  	_ =	shalt  }
0x7b: {  	_ =	shalt  }
0x7c: {  	_ =	shalt  }
0x7d: {  	_ =	shalt  }
0x7e: {  	_ =	shalt  }
0x7f: {  	_ =	shalt  }
0x80: {  	_ =	shalt  }
0x81: {  	_ =	shalt  }
0x82: {  	_ =	shalt  }
0x83: {  	_ =	shalt  }
0x84: {  	_ =	shalt  }
0x85: {  	_ =	shalt  }
0x86: {  	_ =	shalt  }
0x87: {  	_ =	shalt  }
.Lfunc_end0:
.L_simem_size_0:
called_computation_lowered:
.L_overlay_start_0:
0x88: {  	s2 =	sld [smem:$0x3FD9]  }
0x89: {  	s3 =	sld [smem:$0x3FFE];
	_ =	sdelay $0x1  }
0x8a: {  	s1 =	srdreg.scid  }
0x8b: {  	s0 =	sand.u32 $0x1, s1  }
0x8c: {  	s17 =	sshll.u32 s0, $0xA;
	s2 =	sadd.s32 s3, s2  }
0x8d: {  	s2 =	sadd.s32 s2, s17  }
0x8e: {  	[smem:$0x3FBD] =	sst s2  }
0x8f: {  	_ = 	snop  }
0x90: {  	s2 =	sld [smem:$0x3FC9]  }
0x91: {  	s18 =	sld [smem:$0x3FD0];
	(tm) =	ssettm $0x1  }
0x92: {  	s4 =	sld [smem:$0x3FFB];
	_ =	sdelay $0x3  }
0x93: {  	_ =	strace s4  }
0x94: {  	s4 =	sld [smem:$0x3FFC];
	_ =	sdelay $0x3  }
0x95: {  	_ =	strace s4  }
0x96: {  	s4 =	sld [smem:$0x3FFD];
	_ =	sdelay $0x3  }
0x97: {  	_ =	strace s4  }
0x98: {  	_ =	strace $0x8FFFFFFF  }
0x99: {  	s19 =	sld [smem:$0x3FDB];
	_ =	sdelay $0x1  }
0x9a: {  	s5 =	simm.s32 $_scs_section_size  }
0x9b: {  	s6 =	simm.s32 $_size__tile_overlayer_lowered;
	s7 =	simm.s32 $_tile_overlayer_lowered  }
0x9c: {  	s22 =	simm.s32 $0x1BFF;
	s21 =	sshll.u32 s7, $0x1;
	s4 =	sadd.s32 s5, s19  }
0x9d: {  	s8 =	simm.s32 $0x0;
	s20 =	sshll.u32 s6, $0x1;
	s6 =	sadd.s32 s21, s4  }
0x9e: {  	[timem:s8], [sflag:s22] =	dma.local [hbm:s6], s20  }
0x9f: {  	_ =	swait.ge [sflag:s22], s20  }
0xa0: {  	s5 =	ssub.s32 $0x0, s20;
	[sflag:s22] =	ssyncset.done $0x0  }
0xa1: {  	[sflag:s22] =	ssyncadd.s32 s5;
	_ =	sdelay $0x1  }
0xa2: {  	s23 =	simm.s32 $0x1B8B  }
0xa3: {  	_ =	swait.ge [sflag:s23], $0x1  }
0xa4: {  	[sflag:s23] =	ssyncset.done $0x0  }
0xa5: {  	s25 =	simm.s32 $0x1B8E;
	s24 =	sld [smem:$0x3FFE];
	[sflag:s23] =	ssyncadd.s32 $0xFFFFFFFF  }
0xa6: {  	s26 =	simm.s32 $execute0_lowered;
	[smem:$0x3FD2] =	sst s25  }
0xa7: {  	s6 =	sshll.u32 s26, $0x1;
	_ =	strace $0x80000046;
	[dreg:$0x1] =	wrdreg $0xFFFFFFFF  }
0xa8: {  	s28 =	simm.s32 $_size_execute0_lowered;
	s4 =	sadd.s32 s4, s6;
	[dreg:$0x0] =	wrdreg $0x0  }
0xa9: {  	s6 =	sshll.u32 s28, $0x1;
	[dreg:$0x2] =	wrdreg s4  }
0xaa: {  	[dreg:$0x3] =	wrdreg s6  }
0xab: {  	[dreg:$0x4] =	wrdreg $0xC0  }
0xac: {  	_ =	task [dreg:s8], $0x5FFFF  }
0xad: {  	[dreg:$0x1] =	wrdreg $0xFFFFFFFF  }
0xae: {  	[dreg:$0x0] =	wrdreg $0x60  }
0xaf: {  	[dreg:$0x2] =	wrdreg s24  }
0xb0: {  	[dreg:$0x3] =	wrdreg s2  }
0xb1: {  	[dreg:$0x4] =	wrdreg s18  }
0xb2: {  	[dreg:$0x5] =	wrdreg $0x113600  }
0xb3: {  	[dreg:$0x6] =	wrdreg $0x1BC600  }
0xb4: {  	[dreg:$0x7] =	wrdreg $0x9  }
0xb5: {  	_ =	task.clear_ibuf [dreg:s8], $0x8FFFF;
	_ =	strace $0x90000046  }
0xb6: {  	s29 =	simm.s32 $0x9;
	_ =	strace $0x80000048  }
0xb7: {  	_ =	swait.ge [sflag:s29], $0x1  }
0xb8: {  	[sflag:s29] =	ssyncadd.s32 $0xFFFFFFFF  }
0xb9: {  	_ =	strace $0x90000048  }
0xba: {  	_ =	sfence  }
0xbb: {  	s30 =	sld [smem:$0x0];
	_ =	sdelay $0x2  }
0xbc: {  	s31 =	sshll.u32 s1, $0xD;
	s1 =	sshrl.u32 s1, $0x2  }
0xbd: {  	s3 =	sand.u32 $0x4000, s31;
	s1 =	sadd.s32 s1, s30  }
0xbe: {  	s0 =	sor.u32 s3, s0;
	s1 =	sshll.u32 s1, $0x11  }
0xbf: {  	s0 =	sor.u32 s1, s0  }
0xc0: {  	s0 =	sadd.s32 $0x8F2B, s0  }
0xc1: {  	[sflag:s0] =	ssyncadd.remote.s32 $0x1  }
0xc2: {  	_ =	sfence.sel $0xFFFF  }
0xc3: {  	[dreg:$0x0] =	wrdreg $0xFFFFFFFF;
	(pc) =	sbr.abs _section_cstart, $3  }
0xc4: {  	[dreg:$0x1] =	wrdreg $0xFFFFFFFF  }
0xc5: {  	_ =	task.clear_ibuf [dreg:s8], $0x2FFFF;
	_ =	strace $0x9FFFFFFF  }
0xc6: {  	(tm) =	ssettm $0x7FFFFFFF  }
0xc7: {  	_ =	shalt  }
tec
execute0_lowered:
.L_overlay_start_1:
0x0: {  	(tag) =	ssettag $0x1  }
0x1: {  	s0 =	rddreg [dreg:$0x0]  }
0x2: {  	s1 =	rddreg [dreg:$0x1]  }
0x3: {  	s7 =	rddreg [dreg:$0x2]  }
0x4: {  	s3 =	rddreg [dreg:$0x3]  }
0x5: {  	s4 =	rddreg [dreg:$0x4]  }
0x6: {  	s12 =	stileid.u32;
	s6 =	srdreg.scid  }
0x7: {  	s5 =	simm.s32 $0x0;
	s17 =	simm.s32 $0x1720;
	s2 =	smul.u32 $0x9C4, s12  }
0x8: {  	s13 =	sand.u32 $0x1, s6;
	s8 =	smul.u32 $0xA000, s12;
	[smem:$0x7FF] =	sst s5  }
0x9: {  	s6 =	smul.u32 $0xA0000, s13;
	_ =	strace $0x80000047;
	s10 =	ssub.s32 $0x2, s13  }
0xa: {  	[dreg:$0x6] =	wrdreg s17;
	p0 =	seq.s32 s13, $0x0;
	s9 =	sadd.s32 s2, s0  }
0xb: {  	s11 =	sshrl.u32 s10, $0x1;
	s18 =	sadd.s32 s8, s6;
	s19 =	sadd.s32 $0xCA00, s9  }
0xc: {  	s6 =	smul.u32 $0x280, s12;
	s9 =	sadd.s32 $0x2C00, s9;
	[dreg:$0xe] =	wrdreg s19  }
0xd: {  	s8 =	sadd.s32 s8, s3;
	s2 =	sshrl.u32 s18, $0x3;
	[dreg:$0xf] =	wrdreg s9  }
0xe: {  	v0 =	vmov s13;
	s18 =	smul.u32 $0x28000, s13;
	s19 =	simm.s32 $0xA0;
	s13 =	simm.s32 $0x5320  }
0xf: {  	s0 =	sadd.s32 s2, s0;
	s2 =	ssub.s32 s10, s11;
	s10 =	smul.u32 $0x2800, s12  }
0x10: {  	s20 =	sor.u32 $0x40, s6;
	s22 =	sadd.s32 $0x80, s6;
	s25 =	sadd.s32 $0xC0, s6  }
0x11: {  	s14 =	sadd.s32 $0x100, s6;
	[dreg:$0x7] =	wrdreg s19;
	s17 =	sadd.s32 $0x1C0, s6  }
0x12: {  	s19 =	sadd.s32 $0x200, s6;
	s21 =	sshll.u32 s20, $0x6;
	s11 =	sshll.u32 s20, $0x4  }
0x13: {  	s23 =	sshll.u32 s22, $0x6;
	s26 =	sshll.u32 s25, $0x6;
	s15 =	sshll.u32 s14, $0x6  }
0x14: {  	s16 =	sshll.u32 s14, $0x4;
	s20 =	simm.s32 $0xF0;
	s14 =	sadd.s32 $0x180, s6  }
0x15: {  	s30 =	sadd.s32 $0x16800, s0;
	s31 =	smax.u32 s2, $0x1;
	s0 =	simm.s32 $0x10360  }
0x16: {  	s2 =	simm.s32 $0x1B860;
	s9 =	sadd.s32 s10, s4;
	s12 =	sadd.s32 s21, s3  }
0x17: {  	s11 =	sadd.s32 s11, s4;
	s10 =	sadd.s32 s10, s18;
	[dreg:$0x8] =	wrdreg s20  }
0x18: {  	s21 =	simm.s32 $0x3F20;
	s18 =	sshll.u32 s17, $0x6;
	[dreg:$0x10] =	wrdreg s12  }
0x19: {  	s20 =	sshll.u32 s17, $0x4;
	[dreg:$0x11] =	wrdreg s11;
	s12 =	sshll.u32 s22, $0x4  }
0x1a: {  	s11 =	sadd.s32 s23, s3;
	s22 =	sadd.s32 $0x140, s6;
	[dreg:$0x9] =	wrdreg s21  }
0x1b: {  	s23 =	simm.s32 $0x140;
	s10 =	sshrl.u32 s10, $0x3;
	s21 =	sshll.u32 s19, $0x6  }
0x1c: {  	s6 =	sadd.s32 $0x240, s6;
	[dreg:$0x12] =	wrdreg s11;
	s24 =	sadd.s32 s12, s4  }
0x1d: {  	s11 =	sshll.u32 s25, $0x4;
	s12 =	sadd.s32 s26, s3;
	[dreg:$0xa] =	wrdreg s23  }
0x1e: {  	s7 =	sadd.s32 s7, s10;
	s25 =	simm.s32 $0x230;
	[dreg:$0x13] =	wrdreg s24  }
0x1f: {  	s26 =	sshll.u32 s22, $0x6;
	s23 =	sshll.u32 s6, $0x6;
	[dreg:$0x14] =	wrdreg s12  }
0x20: {  	s6 =	sshll.u32 s6, $0x4;
	s11 =	sadd.s32 s11, s4;
	[dreg:$0x18] =	wrdreg s7  }
0x21: {  	s24 =	simm.s32 $0x190;
	[dreg:$0xc] =	wrdreg s25;
	s12 =	sshll.u32 s22, $0x4  }
0x22: {  	s10 =	sadd.s32 s26, s3;
	s7 =	sshll.u32 s14, $0x4;
	s25 =	sadd.s32 s21, s3  }
0x23: {  	s22 =	sshll.u32 s19, $0x4;
	s28 =	sadd.s32 s23, s3;
	[dreg:$0x15] =	wrdreg s11  }
0x24: {  	s29 =	sadd.s32 s6, s4;
	s6 =	simm.s32 $0x2;
	[dreg:$0xb] =	wrdreg s24  }
0x25: {  	s11 =	sadd.s32 s15, s3;
	[dreg:$0x19] =	wrdreg s10;
	s15 =	sadd.s32 s12, s4  }
0x26: {  	s7 =	sadd.s32 s7, s4;
	s24 =	sadd.s32 s20, s4;
	[dreg:$0x16] =	wrdreg s11  }
0x27: {  	s26 =	sadd.s32 s22, s4;
	s12 =	simm.s32 $0x2B20;
	[dreg:$0x1a] =	wrdreg s15  }
0x28: {  	s11 =	sadd.s32 s16, s4;
	s16 =	sshll.u32 s14, $0x6;
	[dreg:$0x1c] =	wrdreg s7  }
0x29: {  	s7 =	sadd.s32 s18, s3;
	s14 =	simm.s32 $0x3;
	[dreg:$0x17] =	wrdreg s11  }
0x2a: {  	s15 =	simm.s32 $0x0;
	s11 =	simm.s32 $0x2D0;
	[dreg:$0x1d] =	wrdreg s7  }
0x2b: {  	s10 =	sadd.s32 s16, s3;
	s7 =	simm.s32 $0x1;
	[dreg:$0xd] =	wrdreg s11  }
0x2c: {  	v1 =	vimm.f32 $0.0e+00;
	v2 =	vimm.f32 $1.000000000e+00;
	[dreg:$0x1b] =	wrdreg s10;
	s10 =	simm.s32 $0x50;
	s11 =	simm.s32 $0x320  }
.LBB2_1:
0x2d: {  	s16 =	rddreg [dreg:$0xe]  }
0x2e: {  	s17 =	simm.s32 $0x6720;
	s20 =	rddreg [dreg:$0xf];
	s22 =	sand.u32 $0x3F00, s5  }
0x2f: {  	[tilespmem:s17], [sflag:$0x1] =	stream.linear.gather [hbm4b:s16+s5], $0x4E20, $0x38;
	[tilespmem:$0x1E460] =	vst v63  }
0x30: {  	s21 =	simm.s32 $0xB540;
	s23 =	sand.u32 $0x30, s5;
	s18 =	sshrl.u32 s22, $0x2  }
0x31: {  	s16 =	simm.s32 $0x40;
	s17 =	simm.s32 $0x0;
	s18 =	sor.u32 s23, s18  }
0x32: {  	[tilespmem:s21], [sflag:$0x1] =	stream.linear.gather [hbm4b:s20+s5], $0x4E20, $0x38;
	[tilespmem:$0x1E460] =	vst v63  }
.LBB2_2:
0x33: {  	p1 =	sne.s32 s16, $0x3FC0  }
0x34: {  	[tilespmem:s18+$0x10360] =	vst v1;
	s17 =	sadd.s32 $0x10, s17;
	s18 =	smov.u32 s16;
	s16 =	sadd.s32 $0x40, s16  }
.Ltmp0:
0x35: {  	(pc) =	sbr.rel @p1 .LBB2_2-.Ltmp0, $4  }
0x36: {  	_ = 	snop  }
0x37: {  	s18 =	sand.u32 $0x3F00, s18  }
0x38: {  	s19 =	sand.u32 $0x30, s17;
	s18 =	sshrl.u32 s18, $0x2  }
0x39: {  	s18 =	sor.u32 s19, s18  }
0x3a: {  	[tilespmem:s18+$0x10360] =	vst v1;
	s16 =	simm.s32 $0x40;
	s17 =	simm.s32 $0x0  }
.LBB2_4:
0x3b: {  	p1 =	sne.s32 s16, $0xFC0;
	[tilespmem:s17+$0x1B860] =	vst v1;
	s17 =	smov.u32 s16;
	s16 =	sadd.s32 $0x40, s16  }
.Ltmp1:
0x3c: {  	(pc) =	sbr.rel @p1 .LBB2_4-.Ltmp1, $2  }
0x3d: {  	_ =	sdelay $0x2  }
0x3e: {  	s17 =	sshra.s32 s17, $0x2  }
0x3f: {  	[tilespmem:s17+$0x1B860] =	vst v1;
	s16 =	simm.s32 $0x40;
	s17 =	simm.s32 $0x0  }
.LBB2_6:
0x40: {  	p1 =	sne.s32 s16, $0x13C0;
	[tilespmem:s17+$0x1B360] =	vst v2;
	s17 =	smov.u32 s16;
	s16 =	sadd.s32 $0x40, s16  }
.Ltmp2:
0x41: {  	(pc) =	sbr.rel @p1 .LBB2_6-.Ltmp2, $2  }
0x42: {  	_ =	sdelay $0x2  }
0x43: {  	s17 =	sshra.s32 s17, $0x2  }
0x44: {  	[tilespmem:s17+$0x1B360] =	vst v2  }
0x45: {  	[spmem:s8] =	stream.linear.scatter [tilespmem:s0], [sflag:$0x2], $0x1000, $0x38;
	[tilespmem:$0x1E460] =	vst v63  }
0x46: {  	_ = 	snop  }
0x47: {  	[spmem:s9] =	stream.linear.scatter [tilespmem:s2], [sflag:$0x2], $0x400, $0x38;
	[tilespmem:$0x1E460] =	vst v63  }
0x48: {  	s16 =	rddreg [dreg:$0x10]  }
0x49: {  	[spmem:s16] =	stream.linear.scatter [tilespmem:s0], [sflag:$0x2], $0x1000, $0x38;
	[tilespmem:$0x1E460] =	vst v63  }
0x4a: {  	s19 =	rddreg [dreg:$0x11]  }
0x4b: {  	[spmem:s19] =	stream.linear.scatter [tilespmem:s2], [sflag:$0x2], $0x400, $0x38;
	[tilespmem:$0x1E460] =	vst v63  }
0x4c: {  	s20 =	rddreg [dreg:$0x12]  }
0x4d: {  	[spmem:s20] =	stream.linear.scatter [tilespmem:s0], [sflag:$0x2], $0x1000, $0x38;
	[tilespmem:$0x1E460] =	vst v63  }
0x4e: {  	s21 =	rddreg [dreg:$0x13]  }
0x4f: {  	[spmem:s21] =	stream.linear.scatter [tilespmem:s2], [sflag:$0x2], $0x400, $0x38;
	[tilespmem:$0x1E460] =	vst v63  }
0x50: {  	s22 =	rddreg [dreg:$0x14]  }
0x51: {  	[spmem:s22] =	stream.linear.scatter [tilespmem:s0], [sflag:$0x2], $0x1000, $0x38;
	[tilespmem:$0x1E460] =	vst v63  }
0x52: {  	s23 =	rddreg [dreg:$0x15]  }
0x53: {  	[spmem:s23] =	stream.linear.scatter [tilespmem:s2], [sflag:$0x2], $0x400, $0x38;
	[tilespmem:$0x1E460] =	vst v63  }
0x54: {  	s17 =	rddreg [dreg:$0x16]  }
0x55: {  	[spmem:s17] =	stream.linear.scatter [tilespmem:s0], [sflag:$0x2], $0x1000, $0x38;
	[tilespmem:$0x1E460] =	vst v63  }
0x56: {  	s18 =	rddreg [dreg:$0x17]  }
0x57: {  	[spmem:s18] =	stream.linear.scatter [tilespmem:s2], [sflag:$0x2], $0x400, $0x38;
	[tilespmem:$0x1E460] =	vst v63  }
0x58: {  	s19 =	rddreg [dreg:$0x19]  }
0x59: {  	[spmem:s19] =	stream.linear.scatter [tilespmem:s0], [sflag:$0x2], $0x1000, $0x38;
	[tilespmem:$0x1E460] =	vst v63  }
0x5a: {  	s20 =	rddreg [dreg:$0x1a]  }
0x5b: {  	[spmem:s20] =	stream.linear.scatter [tilespmem:s2], [sflag:$0x2], $0x400, $0x38;
	[tilespmem:$0x1E460] =	vst v63  }
0x5c: {  	s21 =	rddreg [dreg:$0x1b]  }
0x5d: {  	[spmem:s21] =	stream.linear.scatter [tilespmem:s0], [sflag:$0x2], $0x1000, $0x38;
	[tilespmem:$0x1E460] =	vst v63  }
0x5e: {  	s22 =	rddreg [dreg:$0x1c]  }
0x5f: {  	[spmem:s22] =	stream.linear.scatter [tilespmem:s2], [sflag:$0x2], $0x400, $0x38;
	[tilespmem:$0x1E460] =	vst v63  }
0x60: {  	s23 =	rddreg [dreg:$0x1d]  }
0x61: {  	[spmem:s23] =	stream.linear.scatter [tilespmem:s0], [sflag:$0x2], $0x1000, $0x38;
	[tilespmem:$0x1E460] =	vst v63  }
0x62: {  	_ = 	snop  }
0x63: {  	[spmem:s24] =	stream.linear.scatter [tilespmem:s2], [sflag:$0x2], $0x400, $0x38;
	[tilespmem:$0x1E460] =	vst v63  }
0x64: {  	_ = 	snop  }
0x65: {  	[spmem:s25] =	stream.linear.scatter [tilespmem:s0], [sflag:$0x2], $0x1000, $0x38;
	[tilespmem:$0x1E460] =	vst v63  }
0x66: {  	_ = 	snop  }
0x67: {  	[spmem:s26] =	stream.linear.scatter [tilespmem:s2], [sflag:$0x2], $0x400, $0x38;
	[tilespmem:$0x1E460] =	vst v63  }
0x68: {  	_ = 	snop  }
0x69: {  	[spmem:s28] =	stream.linear.scatter [tilespmem:s0], [sflag:$0x2], $0x1000, $0x38;
	[tilespmem:$0x1E460] =	vst v63  }
0x6a: {  	_ = 	snop  }
0x6b: {  	[spmem:s29] =	stream.linear.scatter [tilespmem:s2], [sflag:$0x2], $0x400, $0x38;
	[tilespmem:$0x1E460] =	vst v63  }
0x6c: {  	_ =	swait.ge [sflag:s6], $0x1000  }
0x6d: {  	[sflag:s6] =	ssyncset.done $0x0  }
0x6e: {  	[sflag:s6] =	ssyncadd.s32 $0xFFFFF000  }
0x6f: {  	_ =	swait.ge [sflag:s6], $0x400  }
0x70: {  	[sflag:s6] =	ssyncset.done $0x0  }
0x71: {  	[sflag:s6] =	ssyncadd.s32 $0xFFFFFC00  }
0x72: {  	_ =	swait.ge [sflag:s6], $0x1000  }
0x73: {  	[sflag:s6] =	ssyncset.done $0x0  }
0x74: {  	[sflag:s6] =	ssyncadd.s32 $0xFFFFF000  }
0x75: {  	_ =	swait.ge [sflag:s6], $0x400  }
0x76: {  	[sflag:s6] =	ssyncset.done $0x0  }
0x77: {  	[sflag:s6] =	ssyncadd.s32 $0xFFFFFC00  }
0x78: {  	_ =	swait.ge [sflag:s6], $0x1000  }
0x79: {  	[sflag:s6] =	ssyncset.done $0x0  }
0x7a: {  	[sflag:s6] =	ssyncadd.s32 $0xFFFFF000  }
0x7b: {  	_ =	swait.ge [sflag:s6], $0x400  }
0x7c: {  	[sflag:s6] =	ssyncset.done $0x0  }
0x7d: {  	[sflag:s6] =	ssyncadd.s32 $0xFFFFFC00  }
0x7e: {  	_ =	swait.ge [sflag:s6], $0x1000  }
0x7f: {  	[sflag:s6] =	ssyncset.done $0x0  }
0x80: {  	[sflag:s6] =	ssyncadd.s32 $0xFFFFF000  }
0x81: {  	_ =	swait.ge [sflag:s6], $0x400  }
0x82: {  	[sflag:s6] =	ssyncset.done $0x0  }
0x83: {  	[sflag:s6] =	ssyncadd.s32 $0xFFFFFC00  }
0x84: {  	_ =	swait.ge [sflag:s6], $0x1000  }
0x85: {  	[sflag:s6] =	ssyncset.done $0x0  }
0x86: {  	[sflag:s6] =	ssyncadd.s32 $0xFFFFF000  }
0x87: {  	_ =	swait.ge [sflag:s6], $0x400  }
0x88: {  	[sflag:s6] =	ssyncset.done $0x0  }
0x89: {  	[sflag:s6] =	ssyncadd.s32 $0xFFFFFC00  }
0x8a: {  	_ =	swait.ge [sflag:s6], $0x1000  }
0x8b: {  	[sflag:s6] =	ssyncset.done $0x0  }
0x8c: {  	[sflag:s6] =	ssyncadd.s32 $0xFFFFF000  }
0x8d: {  	_ =	swait.ge [sflag:s6], $0x400  }
0x8e: {  	[sflag:s6] =	ssyncset.done $0x0  }
0x8f: {  	[sflag:s6] =	ssyncadd.s32 $0xFFFFFC00  }
0x90: {  	_ =	swait.ge [sflag:s6], $0x1000  }
0x91: {  	[sflag:s6] =	ssyncset.done $0x0  }
0x92: {  	[sflag:s6] =	ssyncadd.s32 $0xFFFFF000  }
0x93: {  	_ =	swait.ge [sflag:s6], $0x400  }
0x94: {  	[sflag:s6] =	ssyncset.done $0x0  }
0x95: {  	[sflag:s6] =	ssyncadd.s32 $0xFFFFFC00  }
0x96: {  	_ =	swait.ge [sflag:s6], $0x1000  }
0x97: {  	[sflag:s6] =	ssyncset.done $0x0  }
0x98: {  	[sflag:s6] =	ssyncadd.s32 $0xFFFFF000  }
0x99: {  	_ =	swait.ge [sflag:s6], $0x400  }
0x9a: {  	[sflag:s6] =	ssyncset.done $0x0  }
0x9b: {  	[sflag:s6] =	ssyncadd.s32 $0xFFFFFC00  }
0x9c: {  	_ =	swait.ge [sflag:s6], $0x1000  }
0x9d: {  	[sflag:s6] =	ssyncset.done $0x0  }
0x9e: {  	[sflag:s6] =	ssyncadd.s32 $0xFFFFF000  }
0x9f: {  	_ =	swait.ge [sflag:s6], $0x400  }
0xa0: {  	[sflag:s6] =	ssyncset.done $0x0  }
0xa1: {  	[sflag:s6] =	ssyncadd.s32 $0xFFFFFC00  }
0xa2: {  	_ =	swait.ge [sflag:s6], $0x1000  }
0xa3: {  	[sflag:s6] =	ssyncset.done $0x0  }
0xa4: {  	[sflag:s6] =	ssyncadd.s32 $0xFFFFF000  }
0xa5: {  	_ =	swait.ge [sflag:s6], $0x400  }
0xa6: {  	[sflag:s6] =	ssyncset.done $0x0  }
0xa7: {  	[sflag:s6] =	ssyncadd.s32 $0xFFFFFC00  }
0xa8: {  	_ =	swait.ge [sflag:s7], $0x4E20  }
0xa9: {  	[sflag:s7] =	ssyncset.done $0x0  }
0xaa: {  	[sflag:s7] =	ssyncadd.s32 $0xFFFFB1E0  }
0xab: {  	_ =	swait.ge [sflag:s7], $0x4E20  }
0xac: {  	[sflag:s7] =	ssyncset.done $0x0  }
0xad: {  	s16 =	simm.s32 $0x0;
	[sflag:s7] =	ssyncadd.s32 $0xFFFFB1E0  }
0xae: {  	s17 =	simm.s32 $0xB600;
	s18 =	simm.s32 $0x67E0;
	[bflag:$0x0] =	sbarrier.arrive $0xFFFF  }
.LBB2_8:
0xaf: {  	v3 =	vld [tilespmem:s18+$0xFFFFFF40];
	_ =	sdelay $0x4  }
0xb0: {  	v3 =	vshll.u32 v3, $0x1  }
0xb1: {  	v3 =	vor.u32 v0, v3  }
0xb2: {  	[tilespmem:$0x0] =	vst v3  }
0xb3: {  	v3 =	vld [tilespmem:s17+$0xFFFFFF40];
	_ =	sdelay $0x4  }
0xb4: {  	[tilespmem:$0x190] =	vst v3  }
0xb5: {  	v3 =	vld [tilespmem:s18+$0xFFFFFF50];
	_ =	sdelay $0x4  }
0xb6: {  	v3 =	vshll.u32 v3, $0x1  }
0xb7: {  	v3 =	vor.u32 v0, v3  }
0xb8: {  	[tilespmem:$0x10] =	vst v3  }
0xb9: {  	v3 =	vld [tilespmem:s17+$0xFFFFFF50];
	_ =	sdelay $0x4  }
0xba: {  	[tilespmem:$0x1A0] =	vst v3  }
0xbb: {  	v3 =	vld [tilespmem:s18+$0xFFFFFF60];
	_ =	sdelay $0x4  }
0xbc: {  	v3 =	vshll.u32 v3, $0x1  }
0xbd: {  	v3 =	vor.u32 v0, v3  }
0xbe: {  	[tilespmem:$0x20] =	vst v3  }
0xbf: {  	v3 =	vld [tilespmem:s17+$0xFFFFFF60];
	_ =	sdelay $0x4  }
0xc0: {  	[tilespmem:$0x1B0] =	vst v3  }
0xc1: {  	v3 =	vld [tilespmem:s18+$0xFFFFFF70];
	_ =	sdelay $0x4  }
0xc2: {  	v3 =	vshll.u32 v3, $0x1  }
0xc3: {  	v3 =	vor.u32 v0, v3  }
0xc4: {  	[tilespmem:$0x30] =	vst v3  }
0xc5: {  	v3 =	vld [tilespmem:s17+$0xFFFFFF70];
	_ =	sdelay $0x4  }
0xc6: {  	[tilespmem:$0x1C0] =	vst v3  }
0xc7: {  	v3 =	vld [tilespmem:s18+$0xFFFFFF80];
	_ =	sdelay $0x4  }
0xc8: {  	v3 =	vshll.u32 v3, $0x1  }
0xc9: {  	v3 =	vor.u32 v0, v3  }
0xca: {  	[tilespmem:$0x40] =	vst v3  }
0xcb: {  	v3 =	vld [tilespmem:s17+$0xFFFFFF80];
	_ =	sdelay $0x4  }
0xcc: {  	[tilespmem:$0x1D0] =	vst v3  }
0xcd: {  	[tilespmem:s11], [sflag:$0x1] =	stream.indirect.gather [hbm4b:s1+s10], $0x40, s5, s10, $0xb8;
	[tilespmem:$0x1E460] =	vst v63  }
0xce: {  	v3 =	vld [tilespmem:s18+$0xFFFFFF90];
	_ =	sdelay $0x4  }
0xcf: {  	v3 =	vshll.u32 v3, $0x1  }
0xd0: {  	v3 =	vor.u32 v0, v3  }
0xd1: {  	[tilespmem:$0x50] =	vst v3  }
0xd2: {  	v3 =	vld [tilespmem:s17+$0xFFFFFF90];
	_ =	sdelay $0x4  }
0xd3: {  	[tilespmem:$0x1E0] =	vst v3  }
0xd4: {  	v3 =	vld [tilespmem:s18+$0xFFFFFFA0];
	_ =	sdelay $0x4  }
0xd5: {  	v3 =	vshll.u32 v3, $0x1  }
0xd6: {  	v3 =	vor.u32 v0, v3  }
0xd7: {  	[tilespmem:$0x60] =	vst v3  }
0xd8: {  	v3 =	vld [tilespmem:s17+$0xFFFFFFA0];
	_ =	sdelay $0x4  }
0xd9: {  	[tilespmem:$0x1F0] =	vst v3  }
0xda: {  	v3 =	vld [tilespmem:s18+$0xFFFFFFB0];
	_ =	sdelay $0x4  }
0xdb: {  	v3 =	vshll.u32 v3, $0x1  }
0xdc: {  	v3 =	vor.u32 v0, v3  }
0xdd: {  	[tilespmem:$0x70] =	vst v3  }
0xde: {  	v3 =	vld [tilespmem:s17+$0xFFFFFFB0];
	_ =	sdelay $0x4  }
0xdf: {  	[tilespmem:$0x200] =	vst v3  }
0xe0: {  	v3 =	vld [tilespmem:s18+$0xFFFFFFC0];
	_ =	sdelay $0x4  }
0xe1: {  	v3 =	vshll.u32 v3, $0x1  }
0xe2: {  	v3 =	vor.u32 v0, v3  }
0xe3: {  	[tilespmem:$0x80] =	vst v3  }
0xe4: {  	v3 =	vld [tilespmem:s17+$0xFFFFFFC0];
	_ =	sdelay $0x4  }
0xe5: {  	[tilespmem:$0x210] =	vst v3  }
0xe6: {  	v3 =	vld [tilespmem:s18+$0xFFFFFFD0];
	_ =	sdelay $0x4  }
0xe7: {  	v3 =	vshll.u32 v3, $0x1  }
0xe8: {  	v3 =	vor.u32 v0, v3  }
0xe9: {  	[tilespmem:$0x90] =	vst v3  }
0xea: {  	v3 =	vld [tilespmem:s17+$0xFFFFFFD0];
	_ =	sdelay $0x4  }
0xeb: {  	s19 =	rddreg [dreg:$0x6];
	[tilespmem:$0x220] =	vst v3  }
0xec: {  	[tilespmem:s19], [sflag:$0x1] =	stream.indirect.gather [hbm4b:s1+s10], $0x40, s10, s10, $0xb8;
	[tilespmem:$0x1E460] =	vst v63  }
0xed: {  	v3 =	vld [tilespmem:s18+$0xFFFFFFE0];
	_ =	sdelay $0x4  }
0xee: {  	v3 =	vshll.u32 v3, $0x1  }
0xef: {  	v3 =	vor.u32 v0, v3  }
0xf0: {  	[tilespmem:$0xA0] =	vst v3  }
0xf1: {  	v3 =	vld [tilespmem:s17+$0xFFFFFFE0];
	_ =	sdelay $0x4  }
0xf2: {  	[tilespmem:$0x230] =	vst v3  }
0xf3: {  	v3 =	vld [tilespmem:s18+$0xFFFFFFF0];
	_ =	sdelay $0x4  }
0xf4: {  	v3 =	vshll.u32 v3, $0x1  }
0xf5: {  	v3 =	vor.u32 v0, v3  }
0xf6: {  	[tilespmem:$0xB0] =	vst v3  }
0xf7: {  	v3 =	vld [tilespmem:s17+$0xFFFFFFF0];
	_ =	sdelay $0x4  }
0xf8: {  	[tilespmem:$0x240] =	vst v3  }
0xf9: {  	v3 =	vld [tilespmem:s18+$0x0];
	_ =	sdelay $0x4  }
0xfa: {  	v3 =	vshll.u32 v3, $0x1  }
0xfb: {  	v3 =	vor.u32 v0, v3  }
0xfc: {  	[tilespmem:$0xC0] =	vst v3  }
0xfd: {  	v3 =	vld [tilespmem:s17+$0x0];
	_ =	sdelay $0x4  }
0xfe: {  	[tilespmem:$0x250] =	vst v3  }
0xff: {  	v3 =	vld [tilespmem:s18+$0x10];
	_ =	sdelay $0x4  }
0x100: {  	v3 =	vshll.u32 v3, $0x1  }
0x101: {  	v3 =	vor.u32 v0, v3  }
0x102: {  	[tilespmem:$0xD0] =	vst v3  }
0x103: {  	v3 =	vld [tilespmem:s17+$0x10];
	_ =	sdelay $0x4  }
0x104: {  	[tilespmem:$0x260] =	vst v3  }
0x105: {  	v3 =	vld [tilespmem:s18+$0x20];
	_ =	sdelay $0x4  }
0x106: {  	v3 =	vshll.u32 v3, $0x1  }
0x107: {  	v3 =	vor.u32 v0, v3  }
0x108: {  	[tilespmem:$0xE0] =	vst v3  }
0x109: {  	v3 =	vld [tilespmem:s17+$0x20];
	_ =	sdelay $0x4  }
0x10a: {  	s22 =	rddreg [dreg:$0x7];
	[tilespmem:$0x270] =	vst v3  }
0x10b: {  	[tilespmem:s12], [sflag:$0x1] =	stream.indirect.gather [hbm4b:s1+s10], $0x40, s22, s10, $0xb8;
	[tilespmem:$0x1E460] =	vst v63  }
0x10c: {  	v3 =	vld [tilespmem:s18+$0x30];
	_ =	sdelay $0x4  }
0x10d: {  	v3 =	vshll.u32 v3, $0x1  }
0x10e: {  	v3 =	vor.u32 v0, v3  }
0x10f: {  	[tilespmem:$0xF0] =	vst v3  }
0x110: {  	v3 =	vld [tilespmem:s17+$0x30];
	_ =	sdelay $0x4  }
0x111: {  	[tilespmem:$0x280] =	vst v3  }
0x112: {  	v3 =	vld [tilespmem:s18+$0x40];
	_ =	sdelay $0x4  }
0x113: {  	v3 =	vshll.u32 v3, $0x1  }
0x114: {  	v3 =	vor.u32 v0, v3  }
0x115: {  	[tilespmem:$0x100] =	vst v3  }
0x116: {  	v3 =	vld [tilespmem:s17+$0x40];
	_ =	sdelay $0x4  }
0x117: {  	[tilespmem:$0x290] =	vst v3  }
0x118: {  	v3 =	vld [tilespmem:s18+$0x50];
	_ =	sdelay $0x4  }
0x119: {  	v3 =	vshll.u32 v3, $0x1  }
0x11a: {  	v3 =	vor.u32 v0, v3  }
0x11b: {  	[tilespmem:$0x110] =	vst v3  }
0x11c: {  	v3 =	vld [tilespmem:s17+$0x50];
	_ =	sdelay $0x4  }
0x11d: {  	[tilespmem:$0x2A0] =	vst v3  }
0x11e: {  	v3 =	vld [tilespmem:s18+$0x60];
	_ =	sdelay $0x4  }
0x11f: {  	v3 =	vshll.u32 v3, $0x1  }
0x120: {  	v3 =	vor.u32 v0, v3  }
0x121: {  	[tilespmem:$0x120] =	vst v3  }
0x122: {  	v3 =	vld [tilespmem:s17+$0x60];
	_ =	sdelay $0x4  }
0x123: {  	[tilespmem:$0x2B0] =	vst v3  }
0x124: {  	v3 =	vld [tilespmem:s18+$0x70];
	_ =	sdelay $0x4  }
0x125: {  	v3 =	vshll.u32 v3, $0x1  }
0x126: {  	v3 =	vor.u32 v0, v3  }
0x127: {  	[tilespmem:$0x130] =	vst v3  }
0x128: {  	v3 =	vld [tilespmem:s17+$0x70];
	_ =	sdelay $0x3  }
0x129: {  	s23 =	rddreg [dreg:$0x8]  }
0x12a: {  	s20 =	rddreg [dreg:$0x9];
	[tilespmem:$0x2C0] =	vst v3  }
0x12b: {  	[tilespmem:s20], [sflag:$0x1] =	stream.indirect.gather [hbm4b:s1+s10], $0x40, s23, s10, $0xb8;
	[tilespmem:$0x1E460] =	vst v63  }
0x12c: {  	v3 =	vld [tilespmem:s18+$0x80];
	_ =	sdelay $0x4  }
0x12d: {  	v3 =	vshll.u32 v3, $0x1  }
0x12e: {  	v3 =	vor.u32 v0, v3  }
0x12f: {  	[tilespmem:$0x140] =	vst v3  }
0x130: {  	v3 =	vld [tilespmem:s17+$0x80];
	_ =	sdelay $0x4  }
0x131: {  	[tilespmem:$0x2D0] =	vst v3  }
0x132: {  	v3 =	vld [tilespmem:s18+$0x90];
	_ =	sdelay $0x4  }
0x133: {  	v3 =	vshll.u32 v3, $0x1  }
0x134: {  	v3 =	vor.u32 v0, v3  }
0x135: {  	[tilespmem:$0x150] =	vst v3  }
0x136: {  	v3 =	vld [tilespmem:s17+$0x90];
	_ =	sdelay $0x4  }
0x137: {  	[tilespmem:$0x2E0] =	vst v3  }
0x138: {  	v3 =	vld [tilespmem:s18+$0xA0];
	_ =	sdelay $0x4  }
0x139: {  	v3 =	vshll.u32 v3, $0x1  }
0x13a: {  	v3 =	vor.u32 v0, v3  }
0x13b: {  	[tilespmem:$0x160] =	vst v3  }
0x13c: {  	v3 =	vld [tilespmem:s17+$0xA0];
	_ =	sdelay $0x4  }
0x13d: {  	[tilespmem:$0x2F0] =	vst v3  }
0x13e: {  	v3 =	vld [tilespmem:s18+$0xB0];
	_ =	sdelay $0x4  }
0x13f: {  	v3 =	vshll.u32 v3, $0x1  }
0x140: {  	v3 =	vor.u32 v0, v3  }
0x141: {  	[tilespmem:$0x170] =	vst v3  }
0x142: {  	v3 =	vld [tilespmem:s17+$0xB0];
	_ =	sdelay $0x4  }
0x143: {  	[tilespmem:$0x300] =	vst v3  }
0x144: {  	v3 =	vld [tilespmem:s18+$0xC0];
	_ =	sdelay $0x4  }
0x145: {  	v3 =	vshll.u32 v3, $0x1  }
0x146: {  	v3 =	vor.u32 v0, v3  }
0x147: {  	[tilespmem:$0x180] =	vst v3  }
0x148: {  	v3 =	vld [tilespmem:s17+$0xC0];
	_ =	sdelay $0x4  }
0x149: {  	s20 =	rddreg [dreg:$0xa];
	[tilespmem:$0x310] =	vst v3  }
0x14a: {  	[tilespmem:s13], [sflag:$0x1] =	stream.indirect.gather [hbm4b:s1+s10], $0x40, s20, s10, $0xb8;
	[tilespmem:$0x1E460] =	vst v63  }
0x14b: {  	p2 =	sgt.u32 s16, $0x18;
	s19 =	simm.s32 $0x1;
	s20 =	simm.s32 $0x1  }
0x14c: {  	s19 =	simm.s32 @!p2 $0x0;
	_ =	swait.ge [sflag:s7], $0x1400;
	s20 =	simm.s32 @!p0 $0x0  }
0x14d: {  	[sflag:s7] =	ssyncset.done $0x0;
	p1 =	seq.s32 s20, s19  }
0x14e: {  	s21 =	rddreg [dreg:$0xb];
	[sflag:s7] =	ssyncadd.s32 $0xFFFFEC00;
	s19 =	simm.s32 @p1 $0x1  }
0x14f: {  	[spmem:s3] =	stream.indirect.scatter.add.f32 [tilespmem:s11], [sflag:$0x2], $0x40, s21, s10, $0xb8;
	[tilespmem:$0x1E460] =	vst v63  }
0x150: {  	_ =	swait.ge @p1 [sflag:s19], $0x1400  }
0x151: {  	s20 =	simm.s32 @p1 $0x1E0;
	[sflag:s19] =	ssyncset.done @p1 $0x0  }
0x152: {  	s21 =	simm.s32 @p1 $0x1720;
	[sflag:s19] =	ssyncadd.s32 @p1 $0xFFFFEC00;
	s19 =	simm.s32 @p1 $0x50  }
0x153: {  	[spmem:s3] =	stream.indirect.scatter.add.f32 @p1 [tilespmem:s21], [sflag:$0x2], $0x40, s20, s19, $0xb8;
	[tilespmem:$0x1E460] =	vst v63  }
0x154: {  	s19 =	simm.s32 @!p1 $0x50;
	s20 =	simm.s32 @!p1 $0x190;
	s21 =	simm.s32 @!p1 $0x1B360  }
0x155: {  	[spmem:s4] =	stream.indirect.scatter.add.f32 @!p1 [tilespmem:s21], [sflag:$0x3], $0x10, s20, s19, $0xb8;
	[tilespmem:$0x1E460] =	vst v63  }
0x156: {  	s20 =	simm.s32 @!p1 $0x3  }
0x157: {  	_ =	swait.ge @!p1 [sflag:s20], $0x500  }
0x158: {  	[sflag:s20] =	ssyncset.done @!p1 $0x0  }
0x159: {  	s22 =	simm.s32 @!p1 $0x1;
	[sflag:s20] =	ssyncadd.s32 @!p1 $0xFFFFFB00  }
0x15a: {  	_ =	swait.ge @!p1 [sflag:s22], $0x1400  }
0x15b: {  	[sflag:s22] =	ssyncset.done @!p1 $0x0  }
0x15c: {  	s23 =	simm.s32 @!p1 $0x1720;
	[sflag:s22] =	ssyncadd.s32 @!p1 $0xFFFFEC00;
	s22 =	simm.s32 @!p1 $0x1E0  }
0x15d: {  	[spmem:s3] =	stream.indirect.scatter.add.f32 @!p1 [tilespmem:s23], [sflag:$0x2], $0x40, s22, s19, $0xb8;
	[tilespmem:$0x1E460] =	vst v63  }
0x15e: {  	_ = 	snop  }
0x15f: {  	[spmem:s4] =	stream.indirect.scatter.add.f32 @!p1 [tilespmem:s21], [sflag:$0x3], $0x10, s22, s19, $0xb8;
	[tilespmem:$0x1E460] =	vst v63  }
0x160: {  	_ =	swait.ge @!p1 [sflag:s20], $0x500  }
0x161: {  	[sflag:s20] =	ssyncset.done @!p1 $0x0  }
0x162: {  	[sflag:s20] =	ssyncadd.s32 @!p1 $0xFFFFFB00  }
0x163: {  	p1 =	por !p2, !p2;
	_ =	swait.ge [sflag:s7], $0x1400  }
0x164: {  	p1 =	por @!p0 p2, p2;
	[sflag:s7] =	ssyncset.done $0x0  }
0x165: {  	s22 =	rddreg [dreg:$0xc];
	s19 =	simm.s32 @!p1 $0x1;
	[sflag:s7] =	ssyncadd.s32 $0xFFFFEC00  }
0x166: {  	[spmem:s3] =	stream.indirect.scatter.add.f32 [tilespmem:s12], [sflag:$0x2], $0x40, s22, s10, $0xb8;
	[tilespmem:$0x1E460] =	vst v63  }
0x167: {  	_ =	swait.ge @!p1 [sflag:s19], $0x1400  }
0x168: {  	s20 =	simm.s32 @!p1 $0x280;
	[sflag:s19] =	ssyncset.done @!p1 $0x0  }
0x169: {  	s21 =	simm.s32 @!p1 $0x3F20;
	[sflag:s19] =	ssyncadd.s32 @!p1 $0xFFFFEC00;
	s19 =	simm.s32 @!p1 $0x50  }
0x16a: {  	[spmem:s3] =	stream.indirect.scatter.add.f32 @!p1 [tilespmem:s21], [sflag:$0x2], $0x40, s20, s19, $0xb8;
	[tilespmem:$0x1E460] =	vst v63  }
0x16b: {  	s19 =	simm.s32 @p1 $0x50;
	s20 =	simm.s32 @p1 $0x230;
	s21 =	simm.s32 @p1 $0x1B360  }
0x16c: {  	[spmem:s4] =	stream.indirect.scatter.add.f32 @p1 [tilespmem:s21], [sflag:$0x3], $0x10, s20, s19, $0xb8;
	[tilespmem:$0x1E460] =	vst v63  }
0x16d: {  	s20 =	simm.s32 @p1 $0x3  }
0x16e: {  	_ =	swait.ge @p1 [sflag:s20], $0x500  }
0x16f: {  	[sflag:s20] =	ssyncset.done @p1 $0x0  }
0x170: {  	s22 =	simm.s32 @p1 $0x1;
	[sflag:s20] =	ssyncadd.s32 @p1 $0xFFFFFB00  }
0x171: {  	_ =	swait.ge @p1 [sflag:s22], $0x1400  }
0x172: {  	[sflag:s22] =	ssyncset.done @p1 $0x0  }
0x173: {  	s23 =	simm.s32 @p1 $0x3F20;
	[sflag:s22] =	ssyncadd.s32 @p1 $0xFFFFEC00;
	s22 =	simm.s32 @p1 $0x280  }
0x174: {  	[spmem:s3] =	stream.indirect.scatter.add.f32 @p1 [tilespmem:s23], [sflag:$0x2], $0x40, s22, s19, $0xb8;
	[tilespmem:$0x1E460] =	vst v63  }
0x175: {  	_ = 	snop  }
0x176: {  	[spmem:s4] =	stream.indirect.scatter.add.f32 @p1 [tilespmem:s21], [sflag:$0x3], $0x10, s22, s19, $0xb8;
	[tilespmem:$0x1E460] =	vst v63  }
0x177: {  	_ =	swait.ge @p1 [sflag:s20], $0x500  }
0x178: {  	[sflag:s20] =	ssyncset.done @p1 $0x0  }
0x179: {  	[sflag:s20] =	ssyncadd.s32 @p1 $0xFFFFFB00  }
0x17a: {  	_ =	swait.ge [sflag:s7], $0x1400  }
0x17b: {  	[sflag:s7] =	ssyncset.done $0x0  }
0x17c: {  	s23 =	rddreg [dreg:$0xd];
	[sflag:s7] =	ssyncadd.s32 $0xFFFFEC00  }
0x17d: {  	[spmem:s3] =	stream.indirect.scatter.add.f32 [tilespmem:s13], [sflag:$0x2], $0x40, s23, s10, $0xb8;
	[tilespmem:$0x1E460] =	vst v63  }
0x17e: {  	s22 =	simm.s32 @p1 $0x2D0  }
0x17f: {  	[spmem:s4] =	stream.indirect.scatter.add.f32 @p1 [tilespmem:s21], [sflag:$0x3], $0x10, s22, s19, $0xb8;
	[tilespmem:$0x1E460] =	vst v63  }
0x180: {  	_ =	swait.ge @p1 [sflag:s20], $0x500  }
0x181: {  	[sflag:s20] =	ssyncset.done @p1 $0x0  }
0x182: {  	[sflag:s20] =	ssyncadd.s32 @p1 $0xFFFFFB00  }
0x183: {  	_ =	swait.ge [sflag:s6], $0x1400  }
0x184: {  	[sflag:s6] =	ssyncset.done $0x0  }
0x185: {  	[sflag:s6] =	ssyncadd.s32 $0xFFFFEC00  }
0x186: {  	_ =	swait.ge [sflag:s6], $0x1400  }
0x187: {  	[sflag:s6] =	ssyncset.done $0x0  }
0x188: {  	[sflag:s6] =	ssyncadd.s32 $0xFFFFEC00  }
0x189: {  	_ =	swait.ge [sflag:s6], $0x1400  }
0x18a: {  	[sflag:s6] =	ssyncset.done $0x0  }
0x18b: {  	s16 =	sadd.s32 $0x1, s16;
	[sflag:s6] =	ssyncadd.s32 $0xFFFFEC00  }
0x18c: {  	p1 =	sne.s32 s16, $0x32;
	_ =	swait.ge [sflag:s6], $0x1400  }
.Ltmp3:
0x18d: {  	[sflag:s6] =	ssyncset.done $0x0;
	(pc) =	sbr.rel @p1 .LBB2_8-.Ltmp3, $4  }
0x18e: {  	[sflag:s6] =	ssyncadd.s32 $0xFFFFEC00  }
0x18f: {  	_ =	swait.ge [sflag:s6], $0x1400  }
0x190: {  	[sflag:s6] =	ssyncset.done $0x0  }
0x191: {  	s18 =	sadd.s32 $0x190, s18;
	s17 =	sadd.s32 $0x190, s17;
	[sflag:s6] =	ssyncadd.s32 $0xFFFFEC00  }
0x192: {  	s16 =	stileid.u32  }
0x193: {  	s16 =	sshll.u32 s16, $0x6  }
0x194: {  	[bflag:$0x0] =	sbarrier.arrive $0xFFFF;
	s17 =	sshrl.u32 s8, $0x3;
	s16 =	sor.u32 $0x1C03, s16  }
0x195: {  	[hbm:s30], [sflag:s16] =	dma.local [spmem:s17], $0x1400  }
0x196: {  	s15 =	sadd.s32 $0x1, s15;
	_ =	swait.ge [sflag:s14], $0x1400  }
0x197: {  	s23 =	sshrl.u32 s9, $0x3;
	p1 =	sne.s32 s15, s31;
	[sflag:s14] =	ssyncset.done $0x0  }
.Ltmp4:
0x198: {  	s18 =	rddreg [dreg:$0x18];
	[sflag:s14] =	ssyncadd.s32 $0xFFFFEC00;
	(pc) =	sbr.rel @p1 .LBB2_1-.Ltmp4, $4  }
0x199: {  	[hbm:s18], [sflag:s16] =	dma.local [spmem:s23], $0x500  }
0x19a: {  	_ =	swait.ge [sflag:s14], $0x500  }
0x19b: {  	[sflag:s14] =	ssyncset.done $0x0  }
0x19c: {  	[sflag:s14] =	ssyncadd.s32 $0xFFFFFB00  }
0x19d: {  	_ =	sfence.sel $0x180000  }
0x19e: {  	[bflag:$0x0] =	sbarrier.arrive $0xFFFF  }
0x19f: {  	_ =	strace $0x90000047  }
0x1a0: {  	s0 =	stileid.u32;
	[bflag:$0x2] =	sbarrier.arrive $0xFFFF  }
0x1a1: {  	p0 =	sne.s32 s0, $0x0;
	s0 =	rddreg [dreg:$0x5]  }
0x1a2: {  	s0 =	sadd.s32 @!p0 $0x100000, s0  }
0x1a3: {  	[sflag:s0] =	ssyncadd.tile.s32 @!p0 $0x1;
	_ =	shalt  }
.Lfunc_end2:
_tile_overlayer_lowered:
.L_overlay_start_2:
0x1a4: {  	(tag) =	ssettag $0x2  }
0x1a5: {  	s0 =	rddreg [dreg:$0x0];
	s2 =	stileid.u32  }
0x1a6: {  	s1 =	rddreg [dreg:$0x1];
	p0 =	sne.s32 s2, $0x0  }
0x1a7: {  	s3 =	rddreg [dreg:$0x2];
	[bflag:$0x3] =	sbarrier.arrive $0xFFFF;
	s2 =	simm.s32 @!p0 $0x1C03  }
0x1a8: {  	[timem:s3], [sflag:s2] =	dma.local @!p0 [hbm:s0], s1  }
0x1a9: {  	s0 =	simm.s32 @!p0 $0x3  }
0x1aa: {  	_ =	swait.ge @!p0 [sflag:s0], s1  }
0x1ab: {  	s1 =	ssub.s32 @!p0 $0x0, s1;
	[sflag:s0] =	ssyncset.done @!p0 $0x0  }
0x1ac: {  	[sflag:s0] =	ssyncadd.s32 @!p0 s1  }
0x1ad: {  	[bflag:$0x3] =	sbarrier.arrive $0xFFFF  }
0x1ae: {  	_ =	shalt  }

</sc_bundles>
